<compile_context>
chip_gen: v7x
topology: tpu7x:2x2x1
jax: 0.10.2.dev20260603
libtpu: 0.0.44.dev20260713+nightly
codegen_flags: <defaults>
</compile_context>

<pallas_src>
import functools

import jax
import jax.numpy as jnp
from jax import lax
from jax.experimental import pallas as pl
from jax.experimental.pallas import tpu as pltpu
from jax.experimental.pallas import tpu_sc as plsc

NEG_SLOPE = 0.2
NC = 2
NS = 16
LANES = 16
CHUNK = 64
DEPTH = 2
IDEPTH = 4
EDGE_UNROLL = 4
SCW = 144


def _proj_body(x_ref, wp_ref, bp_ref, wl_ref, wr_ref, h_ref, hl_ref, hr_ref):
    h = jnp.dot(x_ref[...], wp_ref[...],
                preferred_element_type=jnp.float32) + bp_ref[...]
    h_ref[...] = h
    hl_ref[...] = jnp.dot(h, wl_ref[...],
                          preferred_element_type=jnp.float32).astype(
                              jnp.bfloat16)
    hr_ref[...] = jnp.dot(h, wr_ref[...],
                          preferred_element_type=jnp.float32).astype(
                              jnp.bfloat16)


def _proj(x, wp, bp2, wl, wr):
    n, d = x.shape
    blk = 1000
    grid = n // blk
    row_spec = pl.BlockSpec((blk, d), lambda i: (i, 0))
    w_spec = pl.BlockSpec((d, d), lambda i: (0, 0))
    b_spec = pl.BlockSpec((1, d), lambda i: (0, 0))
    return pl.pallas_call(
        _proj_body,
        grid=(grid,),
        in_specs=[row_spec, w_spec, b_spec, w_spec, w_spec],
        out_specs=[row_spec, row_spec, row_spec],
        out_shape=[jax.ShapeDtypeStruct((n, d), jnp.float32),
                   jax.ShapeDtypeStruct((n, d), jnp.bfloat16),
                   jax.ShapeDtypeStruct((n, d), jnp.bfloat16)],
    )(x, wp, bp2, wl, wr)


def _sc_edge_body(hl_hbm, hr_hbm, idx_hbm, attb_hbm,
                  acc_out,
                  idx_c, hlr, hrr, scr, attb_v,
                  acc_sh, sin, sout, sidx):
    rows_per_tile = acc_sh.shape[0] // NS
    n_chunks = idx_hbm.shape[1]
    d = hl_hbm.shape[1]

    c = lax.axis_index("c")
    s = lax.axis_index("s")
    wid = c * NS + s

    pltpu.sync_copy(attb_hbm, attb_v)

    zeros = jnp.zeros((LANES,), jnp.float32)

    for b in range(DEPTH):
        def _z_rows(i, _):
            for g in range(SCW // LANES):
                scr[b][i, pl.ds(g * LANES, LANES)] = zeros
            return 0
        lax.fori_loop(0, CHUNK, _z_rows, 0)

    for j in range(rows_per_tile // CHUNK):
        base = s * rows_per_tile + j * CHUNK
        pltpu.sync_copy(scr[0], acc_sh.at[pl.ds(base, CHUNK)])
    plsc.subcore_barrier()

    av = [attb_v[g] for g in range(d // LANES)]

    def _issue_idx(cc, q):
        pltpu.async_copy(idx_hbm.at[wid, cc], idx_c[q], sidx[q])

    def _drain_idx(q):
        pltpu.make_async_copy(idx_hbm.at[wid, 0], idx_c[q], sidx[q]).wait()

    def _issue_gather(q, b):
        pltpu.async_copy(hl_hbm.at[idx_c[q].at[0]], hlr[b], sin[b])
        pltpu.async_copy(hr_hbm.at[idx_c[q].at[1]], hrr[b], sin[b])

    def _drain_gather(b):
        pltpu.make_async_copy(hl_hbm.at[pl.ds(0, CHUNK)], hlr[b],
                              sin[b]).wait()
        pltpu.make_async_copy(hl_hbm.at[pl.ds(0, CHUNK)], hrr[b],
                              sin[b]).wait()

    def _issue_scatter(q, b):
        pltpu.async_copy(scr[b], acc_sh.at[idx_c[q].at[1]], sout[b],
                         add=True)

    def _drain_scatter(b):
        pltpu.make_async_copy(acc_out.at[0, pl.ds(0, CHUNK)], scr[b],
                              sout[b]).wait()

    iota16 = lax.iota(jnp.int32, LANES)
    colidx = [32 * g + 2 * iota16 + p for g in range(d // 32)
              for p in range(2)]
    ecol = jnp.full((LANES,), d, jnp.int32)

    def _compute(b):
        def _edge(e4, _):
            for k in range(EDGE_UNROLL):
                e = e4 * EDGE_UNROLL + k
                acc = zeros
                hkeep = []
                for g in range(d // 32):
                    hv = hlr[b][e, pl.ds(g * 2 * LANES, 2 * LANES)]
                    rv = hrr[b][e, pl.ds(g * 2 * LANES, 2 * LANES)]
                    ha, hb = plsc.unpack(
                        hv, format=plsc.PackFormat.INTERLEAVED,
                        preferred_element_type=jnp.float32)
                    ra, rb = plsc.unpack(
                        rv, format=plsc.PackFormat.INTERLEAVED,
                        preferred_element_type=jnp.float32)
                    hkeep += [ha, hb]
                    za = ha + ra
                    zb = hb + rb
                    la = jnp.maximum(za, NEG_SLOPE * za)
                    lb = jnp.maximum(zb, NEG_SLOPE * zb)
                    acc = acc + la * av[2 * g] + lb * av[2 * g + 1]
                ee = jnp.exp(jnp.full((LANES,), jnp.sum(acc), jnp.float32))
                erow = jnp.full((LANES,), e, jnp.int32)
                for g in range(d // LANES):
                    plsc.store_scatter(scr[b], [erow, colidx[g]],
                                       hkeep[g] * ee)
                plsc.store_scatter(scr[b], [erow, ecol], ee)
            return 0

        lax.fori_loop(0, CHUNK // EDGE_UNROLL, _edge, 0)

    _issue_idx(0, 0)
    _issue_idx(1, 1)
    _drain_idx(0)
    _issue_gather(0, 0)

    def _round(i, _):
        for b4 in range(IDEPTH):
            cc = i * IDEPTH + b4
            rb = b4 % DEPTH
            nrb = (rb + 1) % DEPTH

            @pl.when(cc >= 2)
            def _():
                _drain_scatter(rb)

            @pl.when(cc + 1 < n_chunks)
            def _():
                _drain_idx((b4 + 1) % IDEPTH)
                _issue_gather((b4 + 1) % IDEPTH, nrb)

            @pl.when(cc + 2 < n_chunks)
            def _():
                _issue_idx(cc + 2, (b4 + 2) % IDEPTH)

            _drain_gather(rb)
            _compute(rb)
            _issue_scatter(b4, rb)
        return 0

    lax.fori_loop(0, n_chunks // IDEPTH, _round, 0)
    _drain_scatter((n_chunks - 2) % DEPTH)
    _drain_scatter((n_chunks - 1) % DEPTH)
    plsc.subcore_barrier()

    for j in range(rows_per_tile // CHUNK):
        base = s * rows_per_tile + j * CHUNK
        pltpu.sync_copy(acc_sh.at[pl.ds(base, CHUNK)], scr[0])
        pltpu.sync_copy(scr[0], acc_out.at[c, pl.ds(base, CHUNK)])


def _sc_edges(hl, hr, idx4, attb, npad):
    n, d = hl.shape
    rows_per_tile = npad // NS
    mesh = plsc.VectorSubcoreMesh(core_axis_name="c", subcore_axis_name="s",
                                  num_cores=NC, num_subcores=NS)
    f = pl.kernel(
        _sc_edge_body,
        out_type=jax.ShapeDtypeStruct((NC, npad, SCW), jnp.float32),
        mesh=mesh,
        compiler_params=pltpu.CompilerParams(
            needs_layout_passes=False, use_tc_tiling_on_sc=False),
        scratch_types=[
            [pltpu.VMEM((2, CHUNK), jnp.int32)] * IDEPTH,
            [pltpu.VMEM((CHUNK, d), jnp.bfloat16)] * DEPTH,
            [pltpu.VMEM((CHUNK, d), jnp.bfloat16)] * DEPTH,
            [pltpu.VMEM((CHUNK, SCW), jnp.float32)] * DEPTH,
            pltpu.VMEM((d // LANES, LANES), jnp.float32),
            pltpu.VMEM_SHARED((npad, SCW), jnp.float32),
            [pltpu.SemaphoreType.DMA] * DEPTH,
            [pltpu.SemaphoreType.DMA] * DEPTH,
            [pltpu.SemaphoreType.DMA] * IDEPTH,
        ],
    )
    return f(hl, hr, idx4, attb)


def _out_body(a0_ref, a1_ref, h_ref, bias_ref, wh_ref, bh_ref, o_ref):
    a = a0_ref[0] + a1_ref[0]
    d = h_ref.shape[1]
    acc = a[:, :d]
    den = a[:, d:d + 1]
    o = acc / (den + 1e-16) + h_ref[...] + bias_ref[...]
    o_ref[...] = jnp.dot(o, wh_ref[...],
                         preferred_element_type=jnp.float32) + bh_ref[...]


def _combine(accs, h, bias2, whp, bhp2):
    n, d = h.shape
    blk = 1000
    grid = n // blk
    row_spec = pl.BlockSpec((blk, d), lambda i: (i, 0))
    a0_spec = pl.BlockSpec((1, blk, SCW), lambda i: (0, i, 0))
    a1_spec = pl.BlockSpec((1, blk, SCW), lambda i: (1, i, 0))
    w_spec = pl.BlockSpec((d, d), lambda i: (0, 0))
    b_spec = pl.BlockSpec((1, d), lambda i: (0, 0))
    return pl.pallas_call(
        _out_body,
        grid=(grid,),
        in_specs=[a0_spec, a1_spec, row_spec, b_spec, w_spec, b_spec],
        out_specs=row_spec,
        out_shape=jax.ShapeDtypeStruct((n, d), jnp.float32),
    )(accs, accs, h, bias2, whp, bhp2)


def kernel(x, adj, Wp, bp, Wl, Wr, att, bias, Wh, bh):
    n, d = x.shape
    e = adj.shape[1]
    nw = NC * NS
    npad = ((n + NS * CHUNK - 1) // (NS * CHUNK)) * (NS * CHUNK)
    quantum = nw * CHUNK * IDEPTH
    epad = ((e + quantum - 1) // quantum) * quantum
    src_flat = jnp.concatenate(
        [adj[0], jnp.zeros((epad - e,), jnp.int32)])
    dst_flat = jnp.concatenate(
        [adj[1], jnp.full((epad - e,), npad - 1, jnp.int32)])
    n_chunks = epad // (nw * CHUNK)
    idx4 = jnp.stack([src_flat.reshape(nw, n_chunks, CHUNK),
                      dst_flat.reshape(nw, n_chunks, CHUNK)], axis=2)
    attb = att.reshape(d // 32, LANES, 2).transpose(0, 2, 1).reshape(
        d // LANES, LANES)

    h, hl, hr = _proj(x, Wp, bp.reshape(1, d), Wl, Wr)
    accs = _sc_edges(hl, hr, idx4, attb, npad)

    whp = jnp.pad(Wh, ((0, 0), (0, d - Wh.shape[1])))
    bhp2 = jnp.pad(bh, (0, d - bh.shape[0])).reshape(1, d)
    out = _combine(accs, h, bias.reshape(1, d), whp, bhp2)
    return out[:, :1]

# --- scband reference (transcript-rebuilt; emitter-appended) ---
"""Pipeline reference for scband-gat-v2-67448166416640 (READ-ONLY COPY).

The authoritative reference and input builder live on the scoring server;
editing this copy changes nothing except your own understanding.
"""

import jax, jax.numpy as jnp
import numpy as np

N = 10000
E = 320000
D = 128
NEG_SLOPE = 0.2


def setup_inputs(seed: int = 0) -> dict:
    key = jax.random.key(seed)
    ks = jax.random.split(key, 12)
    s = 1.0 / np.sqrt(D)
    x = jax.random.normal(ks[0], (N, D), dtype=jnp.float32)
    adj = jax.random.randint(ks[1], (2, E), 0, N, dtype=jnp.int32)
    # proj_layer: Linear(input_size=128, hidden_size=128)
    Wp = jax.random.normal(ks[2], (D, D), dtype=jnp.float32) * s
    bp = jnp.zeros((D,), dtype=jnp.float32)
    # GATv2 layer (1 layer, 1 head, hidden->hidden, skip connection, bias)
    Wl = jax.random.normal(ks[3], (D, D), dtype=jnp.float32) * s
    Wr = jax.random.normal(ks[4], (D, D), dtype=jnp.float32) * s
    att = jax.random.normal(ks[5], (D,), dtype=jnp.float32) * s
    bias = jnp.zeros((D,), dtype=jnp.float32)
    # pred_head: Linear(hidden_size, 1)
    Wh = jax.random.normal(ks[6], (D, 1), dtype=jnp.float32) * s
    bh = jnp.zeros((1,), dtype=jnp.float32)
    return {"x": x, "adj": adj, "Wp": Wp, "bp": bp, "Wl": Wl, "Wr": Wr,
            "att": att, "bias": bias, "Wh": Wh, "bh": bh}


def _gatv2_layer(h, src, dst, Wl, Wr, att, bias):
    # GATv2 scoring: e_ij = a^T LeakyReLU(W_l h_i + W_r h_j)
    hl = h @ Wl  # source-side messages
    hr = h @ Wr  # target-side
    e = jax.nn.leaky_relu(hl[src] + hr[dst], negative_slope=NEG_SLOPE) @ att  # [E]
    # segment softmax over incoming edges of each dst node
    m = jax.ops.segment_max(e, dst, num_segments=N)
    m = jnp.where(jnp.isfinite(m), m, 0.0)
    ex = jnp.exp(e - m[dst])
    denom = jax.ops.segment_sum(ex, dst, num_segments=N)
    alpha = ex / (denom[dst] + 1e-16)
    out = jax.ops.segment_sum(alpha[:, None] * hl[src], dst, num_segments=N)
    # skip connection (in_dim == out_dim) + bias
    out = out + h + bias
    return out


def reference(x, adj, Wp, bp, Wl, Wr, att, bias, Wh, bh):
    src = adj[0]
    dst = adj[1]
    h = x @ Wp + bp
    h = _gatv2_layer(h, src, dst, Wl, Wr, att, bias)
    out = h @ Wh + bh
    return out

if __name__ == "__main__":
    import jax
    _d = setup_inputs()
    print(jax.jit(kernel)(*tuple(_d.values())))

</pallas_src>

<mosaic_0001>
#map = affine_map<(d0, d1) -> (0, 0)>
#map1 = affine_map<(d0, d1) -> (0, 0, 0, 0)>
#map2 = affine_map<(d0, d1) -> (0, 0, 0)>
module attributes {stable_mosaic.version = 14 : i64} {
  func.func @_sc_edge_body(%arg0: i32, %arg1: i32, %arg2: memref<10000x128xbf16, #tpu.memory_space<hbm>>, %arg3: memref<10000x128xbf16, #tpu.memory_space<hbm>>, %arg4: memref<32x160x2x64xi32, #tpu.memory_space<hbm>>, %arg5: memref<8x16xf32, #tpu.memory_space<hbm>>, %arg6: memref<2x10240x144xf32, #tpu.memory_space<hbm>>, %arg7: memref<2x64xi32, #tpu.memory_space<vmem>>, %arg8: memref<2x64xi32, #tpu.memory_space<vmem>>, %arg9: memref<2x64xi32, #tpu.memory_space<vmem>>, %arg10: memref<2x64xi32, #tpu.memory_space<vmem>>, %arg11: memref<64x128xbf16, #tpu.memory_space<vmem>>, %arg12: memref<64x128xbf16, #tpu.memory_space<vmem>>, %arg13: memref<64x128xbf16, #tpu.memory_space<vmem>>, %arg14: memref<64x128xbf16, #tpu.memory_space<vmem>>, %arg15: memref<64x144xf32, #tpu.memory_space<vmem>>, %arg16: memref<64x144xf32, #tpu.memory_space<vmem>>, %arg17: memref<8x16xf32, #tpu.memory_space<vmem>>, %arg18: memref<10240x144xf32, #tpu.memory_space<vmem_shared>>, %arg19: memref<!tpu.dma_semaphore, #tpu.memory_space<semaphore_mem>>, %arg20: memref<!tpu.dma_semaphore, #tpu.memory_space<semaphore_mem>>, %arg21: memref<!tpu.dma_semaphore, #tpu.memory_space<semaphore_mem>>, %arg22: memref<!tpu.dma_semaphore, #tpu.memory_space<semaphore_mem>>, %arg23: memref<!tpu.dma_semaphore, #tpu.memory_space<semaphore_mem>>, %arg24: memref<!tpu.dma_semaphore, #tpu.memory_space<semaphore_mem>>, %arg25: memref<!tpu.dma_semaphore, #tpu.memory_space<semaphore_mem>>, %arg26: memref<!tpu.dma_semaphore, #tpu.memory_space<semaphore_mem>>) attributes {dimension_semantics = [#tpu.dimension_semantics<core_parallel>, #tpu.dimension_semantics<subcore_parallel>], iteration_bounds = array<i64: 2, 16>, scalar_prefetch = 0 : i64, scratch_operands = 20 : i64, tpu.core_type = #tpu.core_type<sc_vector_subcore>, window_params = [{transform_indices = #map}, {transform_indices = #map}, {transform_indices = #map1}, {transform_indices = #map}, {transform_indices = #map2}]} {
    %mul3A = arith.constant 16 : i32
    %mul3A_0 = arith.muli %arg0, %mul3A : i32
    %add3A = arith.addi %mul3A_0, %arg1 : i32
    "tpu.region"() ({
      %run_scoped3A = tpu.sem_alloc : memref<!tpu.dma_semaphore, #tpu.memory_space<semaphore_mem>>
      tpu.enqueue_dma source(%arg5 : memref<8x16xf32, #tpu.memory_space<hbm>>) target(%arg17 : memref<8x16xf32, #tpu.memory_space<vmem>>) target_semaphore(%run_scoped3A : memref<!tpu.dma_semaphore, #tpu.memory_space<semaphore_mem>>)
      tpu.wait_dma2 semaphore(%run_scoped3A : memref<!tpu.dma_semaphore, #tpu.memory_space<semaphore_mem>>) src(%arg5 : memref<8x16xf32, #tpu.memory_space<hbm>>) dst(%arg17 : memref<8x16xf32, #tpu.memory_space<vmem>>)
      tpu.yield
    }) : () -> ()
    %broadcast_in_dim3A = arith.constant 0.000000e+00 : f32
    %broadcast_in_dim3A_1 = vector.broadcast %broadcast_in_dim3A : f32 to vector<16xf32>
    %scan3A = arith.constant 0 : i32
    %scan3A_2 = arith.constant 0 : i32
    %scan3A_3 = arith.constant 64 : i32
    %scan3A_4 = arith.addi %scan3A_2, %scan3A_3 : i32
    %scan3A_5 = arith.constant 1 : i32
    %scan3A_6 = scf.for %scan3A_265 = %scan3A_2 to %scan3A_4 step %scan3A_5 iter_args(%scan3A_266 = %scan3A) -> (i32)  : i32 {
      %swap3A = arith.index_cast %scan3A_265 : i32 to index
      %swap3A_267 = arith.constant 0 : index
      %swap3A_268 = tpu.vector_load %arg15[%swap3A, %swap3A_267] {strides = array<i32>} : memref<64x144xf32, #tpu.memory_space<vmem>>, vector<16xf32>,
      tpu.vector_store %arg15[%swap3A, %swap3A_267], %broadcast_in_dim3A_1 {strides = array<i32>} : memref<64x144xf32, #tpu.memory_space<vmem>>, vector<16xf32>,
      %swap3A_269 = arith.index_cast %scan3A_265 : i32 to index
      %swap3A_270 = arith.constant 16 : index
      %swap3A_271 = tpu.vector_load %arg15[%swap3A_269, %swap3A_270] {strides = array<i32>} : memref<64x144xf32, #tpu.memory_space<vmem>>, vector<16xf32>,
      tpu.vector_store %arg15[%swap3A_269, %swap3A_270], %broadcast_in_dim3A_1 {strides = array<i32>} : memref<64x144xf32, #tpu.memory_space<vmem>>, vector<16xf32>,
      %swap3A_272 = arith.index_cast %scan3A_265 : i32 to index
      %swap3A_273 = arith.constant 32 : index
      %swap3A_274 = tpu.vector_load %arg15[%swap3A_272, %swap3A_273] {strides = array<i32>} : memref<64x144xf32, #tpu.memory_space<vmem>>, vector<16xf32>,
      tpu.vector_store %arg15[%swap3A_272, %swap3A_273], %broadcast_in_dim3A_1 {strides = array<i32>} : memref<64x144xf32, #tpu.memory_space<vmem>>, vector<16xf32>,
      %swap3A_275 = arith.index_cast %scan3A_265 : i32 to index
      %swap3A_276 = arith.constant 48 : index
      %swap3A_277 = tpu.vector_load %arg15[%swap3A_275, %swap3A_276] {strides = array<i32>} : memref<64x144xf32, #tpu.memory_space<vmem>>, vector<16xf32>,
      tpu.vector_store %arg15[%swap3A_275, %swap3A_276], %broadcast_in_dim3A_1 {strides = array<i32>} : memref<64x144xf32, #tpu.memory_space<vmem>>, vector<16xf32>,
      %swap3A_278 = arith.index_cast %scan3A_265 : i32 to index
      %swap3A_279 = arith.constant 64 : index
      %swap3A_280 = tpu.vector_load %arg15[%swap3A_278, %swap3A_279] {strides = array<i32>} : memref<64x144xf32, #tpu.memory_space<vmem>>, vector<16xf32>,
      tpu.vector_store %arg15[%swap3A_278, %swap3A_279], %broadcast_in_dim3A_1 {strides = array<i32>} : memref<64x144xf32, #tpu.memory_space<vmem>>, vector<16xf32>,
      %swap3A_281 = arith.index_cast %scan3A_265 : i32 to index
      %swap3A_282 = arith.constant 80 : index
      %swap3A_283 = tpu.vector_load %arg15[%swap3A_281, %swap3A_282] {strides = array<i32>} : memref<64x144xf32, #tpu.memory_space<vmem>>, vector<16xf32>,
      tpu.vector_store %arg15[%swap3A_281, %swap3A_282], %broadcast_in_dim3A_1 {strides = array<i32>} : memref<64x144xf32, #tpu.memory_space<vmem>>, vector<16xf32>,
      %swap3A_284 = arith.index_cast %scan3A_265 : i32 to index
      %swap3A_285 = arith.constant 96 : index
      %swap3A_286 = tpu.vector_load %arg15[%swap3A_284, %swap3A_285] {strides = array<i32>} : memref<64x144xf32, #tpu.memory_space<vmem>>, vector<16xf32>,
      tpu.vector_store %arg15[%swap3A_284, %swap3A_285], %broadcast_in_dim3A_1 {strides = array<i32>} : memref<64x144xf32, #tpu.memory_space<vmem>>, vector<16xf32>,
      %swap3A_287 = arith.index_cast %scan3A_265 : i32 to index
      %swap3A_288 = arith.constant 112 : index
      %swap3A_289 = tpu.vector_load %arg15[%swap3A_287, %swap3A_288] {strides = array<i32>} : memref<64x144xf32, #tpu.memory_space<vmem>>, vector<16xf32>,
      tpu.vector_store %arg15[%swap3A_287, %swap3A_288], %broadcast_in_dim3A_1 {strides = array<i32>} : memref<64x144xf32, #tpu.memory_space<vmem>>, vector<16xf32>,
      %swap3A_290 = arith.index_cast %scan3A_265 : i32 to index
      %swap3A_291 = arith.constant 128 : index
      %swap3A_292 = tpu.vector_load %arg15[%swap3A_290, %swap3A_291] {strides = array<i32>} : memref<64x144xf32, #tpu.memory_space<vmem>>, vector<16xf32>,
      tpu.vector_store %arg15[%swap3A_290, %swap3A_291], %broadcast_in_dim3A_1 {strides = array<i32>} : memref<64x144xf32, #tpu.memory_space<vmem>>, vector<16xf32>,
      %scan3A_293 = arith.constant 0 : i32
      scf.yield %scan3A_293 : i32
    }
    %scan3A_7 = arith.constant 64 : i32
    %scan3A_8 = arith.constant 0 : i32
    %scan3A_9 = arith.constant 0 : i32
    %scan3A_10 = arith.constant 64 : i32
    %scan3A_11 = arith.addi %scan3A_9, %scan3A_10 : i32
    %scan3A_12 = arith.constant 1 : i32
    %scan3A_13 = scf.for %scan3A_265 = %scan3A_9 to %scan3A_11 step %scan3A_12 iter_args(%scan3A_266 = %scan3A_8) -> (i32)  : i32 {
      %swap3A = arith.index_cast %scan3A_265 : i32 to index
      %swap3A_267 = arith.constant 0 : index
      %swap3A_268 = tpu.vector_load %arg16[%swap3A, %swap3A_267] {strides = array<i32>} : memref<64x144xf32, #tpu.memory_space<vmem>>, vector<16xf32>,
      tpu.vector_store %arg16[%swap3A, %swap3A_267], %broadcast_in_dim3A_1 {strides = array<i32>} : memref<64x144xf32, #tpu.memory_space<vmem>>, vector<16xf32>,
      %swap3A_269 = arith.index_cast %scan3A_265 : i32 to index
      %swap3A_270 = arith.constant 16 : index
      %swap3A_271 = tpu.vector_load %arg16[%swap3A_269, %swap3A_270] {strides = array<i32>} : memref<64x144xf32, #tpu.memory_space<vmem>>, vector<16xf32>,
      tpu.vector_store %arg16[%swap3A_269, %swap3A_270], %broadcast_in_dim3A_1 {strides = array<i32>} : memref<64x144xf32, #tpu.memory_space<vmem>>, vector<16xf32>,
      %swap3A_272 = arith.index_cast %scan3A_265 : i32 to index
      %swap3A_273 = arith.constant 32 : index
      %swap3A_274 = tpu.vector_load %arg16[%swap3A_272, %swap3A_273] {strides = array<i32>} : memref<64x144xf32, #tpu.memory_space<vmem>>, vector<16xf32>,
      tpu.vector_store %arg16[%swap3A_272, %swap3A_273], %broadcast_in_dim3A_1 {strides = array<i32>} : memref<64x144xf32, #tpu.memory_space<vmem>>, vector<16xf32>,
      %swap3A_275 = arith.index_cast %scan3A_265 : i32 to index
      %swap3A_276 = arith.constant 48 : index
      %swap3A_277 = tpu.vector_load %arg16[%swap3A_275, %swap3A_276] {strides = array<i32>} : memref<64x144xf32, #tpu.memory_space<vmem>>, vector<16xf32>,
      tpu.vector_store %arg16[%swap3A_275, %swap3A_276], %broadcast_in_dim3A_1 {strides = array<i32>} : memref<64x144xf32, #tpu.memory_space<vmem>>, vector<16xf32>,
      %swap3A_278 = arith.index_cast %scan3A_265 : i32 to index
      %swap3A_279 = arith.constant 64 : index
      %swap3A_280 = tpu.vector_load %arg16[%swap3A_278, %swap3A_279] {strides = array<i32>} : memref<64x144xf32, #tpu.memory_space<vmem>>, vector<16xf32>,
      tpu.vector_store %arg16[%swap3A_278, %swap3A_279], %broadcast_in_dim3A_1 {strides = array<i32>} : memref<64x144xf32, #tpu.memory_space<vmem>>, vector<16xf32>,
      %swap3A_281 = arith.index_cast %scan3A_265 : i32 to index
      %swap3A_282 = arith.constant 80 : index
      %swap3A_283 = tpu.vector_load %arg16[%swap3A_281, %swap3A_282] {strides = array<i32>} : memref<64x144xf32, #tpu.memory_space<vmem>>, vector<16xf32>,
      tpu.vector_store %arg16[%swap3A_281, %swap3A_282], %broadcast_in_dim3A_1 {strides = array<i32>} : memref<64x144xf32, #tpu.memory_space<vmem>>, vector<16xf32>,
      %swap3A_284 = arith.index_cast %scan3A_265 : i32 to index
      %swap3A_285 = arith.constant 96 : index
      %swap3A_286 = tpu.vector_load %arg16[%swap3A_284, %swap3A_285] {strides = array<i32>} : memref<64x144xf32, #tpu.memory_space<vmem>>, vector<16xf32>,
      tpu.vector_store %arg16[%swap3A_284, %swap3A_285], %broadcast_in_dim3A_1 {strides = array<i32>} : memref<64x144xf32, #tpu.memory_space<vmem>>, vector<16xf32>,
      %swap3A_287 = arith.index_cast %scan3A_265 : i32 to index
      %swap3A_288 = arith.constant 112 : index
      %swap3A_289 = tpu.vector_load %arg16[%swap3A_287, %swap3A_288] {strides = array<i32>} : memref<64x144xf32, #tpu.memory_space<vmem>>, vector<16xf32>,
      tpu.vector_store %arg16[%swap3A_287, %swap3A_288], %broadcast_in_dim3A_1 {strides = array<i32>} : memref<64x144xf32, #tpu.memory_space<vmem>>, vector<16xf32>,
      %swap3A_290 = arith.index_cast %scan3A_265 : i32 to index
      %swap3A_291 = arith.constant 128 : index
      %swap3A_292 = tpu.vector_load %arg16[%swap3A_290, %swap3A_291] {strides = array<i32>} : memref<64x144xf32, #tpu.memory_space<vmem>>, vector<16xf32>,
      tpu.vector_store %arg16[%swap3A_290, %swap3A_291], %broadcast_in_dim3A_1 {strides = array<i32>} : memref<64x144xf32, #tpu.memory_space<vmem>>, vector<16xf32>,
      %scan3A_293 = arith.constant 0 : i32
      scf.yield %scan3A_293 : i32
    }
    %scan3A_14 = arith.constant 64 : i32
    %mul3A_15 = arith.constant 640 : i32
    %mul3A_16 = arith.muli %arg1, %mul3A_15 : i32
    %add3A_17 = arith.constant 0 : i32
    %add3A_18 = arith.addi %mul3A_16, %add3A_17 : i32
    "tpu.region"() ({
      %run_scoped3A = tpu.sem_alloc : memref<!tpu.dma_semaphore, #tpu.memory_space<semaphore_mem>>
      %dma_start3A_265 = arith.constant 0 : i32
      %dma_start3A_266 = tpu.memref_slice %arg18[%add3A_18, %dma_start3A_265] : memref<10240x144xf32, #tpu.memory_space<vmem_shared>> -> memref<64x144xf32, #tpu.memory_space<vmem_shared>>
      %dma_start3A_267 = arith.constant 0 : i32
      %dma_start3A_268 = tpu.memref_slice %arg18[%add3A_18, %dma_start3A_267] : memref<10240x144xf32, #tpu.memory_space<vmem_shared>> -> memref<64x144xf32, #tpu.memory_space<vmem_shared>>
      tpu.enqueue_dma source(%arg15 : memref<64x144xf32, #tpu.memory_space<vmem>>) target(%dma_start3A_268 : memref<64x144xf32, #tpu.memory_space<vmem_shared>>) target_semaphore(%run_scoped3A : memref<!tpu.dma_semaphore, #tpu.memory_space<semaphore_mem>>)
      %dma_wait3A_269 = arith.constant 0 : i32
      %dma_wait3A_270 = tpu.memref_slice %arg18[%add3A_18, %dma_wait3A_269] : memref<10240x144xf32, #tpu.memory_space<vmem_shared>> -> memref<64x144xf32, #tpu.memory_space<vmem_shared>>
      %dma_wait3A_271 = arith.constant 0 : i32
      %dma_wait3A_272 = tpu.memref_slice %arg18[%add3A_18, %dma_wait3A_271] : memref<10240x144xf32, #tpu.memory_space<vmem_shared>> -> memref<64x144xf32, #tpu.memory_space<vmem_shared>>
      tpu.wait_dma2 semaphore(%run_scoped3A : memref<!tpu.dma_semaphore, #tpu.memory_space<semaphore_mem>>) src(%arg15 : memref<64x144xf32, #tpu.memory_space<vmem>>) dst(%dma_wait3A_272 : memref<64x144xf32, #tpu.memory_space<vmem_shared>>)
      tpu.yield
    }) : () -> ()
    %mul3A_19 = arith.constant 640 : i32
    %mul3A_20 = arith.muli %arg1, %mul3A_19 : i32
    %add3A_21 = arith.constant 64 : i32
    %add3A_22 = arith.addi %mul3A_20, %add3A_21 : i32
    "tpu.region"() ({
      %run_scoped3A = tpu.sem_alloc : memref<!tpu.dma_semaphore, #tpu.memory_space<semaphore_mem>>
      %dma_start3A_265 = arith.constant 0 : i32
      %dma_start3A_266 = tpu.memref_slice %arg18[%add3A_22, %dma_start3A_265] : memref<10240x144xf32, #tpu.memory_space<vmem_shared>> -> memref<64x144xf32, #tpu.memory_space<vmem_shared>>
      %dma_start3A_267 = arith.constant 0 : i32
      %dma_start3A_268 = tpu.memref_slice %arg18[%add3A_22, %dma_start3A_267] : memref<10240x144xf32, #tpu.memory_space<vmem_shared>> -> memref<64x144xf32, #tpu.memory_space<vmem_shared>>
      tpu.enqueue_dma source(%arg15 : memref<64x144xf32, #tpu.memory_space<vmem>>) target(%dma_start3A_268 : memref<64x144xf32, #tpu.memory_space<vmem_shared>>) target_semaphore(%run_scoped3A : memref<!tpu.dma_semaphore, #tpu.memory_space<semaphore_mem>>)
      %dma_wait3A_269 = arith.constant 0 : i32
      %dma_wait3A_270 = tpu.memref_slice %arg18[%add3A_22, %dma_wait3A_269] : memref<10240x144xf32, #tpu.memory_space<vmem_shared>> -> memref<64x144xf32, #tpu.memory_space<vmem_shared>>
      %dma_wait3A_271 = arith.constant 0 : i32
      %dma_wait3A_272 = tpu.memref_slice %arg18[%add3A_22, %dma_wait3A_271] : memref<10240x144xf32, #tpu.memory_space<vmem_shared>> -> memref<64x144xf32, #tpu.memory_space<vmem_shared>>
      tpu.wait_dma2 semaphore(%run_scoped3A : memref<!tpu.dma_semaphore, #tpu.memory_space<semaphore_mem>>) src(%arg15 : memref<64x144xf32, #tpu.memory_space<vmem>>) dst(%dma_wait3A_272 : memref<64x144xf32, #tpu.memory_space<vmem_shared>>)
      tpu.yield
    }) : () -> ()
    %mul3A_23 = arith.constant 640 : i32
    %mul3A_24 = arith.muli %arg1, %mul3A_23 : i32
    %add3A_25 = arith.constant 128 : i32
    %add3A_26 = arith.addi %mul3A_24, %add3A_25 : i32
    "tpu.region"() ({
      %run_scoped3A = tpu.sem_alloc : memref<!tpu.dma_semaphore, #tpu.memory_space<semaphore_mem>>
      %dma_start3A_265 = arith.constant 0 : i32
      %dma_start3A_266 = tpu.memref_slice %arg18[%add3A_26, %dma_start3A_265] : memref<10240x144xf32, #tpu.memory_space<vmem_shared>> -> memref<64x144xf32, #tpu.memory_space<vmem_shared>>
      %dma_start3A_267 = arith.constant 0 : i32
      %dma_start3A_268 = tpu.memref_slice %arg18[%add3A_26, %dma_start3A_267] : memref<10240x144xf32, #tpu.memory_space<vmem_shared>> -> memref<64x144xf32, #tpu.memory_space<vmem_shared>>
      tpu.enqueue_dma source(%arg15 : memref<64x144xf32, #tpu.memory_space<vmem>>) target(%dma_start3A_268 : memref<64x144xf32, #tpu.memory_space<vmem_shared>>) target_semaphore(%run_scoped3A : memref<!tpu.dma_semaphore, #tpu.memory_space<semaphore_mem>>)
      %dma_wait3A_269 = arith.constant 0 : i32
      %dma_wait3A_270 = tpu.memref_slice %arg18[%add3A_26, %dma_wait3A_269] : memref<10240x144xf32, #tpu.memory_space<vmem_shared>> -> memref<64x144xf32, #tpu.memory_space<vmem_shared>>
      %dma_wait3A_271 = arith.constant 0 : i32
      %dma_wait3A_272 = tpu.memref_slice %arg18[%add3A_26, %dma_wait3A_271] : memref<10240x144xf32, #tpu.memory_space<vmem_shared>> -> memref<64x144xf32, #tpu.memory_space<vmem_shared>>
      tpu.wait_dma2 semaphore(%run_scoped3A : memref<!tpu.dma_semaphore, #tpu.memory_space<semaphore_mem>>) src(%arg15 : memref<64x144xf32, #tpu.memory_space<vmem>>) dst(%dma_wait3A_272 : memref<64x144xf32, #tpu.memory_space<vmem_shared>>)
      tpu.yield
    }) : () -> ()
    %mul3A_27 = arith.constant 640 : i32
    %mul3A_28 = arith.muli %arg1, %mul3A_27 : i32
    %add3A_29 = arith.constant 192 : i32
    %add3A_30 = arith.addi %mul3A_28, %add3A_29 : i32
    "tpu.region"() ({
      %run_scoped3A = tpu.sem_alloc : memref<!tpu.dma_semaphore, #tpu.memory_space<semaphore_mem>>
      %dma_start3A_265 = arith.constant 0 : i32
      %dma_start3A_266 = tpu.memref_slice %arg18[%add3A_30, %dma_start3A_265] : memref<10240x144xf32, #tpu.memory_space<vmem_shared>> -> memref<64x144xf32, #tpu.memory_space<vmem_shared>>
      %dma_start3A_267 = arith.constant 0 : i32
      %dma_start3A_268 = tpu.memref_slice %arg18[%add3A_30, %dma_start3A_267] : memref<10240x144xf32, #tpu.memory_space<vmem_shared>> -> memref<64x144xf32, #tpu.memory_space<vmem_shared>>
      tpu.enqueue_dma source(%arg15 : memref<64x144xf32, #tpu.memory_space<vmem>>) target(%dma_start3A_268 : memref<64x144xf32, #tpu.memory_space<vmem_shared>>) target_semaphore(%run_scoped3A : memref<!tpu.dma_semaphore, #tpu.memory_space<semaphore_mem>>)
      %dma_wait3A_269 = arith.constant 0 : i32
      %dma_wait3A_270 = tpu.memref_slice %arg18[%add3A_30, %dma_wait3A_269] : memref<10240x144xf32, #tpu.memory_space<vmem_shared>> -> memref<64x144xf32, #tpu.memory_space<vmem_shared>>
      %dma_wait3A_271 = arith.constant 0 : i32
      %dma_wait3A_272 = tpu.memref_slice %arg18[%add3A_30, %dma_wait3A_271] : memref<10240x144xf32, #tpu.memory_space<vmem_shared>> -> memref<64x144xf32, #tpu.memory_space<vmem_shared>>
      tpu.wait_dma2 semaphore(%run_scoped3A : memref<!tpu.dma_semaphore, #tpu.memory_space<semaphore_mem>>) src(%arg15 : memref<64x144xf32, #tpu.memory_space<vmem>>) dst(%dma_wait3A_272 : memref<64x144xf32, #tpu.memory_space<vmem_shared>>)
      tpu.yield
    }) : () -> ()
    %mul3A_31 = arith.constant 640 : i32
    %mul3A_32 = arith.muli %arg1, %mul3A_31 : i32
    %add3A_33 = arith.constant 256 : i32
    %add3A_34 = arith.addi %mul3A_32, %add3A_33 : i32
    "tpu.region"() ({
      %run_scoped3A = tpu.sem_alloc : memref<!tpu.dma_semaphore, #tpu.memory_space<semaphore_mem>>
      %dma_start3A_265 = arith.constant 0 : i32
      %dma_start3A_266 = tpu.memref_slice %arg18[%add3A_34, %dma_start3A_265] : memref<10240x144xf32, #tpu.memory_space<vmem_shared>> -> memref<64x144xf32, #tpu.memory_space<vmem_shared>>
      %dma_start3A_267 = arith.constant 0 : i32
      %dma_start3A_268 = tpu.memref_slice %arg18[%add3A_34, %dma_start3A_267] : memref<10240x144xf32, #tpu.memory_space<vmem_shared>> -> memref<64x144xf32, #tpu.memory_space<vmem_shared>>
      tpu.enqueue_dma source(%arg15 : memref<64x144xf32, #tpu.memory_space<vmem>>) target(%dma_start3A_268 : memref<64x144xf32, #tpu.memory_space<vmem_shared>>) target_semaphore(%run_scoped3A : memref<!tpu.dma_semaphore, #tpu.memory_space<semaphore_mem>>)
      %dma_wait3A_269 = arith.constant 0 : i32
      %dma_wait3A_270 = tpu.memref_slice %arg18[%add3A_34, %dma_wait3A_269] : memref<10240x144xf32, #tpu.memory_space<vmem_shared>> -> memref<64x144xf32, #tpu.memory_space<vmem_shared>>
      %dma_wait3A_271 = arith.constant 0 : i32
      %dma_wait3A_272 = tpu.memref_slice %arg18[%add3A_34, %dma_wait3A_271] : memref<10240x144xf32, #tpu.memory_space<vmem_shared>> -> memref<64x144xf32, #tpu.memory_space<vmem_shared>>
      tpu.wait_dma2 semaphore(%run_scoped3A : memref<!tpu.dma_semaphore, #tpu.memory_space<semaphore_mem>>) src(%arg15 : memref<64x144xf32, #tpu.memory_space<vmem>>) dst(%dma_wait3A_272 : memref<64x144xf32, #tpu.memory_space<vmem_shared>>)
      tpu.yield
    }) : () -> ()
    %mul3A_35 = arith.constant 640 : i32
    %mul3A_36 = arith.muli %arg1, %mul3A_35 : i32
    %add3A_37 = arith.constant 320 : i32
    %add3A_38 = arith.addi %mul3A_36, %add3A_37 : i32
    "tpu.region"() ({
      %run_scoped3A = tpu.sem_alloc : memref<!tpu.dma_semaphore, #tpu.memory_space<semaphore_mem>>
      %dma_start3A_265 = arith.constant 0 : i32
      %dma_start3A_266 = tpu.memref_slice %arg18[%add3A_38, %dma_start3A_265] : memref<10240x144xf32, #tpu.memory_space<vmem_shared>> -> memref<64x144xf32, #tpu.memory_space<vmem_shared>>
      %dma_start3A_267 = arith.constant 0 : i32
      %dma_start3A_268 = tpu.memref_slice %arg18[%add3A_38, %dma_start3A_267] : memref<10240x144xf32, #tpu.memory_space<vmem_shared>> -> memref<64x144xf32, #tpu.memory_space<vmem_shared>>
      tpu.enqueue_dma source(%arg15 : memref<64x144xf32, #tpu.memory_space<vmem>>) target(%dma_start3A_268 : memref<64x144xf32, #tpu.memory_space<vmem_shared>>) target_semaphore(%run_scoped3A : memref<!tpu.dma_semaphore, #tpu.memory_space<semaphore_mem>>)
      %dma_wait3A_269 = arith.constant 0 : i32
      %dma_wait3A_270 = tpu.memref_slice %arg18[%add3A_38, %dma_wait3A_269] : memref<10240x144xf32, #tpu.memory_space<vmem_shared>> -> memref<64x144xf32, #tpu.memory_space<vmem_shared>>
      %dma_wait3A_271 = arith.constant 0 : i32
      %dma_wait3A_272 = tpu.memref_slice %arg18[%add3A_38, %dma_wait3A_271] : memref<10240x144xf32, #tpu.memory_space<vmem_shared>> -> memref<64x144xf32, #tpu.memory_space<vmem_shared>>
      tpu.wait_dma2 semaphore(%run_scoped3A : memref<!tpu.dma_semaphore, #tpu.memory_space<semaphore_mem>>) src(%arg15 : memref<64x144xf32, #tpu.memory_space<vmem>>) dst(%dma_wait3A_272 : memref<64x144xf32, #tpu.memory_space<vmem_shared>>)
      tpu.yield
    }) : () -> ()
    %mul3A_39 = arith.constant 640 : i32
    %mul3A_40 = arith.muli %arg1, %mul3A_39 : i32
    %add3A_41 = arith.constant 384 : i32
    %add3A_42 = arith.addi %mul3A_40, %add3A_41 : i32
    "tpu.region"() ({
      %run_scoped3A = tpu.sem_alloc : memref<!tpu.dma_semaphore, #tpu.memory_space<semaphore_mem>>
      %dma_start3A_265 = arith.constant 0 : i32
      %dma_start3A_266 = tpu.memref_slice %arg18[%add3A_42, %dma_start3A_265] : memref<10240x144xf32, #tpu.memory_space<vmem_shared>> -> memref<64x144xf32, #tpu.memory_space<vmem_shared>>
      %dma_start3A_267 = arith.constant 0 : i32
      %dma_start3A_268 = tpu.memref_slice %arg18[%add3A_42, %dma_start3A_267] : memref<10240x144xf32, #tpu.memory_space<vmem_shared>> -> memref<64x144xf32, #tpu.memory_space<vmem_shared>>
      tpu.enqueue_dma source(%arg15 : memref<64x144xf32, #tpu.memory_space<vmem>>) target(%dma_start3A_268 : memref<64x144xf32, #tpu.memory_space<vmem_shared>>) target_semaphore(%run_scoped3A : memref<!tpu.dma_semaphore, #tpu.memory_space<semaphore_mem>>)
      %dma_wait3A_269 = arith.constant 0 : i32
      %dma_wait3A_270 = tpu.memref_slice %arg18[%add3A_42, %dma_wait3A_269] : memref<10240x144xf32, #tpu.memory_space<vmem_shared>> -> memref<64x144xf32, #tpu.memory_space<vmem_shared>>
      %dma_wait3A_271 = arith.constant 0 : i32
      %dma_wait3A_272 = tpu.memref_slice %arg18[%add3A_42, %dma_wait3A_271] : memref<10240x144xf32, #tpu.memory_space<vmem_shared>> -> memref<64x144xf32, #tpu.memory_space<vmem_shared>>
      tpu.wait_dma2 semaphore(%run_scoped3A : memref<!tpu.dma_semaphore, #tpu.memory_space<semaphore_mem>>) src(%arg15 : memref<64x144xf32, #tpu.memory_space<vmem>>) dst(%dma_wait3A_272 : memref<64x144xf32, #tpu.memory_space<vmem_shared>>)
      tpu.yield
    }) : () -> ()
    %mul3A_43 = arith.constant 640 : i32
    %mul3A_44 = arith.muli %arg1, %mul3A_43 : i32
    %add3A_45 = arith.constant 448 : i32
    %add3A_46 = arith.addi %mul3A_44, %add3A_45 : i32
    "tpu.region"() ({
      %run_scoped3A = tpu.sem_alloc : memref<!tpu.dma_semaphore, #tpu.memory_space<semaphore_mem>>
      %dma_start3A_265 = arith.constant 0 : i32
      %dma_start3A_266 = tpu.memref_slice %arg18[%add3A_46, %dma_start3A_265] : memref<10240x144xf32, #tpu.memory_space<vmem_shared>> -> memref<64x144xf32, #tpu.memory_space<vmem_shared>>
      %dma_start3A_267 = arith.constant 0 : i32
      %dma_start3A_268 = tpu.memref_slice %arg18[%add3A_46, %dma_start3A_267] : memref<10240x144xf32, #tpu.memory_space<vmem_shared>> -> memref<64x144xf32, #tpu.memory_space<vmem_shared>>
      tpu.enqueue_dma source(%arg15 : memref<64x144xf32, #tpu.memory_space<vmem>>) target(%dma_start3A_268 : memref<64x144xf32, #tpu.memory_space<vmem_shared>>) target_semaphore(%run_scoped3A : memref<!tpu.dma_semaphore, #tpu.memory_space<semaphore_mem>>)
      %dma_wait3A_269 = arith.constant 0 : i32
      %dma_wait3A_270 = tpu.memref_slice %arg18[%add3A_46, %dma_wait3A_269] : memref<10240x144xf32, #tpu.memory_space<vmem_shared>> -> memref<64x144xf32, #tpu.memory_space<vmem_shared>>
      %dma_wait3A_271 = arith.constant 0 : i32
      %dma_wait3A_272 = tpu.memref_slice %arg18[%add3A_46, %dma_wait3A_271] : memref<10240x144xf32, #tpu.memory_space<vmem_shared>> -> memref<64x144xf32, #tpu.memory_space<vmem_shared>>
      tpu.wait_dma2 semaphore(%run_scoped3A : memref<!tpu.dma_semaphore, #tpu.memory_space<semaphore_mem>>) src(%arg15 : memref<64x144xf32, #tpu.memory_space<vmem>>) dst(%dma_wait3A_272 : memref<64x144xf32, #tpu.memory_space<vmem_shared>>)
      tpu.yield
    }) : () -> ()
    %mul3A_47 = arith.constant 640 : i32
    %mul3A_48 = arith.muli %arg1, %mul3A_47 : i32
    %add3A_49 = arith.constant 512 : i32
    %add3A_50 = arith.addi %mul3A_48, %add3A_49 : i32
    "tpu.region"() ({
      %run_scoped3A = tpu.sem_alloc : memref<!tpu.dma_semaphore, #tpu.memory_space<semaphore_mem>>
      %dma_start3A_265 = arith.constant 0 : i32
      %dma_start3A_266 = tpu.memref_slice %arg18[%add3A_50, %dma_start3A_265] : memref<10240x144xf32, #tpu.memory_space<vmem_shared>> -> memref<64x144xf32, #tpu.memory_space<vmem_shared>>
      %dma_start3A_267 = arith.constant 0 : i32
      %dma_start3A_268 = tpu.memref_slice %arg18[%add3A_50, %dma_start3A_267] : memref<10240x144xf32, #tpu.memory_space<vmem_shared>> -> memref<64x144xf32, #tpu.memory_space<vmem_shared>>
      tpu.enqueue_dma source(%arg15 : memref<64x144xf32, #tpu.memory_space<vmem>>) target(%dma_start3A_268 : memref<64x144xf32, #tpu.memory_space<vmem_shared>>) target_semaphore(%run_scoped3A : memref<!tpu.dma_semaphore, #tpu.memory_space<semaphore_mem>>)
      %dma_wait3A_269 = arith.constant 0 : i32
      %dma_wait3A_270 = tpu.memref_slice %arg18[%add3A_50, %dma_wait3A_269] : memref<10240x144xf32, #tpu.memory_space<vmem_shared>> -> memref<64x144xf32, #tpu.memory_space<vmem_shared>>
      %dma_wait3A_271 = arith.constant 0 : i32
      %dma_wait3A_272 = tpu.memref_slice %arg18[%add3A_50, %dma_wait3A_271] : memref<10240x144xf32, #tpu.memory_space<vmem_shared>> -> memref<64x144xf32, #tpu.memory_space<vmem_shared>>
      tpu.wait_dma2 semaphore(%run_scoped3A : memref<!tpu.dma_semaphore, #tpu.memory_space<semaphore_mem>>) src(%arg15 : memref<64x144xf32, #tpu.memory_space<vmem>>) dst(%dma_wait3A_272 : memref<64x144xf32, #tpu.memory_space<vmem_shared>>)
      tpu.yield
    }) : () -> ()
    %mul3A_51 = arith.constant 640 : i32
    %mul3A_52 = arith.muli %arg1, %mul3A_51 : i32
    %add3A_53 = arith.constant 576 : i32
    %add3A_54 = arith.addi %mul3A_52, %add3A_53 : i32
    "tpu.region"() ({
      %run_scoped3A = tpu.sem_alloc : memref<!tpu.dma_semaphore, #tpu.memory_space<semaphore_mem>>
      %dma_start3A_265 = arith.constant 0 : i32
      %dma_start3A_266 = tpu.memref_slice %arg18[%add3A_54, %dma_start3A_265] : memref<10240x144xf32, #tpu.memory_space<vmem_shared>> -> memref<64x144xf32, #tpu.memory_space<vmem_shared>>
      %dma_start3A_267 = arith.constant 0 : i32
      %dma_start3A_268 = tpu.memref_slice %arg18[%add3A_54, %dma_start3A_267] : memref<10240x144xf32, #tpu.memory_space<vmem_shared>> -> memref<64x144xf32, #tpu.memory_space<vmem_shared>>
      tpu.enqueue_dma source(%arg15 : memref<64x144xf32, #tpu.memory_space<vmem>>) target(%dma_start3A_268 : memref<64x144xf32, #tpu.memory_space<vmem_shared>>) target_semaphore(%run_scoped3A : memref<!tpu.dma_semaphore, #tpu.memory_space<semaphore_mem>>)
      %dma_wait3A_269 = arith.constant 0 : i32
      %dma_wait3A_270 = tpu.memref_slice %arg18[%add3A_54, %dma_wait3A_269] : memref<10240x144xf32, #tpu.memory_space<vmem_shared>> -> memref<64x144xf32, #tpu.memory_space<vmem_shared>>
      %dma_wait3A_271 = arith.constant 0 : i32
      %dma_wait3A_272 = tpu.memref_slice %arg18[%add3A_54, %dma_wait3A_271] : memref<10240x144xf32, #tpu.memory_space<vmem_shared>> -> memref<64x144xf32, #tpu.memory_space<vmem_shared>>
      tpu.wait_dma2 semaphore(%run_scoped3A : memref<!tpu.dma_semaphore, #tpu.memory_space<semaphore_mem>>) src(%arg15 : memref<64x144xf32, #tpu.memory_space<vmem>>) dst(%dma_wait3A_272 : memref<64x144xf32, #tpu.memory_space<vmem_shared>>)
      tpu.yield
    }) : () -> ()
    %barrier3A = arith.constant 0 : index
    tpu.barrier barrier_id(%barrier3A)
    %get3A = arith.constant 0 : i32
    %get3A_55 = arith.index_cast %get3A : i32 to index
    %get3A_56 = arith.constant 0 : index
    %get3A_57 = tpu.vector_load %arg17[%get3A_55, %get3A_56] {strides = array<i32>} : memref<8x16xf32, #tpu.memory_space<vmem>>, vector<16xf32>,
    %get3A_58 = arith.constant 1 : i32
    %get3A_59 = arith.index_cast %get3A_58 : i32 to index
    %get3A_60 = arith.constant 0 : index
    %get3A_61 = tpu.vector_load %arg17[%get3A_59, %get3A_60] {strides = array<i32>} : memref<8x16xf32, #tpu.memory_space<vmem>>, vector<16xf32>,
    %get3A_62 = arith.constant 2 : i32
    %get3A_63 = arith.index_cast %get3A_62 : i32 to index
    %get3A_64 = arith.constant 0 : index
    %get3A_65 = tpu.vector_load %arg17[%get3A_63, %get3A_64] {strides = array<i32>} : memref<8x16xf32, #tpu.memory_space<vmem>>, vector<16xf32>,
    %get3A_66 = arith.constant 3 : i32
    %get3A_67 = arith.index_cast %get3A_66 : i32 to index
    %get3A_68 = arith.constant 0 : index
    %get3A_69 = tpu.vector_load %arg17[%get3A_67, %get3A_68] {strides = array<i32>} : memref<8x16xf32, #tpu.memory_space<vmem>>, vector<16xf32>,
    %get3A_70 = arith.constant 4 : i32
    %get3A_71 = arith.index_cast %get3A_70 : i32 to index
    %get3A_72 = arith.constant 0 : index
    %get3A_73 = tpu.vector_load %arg17[%get3A_71, %get3A_72] {strides = array<i32>} : memref<8x16xf32, #tpu.memory_space<vmem>>, vector<16xf32>,
    %get3A_74 = arith.constant 5 : i32
    %get3A_75 = arith.index_cast %get3A_74 : i32 to index
    %get3A_76 = arith.constant 0 : index
    %get3A_77 = tpu.vector_load %arg17[%get3A_75, %get3A_76] {strides = array<i32>} : memref<8x16xf32, #tpu.memory_space<vmem>>, vector<16xf32>,
    %get3A_78 = arith.constant 6 : i32
    %get3A_79 = arith.index_cast %get3A_78 : i32 to index
    %get3A_80 = arith.constant 0 : index
    %get3A_81 = tpu.vector_load %arg17[%get3A_79, %get3A_80] {strides = array<i32>} : memref<8x16xf32, #tpu.memory_space<vmem>>, vector<16xf32>,
    %get3A_82 = arith.constant 7 : i32
    %get3A_83 = arith.index_cast %get3A_82 : i32 to index
    %get3A_84 = arith.constant 0 : index
    %get3A_85 = tpu.vector_load %arg17[%get3A_83, %get3A_84] {strides = array<i32>} : memref<8x16xf32, #tpu.memory_space<vmem>>, vector<16xf32>,
    %iota3A = tpu.iota {dimensions = array<i32: 0>} : vector<16xi32>
    %mul3A_86 = arith.constant 2 : i32
    %mul3A_87 = vector.broadcast %mul3A_86 : i32 to vector<16xi32>
    %mul3A_88 = arith.muli %mul3A_87, %iota3A : vector<16xi32>
    %add3A_89 = arith.constant 0 : i32
    %add3A_90 = vector.broadcast %add3A_89 : i32 to vector<16xi32>
    %add3A_91 = arith.addi %add3A_90, %mul3A_88 : vector<16xi32>
    %add3A_92 = arith.constant 0 : i32
    %add3A_93 = vector.broadcast %add3A_92 : i32 to vector<16xi32>
    %add3A_94 = arith.addi %add3A_91, %add3A_93 : vector<16xi32>
    %mul3A_95 = arith.constant 2 : i32
    %mul3A_96 = vector.broadcast %mul3A_95 : i32 to vector<16xi32>
    %mul3A_97 = arith.muli %mul3A_96, %iota3A : vector<16xi32>
    %add3A_98 = arith.constant 0 : i32
    %add3A_99 = vector.broadcast %add3A_98 : i32 to vector<16xi32>
    %add3A_100 = arith.addi %add3A_99, %mul3A_97 : vector<16xi32>
    %add3A_101 = arith.constant 1 : i32
    %add3A_102 = vector.broadcast %add3A_101 : i32 to vector<16xi32>
    %add3A_103 = arith.addi %add3A_100, %add3A_102 : vector<16xi32>
    %mul3A_104 = arith.constant 2 : i32
    %mul3A_105 = vector.broadcast %mul3A_104 : i32 to vector<16xi32>
    %mul3A_106 = arith.muli %mul3A_105, %iota3A : vector<16xi32>
    %add3A_107 = arith.constant 32 : i32
    %add3A_108 = vector.broadcast %add3A_107 : i32 to vector<16xi32>
    %add3A_109 = arith.addi %add3A_108, %mul3A_106 : vector<16xi32>
    %add3A_110 = arith.constant 0 : i32
    %add3A_111 = vector.broadcast %add3A_110 : i32 to vector<16xi32>
    %add3A_112 = arith.addi %add3A_109, %add3A_111 : vector<16xi32>
    %mul3A_113 = arith.constant 2 : i32
    %mul3A_114 = vector.broadcast %mul3A_113 : i32 to vector<16xi32>
    %mul3A_115 = arith.muli %mul3A_114, %iota3A : vector<16xi32>
    %add3A_116 = arith.constant 32 : i32
    %add3A_117 = vector.broadcast %add3A_116 : i32 to vector<16xi32>
    %add3A_118 = arith.addi %add3A_117, %mul3A_115 : vector<16xi32>
    %add3A_119 = arith.constant 1 : i32
    %add3A_120 = vector.broadcast %add3A_119 : i32 to vector<16xi32>
    %add3A_121 = arith.addi %add3A_118, %add3A_120 : vector<16xi32>
    %mul3A_122 = arith.constant 2 : i32
    %mul3A_123 = vector.broadcast %mul3A_122 : i32 to vector<16xi32>
    %mul3A_124 = arith.muli %mul3A_123, %iota3A : vector<16xi32>
    %add3A_125 = arith.constant 64 : i32
    %add3A_126 = vector.broadcast %add3A_125 : i32 to vector<16xi32>
    %add3A_127 = arith.addi %add3A_126, %mul3A_124 : vector<16xi32>
    %add3A_128 = arith.constant 0 : i32
    %add3A_129 = vector.broadcast %add3A_128 : i32 to vector<16xi32>
    %add3A_130 = arith.addi %add3A_127, %add3A_129 : vector<16xi32>
    %mul3A_131 = arith.constant 2 : i32
    %mul3A_132 = vector.broadcast %mul3A_131 : i32 to vector<16xi32>
    %mul3A_133 = arith.muli %mul3A_132, %iota3A : vector<16xi32>
    %add3A_134 = arith.constant 64 : i32
    %add3A_135 = vector.broadcast %add3A_134 : i32 to vector<16xi32>
    %add3A_136 = arith.addi %add3A_135, %mul3A_133 : vector<16xi32>
    %add3A_137 = arith.constant 1 : i32
    %add3A_138 = vector.broadcast %add3A_137 : i32 to vector<16xi32>
    %add3A_139 = arith.addi %add3A_136, %add3A_138 : vector<16xi32>
    %mul3A_140 = arith.constant 2 : i32
    %mul3A_141 = vector.broadcast %mul3A_140 : i32 to vector<16xi32>
    %mul3A_142 = arith.muli %mul3A_141, %iota3A : vector<16xi32>
    %add3A_143 = arith.constant 96 : i32
    %add3A_144 = vector.broadcast %add3A_143 : i32 to vector<16xi32>
    %add3A_145 = arith.addi %add3A_144, %mul3A_142 : vector<16xi32>
    %add3A_146 = arith.constant 0 : i32
    %add3A_147 = vector.broadcast %add3A_146 : i32 to vector<16xi32>
    %add3A_148 = arith.addi %add3A_145, %add3A_147 : vector<16xi32>
    %mul3A_149 = arith.constant 2 : i32
    %mul3A_150 = vector.broadcast %mul3A_149 : i32 to vector<16xi32>
    %mul3A_151 = arith.muli %mul3A_150, %iota3A : vector<16xi32>
    %add3A_152 = arith.constant 96 : i32
    %add3A_153 = vector.broadcast %add3A_152 : i32 to vector<16xi32>
    %add3A_154 = arith.addi %add3A_153, %mul3A_151 : vector<16xi32>
    %add3A_155 = arith.constant 1 : i32
    %add3A_156 = vector.broadcast %add3A_155 : i32 to vector<16xi32>
    %add3A_157 = arith.addi %add3A_154, %add3A_156 : vector<16xi32>
    %broadcast_in_dim3A_158 = arith.constant 128 : i32
    %broadcast_in_dim3A_159 = vector.broadcast %broadcast_in_dim3A_158 : i32 to vector<16xi32>
    %dma_start3A = arith.constant 0 : i32
    %dma_start3A_160 = arith.constant 0 : i32
    %dma_start3A_161 = arith.constant 0 : i32
    %dma_start3A_162 = tpu.memref_slice %arg4[%add3A, %dma_start3A, %dma_start3A_160, %dma_start3A_161] : memref<32x160x2x64xi32, #tpu.memory_space<hbm>> -> memref<1x1x2x64xi32, #tpu.memory_space<hbm>>
    %dma_start3A_163 = tpu.memref_squeeze %dma_start3A_162 : memref<1x1x2x64xi32, #tpu.memory_space<hbm>> -> memref<2x64xi32, #tpu.memory_space<hbm>>
    %dma_start3A_164 = arith.constant 0 : i32
    %dma_start3A_165 = arith.constant 0 : i32
    %dma_start3A_166 = tpu.memref_slice %arg4[%add3A, %dma_start3A, %dma_start3A_164, %dma_start3A_165] : memref<32x160x2x64xi32, #tpu.memory_space<hbm>> -> memref<1x1x2x64xi32, #tpu.memory_space<hbm>>
    %dma_start3A_167 = tpu.memref_squeeze %dma_start3A_166 : memref<1x1x2x64xi32, #tpu.memory_space<hbm>> -> memref<2x64xi32, #tpu.memory_space<hbm>>
    tpu.enqueue_dma source(%dma_start3A_167 : memref<2x64xi32, #tpu.memory_space<hbm>>) target(%arg7 : memref<2x64xi32, #tpu.memory_space<vmem>>) target_semaphore(%arg23 : memref<!tpu.dma_semaphore, #tpu.memory_space<semaphore_mem>>)
    %dma_start3A_168 = arith.constant 1 : i32
    %dma_start3A_169 = arith.constant 0 : i32
    %dma_start3A_170 = arith.constant 0 : i32
    %dma_start3A_171 = tpu.memref_slice %arg4[%add3A, %dma_start3A_168, %dma_start3A_169, %dma_start3A_170] : memref<32x160x2x64xi32, #tpu.memory_space<hbm>> -> memref<1x1x2x64xi32, #tpu.memory_space<hbm>>
    %dma_start3A_172 = tpu.memref_squeeze %dma_start3A_171 : memref<1x1x2x64xi32, #tpu.memory_space<hbm>> -> memref<2x64xi32, #tpu.memory_space<hbm>>
    %dma_start3A_173 = arith.constant 0 : i32
    %dma_start3A_174 = arith.constant 0 : i32
    %dma_start3A_175 = tpu.memref_slice %arg4[%add3A, %dma_start3A_168, %dma_start3A_173, %dma_start3A_174] : memref<32x160x2x64xi32, #tpu.memory_space<hbm>> -> memref<1x1x2x64xi32, #tpu.memory_space<hbm>>
    %dma_start3A_176 = tpu.memref_squeeze %dma_start3A_175 : memref<1x1x2x64xi32, #tpu.memory_space<hbm>> -> memref<2x64xi32, #tpu.memory_space<hbm>>
    tpu.enqueue_dma source(%dma_start3A_176 : memref<2x64xi32, #tpu.memory_space<hbm>>) target(%arg8 : memref<2x64xi32, #tpu.memory_space<vmem>>) target_semaphore(%arg24 : memref<!tpu.dma_semaphore, #tpu.memory_space<semaphore_mem>>)
    %dma_wait3A = arith.constant 0 : i32
    %dma_wait3A_177 = arith.constant 0 : i32
    %dma_wait3A_178 = arith.constant 0 : i32
    %dma_wait3A_179 = tpu.memref_slice %arg4[%add3A, %dma_wait3A, %dma_wait3A_177, %dma_wait3A_178] : memref<32x160x2x64xi32, #tpu.memory_space<hbm>> -> memref<1x1x2x64xi32, #tpu.memory_space<hbm>>
    %dma_wait3A_180 = tpu.memref_squeeze %dma_wait3A_179 : memref<1x1x2x64xi32, #tpu.memory_space<hbm>> -> memref<2x64xi32, #tpu.memory_space<hbm>>
    %dma_wait3A_181 = arith.constant 0 : i32
    %dma_wait3A_182 = arith.constant 0 : i32
    %dma_wait3A_183 = tpu.memref_slice %arg4[%add3A, %dma_wait3A, %dma_wait3A_181, %dma_wait3A_182] : memref<32x160x2x64xi32, #tpu.memory_space<hbm>> -> memref<1x1x2x64xi32, #tpu.memory_space<hbm>>
    %dma_wait3A_184 = tpu.memref_squeeze %dma_wait3A_183 : memref<1x1x2x64xi32, #tpu.memory_space<hbm>> -> memref<2x64xi32, #tpu.memory_space<hbm>>
    tpu.wait_dma2 semaphore(%arg23 : memref<!tpu.dma_semaphore, #tpu.memory_space<semaphore_mem>>) src(%dma_wait3A_184 : memref<2x64xi32, #tpu.memory_space<hbm>>) dst(%arg7 : memref<2x64xi32, #tpu.memory_space<vmem>>)
    %dma_start3A_185 = arith.constant 0 : i32
    %dma_start3A_186 = arith.constant 0 : i32
    %dma_start3A_187 = tpu.memref_slice %arg7[%dma_start3A_185, %dma_start3A_186] : memref<2x64xi32, #tpu.memory_space<vmem>> -> memref<1x64xi32, #tpu.memory_space<vmem>>
    %dma_start3A_188 = tpu.memref_squeeze %dma_start3A_187 : memref<1x64xi32, #tpu.memory_space<vmem>> -> memref<64xi32, #tpu.memory_space<vmem>>
    %dma_start3A_189 = arith.constant 0 : i32
    %dma_start3A_190 = arith.constant 0 : i32
    %dma_start3A_191 = tpu.memref_slice %arg2[%dma_start3A_189, %dma_start3A_190] : memref<10000x128xbf16, #tpu.memory_space<hbm>> -> memref<10000x128xbf16, #tpu.memory_space<hbm>>
    tpu.enqueue_indirect_dma source(%dma_start3A_191 : memref<10000x128xbf16, #tpu.memory_space<hbm>>) target(%arg11 : memref<64x128xbf16, #tpu.memory_space<vmem>>) offsets(%dma_start3A_188 : memref<64xi32, #tpu.memory_space<vmem>>) semaphore(%arg19 : memref<!tpu.dma_semaphore, #tpu.memory_space<semaphore_mem>>)
    %dma_start3A_192 = arith.constant 1 : i32
    %dma_start3A_193 = arith.constant 0 : i32
    %dma_start3A_194 = tpu.memref_slice %arg7[%dma_start3A_192, %dma_start3A_193] : memref<2x64xi32, #tpu.memory_space<vmem>> -> memref<1x64xi32, #tpu.memory_space<vmem>>
    %dma_start3A_195 = tpu.memref_squeeze %dma_start3A_194 : memref<1x64xi32, #tpu.memory_space<vmem>> -> memref<64xi32, #tpu.memory_space<vmem>>
    %dma_start3A_196 = arith.constant 0 : i32
    %dma_start3A_197 = arith.constant 0 : i32
    %dma_start3A_198 = tpu.memref_slice %arg3[%dma_start3A_196, %dma_start3A_197] : memref<10000x128xbf16, #tpu.memory_space<hbm>> -> memref<10000x128xbf16, #tpu.memory_space<hbm>>
    tpu.enqueue_indirect_dma source(%dma_start3A_198 : memref<10000x128xbf16, #tpu.memory_space<hbm>>) target(%arg13 : memref<64x128xbf16, #tpu.memory_space<vmem>>) offsets(%dma_start3A_195 : memref<64xi32, #tpu.memory_space<vmem>>) semaphore(%arg19 : memref<!tpu.dma_semaphore, #tpu.memory_space<semaphore_mem>>)
    %scan3A_199 = arith.constant 0 : i32
    %scan3A_200 = arith.constant 0 : i32
    %scan3A_201 = arith.constant 40 : i32
    %scan3A_202 = arith.addi %scan3A_200, %scan3A_201 : i32
    %scan3A_203 = arith.constant 1 : i32
    %scan3A_204 = scf.for %scan3A_265 = %scan3A_200 to %scan3A_202 step %scan3A_203 iter_args(%scan3A_266 = %scan3A_199) -> (i32)  : i32 {
      %mul3A_267 = arith.constant 4 : i32
      %mul3A_268 = arith.muli %scan3A_265, %mul3A_267 : i32
      %add3A_269 = arith.constant 0 : i32
      %add3A_270 = arith.addi %mul3A_268, %add3A_269 : i32
      %ge3A = arith.constant 2 : i32
      %ge3A_271 = arith.cmpi sge, %add3A_270, %ge3A : i32
      %convert_element_type3A = arith.extui %ge3A_271 : i1 to i32
      %cond3A = arith.constant 0 : i32
      %cond3A_272 = arith.cmpi ne, %convert_element_type3A, %cond3A : i32
      scf.if %cond3A_272 {
        %dma_wait3A_460 = arith.constant 0 : i32
        %dma_wait3A_461 = arith.constant 0 : i32
        %dma_wait3A_462 = arith.constant 0 : i32
        %dma_wait3A_463 = tpu.memref_slice %arg6[%dma_wait3A_460, %dma_wait3A_461, %dma_wait3A_462] : memref<2x10240x144xf32, #tpu.memory_space<hbm>> -> memref<1x64x144xf32, #tpu.memory_space<hbm>>
        %dma_wait3A_464 = tpu.memref_squeeze %dma_wait3A_463 : memref<1x64x144xf32, #tpu.memory_space<hbm>> -> memref<64x144xf32, #tpu.memory_space<hbm>>
        %dma_wait3A_465 = arith.constant 0 : i32
        %dma_wait3A_466 = arith.constant 0 : i32
        %dma_wait3A_467 = tpu.memref_slice %arg6[%dma_wait3A_460, %dma_wait3A_465, %dma_wait3A_466] : memref<2x10240x144xf32, #tpu.memory_space<hbm>> -> memref<1x64x144xf32, #tpu.memory_space<hbm>>
        %dma_wait3A_468 = tpu.memref_squeeze %dma_wait3A_467 : memref<1x64x144xf32, #tpu.memory_space<hbm>> -> memref<64x144xf32, #tpu.memory_space<hbm>>
        tpu.wait_dma2 semaphore(%arg21 : memref<!tpu.dma_semaphore, #tpu.memory_space<semaphore_mem>>) src(%dma_wait3A_468 : memref<64x144xf32, #tpu.memory_space<hbm>>) dst(%arg15 : memref<64x144xf32, #tpu.memory_space<vmem>>)
      } else {
      }
      %add3A_273 = arith.constant 1 : i32
      %add3A_274 = arith.addi %add3A_270, %add3A_273 : i32
      %lt3A = arith.constant 160 : i32
      %lt3A_275 = arith.cmpi slt, %add3A_274, %lt3A : i32
      %convert_element_type3A_276 = arith.extui %lt3A_275 : i1 to i32
      %cond3A_277 = arith.constant 0 : i32
      %cond3A_278 = arith.cmpi ne, %convert_element_type3A_276, %cond3A_277 : i32
      scf.if %cond3A_278 {
        %dma_wait3A_460 = arith.constant 0 : i32
        %dma_wait3A_461 = arith.constant 0 : i32
        %dma_wait3A_462 = arith.constant 0 : i32
        %dma_wait3A_463 = tpu.memref_slice %arg4[%add3A, %dma_wait3A_460, %dma_wait3A_461, %dma_wait3A_462] : memref<32x160x2x64xi32, #tpu.memory_space<hbm>> -> memref<1x1x2x64xi32, #tpu.memory_space<hbm>>
        %dma_wait3A_464 = tpu.memref_squeeze %dma_wait3A_463 : memref<1x1x2x64xi32, #tpu.memory_space<hbm>> -> memref<2x64xi32, #tpu.memory_space<hbm>>
        %dma_wait3A_465 = arith.constant 0 : i32
        %dma_wait3A_466 = arith.constant 0 : i32
        %dma_wait3A_467 = tpu.memref_slice %arg4[%add3A, %dma_wait3A_460, %dma_wait3A_465, %dma_wait3A_466] : memref<32x160x2x64xi32, #tpu.memory_space<hbm>> -> memref<1x1x2x64xi32, #tpu.memory_space<hbm>>
        %dma_wait3A_468 = tpu.memref_squeeze %dma_wait3A_467 : memref<1x1x2x64xi32, #tpu.memory_space<hbm>> -> memref<2x64xi32, #tpu.memory_space<hbm>>
        tpu.wait_dma2 semaphore(%arg24 : memref<!tpu.dma_semaphore, #tpu.memory_space<semaphore_mem>>) src(%dma_wait3A_468 : memref<2x64xi32, #tpu.memory_space<hbm>>) dst(%arg8 : memref<2x64xi32, #tpu.memory_space<vmem>>)
        %dma_start3A_469 = arith.constant 0 : i32
        %dma_start3A_470 = arith.constant 0 : i32
        %dma_start3A_471 = tpu.memref_slice %arg8[%dma_start3A_469, %dma_start3A_470] : memref<2x64xi32, #tpu.memory_space<vmem>> -> memref<1x64xi32, #tpu.memory_space<vmem>>
        %dma_start3A_472 = tpu.memref_squeeze %dma_start3A_471 : memref<1x64xi32, #tpu.memory_space<vmem>> -> memref<64xi32, #tpu.memory_space<vmem>>
        %dma_start3A_473 = arith.constant 0 : i32
        %dma_start3A_474 = arith.constant 0 : i32
        %dma_start3A_475 = tpu.memref_slice %arg2[%dma_start3A_473, %dma_start3A_474] : memref<10000x128xbf16, #tpu.memory_space<hbm>> -> memref<10000x128xbf16, #tpu.memory_space<hbm>>
        tpu.enqueue_indirect_dma source(%dma_start3A_475 : memref<10000x128xbf16, #tpu.memory_space<hbm>>) target(%arg12 : memref<64x128xbf16, #tpu.memory_space<vmem>>) offsets(%dma_start3A_472 : memref<64xi32, #tpu.memory_space<vmem>>) semaphore(%arg20 : memref<!tpu.dma_semaphore, #tpu.memory_space<semaphore_mem>>)
        %dma_start3A_476 = arith.constant 1 : i32
        %dma_start3A_477 = arith.constant 0 : i32
        %dma_start3A_478 = tpu.memref_slice %arg8[%dma_start3A_476, %dma_start3A_477] : memref<2x64xi32, #tpu.memory_space<vmem>> -> memref<1x64xi32, #tpu.memory_space<vmem>>
        %dma_start3A_479 = tpu.memref_squeeze %dma_start3A_478 : memref<1x64xi32, #tpu.memory_space<vmem>> -> memref<64xi32, #tpu.memory_space<vmem>>
        %dma_start3A_480 = arith.constant 0 : i32
        %dma_start3A_481 = arith.constant 0 : i32
        %dma_start3A_482 = tpu.memref_slice %arg3[%dma_start3A_480, %dma_start3A_481] : memref<10000x128xbf16, #tpu.memory_space<hbm>> -> memref<10000x128xbf16, #tpu.memory_space<hbm>>
        tpu.enqueue_indirect_dma source(%dma_start3A_482 : memref<10000x128xbf16, #tpu.memory_space<hbm>>) target(%arg14 : memref<64x128xbf16, #tpu.memory_space<vmem>>) offsets(%dma_start3A_479 : memref<64xi32, #tpu.memory_space<vmem>>) semaphore(%arg20 : memref<!tpu.dma_semaphore, #tpu.memory_space<semaphore_mem>>)
      } else {
      }
      %add3A_279 = arith.constant 2 : i32
      %add3A_280 = arith.addi %add3A_270, %add3A_279 : i32
      %lt3A_281 = arith.constant 160 : i32
      %lt3A_282 = arith.cmpi slt, %add3A_280, %lt3A_281 : i32
      %convert_element_type3A_283 = arith.extui %lt3A_282 : i1 to i32
      %cond3A_284 = arith.constant 0 : i32
      %cond3A_285 = arith.cmpi ne, %convert_element_type3A_283, %cond3A_284 : i32
      scf.if %cond3A_285 {
        %add3A_460 = arith.constant 2 : i32
        %add3A_461 = arith.addi %add3A_270, %add3A_460 : i32
        %dma_start3A_462 = arith.constant 0 : i32
        %dma_start3A_463 = arith.constant 0 : i32
        %dma_start3A_464 = tpu.memref_slice %arg4[%add3A, %add3A_461, %dma_start3A_462, %dma_start3A_463] : memref<32x160x2x64xi32, #tpu.memory_space<hbm>> -> memref<1x1x2x64xi32, #tpu.memory_space<hbm>>
        %dma_start3A_465 = tpu.memref_squeeze %dma_start3A_464 : memref<1x1x2x64xi32, #tpu.memory_space<hbm>> -> memref<2x64xi32, #tpu.memory_space<hbm>>
        %dma_start3A_466 = arith.constant 0 : i32
        %dma_start3A_467 = arith.constant 0 : i32
        %dma_start3A_468 = tpu.memref_slice %arg4[%add3A, %add3A_461, %dma_start3A_466, %dma_start3A_467] : memref<32x160x2x64xi32, #tpu.memory_space<hbm>> -> memref<1x1x2x64xi32, #tpu.memory_space<hbm>>
        %dma_start3A_469 = tpu.memref_squeeze %dma_start3A_468 : memref<1x1x2x64xi32, #tpu.memory_space<hbm>> -> memref<2x64xi32, #tpu.memory_space<hbm>>
        tpu.enqueue_dma source(%dma_start3A_469 : memref<2x64xi32, #tpu.memory_space<hbm>>) target(%arg9 : memref<2x64xi32, #tpu.memory_space<vmem>>) target_semaphore(%arg25 : memref<!tpu.dma_semaphore, #tpu.memory_space<semaphore_mem>>)
      } else {
      }
      %dma_wait3A_286 = arith.constant 0 : i32
      %dma_wait3A_287 = arith.constant 0 : i32
      %dma_wait3A_288 = tpu.memref_slice %arg2[%dma_wait3A_286, %dma_wait3A_287] : memref<10000x128xbf16, #tpu.memory_space<hbm>> -> memref<64x128xbf16, #tpu.memory_space<hbm>>
      %dma_wait3A_289 = arith.constant 0 : i32
      %dma_wait3A_290 = arith.constant 0 : i32
      %dma_wait3A_291 = tpu.memref_slice %arg2[%dma_wait3A_289, %dma_wait3A_290] : memref<10000x128xbf16, #tpu.memory_space<hbm>> -> memref<64x128xbf16, #tpu.memory_space<hbm>>
      tpu.wait_dma2 semaphore(%arg19 : memref<!tpu.dma_semaphore, #tpu.memory_space<semaphore_mem>>) src(%dma_wait3A_291 : memref<64x128xbf16, #tpu.memory_space<hbm>>) dst(%arg11 : memref<64x128xbf16, #tpu.memory_space<vmem>>)
      %dma_wait3A_292 = arith.constant 0 : i32
      %dma_wait3A_293 = arith.constant 0 : i32
      %dma_wait3A_294 = tpu.memref_slice %arg2[%dma_wait3A_292, %dma_wait3A_293] : memref<10000x128xbf16, #tpu.memory_space<hbm>> -> memref<64x128xbf16, #tpu.memory_space<hbm>>
      %dma_wait3A_295 = arith.constant 0 : i32
      %dma_wait3A_296 = arith.constant 0 : i32
      %dma_wait3A_297 = tpu.memref_slice %arg2[%dma_wait3A_295, %dma_wait3A_296] : memref<10000x128xbf16, #tpu.memory_space<hbm>> -> memref<64x128xbf16, #tpu.memory_space<hbm>>
      tpu.wait_dma2 semaphore(%arg19 : memref<!tpu.dma_semaphore, #tpu.memory_space<semaphore_mem>>) src(%dma_wait3A_297 : memref<64x128xbf16, #tpu.memory_space<hbm>>) dst(%arg13 : memref<64x128xbf16, #tpu.memory_space<vmem>>)
      %scan3A_298 = arith.constant 0 : i32
      %scan3A_299 = arith.constant 0 : i32
      %scan3A_300 = arith.constant 16 : i32
      %scan3A_301 = arith.addi %scan3A_299, %scan3A_300 : i32
      %scan3A_302 = arith.constant 1 : i32
      %scan3A_303 = scf.for %scan3A_460 = %scan3A_299 to %scan3A_301 step %scan3A_302 iter_args(%scan3A_461 = %scan3A_298) -> (i32)  : i32 {
        %mul3A_462 = arith.constant 4 : i32
        %mul3A_463 = arith.muli %scan3A_460, %mul3A_462 : i32
        %add3A_464 = arith.constant 0 : i32
        %add3A_465 = arith.addi %mul3A_463, %add3A_464 : i32
        %get3A_466 = arith.index_cast %add3A_465 : i32 to index
        %get3A_467 = arith.constant 0 : index
        %get3A_468 = tpu.vector_load %arg11[%get3A_466, %get3A_467] {strides = array<i32>} : memref<64x128xbf16, #tpu.memory_space<vmem>>, vector<32xbf16>,
        %get3A_469 = arith.index_cast %add3A_465 : i32 to index
        %get3A_470 = arith.constant 0 : index
        %get3A_471 = tpu.vector_load %arg13[%get3A_469, %get3A_470] {strides = array<i32>} : memref<64x128xbf16, #tpu.memory_space<vmem>>, vector<32xbf16>,
        %unpack3A = tpu.unpack_subelements %get3A_468, 0 {pack_format = #tpu.pack_format<interleaved>} : vector<32xbf16> -> vector<16xf32>
        %unpack3A_472 = tpu.unpack_subelements %get3A_468, 1 {pack_format = #tpu.pack_format<interleaved>} : vector<32xbf16> -> vector<16xf32>
        %unpack3A_473 = tpu.unpack_subelements %get3A_471, 0 {pack_format = #tpu.pack_format<interleaved>} : vector<32xbf16> -> vector<16xf32>
        %unpack3A_474 = tpu.unpack_subelements %get3A_471, 1 {pack_format = #tpu.pack_format<interleaved>} : vector<32xbf16> -> vector<16xf32>
        %add3A_475 = arith.addf %unpack3A, %unpack3A_473 : vector<16xf32>
        %add3A_476 = arith.addf %unpack3A_472, %unpack3A_474 : vector<16xf32>
        %mul3A_477 = arith.constant 2.000000e-01 : f32
        %mul3A_478 = vector.broadcast %mul3A_477 : f32 to vector<16xf32>
        %mul3A_479 = arith.mulf %mul3A_478, %add3A_475 : vector<16xf32>
        %max3A = arith.maximumf %add3A_475, %mul3A_479 : vector<16xf32>
        %mul3A_480 = arith.constant 2.000000e-01 : f32
        %mul3A_481 = vector.broadcast %mul3A_480 : f32 to vector<16xf32>
        %mul3A_482 = arith.mulf %mul3A_481, %add3A_476 : vector<16xf32>
        %max3A_483 = arith.maximumf %add3A_476, %mul3A_482 : vector<16xf32>
        %mul3A_484 = arith.mulf %max3A, %get3A_57 : vector<16xf32>
        %add3A_485 = arith.addf %broadcast_in_dim3A_1, %mul3A_484 : vector<16xf32>
        %mul3A_486 = arith.mulf %max3A_483, %get3A_61 : vector<16xf32>
        %add3A_487 = arith.addf %add3A_485, %mul3A_486 : vector<16xf32>
        %get3A_488 = arith.index_cast %add3A_465 : i32 to index
        %get3A_489 = arith.constant 32 : index
        %get3A_490 = tpu.vector_load %arg11[%get3A_488, %get3A_489] {strides = array<i32>} : memref<64x128xbf16, #tpu.memory_space<vmem>>, vector<32xbf16>,
        %get3A_491 = arith.index_cast %add3A_465 : i32 to index
        %get3A_492 = arith.constant 32 : index
        %get3A_493 = tpu.vector_load %arg13[%get3A_491, %get3A_492] {strides = array<i32>} : memref<64x128xbf16, #tpu.memory_space<vmem>>, vector<32xbf16>,
        %unpack3A_494 = tpu.unpack_subelements %get3A_490, 0 {pack_format = #tpu.pack_format<interleaved>} : vector<32xbf16> -> vector<16xf32>
        %unpack3A_495 = tpu.unpack_subelements %get3A_490, 1 {pack_format = #tpu.pack_format<interleaved>} : vector<32xbf16> -> vector<16xf32>
        %unpack3A_496 = tpu.unpack_subelements %get3A_493, 0 {pack_format = #tpu.pack_format<interleaved>} : vector<32xbf16> -> vector<16xf32>
        %unpack3A_497 = tpu.unpack_subelements %get3A_493, 1 {pack_format = #tpu.pack_format<interleaved>} : vector<32xbf16> -> vector<16xf32>
        %add3A_498 = arith.addf %unpack3A_494, %unpack3A_496 : vector<16xf32>
        %add3A_499 = arith.addf %unpack3A_495, %unpack3A_497 : vector<16xf32>
        %mul3A_500 = arith.constant 2.000000e-01 : f32
        %mul3A_501 = vector.broadcast %mul3A_500 : f32 to vector<16xf32>
        %mul3A_502 = arith.mulf %mul3A_501, %add3A_498 : vector<16xf32>
        %max3A_503 = arith.maximumf %add3A_498, %mul3A_502 : vector<16xf32>
        %mul3A_504 = arith.constant 2.000000e-01 : f32
        %mul3A_505 = vector.broadcast %mul3A_504 : f32 to vector<16xf32>
        %mul3A_506 = arith.mulf %mul3A_505, %add3A_499 : vector<16xf32>
        %max3A_507 = arith.maximumf %add3A_499, %mul3A_506 : vector<16xf32>
        %mul3A_508 = arith.mulf %max3A_503, %get3A_65 : vector<16xf32>
        %add3A_509 = arith.addf %add3A_487, %mul3A_508 : vector<16xf32>
        %mul3A_510 = arith.mulf %max3A_507, %get3A_69 : vector<16xf32>
        %add3A_511 = arith.addf %add3A_509, %mul3A_510 : vector<16xf32>
        %get3A_512 = arith.index_cast %add3A_465 : i32 to index
        %get3A_513 = arith.constant 64 : index
        %get3A_514 = tpu.vector_load %arg11[%get3A_512, %get3A_513] {strides = array<i32>} : memref<64x128xbf16, #tpu.memory_space<vmem>>, vector<32xbf16>,
        %get3A_515 = arith.index_cast %add3A_465 : i32 to index
        %get3A_516 = arith.constant 64 : index
        %get3A_517 = tpu.vector_load %arg13[%get3A_515, %get3A_516] {strides = array<i32>} : memref<64x128xbf16, #tpu.memory_space<vmem>>, vector<32xbf16>,
        %unpack3A_518 = tpu.unpack_subelements %get3A_514, 0 {pack_format = #tpu.pack_format<interleaved>} : vector<32xbf16> -> vector<16xf32>
        %unpack3A_519 = tpu.unpack_subelements %get3A_514, 1 {pack_format = #tpu.pack_format<interleaved>} : vector<32xbf16> -> vector<16xf32>
        %unpack3A_520 = tpu.unpack_subelements %get3A_517, 0 {pack_format = #tpu.pack_format<interleaved>} : vector<32xbf16> -> vector<16xf32>
        %unpack3A_521 = tpu.unpack_subelements %get3A_517, 1 {pack_format = #tpu.pack_format<interleaved>} : vector<32xbf16> -> vector<16xf32>
        %add3A_522 = arith.addf %unpack3A_518, %unpack3A_520 : vector<16xf32>
        %add3A_523 = arith.addf %unpack3A_519, %unpack3A_521 : vector<16xf32>
        %mul3A_524 = arith.constant 2.000000e-01 : f32
        %mul3A_525 = vector.broadcast %mul3A_524 : f32 to vector<16xf32>
        %mul3A_526 = arith.mulf %mul3A_525, %add3A_522 : vector<16xf32>
        %max3A_527 = arith.maximumf %add3A_522, %mul3A_526 : vector<16xf32>
        %mul3A_528 = arith.constant 2.000000e-01 : f32
        %mul3A_529 = vector.broadcast %mul3A_528 : f32 to vector<16xf32>
        %mul3A_530 = arith.mulf %mul3A_529, %add3A_523 : vector<16xf32>
        %max3A_531 = arith.maximumf %add3A_523, %mul3A_530 : vector<16xf32>
        %mul3A_532 = arith.mulf %max3A_527, %get3A_73 : vector<16xf32>
        %add3A_533 = arith.addf %add3A_511, %mul3A_532 : vector<16xf32>
        %mul3A_534 = arith.mulf %max3A_531, %get3A_77 : vector<16xf32>
        %add3A_535 = arith.addf %add3A_533, %mul3A_534 : vector<16xf32>
        %get3A_536 = arith.index_cast %add3A_465 : i32 to index
        %get3A_537 = arith.constant 96 : index
        %get3A_538 = tpu.vector_load %arg11[%get3A_536, %get3A_537] {strides = array<i32>} : memref<64x128xbf16, #tpu.memory_space<vmem>>, vector<32xbf16>,
        %get3A_539 = arith.index_cast %add3A_465 : i32 to index
        %get3A_540 = arith.constant 96 : index
        %get3A_541 = tpu.vector_load %arg13[%get3A_539, %get3A_540] {strides = array<i32>} : memref<64x128xbf16, #tpu.memory_space<vmem>>, vector<32xbf16>,
        %unpack3A_542 = tpu.unpack_subelements %get3A_538, 0 {pack_format = #tpu.pack_format<interleaved>} : vector<32xbf16> -> vector<16xf32>
        %unpack3A_543 = tpu.unpack_subelements %get3A_538, 1 {pack_format = #tpu.pack_format<interleaved>} : vector<32xbf16> -> vector<16xf32>
        %unpack3A_544 = tpu.unpack_subelements %get3A_541, 0 {pack_format = #tpu.pack_format<interleaved>} : vector<32xbf16> -> vector<16xf32>
        %unpack3A_545 = tpu.unpack_subelements %get3A_541, 1 {pack_format = #tpu.pack_format<interleaved>} : vector<32xbf16> -> vector<16xf32>
        %add3A_546 = arith.addf %unpack3A_542, %unpack3A_544 : vector<16xf32>
        %add3A_547 = arith.addf %unpack3A_543, %unpack3A_545 : vector<16xf32>
        %mul3A_548 = arith.constant 2.000000e-01 : f32
        %mul3A_549 = vector.broadcast %mul3A_548 : f32 to vector<16xf32>
        %mul3A_550 = arith.mulf %mul3A_549, %add3A_546 : vector<16xf32>
        %max3A_551 = arith.maximumf %add3A_546, %mul3A_550 : vector<16xf32>
        %mul3A_552 = arith.constant 2.000000e-01 : f32
        %mul3A_553 = vector.broadcast %mul3A_552 : f32 to vector<16xf32>
        %mul3A_554 = arith.mulf %mul3A_553, %add3A_547 : vector<16xf32>
        %max3A_555 = arith.maximumf %add3A_547, %mul3A_554 : vector<16xf32>
        %mul3A_556 = arith.mulf %max3A_551, %get3A_81 : vector<16xf32>
        %add3A_557 = arith.addf %add3A_535, %mul3A_556 : vector<16xf32>
        %mul3A_558 = arith.mulf %max3A_555, %get3A_85 : vector<16xf32>
        %add3A_559 = arith.addf %add3A_557, %mul3A_558 : vector<16xf32>
        %reduce_sum3A = arith.constant true
        %reduce_sum3A_560 = vector.broadcast %reduce_sum3A : i1 to vector<16xi1>
        %reduce_sum3A_561 = tpu.scan <sum>, %add3A_559 masked %reduce_sum3A_560 : vector<16xf32>, vector<16xi1> -> vector<16xf32>
        %reduce_sum3A_562 = vector.extract %reduce_sum3A_561[15] : f32 from vector<16xf32>
        %broadcast_in_dim3A_563 = vector.broadcast %reduce_sum3A_562 : f32 to vector<16xf32>
        %exp3A = math.exp %broadcast_in_dim3A_563 : vector<16xf32>
        %broadcast_in_dim3A_564 = vector.broadcast %add3A_465 : i32 to vector<16xi32>
        %mul3A_565 = arith.mulf %unpack3A, %exp3A : vector<16xf32>
        tpu.vector_store_idx %arg15[%broadcast_in_dim3A_564, %add3A_94], %mul3A_565 : memref<64x144xf32, #tpu.memory_space<vmem>>[vector<16xi32>, vector<16xi32>], vector<16xf32>,
        %mul3A_566 = arith.mulf %unpack3A_472, %exp3A : vector<16xf32>
        tpu.vector_store_idx %arg15[%broadcast_in_dim3A_564, %add3A_103], %mul3A_566 : memref<64x144xf32, #tpu.memory_space<vmem>>[vector<16xi32>, vector<16xi32>], vector<16xf32>,
        %mul3A_567 = arith.mulf %unpack3A_494, %exp3A : vector<16xf32>
        tpu.vector_store_idx %arg15[%broadcast_in_dim3A_564, %add3A_112], %mul3A_567 : memref<64x144xf32, #tpu.memory_space<vmem>>[vector<16xi32>, vector<16xi32>], vector<16xf32>,
        %mul3A_568 = arith.mulf %unpack3A_495, %exp3A : vector<16xf32>
        tpu.vector_store_idx %arg15[%broadcast_in_dim3A_564, %add3A_121], %mul3A_568 : memref<64x144xf32, #tpu.memory_space<vmem>>[vector<16xi32>, vector<16xi32>], vector<16xf32>,
        %mul3A_569 = arith.mulf %unpack3A_518, %exp3A : vector<16xf32>
        tpu.vector_store_idx %arg15[%broadcast_in_dim3A_564, %add3A_130], %mul3A_569 : memref<64x144xf32, #tpu.memory_space<vmem>>[vector<16xi32>, vector<16xi32>], vector<16xf32>,
        %mul3A_570 = arith.mulf %unpack3A_519, %exp3A : vector<16xf32>
        tpu.vector_store_idx %arg15[%broadcast_in_dim3A_564, %add3A_139], %mul3A_570 : memref<64x144xf32, #tpu.memory_space<vmem>>[vector<16xi32>, vector<16xi32>], vector<16xf32>,
        %mul3A_571 = arith.mulf %unpack3A_542, %exp3A : vector<16xf32>
        tpu.vector_store_idx %arg15[%broadcast_in_dim3A_564, %add3A_148], %mul3A_571 : memref<64x144xf32, #tpu.memory_space<vmem>>[vector<16xi32>, vector<16xi32>], vector<16xf32>,
        %mul3A_572 = arith.mulf %unpack3A_543, %exp3A : vector<16xf32>
        tpu.vector_store_idx %arg15[%broadcast_in_dim3A_564, %add3A_157], %mul3A_572 : memref<64x144xf32, #tpu.memory_space<vmem>>[vector<16xi32>, vector<16xi32>], vector<16xf32>,
        tpu.vector_store_idx %arg15[%broadcast_in_dim3A_564, %broadcast_in_dim3A_159], %exp3A : memref<64x144xf32, #tpu.memory_space<vmem>>[vector<16xi32>, vector<16xi32>], vector<16xf32>,
        %mul3A_573 = arith.constant 4 : i32
        %mul3A_574 = arith.muli %scan3A_460, %mul3A_573 : i32
        %add3A_575 = arith.constant 1 : i32
        %add3A_576 = arith.addi %mul3A_574, %add3A_575 : i32
        %get3A_577 = arith.index_cast %add3A_576 : i32 to index
        %get3A_578 = arith.constant 0 : index
        %get3A_579 = tpu.vector_load %arg11[%get3A_577, %get3A_578] {strides = array<i32>} : memref<64x128xbf16, #tpu.memory_space<vmem>>, vector<32xbf16>,
        %get3A_580 = arith.index_cast %add3A_576 : i32 to index
        %get3A_581 = arith.constant 0 : index
        %get3A_582 = tpu.vector_load %arg13[%get3A_580, %get3A_581] {strides = array<i32>} : memref<64x128xbf16, #tpu.memory_space<vmem>>, vector<32xbf16>,
        %unpack3A_583 = tpu.unpack_subelements %get3A_579, 0 {pack_format = #tpu.pack_format<interleaved>} : vector<32xbf16> -> vector<16xf32>
        %unpack3A_584 = tpu.unpack_subelements %get3A_579, 1 {pack_format = #tpu.pack_format<interleaved>} : vector<32xbf16> -> vector<16xf32>
        %unpack3A_585 = tpu.unpack_subelements %get3A_582, 0 {pack_format = #tpu.pack_format<interleaved>} : vector<32xbf16> -> vector<16xf32>
        %unpack3A_586 = tpu.unpack_subelements %get3A_582, 1 {pack_format = #tpu.pack_format<interleaved>} : vector<32xbf16> -> vector<16xf32>
        %add3A_587 = arith.addf %unpack3A_583, %unpack3A_585 : vector<16xf32>
        %add3A_588 = arith.addf %unpack3A_584, %unpack3A_586 : vector<16xf32>
        %mul3A_589 = arith.constant 2.000000e-01 : f32
        %mul3A_590 = vector.broadcast %mul3A_589 : f32 to vector<16xf32>
        %mul3A_591 = arith.mulf %mul3A_590, %add3A_587 : vector<16xf32>
        %max3A_592 = arith.maximumf %add3A_587, %mul3A_591 : vector<16xf32>
        %mul3A_593 = arith.constant 2.000000e-01 : f32
        %mul3A_594 = vector.broadcast %mul3A_593 : f32 to vector<16xf32>
        %mul3A_595 = arith.mulf %mul3A_594, %add3A_588 : vector<16xf32>
        %max3A_596 = arith.maximumf %add3A_588, %mul3A_595 : vector<16xf32>
        %mul3A_597 = arith.mulf %max3A_592, %get3A_57 : vector<16xf32>
        %add3A_598 = arith.addf %broadcast_in_dim3A_1, %mul3A_597 : vector<16xf32>
        %mul3A_599 = arith.mulf %max3A_596, %get3A_61 : vector<16xf32>
        %add3A_600 = arith.addf %add3A_598, %mul3A_599 : vector<16xf32>
        %get3A_601 = arith.index_cast %add3A_576 : i32 to index
        %get3A_602 = arith.constant 32 : index
        %get3A_603 = tpu.vector_load %arg11[%get3A_601, %get3A_602] {strides = array<i32>} : memref<64x128xbf16, #tpu.memory_space<vmem>>, vector<32xbf16>,
        %get3A_604 = arith.index_cast %add3A_576 : i32 to index
        %get3A_605 = arith.constant 32 : index
        %get3A_606 = tpu.vector_load %arg13[%get3A_604, %get3A_605] {strides = array<i32>} : memref<64x128xbf16, #tpu.memory_space<vmem>>, vector<32xbf16>,
        %unpack3A_607 = tpu.unpack_subelements %get3A_603, 0 {pack_format = #tpu.pack_format<interleaved>} : vector<32xbf16> -> vector<16xf32>
        %unpack3A_608 = tpu.unpack_subelements %get3A_603, 1 {pack_format = #tpu.pack_format<interleaved>} : vector<32xbf16> -> vector<16xf32>
        %unpack3A_609 = tpu.unpack_subelements %get3A_606, 0 {pack_format = #tpu.pack_format<interleaved>} : vector<32xbf16> -> vector<16xf32>
        %unpack3A_610 = tpu.unpack_subelements %get3A_606, 1 {pack_format = #tpu.pack_format<interleaved>} : vector<32xbf16> -> vector<16xf32>
        %add3A_611 = arith.addf %unpack3A_607, %unpack3A_609 : vector<16xf32>
        %add3A_612 = arith.addf %unpack3A_608, %unpack3A_610 : vector<16xf32>
        %mul3A_613 = arith.constant 2.000000e-01 : f32
        %mul3A_614 = vector.broadcast %mul3A_613 : f32 to vector<16xf32>
        %mul3A_615 = arith.mulf %mul3A_614, %add3A_611 : vector<16xf32>
        %max3A_616 = arith.maximumf %add3A_611, %mul3A_615 : vector<16xf32>
        %mul3A_617 = arith.constant 2.000000e-01 : f32
        %mul3A_618 = vector.broadcast %mul3A_617 : f32 to vector<16xf32>
        %mul3A_619 = arith.mulf %mul3A_618, %add3A_612 : vector<16xf32>
        %max3A_620 = arith.maximumf %add3A_612, %mul3A_619 : vector<16xf32>
        %mul3A_621 = arith.mulf %max3A_616, %get3A_65 : vector<16xf32>
        %add3A_622 = arith.addf %add3A_600, %mul3A_621 : vector<16xf32>
        %mul3A_623 = arith.mulf %max3A_620, %get3A_69 : vector<16xf32>
        %add3A_624 = arith.addf %add3A_622, %mul3A_623 : vector<16xf32>
        %get3A_625 = arith.index_cast %add3A_576 : i32 to index
        %get3A_626 = arith.constant 64 : index
        %get3A_627 = tpu.vector_load %arg11[%get3A_625, %get3A_626] {strides = array<i32>} : memref<64x128xbf16, #tpu.memory_space<vmem>>, vector<32xbf16>,
        %get3A_628 = arith.index_cast %add3A_576 : i32 to index
        %get3A_629 = arith.constant 64 : index
        %get3A_630 = tpu.vector_load %arg13[%get3A_628, %get3A_629] {strides = array<i32>} : memref<64x128xbf16, #tpu.memory_space<vmem>>, vector<32xbf16>,
        %unpack3A_631 = tpu.unpack_subelements %get3A_627, 0 {pack_format = #tpu.pack_format<interleaved>} : vector<32xbf16> -> vector<16xf32>
        %unpack3A_632 = tpu.unpack_subelements %get3A_627, 1 {pack_format = #tpu.pack_format<interleaved>} : vector<32xbf16> -> vector<16xf32>
        %unpack3A_633 = tpu.unpack_subelements %get3A_630, 0 {pack_format = #tpu.pack_format<interleaved>} : vector<32xbf16> -> vector<16xf32>
        %unpack3A_634 = tpu.unpack_subelements %get3A_630, 1 {pack_format = #tpu.pack_format<interleaved>} : vector<32xbf16> -> vector<16xf32>
        %add3A_635 = arith.addf %unpack3A_631, %unpack3A_633 : vector<16xf32>
        %add3A_636 = arith.addf %unpack3A_632, %unpack3A_634 : vector<16xf32>
        %mul3A_637 = arith.constant 2.000000e-01 : f32
        %mul3A_638 = vector.broadcast %mul3A_637 : f32 to vector<16xf32>
        %mul3A_639 = arith.mulf %mul3A_638, %add3A_635 : vector<16xf32>
        %max3A_640 = arith.maximumf %add3A_635, %mul3A_639 : vector<16xf32>
        %mul3A_641 = arith.constant 2.000000e-01 : f32
        %mul3A_642 = vector.broadcast %mul3A_641 : f32 to vector<16xf32>
        %mul3A_643 = arith.mulf %mul3A_642, %add3A_636 : vector<16xf32>
        %max3A_644 = arith.maximumf %add3A_636, %mul3A_643 : vector<16xf32>
        %mul3A_645 = arith.mulf %max3A_640, %get3A_73 : vector<16xf32>
        %add3A_646 = arith.addf %add3A_624, %mul3A_645 : vector<16xf32>
        %mul3A_647 = arith.mulf %max3A_644, %get3A_77 : vector<16xf32>
        %add3A_648 = arith.addf %add3A_646, %mul3A_647 : vector<16xf32>
        %get3A_649 = arith.index_cast %add3A_576 : i32 to index
        %get3A_650 = arith.constant 96 : index
        %get3A_651 = tpu.vector_load %arg11[%get3A_649, %get3A_650] {strides = array<i32>} : memref<64x128xbf16, #tpu.memory_space<vmem>>, vector<32xbf16>,
        %get3A_652 = arith.index_cast %add3A_576 : i32 to index
        %get3A_653 = arith.constant 96 : index
        %get3A_654 = tpu.vector_load %arg13[%get3A_652, %get3A_653] {strides = array<i32>} : memref<64x128xbf16, #tpu.memory_space<vmem>>, vector<32xbf16>,
        %unpack3A_655 = tpu.unpack_subelements %get3A_651, 0 {pack_format = #tpu.pack_format<interleaved>} : vector<32xbf16> -> vector<16xf32>
        %unpack3A_656 = tpu.unpack_subelements %get3A_651, 1 {pack_format = #tpu.pack_format<interleaved>} : vector<32xbf16> -> vector<16xf32>
        %unpack3A_657 = tpu.unpack_subelements %get3A_654, 0 {pack_format = #tpu.pack_format<interleaved>} : vector<32xbf16> -> vector<16xf32>
        %unpack3A_658 = tpu.unpack_subelements %get3A_654, 1 {pack_format = #tpu.pack_format<interleaved>} : vector<32xbf16> -> vector<16xf32>
        %add3A_659 = arith.addf %unpack3A_655, %unpack3A_657 : vector<16xf32>
        %add3A_660 = arith.addf %unpack3A_656, %unpack3A_658 : vector<16xf32>
        %mul3A_661 = arith.constant 2.000000e-01 : f32
        %mul3A_662 = vector.broadcast %mul3A_661 : f32 to vector<16xf32>
        %mul3A_663 = arith.mulf %mul3A_662, %add3A_659 : vector<16xf32>
        %max3A_664 = arith.maximumf %add3A_659, %mul3A_663 : vector<16xf32>
        %mul3A_665 = arith.constant 2.000000e-01 : f32
        %mul3A_666 = vector.broadcast %mul3A_665 : f32 to vector<16xf32>
        %mul3A_667 = arith.mulf %mul3A_666, %add3A_660 : vector<16xf32>
        %max3A_668 = arith.maximumf %add3A_660, %mul3A_667 : vector<16xf32>
        %mul3A_669 = arith.mulf %max3A_664, %get3A_81 : vector<16xf32>
        %add3A_670 = arith.addf %add3A_648, %mul3A_669 : vector<16xf32>
        %mul3A_671 = arith.mulf %max3A_668, %get3A_85 : vector<16xf32>
        %add3A_672 = arith.addf %add3A_670, %mul3A_671 : vector<16xf32>
        %reduce_sum3A_673 = arith.constant true
        %reduce_sum3A_674 = vector.broadcast %reduce_sum3A_673 : i1 to vector<16xi1>
        %reduce_sum3A_675 = tpu.scan <sum>, %add3A_672 masked %reduce_sum3A_674 : vector<16xf32>, vector<16xi1> -> vector<16xf32>
        %reduce_sum3A_676 = vector.extract %reduce_sum3A_675[15] : f32 from vector<16xf32>
        %broadcast_in_dim3A_677 = vector.broadcast %reduce_sum3A_676 : f32 to vector<16xf32>
        %exp3A_678 = math.exp %broadcast_in_dim3A_677 : vector<16xf32>
        %broadcast_in_dim3A_679 = vector.broadcast %add3A_576 : i32 to vector<16xi32>
        %mul3A_680 = arith.mulf %unpack3A_583, %exp3A_678 : vector<16xf32>
        tpu.vector_store_idx %arg15[%broadcast_in_dim3A_679, %add3A_94], %mul3A_680 : memref<64x144xf32, #tpu.memory_space<vmem>>[vector<16xi32>, vector<16xi32>], vector<16xf32>,
        %mul3A_681 = arith.mulf %unpack3A_584, %exp3A_678 : vector<16xf32>
        tpu.vector_store_idx %arg15[%broadcast_in_dim3A_679, %add3A_103], %mul3A_681 : memref<64x144xf32, #tpu.memory_space<vmem>>[vector<16xi32>, vector<16xi32>], vector<16xf32>,
        %mul3A_682 = arith.mulf %unpack3A_607, %exp3A_678 : vector<16xf32>
        tpu.vector_store_idx %arg15[%broadcast_in_dim3A_679, %add3A_112], %mul3A_682 : memref<64x144xf32, #tpu.memory_space<vmem>>[vector<16xi32>, vector<16xi32>], vector<16xf32>,
        %mul3A_683 = arith.mulf %unpack3A_608, %exp3A_678 : vector<16xf32>
        tpu.vector_store_idx %arg15[%broadcast_in_dim3A_679, %add3A_121], %mul3A_683 : memref<64x144xf32, #tpu.memory_space<vmem>>[vector<16xi32>, vector<16xi32>], vector<16xf32>,
        %mul3A_684 = arith.mulf %unpack3A_631, %exp3A_678 : vector<16xf32>
        tpu.vector_store_idx %arg15[%broadcast_in_dim3A_679, %add3A_130], %mul3A_684 : memref<64x144xf32, #tpu.memory_space<vmem>>[vector<16xi32>, vector<16xi32>], vector<16xf32>,
        %mul3A_685 = arith.mulf %unpack3A_632, %exp3A_678 : vector<16xf32>
        tpu.vector_store_idx %arg15[%broadcast_in_dim3A_679, %add3A_139], %mul3A_685 : memref<64x144xf32, #tpu.memory_space<vmem>>[vector<16xi32>, vector<16xi32>], vector<16xf32>,
        %mul3A_686 = arith.mulf %unpack3A_655, %exp3A_678 : vector<16xf32>
        tpu.vector_store_idx %arg15[%broadcast_in_dim3A_679, %add3A_148], %mul3A_686 : memref<64x144xf32, #tpu.memory_space<vmem>>[vector<16xi32>, vector<16xi32>], vector<16xf32>,
        %mul3A_687 = arith.mulf %unpack3A_656, %exp3A_678 : vector<16xf32>
        tpu.vector_store_idx %arg15[%broadcast_in_dim3A_679, %add3A_157], %mul3A_687 : memref<64x144xf32, #tpu.memory_space<vmem>>[vector<16xi32>, vector<16xi32>], vector<16xf32>,
        tpu.vector_store_idx %arg15[%broadcast_in_dim3A_679, %broadcast_in_dim3A_159], %exp3A_678 : memref<64x144xf32, #tpu.memory_space<vmem>>[vector<16xi32>, vector<16xi32>], vector<16xf32>,
        %mul3A_688 = arith.constant 4 : i32
        %mul3A_689 = arith.muli %scan3A_460, %mul3A_688 : i32
        %add3A_690 = arith.constant 2 : i32
        %add3A_691 = arith.addi %mul3A_689, %add3A_690 : i32
        %get3A_692 = arith.index_cast %add3A_691 : i32 to index
        %get3A_693 = arith.constant 0 : index
        %get3A_694 = tpu.vector_load %arg11[%get3A_692, %get3A_693] {strides = array<i32>} : memref<64x128xbf16, #tpu.memory_space<vmem>>, vector<32xbf16>,
        %get3A_695 = arith.index_cast %add3A_691 : i32 to index
        %get3A_696 = arith.constant 0 : index
        %get3A_697 = tpu.vector_load %arg13[%get3A_695, %get3A_696] {strides = array<i32>} : memref<64x128xbf16, #tpu.memory_space<vmem>>, vector<32xbf16>,
        %unpack3A_698 = tpu.unpack_subelements %get3A_694, 0 {pack_format = #tpu.pack_format<interleaved>} : vector<32xbf16> -> vector<16xf32>
        %unpack3A_699 = tpu.unpack_subelements %get3A_694, 1 {pack_format = #tpu.pack_format<interleaved>} : vector<32xbf16> -> vector<16xf32>
        %unpack3A_700 = tpu.unpack_subelements %get3A_697, 0 {pack_format = #tpu.pack_format<interleaved>} : vector<32xbf16> -> vector<16xf32>
        %unpack3A_701 = tpu.unpack_subelements %get3A_697, 1 {pack_format = #tpu.pack_format<interleaved>} : vector<32xbf16> -> vector<16xf32>
        %add3A_702 = arith.addf %unpack3A_698, %unpack3A_700 : vector<16xf32>
        %add3A_703 = arith.addf %unpack3A_699, %unpack3A_701 : vector<16xf32>
        %mul3A_704 = arith.constant 2.000000e-01 : f32
        %mul3A_705 = vector.broadcast %mul3A_704 : f32 to vector<16xf32>
        %mul3A_706 = arith.mulf %mul3A_705, %add3A_702 : vector<16xf32>
        %max3A_707 = arith.maximumf %add3A_702, %mul3A_706 : vector<16xf32>
        %mul3A_708 = arith.constant 2.000000e-01 : f32
        %mul3A_709 = vector.broadcast %mul3A_708 : f32 to vector<16xf32>
        %mul3A_710 = arith.mulf %mul3A_709, %add3A_703 : vector<16xf32>
        %max3A_711 = arith.maximumf %add3A_703, %mul3A_710 : vector<16xf32>
        %mul3A_712 = arith.mulf %max3A_707, %get3A_57 : vector<16xf32>
        %add3A_713 = arith.addf %broadcast_in_dim3A_1, %mul3A_712 : vector<16xf32>
        %mul3A_714 = arith.mulf %max3A_711, %get3A_61 : vector<16xf32>
        %add3A_715 = arith.addf %add3A_713, %mul3A_714 : vector<16xf32>
        %get3A_716 = arith.index_cast %add3A_691 : i32 to index
        %get3A_717 = arith.constant 32 : index
        %get3A_718 = tpu.vector_load %arg11[%get3A_716, %get3A_717] {strides = array<i32>} : memref<64x128xbf16, #tpu.memory_space<vmem>>, vector<32xbf16>,
        %get3A_719 = arith.index_cast %add3A_691 : i32 to index
        %get3A_720 = arith.constant 32 : index
        %get3A_721 = tpu.vector_load %arg13[%get3A_719, %get3A_720] {strides = array<i32>} : memref<64x128xbf16, #tpu.memory_space<vmem>>, vector<32xbf16>,
        %unpack3A_722 = tpu.unpack_subelements %get3A_718, 0 {pack_format = #tpu.pack_format<interleaved>} : vector<32xbf16> -> vector<16xf32>
        %unpack3A_723 = tpu.unpack_subelements %get3A_718, 1 {pack_format = #tpu.pack_format<interleaved>} : vector<32xbf16> -> vector<16xf32>
        %unpack3A_724 = tpu.unpack_subelements %get3A_721, 0 {pack_format = #tpu.pack_format<interleaved>} : vector<32xbf16> -> vector<16xf32>
        %unpack3A_725 = tpu.unpack_subelements %get3A_721, 1 {pack_format = #tpu.pack_format<interleaved>} : vector<32xbf16> -> vector<16xf32>
        %add3A_726 = arith.addf %unpack3A_722, %unpack3A_724 : vector<16xf32>
        %add3A_727 = arith.addf %unpack3A_723, %unpack3A_725 : vector<16xf32>
        %mul3A_728 = arith.constant 2.000000e-01 : f32
        %mul3A_729 = vector.broadcast %mul3A_728 : f32 to vector<16xf32>
        %mul3A_730 = arith.mulf %mul3A_729, %add3A_726 : vector<16xf32>
        %max3A_731 = arith.maximumf %add3A_726, %mul3A_730 : vector<16xf32>
        %mul3A_732 = arith.constant 2.000000e-01 : f32
        %mul3A_733 = vector.broadcast %mul3A_732 : f32 to vector<16xf32>
        %mul3A_734 = arith.mulf %mul3A_733, %add3A_727 : vector<16xf32>
        %max3A_735 = arith.maximumf %add3A_727, %mul3A_734 : vector<16xf32>
        %mul3A_736 = arith.mulf %max3A_731, %get3A_65 : vector<16xf32>
        %add3A_737 = arith.addf %add3A_715, %mul3A_736 : vector<16xf32>
        %mul3A_738 = arith.mulf %max3A_735, %get3A_69 : vector<16xf32>
        %add3A_739 = arith.addf %add3A_737, %mul3A_738 : vector<16xf32>
        %get3A_740 = arith.index_cast %add3A_691 : i32 to index
        %get3A_741 = arith.constant 64 : index
        %get3A_742 = tpu.vector_load %arg11[%get3A_740, %get3A_741] {strides = array<i32>} : memref<64x128xbf16, #tpu.memory_space<vmem>>, vector<32xbf16>,
        %get3A_743 = arith.index_cast %add3A_691 : i32 to index
        %get3A_744 = arith.constant 64 : index
        %get3A_745 = tpu.vector_load %arg13[%get3A_743, %get3A_744] {strides = array<i32>} : memref<64x128xbf16, #tpu.memory_space<vmem>>, vector<32xbf16>,
        %unpack3A_746 = tpu.unpack_subelements %get3A_742, 0 {pack_format = #tpu.pack_format<interleaved>} : vector<32xbf16> -> vector<16xf32>
        %unpack3A_747 = tpu.unpack_subelements %get3A_742, 1 {pack_format = #tpu.pack_format<interleaved>} : vector<32xbf16> -> vector<16xf32>
        %unpack3A_748 = tpu.unpack_subelements %get3A_745, 0 {pack_format = #tpu.pack_format<interleaved>} : vector<32xbf16> -> vector<16xf32>
        %unpack3A_749 = tpu.unpack_subelements %get3A_745, 1 {pack_format = #tpu.pack_format<interleaved>} : vector<32xbf16> -> vector<16xf32>
        %add3A_750 = arith.addf %unpack3A_746, %unpack3A_748 : vector<16xf32>
        %add3A_751 = arith.addf %unpack3A_747, %unpack3A_749 : vector<16xf32>
        %mul3A_752 = arith.constant 2.000000e-01 : f32
        %mul3A_753 = vector.broadcast %mul3A_752 : f32 to vector<16xf32>
        %mul3A_754 = arith.mulf %mul3A_753, %add3A_750 : vector<16xf32>
        %max3A_755 = arith.maximumf %add3A_750, %mul3A_754 : vector<16xf32>
        %mul3A_756 = arith.constant 2.000000e-01 : f32
        %mul3A_757 = vector.broadcast %mul3A_756 : f32 to vector<16xf32>
        %mul3A_758 = arith.mulf %mul3A_757, %add3A_751 : vector<16xf32>
        %max3A_759 = arith.maximumf %add3A_751, %mul3A_758 : vector<16xf32>
        %mul3A_760 = arith.mulf %max3A_755, %get3A_73 : vector<16xf32>
        %add3A_761 = arith.addf %add3A_739, %mul3A_760 : vector<16xf32>
        %mul3A_762 = arith.mulf %max3A_759, %get3A_77 : vector<16xf32>
        %add3A_763 = arith.addf %add3A_761, %mul3A_762 : vector<16xf32>
        %get3A_764 = arith.index_cast %add3A_691 : i32 to index
        %get3A_765 = arith.constant 96 : index
        %get3A_766 = tpu.vector_load %arg11[%get3A_764, %get3A_765] {strides = array<i32>} : memref<64x128xbf16, #tpu.memory_space<vmem>>, vector<32xbf16>,
        %get3A_767 = arith.index_cast %add3A_691 : i32 to index
        %get3A_768 = arith.constant 96 : index
        %get3A_769 = tpu.vector_load %arg13[%get3A_767, %get3A_768] {strides = array<i32>} : memref<64x128xbf16, #tpu.memory_space<vmem>>, vector<32xbf16>,
        %unpack3A_770 = tpu.unpack_subelements %get3A_766, 0 {pack_format = #tpu.pack_format<interleaved>} : vector<32xbf16> -> vector<16xf32>
        %unpack3A_771 = tpu.unpack_subelements %get3A_766, 1 {pack_format = #tpu.pack_format<interleaved>} : vector<32xbf16> -> vector<16xf32>
        %unpack3A_772 = tpu.unpack_subelements %get3A_769, 0 {pack_format = #tpu.pack_format<interleaved>} : vector<32xbf16> -> vector<16xf32>
        %unpack3A_773 = tpu.unpack_subelements %get3A_769, 1 {pack_format = #tpu.pack_format<interleaved>} : vector<32xbf16> -> vector<16xf32>
        %add3A_774 = arith.addf %unpack3A_770, %unpack3A_772 : vector<16xf32>
        %add3A_775 = arith.addf %unpack3A_771, %unpack3A_773 : vector<16xf32>
        %mul3A_776 = arith.constant 2.000000e-01 : f32
        %mul3A_777 = vector.broadcast %mul3A_776 : f32 to vector<16xf32>
        %mul3A_778 = arith.mulf %mul3A_777, %add3A_774 : vector<16xf32>
        %max3A_779 = arith.maximumf %add3A_774, %mul3A_778 : vector<16xf32>
        %mul3A_780 = arith.constant 2.000000e-01 : f32
        %mul3A_781 = vector.broadcast %mul3A_780 : f32 to vector<16xf32>
        %mul3A_782 = arith.mulf %mul3A_781, %add3A_775 : vector<16xf32>
        %max3A_783 = arith.maximumf %add3A_775, %mul3A_782 : vector<16xf32>
        %mul3A_784 = arith.mulf %max3A_779, %get3A_81 : vector<16xf32>
        %add3A_785 = arith.addf %add3A_763, %mul3A_784 : vector<16xf32>
        %mul3A_786 = arith.mulf %max3A_783, %get3A_85 : vector<16xf32>
        %add3A_787 = arith.addf %add3A_785, %mul3A_786 : vector<16xf32>
        %reduce_sum3A_788 = arith.constant true
        %reduce_sum3A_789 = vector.broadcast %reduce_sum3A_788 : i1 to vector<16xi1>
        %reduce_sum3A_790 = tpu.scan <sum>, %add3A_787 masked %reduce_sum3A_789 : vector<16xf32>, vector<16xi1> -> vector<16xf32>
        %reduce_sum3A_791 = vector.extract %reduce_sum3A_790[15] : f32 from vector<16xf32>
        %broadcast_in_dim3A_792 = vector.broadcast %reduce_sum3A_791 : f32 to vector<16xf32>
        %exp3A_793 = math.exp %broadcast_in_dim3A_792 : vector<16xf32>
        %broadcast_in_dim3A_794 = vector.broadcast %add3A_691 : i32 to vector<16xi32>
        %mul3A_795 = arith.mulf %unpack3A_698, %exp3A_793 : vector<16xf32>
        tpu.vector_store_idx %arg15[%broadcast_in_dim3A_794, %add3A_94], %mul3A_795 : memref<64x144xf32, #tpu.memory_space<vmem>>[vector<16xi32>, vector<16xi32>], vector<16xf32>,
        %mul3A_796 = arith.mulf %unpack3A_699, %exp3A_793 : vector<16xf32>
        tpu.vector_store_idx %arg15[%broadcast_in_dim3A_794, %add3A_103], %mul3A_796 : memref<64x144xf32, #tpu.memory_space<vmem>>[vector<16xi32>, vector<16xi32>], vector<16xf32>,
        %mul3A_797 = arith.mulf %unpack3A_722, %exp3A_793 : vector<16xf32>
        tpu.vector_store_idx %arg15[%broadcast_in_dim3A_794, %add3A_112], %mul3A_797 : memref<64x144xf32, #tpu.memory_space<vmem>>[vector<16xi32>, vector<16xi32>], vector<16xf32>,
        %mul3A_798 = arith.mulf %unpack3A_723, %exp3A_793 : vector<16xf32>
        tpu.vector_store_idx %arg15[%broadcast_in_dim3A_794, %add3A_121], %mul3A_798 : memref<64x144xf32, #tpu.memory_space<vmem>>[vector<16xi32>, vector<16xi32>], vector<16xf32>,
        %mul3A_799 = arith.mulf %unpack3A_746, %exp3A_793 : vector<16xf32>
        tpu.vector_store_idx %arg15[%broadcast_in_dim3A_794, %add3A_130], %mul3A_799 : memref<64x144xf32, #tpu.memory_space<vmem>>[vector<16xi32>, vector<16xi32>], vector<16xf32>,
        %mul3A_800 = arith.mulf %unpack3A_747, %exp3A_793 : vector<16xf32>
        tpu.vector_store_idx %arg15[%broadcast_in_dim3A_794, %add3A_139], %mul3A_800 : memref<64x144xf32, #tpu.memory_space<vmem>>[vector<16xi32>, vector<16xi32>], vector<16xf32>,
        %mul3A_801 = arith.mulf %unpack3A_770, %exp3A_793 : vector<16xf32>
        tpu.vector_store_idx %arg15[%broadcast_in_dim3A_794, %add3A_148], %mul3A_801 : memref<64x144xf32, #tpu.memory_space<vmem>>[vector<16xi32>, vector<16xi32>], vector<16xf32>,
        %mul3A_802 = arith.mulf %unpack3A_771, %exp3A_793 : vector<16xf32>
        tpu.vector_store_idx %arg15[%broadcast_in_dim3A_794, %add3A_157], %mul3A_802 : memref<64x144xf32, #tpu.memory_space<vmem>>[vector<16xi32>, vector<16xi32>], vector<16xf32>,
        tpu.vector_store_idx %arg15[%broadcast_in_dim3A_794, %broadcast_in_dim3A_159], %exp3A_793 : memref<64x144xf32, #tpu.memory_space<vmem>>[vector<16xi32>, vector<16xi32>], vector<16xf32>,
        %mul3A_803 = arith.constant 4 : i32
        %mul3A_804 = arith.muli %scan3A_460, %mul3A_803 : i32
        %add3A_805 = arith.constant 3 : i32
        %add3A_806 = arith.addi %mul3A_804, %add3A_805 : i32
        %get3A_807 = arith.index_cast %add3A_806 : i32 to index
        %get3A_808 = arith.constant 0 : index
        %get3A_809 = tpu.vector_load %arg11[%get3A_807, %get3A_808] {strides = array<i32>} : memref<64x128xbf16, #tpu.memory_space<vmem>>, vector<32xbf16>,
        %get3A_810 = arith.index_cast %add3A_806 : i32 to index
        %get3A_811 = arith.constant 0 : index
        %get3A_812 = tpu.vector_load %arg13[%get3A_810, %get3A_811] {strides = array<i32>} : memref<64x128xbf16, #tpu.memory_space<vmem>>, vector<32xbf16>,
        %unpack3A_813 = tpu.unpack_subelements %get3A_809, 0 {pack_format = #tpu.pack_format<interleaved>} : vector<32xbf16> -> vector<16xf32>
        %unpack3A_814 = tpu.unpack_subelements %get3A_809, 1 {pack_format = #tpu.pack_format<interleaved>} : vector<32xbf16> -> vector<16xf32>
        %unpack3A_815 = tpu.unpack_subelements %get3A_812, 0 {pack_format = #tpu.pack_format<interleaved>} : vector<32xbf16> -> vector<16xf32>
        %unpack3A_816 = tpu.unpack_subelements %get3A_812, 1 {pack_format = #tpu.pack_format<interleaved>} : vector<32xbf16> -> vector<16xf32>
        %add3A_817 = arith.addf %unpack3A_813, %unpack3A_815 : vector<16xf32>
        %add3A_818 = arith.addf %unpack3A_814, %unpack3A_816 : vector<16xf32>
        %mul3A_819 = arith.constant 2.000000e-01 : f32
        %mul3A_820 = vector.broadcast %mul3A_819 : f32 to vector<16xf32>
        %mul3A_821 = arith.mulf %mul3A_820, %add3A_817 : vector<16xf32>
        %max3A_822 = arith.maximumf %add3A_817, %mul3A_821 : vector<16xf32>
        %mul3A_823 = arith.constant 2.000000e-01 : f32
        %mul3A_824 = vector.broadcast %mul3A_823 : f32 to vector<16xf32>
        %mul3A_825 = arith.mulf %mul3A_824, %add3A_818 : vector<16xf32>
        %max3A_826 = arith.maximumf %add3A_818, %mul3A_825 : vector<16xf32>
        %mul3A_827 = arith.mulf %max3A_822, %get3A_57 : vector<16xf32>
        %add3A_828 = arith.addf %broadcast_in_dim3A_1, %mul3A_827 : vector<16xf32>
        %mul3A_829 = arith.mulf %max3A_826, %get3A_61 : vector<16xf32>
        %add3A_830 = arith.addf %add3A_828, %mul3A_829 : vector<16xf32>
        %get3A_831 = arith.index_cast %add3A_806 : i32 to index
        %get3A_832 = arith.constant 32 : index
        %get3A_833 = tpu.vector_load %arg11[%get3A_831, %get3A_832] {strides = array<i32>} : memref<64x128xbf16, #tpu.memory_space<vmem>>, vector<32xbf16>,
        %get3A_834 = arith.index_cast %add3A_806 : i32 to index
        %get3A_835 = arith.constant 32 : index
        %get3A_836 = tpu.vector_load %arg13[%get3A_834, %get3A_835] {strides = array<i32>} : memref<64x128xbf16, #tpu.memory_space<vmem>>, vector<32xbf16>,
        %unpack3A_837 = tpu.unpack_subelements %get3A_833, 0 {pack_format = #tpu.pack_format<interleaved>} : vector<32xbf16> -> vector<16xf32>
        %unpack3A_838 = tpu.unpack_subelements %get3A_833, 1 {pack_format = #tpu.pack_format<interleaved>} : vector<32xbf16> -> vector<16xf32>
        %unpack3A_839 = tpu.unpack_subelements %get3A_836, 0 {pack_format = #tpu.pack_format<interleaved>} : vector<32xbf16> -> vector<16xf32>
        %unpack3A_840 = tpu.unpack_subelements %get3A_836, 1 {pack_format = #tpu.pack_format<interleaved>} : vector<32xbf16> -> vector<16xf32>
        %add3A_841 = arith.addf %unpack3A_837, %unpack3A_839 : vector<16xf32>
        %add3A_842 = arith.addf %unpack3A_838, %unpack3A_840 : vector<16xf32>
        %mul3A_843 = arith.constant 2.000000e-01 : f32
        %mul3A_844 = vector.broadcast %mul3A_843 : f32 to vector<16xf32>
        %mul3A_845 = arith.mulf %mul3A_844, %add3A_841 : vector<16xf32>
        %max3A_846 = arith.maximumf %add3A_841, %mul3A_845 : vector<16xf32>
        %mul3A_847 = arith.constant 2.000000e-01 : f32
        %mul3A_848 = vector.broadcast %mul3A_847 : f32 to vector<16xf32>
        %mul3A_849 = arith.mulf %mul3A_848, %add3A_842 : vector<16xf32>
        %max3A_850 = arith.maximumf %add3A_842, %mul3A_849 : vector<16xf32>
        %mul3A_851 = arith.mulf %max3A_846, %get3A_65 : vector<16xf32>
        %add3A_852 = arith.addf %add3A_830, %mul3A_851 : vector<16xf32>
        %mul3A_853 = arith.mulf %max3A_850, %get3A_69 : vector<16xf32>
        %add3A_854 = arith.addf %add3A_852, %mul3A_853 : vector<16xf32>
        %get3A_855 = arith.index_cast %add3A_806 : i32 to index
        %get3A_856 = arith.constant 64 : index
        %get3A_857 = tpu.vector_load %arg11[%get3A_855, %get3A_856] {strides = array<i32>} : memref<64x128xbf16, #tpu.memory_space<vmem>>, vector<32xbf16>,
        %get3A_858 = arith.index_cast %add3A_806 : i32 to index
        %get3A_859 = arith.constant 64 : index
        %get3A_860 = tpu.vector_load %arg13[%get3A_858, %get3A_859] {strides = array<i32>} : memref<64x128xbf16, #tpu.memory_space<vmem>>, vector<32xbf16>,
        %unpack3A_861 = tpu.unpack_subelements %get3A_857, 0 {pack_format = #tpu.pack_format<interleaved>} : vector<32xbf16> -> vector<16xf32>
        %unpack3A_862 = tpu.unpack_subelements %get3A_857, 1 {pack_format = #tpu.pack_format<interleaved>} : vector<32xbf16> -> vector<16xf32>
        %unpack3A_863 = tpu.unpack_subelements %get3A_860, 0 {pack_format = #tpu.pack_format<interleaved>} : vector<32xbf16> -> vector<16xf32>
        %unpack3A_864 = tpu.unpack_subelements %get3A_860, 1 {pack_format = #tpu.pack_format<interleaved>} : vector<32xbf16> -> vector<16xf32>
        %add3A_865 = arith.addf %unpack3A_861, %unpack3A_863 : vector<16xf32>
        %add3A_866 = arith.addf %unpack3A_862, %unpack3A_864 : vector<16xf32>
        %mul3A_867 = arith.constant 2.000000e-01 : f32
        %mul3A_868 = vector.broadcast %mul3A_867 : f32 to vector<16xf32>
        %mul3A_869 = arith.mulf %mul3A_868, %add3A_865 : vector<16xf32>
        %max3A_870 = arith.maximumf %add3A_865, %mul3A_869 : vector<16xf32>
        %mul3A_871 = arith.constant 2.000000e-01 : f32
        %mul3A_872 = vector.broadcast %mul3A_871 : f32 to vector<16xf32>
        %mul3A_873 = arith.mulf %mul3A_872, %add3A_866 : vector<16xf32>
        %max3A_874 = arith.maximumf %add3A_866, %mul3A_873 : vector<16xf32>
        %mul3A_875 = arith.mulf %max3A_870, %get3A_73 : vector<16xf32>
        %add3A_876 = arith.addf %add3A_854, %mul3A_875 : vector<16xf32>
        %mul3A_877 = arith.mulf %max3A_874, %get3A_77 : vector<16xf32>
        %add3A_878 = arith.addf %add3A_876, %mul3A_877 : vector<16xf32>
        %get3A_879 = arith.index_cast %add3A_806 : i32 to index
        %get3A_880 = arith.constant 96 : index
        %get3A_881 = tpu.vector_load %arg11[%get3A_879, %get3A_880] {strides = array<i32>} : memref<64x128xbf16, #tpu.memory_space<vmem>>, vector<32xbf16>,
        %get3A_882 = arith.index_cast %add3A_806 : i32 to index
        %get3A_883 = arith.constant 96 : index
        %get3A_884 = tpu.vector_load %arg13[%get3A_882, %get3A_883] {strides = array<i32>} : memref<64x128xbf16, #tpu.memory_space<vmem>>, vector<32xbf16>,
        %unpack3A_885 = tpu.unpack_subelements %get3A_881, 0 {pack_format = #tpu.pack_format<interleaved>} : vector<32xbf16> -> vector<16xf32>
        %unpack3A_886 = tpu.unpack_subelements %get3A_881, 1 {pack_format = #tpu.pack_format<interleaved>} : vector<32xbf16> -> vector<16xf32>
        %unpack3A_887 = tpu.unpack_subelements %get3A_884, 0 {pack_format = #tpu.pack_format<interleaved>} : vector<32xbf16> -> vector<16xf32>
        %unpack3A_888 = tpu.unpack_subelements %get3A_884, 1 {pack_format = #tpu.pack_format<interleaved>} : vector<32xbf16> -> vector<16xf32>
        %add3A_889 = arith.addf %unpack3A_885, %unpack3A_887 : vector<16xf32>
        %add3A_890 = arith.addf %unpack3A_886, %unpack3A_888 : vector<16xf32>
        %mul3A_891 = arith.constant 2.000000e-01 : f32
        %mul3A_892 = vector.broadcast %mul3A_891 : f32 to vector<16xf32>
        %mul3A_893 = arith.mulf %mul3A_892, %add3A_889 : vector<16xf32>
        %max3A_894 = arith.maximumf %add3A_889, %mul3A_893 : vector<16xf32>
        %mul3A_895 = arith.constant 2.000000e-01 : f32
        %mul3A_896 = vector.broadcast %mul3A_895 : f32 to vector<16xf32>
        %mul3A_897 = arith.mulf %mul3A_896, %add3A_890 : vector<16xf32>
        %max3A_898 = arith.maximumf %add3A_890, %mul3A_897 : vector<16xf32>
        %mul3A_899 = arith.mulf %max3A_894, %get3A_81 : vector<16xf32>
        %add3A_900 = arith.addf %add3A_878, %mul3A_899 : vector<16xf32>
        %mul3A_901 = arith.mulf %max3A_898, %get3A_85 : vector<16xf32>
        %add3A_902 = arith.addf %add3A_900, %mul3A_901 : vector<16xf32>
        %reduce_sum3A_903 = arith.constant true
        %reduce_sum3A_904 = vector.broadcast %reduce_sum3A_903 : i1 to vector<16xi1>
        %reduce_sum3A_905 = tpu.scan <sum>, %add3A_902 masked %reduce_sum3A_904 : vector<16xf32>, vector<16xi1> -> vector<16xf32>
        %reduce_sum3A_906 = vector.extract %reduce_sum3A_905[15] : f32 from vector<16xf32>
        %broadcast_in_dim3A_907 = vector.broadcast %reduce_sum3A_906 : f32 to vector<16xf32>
        %exp3A_908 = math.exp %broadcast_in_dim3A_907 : vector<16xf32>
        %broadcast_in_dim3A_909 = vector.broadcast %add3A_806 : i32 to vector<16xi32>
        %mul3A_910 = arith.mulf %unpack3A_813, %exp3A_908 : vector<16xf32>
        tpu.vector_store_idx %arg15[%broadcast_in_dim3A_909, %add3A_94], %mul3A_910 : memref<64x144xf32, #tpu.memory_space<vmem>>[vector<16xi32>, vector<16xi32>], vector<16xf32>,
        %mul3A_911 = arith.mulf %unpack3A_814, %exp3A_908 : vector<16xf32>
        tpu.vector_store_idx %arg15[%broadcast_in_dim3A_909, %add3A_103], %mul3A_911 : memref<64x144xf32, #tpu.memory_space<vmem>>[vector<16xi32>, vector<16xi32>], vector<16xf32>,
        %mul3A_912 = arith.mulf %unpack3A_837, %exp3A_908 : vector<16xf32>
        tpu.vector_store_idx %arg15[%broadcast_in_dim3A_909, %add3A_112], %mul3A_912 : memref<64x144xf32, #tpu.memory_space<vmem>>[vector<16xi32>, vector<16xi32>], vector<16xf32>,
        %mul3A_913 = arith.mulf %unpack3A_838, %exp3A_908 : vector<16xf32>
        tpu.vector_store_idx %arg15[%broadcast_in_dim3A_909, %add3A_121], %mul3A_913 : memref<64x144xf32, #tpu.memory_space<vmem>>[vector<16xi32>, vector<16xi32>], vector<16xf32>,
        %mul3A_914 = arith.mulf %unpack3A_861, %exp3A_908 : vector<16xf32>
        tpu.vector_store_idx %arg15[%broadcast_in_dim3A_909, %add3A_130], %mul3A_914 : memref<64x144xf32, #tpu.memory_space<vmem>>[vector<16xi32>, vector<16xi32>], vector<16xf32>,
        %mul3A_915 = arith.mulf %unpack3A_862, %exp3A_908 : vector<16xf32>
        tpu.vector_store_idx %arg15[%broadcast_in_dim3A_909, %add3A_139], %mul3A_915 : memref<64x144xf32, #tpu.memory_space<vmem>>[vector<16xi32>, vector<16xi32>], vector<16xf32>,
        %mul3A_916 = arith.mulf %unpack3A_885, %exp3A_908 : vector<16xf32>
        tpu.vector_store_idx %arg15[%broadcast_in_dim3A_909, %add3A_148], %mul3A_916 : memref<64x144xf32, #tpu.memory_space<vmem>>[vector<16xi32>, vector<16xi32>], vector<16xf32>,
        %mul3A_917 = arith.mulf %unpack3A_886, %exp3A_908 : vector<16xf32>
        tpu.vector_store_idx %arg15[%broadcast_in_dim3A_909, %add3A_157], %mul3A_917 : memref<64x144xf32, #tpu.memory_space<vmem>>[vector<16xi32>, vector<16xi32>], vector<16xf32>,
        tpu.vector_store_idx %arg15[%broadcast_in_dim3A_909, %broadcast_in_dim3A_159], %exp3A_908 : memref<64x144xf32, #tpu.memory_space<vmem>>[vector<16xi32>, vector<16xi32>], vector<16xf32>,
        %scan3A_918 = arith.constant 0 : i32
        scf.yield %scan3A_918 : i32
      }
      %scan3A_304 = arith.constant 16 : i32
      %dma_start3A_305 = arith.constant 1 : i32
      %dma_start3A_306 = arith.constant 0 : i32
      %dma_start3A_307 = tpu.memref_slice %arg7[%dma_start3A_305, %dma_start3A_306] : memref<2x64xi32, #tpu.memory_space<vmem>> -> memref<1x64xi32, #tpu.memory_space<vmem>>
      %dma_start3A_308 = tpu.memref_squeeze %dma_start3A_307 : memref<1x64xi32, #tpu.memory_space<vmem>> -> memref<64xi32, #tpu.memory_space<vmem>>
      %dma_start3A_309 = arith.constant 0 : i32
      %dma_start3A_310 = arith.constant 0 : i32
      %dma_start3A_311 = tpu.memref_slice %arg18[%dma_start3A_309, %dma_start3A_310] : memref<10240x144xf32, #tpu.memory_space<vmem_shared>> -> memref<10240x144xf32, #tpu.memory_space<vmem_shared>>
      tpu.enqueue_indirect_dma source(%arg15 : memref<64x144xf32, #tpu.memory_space<vmem>>) target(%dma_start3A_311 : memref<10240x144xf32, #tpu.memory_space<vmem_shared>>) offsets(%dma_start3A_308 : memref<64xi32, #tpu.memory_space<vmem>>) semaphore(%arg21 : memref<!tpu.dma_semaphore, #tpu.memory_space<semaphore_mem>>) {add = true}
      %mul3A_312 = arith.constant 4 : i32
      %mul3A_313 = arith.muli %scan3A_265, %mul3A_312 : i32
      %add3A_314 = arith.constant 1 : i32
      %add3A_315 = arith.addi %mul3A_313, %add3A_314 : i32
      %ge3A_316 = arith.constant 2 : i32
      %ge3A_317 = arith.cmpi sge, %add3A_315, %ge3A_316 : i32
      %convert_element_type3A_318 = arith.extui %ge3A_317 : i1 to i32
      %cond3A_319 = arith.constant 0 : i32
      %cond3A_320 = arith.cmpi ne, %convert_element_type3A_318, %cond3A_319 : i32
      scf.if %cond3A_320 {
        %dma_wait3A_460 = arith.constant 0 : i32
        %dma_wait3A_461 = arith.constant 0 : i32
        %dma_wait3A_462 = arith.constant 0 : i32
        %dma_wait3A_463 = tpu.memref_slice %arg6[%dma_wait3A_460, %dma_wait3A_461, %dma_wait3A_462] : memref<2x10240x144xf32, #tpu.memory_space<hbm>> -> memref<1x64x144xf32, #tpu.memory_space<hbm>>
        %dma_wait3A_464 = tpu.memref_squeeze %dma_wait3A_463 : memref<1x64x144xf32, #tpu.memory_space<hbm>> -> memref<64x144xf32, #tpu.memory_space<hbm>>
        %dma_wait3A_465 = arith.constant 0 : i32
        %dma_wait3A_466 = arith.constant 0 : i32
        %dma_wait3A_467 = tpu.memref_slice %arg6[%dma_wait3A_460, %dma_wait3A_465, %dma_wait3A_466] : memref<2x10240x144xf32, #tpu.memory_space<hbm>> -> memref<1x64x144xf32, #tpu.memory_space<hbm>>
        %dma_wait3A_468 = tpu.memref_squeeze %dma_wait3A_467 : memref<1x64x144xf32, #tpu.memory_space<hbm>> -> memref<64x144xf32, #tpu.memory_space<hbm>>
        tpu.wait_dma2 semaphore(%arg22 : memref<!tpu.dma_semaphore, #tpu.memory_space<semaphore_mem>>) src(%dma_wait3A_468 : memref<64x144xf32, #tpu.memory_space<hbm>>) dst(%arg16 : memref<64x144xf32, #tpu.memory_space<vmem>>)
      } else {
      }
      %add3A_321 = arith.constant 1 : i32
      %add3A_322 = arith.addi %add3A_315, %add3A_321 : i32
      %lt3A_323 = arith.constant 160 : i32
      %lt3A_324 = arith.cmpi slt, %add3A_322, %lt3A_323 : i32
      %convert_element_type3A_325 = arith.extui %lt3A_324 : i1 to i32
      %cond3A_326 = arith.constant 0 : i32
      %cond3A_327 = arith.cmpi ne, %convert_element_type3A_325, %cond3A_326 : i32
      scf.if %cond3A_327 {
        %dma_wait3A_460 = arith.constant 0 : i32
        %dma_wait3A_461 = arith.constant 0 : i32
        %dma_wait3A_462 = arith.constant 0 : i32
        %dma_wait3A_463 = tpu.memref_slice %arg4[%add3A, %dma_wait3A_460, %dma_wait3A_461, %dma_wait3A_462] : memref<32x160x2x64xi32, #tpu.memory_space<hbm>> -> memref<1x1x2x64xi32, #tpu.memory_space<hbm>>
        %dma_wait3A_464 = tpu.memref_squeeze %dma_wait3A_463 : memref<1x1x2x64xi32, #tpu.memory_space<hbm>> -> memref<2x64xi32, #tpu.memory_space<hbm>>
        %dma_wait3A_465 = arith.constant 0 : i32
        %dma_wait3A_466 = arith.constant 0 : i32
        %dma_wait3A_467 = tpu.memref_slice %arg4[%add3A, %dma_wait3A_460, %dma_wait3A_465, %dma_wait3A_466] : memref<32x160x2x64xi32, #tpu.memory_space<hbm>> -> memref<1x1x2x64xi32, #tpu.memory_space<hbm>>
        %dma_wait3A_468 = tpu.memref_squeeze %dma_wait3A_467 : memref<1x1x2x64xi32, #tpu.memory_space<hbm>> -> memref<2x64xi32, #tpu.memory_space<hbm>>
        tpu.wait_dma2 semaphore(%arg25 : memref<!tpu.dma_semaphore, #tpu.memory_space<semaphore_mem>>) src(%dma_wait3A_468 : memref<2x64xi32, #tpu.memory_space<hbm>>) dst(%arg9 : memref<2x64xi32, #tpu.memory_space<vmem>>)
        %dma_start3A_469 = arith.constant 0 : i32
        %dma_start3A_470 = arith.constant 0 : i32
        %dma_start3A_471 = tpu.memref_slice %arg9[%dma_start3A_469, %dma_start3A_470] : memref<2x64xi32, #tpu.memory_space<vmem>> -> memref<1x64xi32, #tpu.memory_space<vmem>>
        %dma_start3A_472 = tpu.memref_squeeze %dma_start3A_471 : memref<1x64xi32, #tpu.memory_space<vmem>> -> memref<64xi32, #tpu.memory_space<vmem>>
        %dma_start3A_473 = arith.constant 0 : i32
        %dma_start3A_474 = arith.constant 0 : i32
        %dma_start3A_475 = tpu.memref_slice %arg2[%dma_start3A_473, %dma_start3A_474] : memref<10000x128xbf16, #tpu.memory_space<hbm>> -> memref<10000x128xbf16, #tpu.memory_space<hbm>>
        tpu.enqueue_indirect_dma source(%dma_start3A_475 : memref<10000x128xbf16, #tpu.memory_space<hbm>>) target(%arg11 : memref<64x128xbf16, #tpu.memory_space<vmem>>) offsets(%dma_start3A_472 : memref<64xi32, #tpu.memory_space<vmem>>) semaphore(%arg19 : memref<!tpu.dma_semaphore, #tpu.memory_space<semaphore_mem>>)
        %dma_start3A_476 = arith.constant 1 : i32
        %dma_start3A_477 = arith.constant 0 : i32
        %dma_start3A_478 = tpu.memref_slice %arg9[%dma_start3A_476, %dma_start3A_477] : memref<2x64xi32, #tpu.memory_space<vmem>> -> memref<1x64xi32, #tpu.memory_space<vmem>>
        %dma_start3A_479 = tpu.memref_squeeze %dma_start3A_478 : memref<1x64xi32, #tpu.memory_space<vmem>> -> memref<64xi32, #tpu.memory_space<vmem>>
        %dma_start3A_480 = arith.constant 0 : i32
        %dma_start3A_481 = arith.constant 0 : i32
        %dma_start3A_482 = tpu.memref_slice %arg3[%dma_start3A_480, %dma_start3A_481] : memref<10000x128xbf16, #tpu.memory_space<hbm>> -> memref<10000x128xbf16, #tpu.memory_space<hbm>>
        tpu.enqueue_indirect_dma source(%dma_start3A_482 : memref<10000x128xbf16, #tpu.memory_space<hbm>>) target(%arg13 : memref<64x128xbf16, #tpu.memory_space<vmem>>) offsets(%dma_start3A_479 : memref<64xi32, #tpu.memory_space<vmem>>) semaphore(%arg19 : memref<!tpu.dma_semaphore, #tpu.memory_space<semaphore_mem>>)
      } else {
      }
      %add3A_328 = arith.constant 2 : i32
      %add3A_329 = arith.addi %add3A_315, %add3A_328 : i32
      %lt3A_330 = arith.constant 160 : i32
      %lt3A_331 = arith.cmpi slt, %add3A_329, %lt3A_330 : i32
      %convert_element_type3A_332 = arith.extui %lt3A_331 : i1 to i32
      %cond3A_333 = arith.constant 0 : i32
      %cond3A_334 = arith.cmpi ne, %convert_element_type3A_332, %cond3A_333 : i32
      scf.if %cond3A_334 {
        %add3A_460 = arith.constant 2 : i32
        %add3A_461 = arith.addi %add3A_315, %add3A_460 : i32
        %dma_start3A_462 = arith.constant 0 : i32
        %dma_start3A_463 = arith.constant 0 : i32
        %dma_start3A_464 = tpu.memref_slice %arg4[%add3A, %add3A_461, %dma_start3A_462, %dma_start3A_463] : memref<32x160x2x64xi32, #tpu.memory_space<hbm>> -> memref<1x1x2x64xi32, #tpu.memory_space<hbm>>
        %dma_start3A_465 = tpu.memref_squeeze %dma_start3A_464 : memref<1x1x2x64xi32, #tpu.memory_space<hbm>> -> memref<2x64xi32, #tpu.memory_space<hbm>>
        %dma_start3A_466 = arith.constant 0 : i32
        %dma_start3A_467 = arith.constant 0 : i32
        %dma_start3A_468 = tpu.memref_slice %arg4[%add3A, %add3A_461, %dma_start3A_466, %dma_start3A_467] : memref<32x160x2x64xi32, #tpu.memory_space<hbm>> -> memref<1x1x2x64xi32, #tpu.memory_space<hbm>>
        %dma_start3A_469 = tpu.memref_squeeze %dma_start3A_468 : memref<1x1x2x64xi32, #tpu.memory_space<hbm>> -> memref<2x64xi32, #tpu.memory_space<hbm>>
        tpu.enqueue_dma source(%dma_start3A_469 : memref<2x64xi32, #tpu.memory_space<hbm>>) target(%arg10 : memref<2x64xi32, #tpu.memory_space<vmem>>) target_semaphore(%arg26 : memref<!tpu.dma_semaphore, #tpu.memory_space<semaphore_mem>>)
      } else {
      }
      %dma_wait3A_335 = arith.constant 0 : i32
      %dma_wait3A_336 = arith.constant 0 : i32
      %dma_wait3A_337 = tpu.memref_slice %arg2[%dma_wait3A_335, %dma_wait3A_336] : memref<10000x128xbf16, #tpu.memory_space<hbm>> -> memref<64x128xbf16, #tpu.memory_space<hbm>>
      %dma_wait3A_338 = arith.constant 0 : i32
      %dma_wait3A_339 = arith.constant 0 : i32
      %dma_wait3A_340 = tpu.memref_slice %arg2[%dma_wait3A_338, %dma_wait3A_339] : memref<10000x128xbf16, #tpu.memory_space<hbm>> -> memref<64x128xbf16, #tpu.memory_space<hbm>>
      tpu.wait_dma2 semaphore(%arg20 : memref<!tpu.dma_semaphore, #tpu.memory_space<semaphore_mem>>) src(%dma_wait3A_340 : memref<64x128xbf16, #tpu.memory_space<hbm>>) dst(%arg12 : memref<64x128xbf16, #tpu.memory_space<vmem>>)
      %dma_wait3A_341 = arith.constant 0 : i32
      %dma_wait3A_342 = arith.constant 0 : i32
      %dma_wait3A_343 = tpu.memref_slice %arg2[%dma_wait3A_341, %dma_wait3A_342] : memref<10000x128xbf16, #tpu.memory_space<hbm>> -> memref<64x128xbf16, #tpu.memory_space<hbm>>
      %dma_wait3A_344 = arith.constant 0 : i32
      %dma_wait3A_345 = arith.constant 0 : i32
      %dma_wait3A_346 = tpu.memref_slice %arg2[%dma_wait3A_344, %dma_wait3A_345] : memref<10000x128xbf16, #tpu.memory_space<hbm>> -> memref<64x128xbf16, #tpu.memory_space<hbm>>
      tpu.wait_dma2 semaphore(%arg20 : memref<!tpu.dma_semaphore, #tpu.memory_space<semaphore_mem>>) src(%dma_wait3A_346 : memref<64x128xbf16, #tpu.memory_space<hbm>>) dst(%arg14 : memref<64x128xbf16, #tpu.memory_space<vmem>>)
      %scan3A_347 = arith.constant 0 : i32
      %scan3A_348 = arith.constant 0 : i32
      %scan3A_349 = arith.constant 16 : i32
      %scan3A_350 = arith.addi %scan3A_348, %scan3A_349 : i32
      %scan3A_351 = arith.constant 1 : i32
      %scan3A_352 = scf.for %scan3A_460 = %scan3A_348 to %scan3A_350 step %scan3A_351 iter_args(%scan3A_461 = %scan3A_347) -> (i32)  : i32 {
        %mul3A_462 = arith.constant 4 : i32
        %mul3A_463 = arith.muli %scan3A_460, %mul3A_462 : i32
        %add3A_464 = arith.constant 0 : i32
        %add3A_465 = arith.addi %mul3A_463, %add3A_464 : i32
        %get3A_466 = arith.index_cast %add3A_465 : i32 to index
        %get3A_467 = arith.constant 0 : index
        %get3A_468 = tpu.vector_load %arg12[%get3A_466, %get3A_467] {strides = array<i32>} : memref<64x128xbf16, #tpu.memory_space<vmem>>, vector<32xbf16>,
        %get3A_469 = arith.index_cast %add3A_465 : i32 to index
        %get3A_470 = arith.constant 0 : index
        %get3A_471 = tpu.vector_load %arg14[%get3A_469, %get3A_470] {strides = array<i32>} : memref<64x128xbf16, #tpu.memory_space<vmem>>, vector<32xbf16>,
        %unpack3A = tpu.unpack_subelements %get3A_468, 0 {pack_format = #tpu.pack_format<interleaved>} : vector<32xbf16> -> vector<16xf32>
        %unpack3A_472 = tpu.unpack_subelements %get3A_468, 1 {pack_format = #tpu.pack_format<interleaved>} : vector<32xbf16> -> vector<16xf32>
        %unpack3A_473 = tpu.unpack_subelements %get3A_471, 0 {pack_format = #tpu.pack_format<interleaved>} : vector<32xbf16> -> vector<16xf32>
        %unpack3A_474 = tpu.unpack_subelements %get3A_471, 1 {pack_format = #tpu.pack_format<interleaved>} : vector<32xbf16> -> vector<16xf32>
        %add3A_475 = arith.addf %unpack3A, %unpack3A_473 : vector<16xf32>
        %add3A_476 = arith.addf %unpack3A_472, %unpack3A_474 : vector<16xf32>
        %mul3A_477 = arith.constant 2.000000e-01 : f32
        %mul3A_478 = vector.broadcast %mul3A_477 : f32 to vector<16xf32>
        %mul3A_479 = arith.mulf %mul3A_478, %add3A_475 : vector<16xf32>
        %max3A = arith.maximumf %add3A_475, %mul3A_479 : vector<16xf32>
        %mul3A_480 = arith.constant 2.000000e-01 : f32
        %mul3A_481 = vector.broadcast %mul3A_480 : f32 to vector<16xf32>
        %mul3A_482 = arith.mulf %mul3A_481, %add3A_476 : vector<16xf32>
        %max3A_483 = arith.maximumf %add3A_476, %mul3A_482 : vector<16xf32>
        %mul3A_484 = arith.mulf %max3A, %get3A_57 : vector<16xf32>
        %add3A_485 = arith.addf %broadcast_in_dim3A_1, %mul3A_484 : vector<16xf32>
        %mul3A_486 = arith.mulf %max3A_483, %get3A_61 : vector<16xf32>
        %add3A_487 = arith.addf %add3A_485, %mul3A_486 : vector<16xf32>
        %get3A_488 = arith.index_cast %add3A_465 : i32 to index
        %get3A_489 = arith.constant 32 : index
        %get3A_490 = tpu.vector_load %arg12[%get3A_488, %get3A_489] {strides = array<i32>} : memref<64x128xbf16, #tpu.memory_space<vmem>>, vector<32xbf16>,
        %get3A_491 = arith.index_cast %add3A_465 : i32 to index
        %get3A_492 = arith.constant 32 : index
        %get3A_493 = tpu.vector_load %arg14[%get3A_491, %get3A_492] {strides = array<i32>} : memref<64x128xbf16, #tpu.memory_space<vmem>>, vector<32xbf16>,
        %unpack3A_494 = tpu.unpack_subelements %get3A_490, 0 {pack_format = #tpu.pack_format<interleaved>} : vector<32xbf16> -> vector<16xf32>
        %unpack3A_495 = tpu.unpack_subelements %get3A_490, 1 {pack_format = #tpu.pack_format<interleaved>} : vector<32xbf16> -> vector<16xf32>
        %unpack3A_496 = tpu.unpack_subelements %get3A_493, 0 {pack_format = #tpu.pack_format<interleaved>} : vector<32xbf16> -> vector<16xf32>
        %unpack3A_497 = tpu.unpack_subelements %get3A_493, 1 {pack_format = #tpu.pack_format<interleaved>} : vector<32xbf16> -> vector<16xf32>
        %add3A_498 = arith.addf %unpack3A_494, %unpack3A_496 : vector<16xf32>
        %add3A_499 = arith.addf %unpack3A_495, %unpack3A_497 : vector<16xf32>
        %mul3A_500 = arith.constant 2.000000e-01 : f32
        %mul3A_501 = vector.broadcast %mul3A_500 : f32 to vector<16xf32>
        %mul3A_502 = arith.mulf %mul3A_501, %add3A_498 : vector<16xf32>
        %max3A_503 = arith.maximumf %add3A_498, %mul3A_502 : vector<16xf32>
        %mul3A_504 = arith.constant 2.000000e-01 : f32
        %mul3A_505 = vector.broadcast %mul3A_504 : f32 to vector<16xf32>
        %mul3A_506 = arith.mulf %mul3A_505, %add3A_499 : vector<16xf32>
        %max3A_507 = arith.maximumf %add3A_499, %mul3A_506 : vector<16xf32>
        %mul3A_508 = arith.mulf %max3A_503, %get3A_65 : vector<16xf32>
        %add3A_509 = arith.addf %add3A_487, %mul3A_508 : vector<16xf32>
        %mul3A_510 = arith.mulf %max3A_507, %get3A_69 : vector<16xf32>
        %add3A_511 = arith.addf %add3A_509, %mul3A_510 : vector<16xf32>
        %get3A_512 = arith.index_cast %add3A_465 : i32 to index
        %get3A_513 = arith.constant 64 : index
        %get3A_514 = tpu.vector_load %arg12[%get3A_512, %get3A_513] {strides = array<i32>} : memref<64x128xbf16, #tpu.memory_space<vmem>>, vector<32xbf16>,
        %get3A_515 = arith.index_cast %add3A_465 : i32 to index
        %get3A_516 = arith.constant 64 : index
        %get3A_517 = tpu.vector_load %arg14[%get3A_515, %get3A_516] {strides = array<i32>} : memref<64x128xbf16, #tpu.memory_space<vmem>>, vector<32xbf16>,
        %unpack3A_518 = tpu.unpack_subelements %get3A_514, 0 {pack_format = #tpu.pack_format<interleaved>} : vector<32xbf16> -> vector<16xf32>
        %unpack3A_519 = tpu.unpack_subelements %get3A_514, 1 {pack_format = #tpu.pack_format<interleaved>} : vector<32xbf16> -> vector<16xf32>
        %unpack3A_520 = tpu.unpack_subelements %get3A_517, 0 {pack_format = #tpu.pack_format<interleaved>} : vector<32xbf16> -> vector<16xf32>
        %unpack3A_521 = tpu.unpack_subelements %get3A_517, 1 {pack_format = #tpu.pack_format<interleaved>} : vector<32xbf16> -> vector<16xf32>
        %add3A_522 = arith.addf %unpack3A_518, %unpack3A_520 : vector<16xf32>
        %add3A_523 = arith.addf %unpack3A_519, %unpack3A_521 : vector<16xf32>
        %mul3A_524 = arith.constant 2.000000e-01 : f32
        %mul3A_525 = vector.broadcast %mul3A_524 : f32 to vector<16xf32>
        %mul3A_526 = arith.mulf %mul3A_525, %add3A_522 : vector<16xf32>
        %max3A_527 = arith.maximumf %add3A_522, %mul3A_526 : vector<16xf32>
        %mul3A_528 = arith.constant 2.000000e-01 : f32
        %mul3A_529 = vector.broadcast %mul3A_528 : f32 to vector<16xf32>
        %mul3A_530 = arith.mulf %mul3A_529, %add3A_523 : vector<16xf32>
        %max3A_531 = arith.maximumf %add3A_523, %mul3A_530 : vector<16xf32>
        %mul3A_532 = arith.mulf %max3A_527, %get3A_73 : vector<16xf32>
        %add3A_533 = arith.addf %add3A_511, %mul3A_532 : vector<16xf32>
        %mul3A_534 = arith.mulf %max3A_531, %get3A_77 : vector<16xf32>
        %add3A_535 = arith.addf %add3A_533, %mul3A_534 : vector<16xf32>
        %get3A_536 = arith.index_cast %add3A_465 : i32 to index
        %get3A_537 = arith.constant 96 : index
        %get3A_538 = tpu.vector_load %arg12[%get3A_536, %get3A_537] {strides = array<i32>} : memref<64x128xbf16, #tpu.memory_space<vmem>>, vector<32xbf16>,
        %get3A_539 = arith.index_cast %add3A_465 : i32 to index
        %get3A_540 = arith.constant 96 : index
        %get3A_541 = tpu.vector_load %arg14[%get3A_539, %get3A_540] {strides = array<i32>} : memref<64x128xbf16, #tpu.memory_space<vmem>>, vector<32xbf16>,
        %unpack3A_542 = tpu.unpack_subelements %get3A_538, 0 {pack_format = #tpu.pack_format<interleaved>} : vector<32xbf16> -> vector<16xf32>
        %unpack3A_543 = tpu.unpack_subelements %get3A_538, 1 {pack_format = #tpu.pack_format<interleaved>} : vector<32xbf16> -> vector<16xf32>
        %unpack3A_544 = tpu.unpack_subelements %get3A_541, 0 {pack_format = #tpu.pack_format<interleaved>} : vector<32xbf16> -> vector<16xf32>
        %unpack3A_545 = tpu.unpack_subelements %get3A_541, 1 {pack_format = #tpu.pack_format<interleaved>} : vector<32xbf16> -> vector<16xf32>
        %add3A_546 = arith.addf %unpack3A_542, %unpack3A_544 : vector<16xf32>
        %add3A_547 = arith.addf %unpack3A_543, %unpack3A_545 : vector<16xf32>
        %mul3A_548 = arith.constant 2.000000e-01 : f32
        %mul3A_549 = vector.broadcast %mul3A_548 : f32 to vector<16xf32>
        %mul3A_550 = arith.mulf %mul3A_549, %add3A_546 : vector<16xf32>
        %max3A_551 = arith.maximumf %add3A_546, %mul3A_550 : vector<16xf32>
        %mul3A_552 = arith.constant 2.000000e-01 : f32
        %mul3A_553 = vector.broadcast %mul3A_552 : f32 to vector<16xf32>
        %mul3A_554 = arith.mulf %mul3A_553, %add3A_547 : vector<16xf32>
        %max3A_555 = arith.maximumf %add3A_547, %mul3A_554 : vector<16xf32>
        %mul3A_556 = arith.mulf %max3A_551, %get3A_81 : vector<16xf32>
        %add3A_557 = arith.addf %add3A_535, %mul3A_556 : vector<16xf32>
        %mul3A_558 = arith.mulf %max3A_555, %get3A_85 : vector<16xf32>
        %add3A_559 = arith.addf %add3A_557, %mul3A_558 : vector<16xf32>
        %reduce_sum3A = arith.constant true
        %reduce_sum3A_560 = vector.broadcast %reduce_sum3A : i1 to vector<16xi1>
        %reduce_sum3A_561 = tpu.scan <sum>, %add3A_559 masked %reduce_sum3A_560 : vector<16xf32>, vector<16xi1> -> vector<16xf32>
        %reduce_sum3A_562 = vector.extract %reduce_sum3A_561[15] : f32 from vector<16xf32>
        %broadcast_in_dim3A_563 = vector.broadcast %reduce_sum3A_562 : f32 to vector<16xf32>
        %exp3A = math.exp %broadcast_in_dim3A_563 : vector<16xf32>
        %broadcast_in_dim3A_564 = vector.broadcast %add3A_465 : i32 to vector<16xi32>
        %mul3A_565 = arith.mulf %unpack3A, %exp3A : vector<16xf32>
        tpu.vector_store_idx %arg16[%broadcast_in_dim3A_564, %add3A_94], %mul3A_565 : memref<64x144xf32, #tpu.memory_space<vmem>>[vector<16xi32>, vector<16xi32>], vector<16xf32>,
        %mul3A_566 = arith.mulf %unpack3A_472, %exp3A : vector<16xf32>
        tpu.vector_store_idx %arg16[%broadcast_in_dim3A_564, %add3A_103], %mul3A_566 : memref<64x144xf32, #tpu.memory_space<vmem>>[vector<16xi32>, vector<16xi32>], vector<16xf32>,
        %mul3A_567 = arith.mulf %unpack3A_494, %exp3A : vector<16xf32>
        tpu.vector_store_idx %arg16[%broadcast_in_dim3A_564, %add3A_112], %mul3A_567 : memref<64x144xf32, #tpu.memory_space<vmem>>[vector<16xi32>, vector<16xi32>], vector<16xf32>,
        %mul3A_568 = arith.mulf %unpack3A_495, %exp3A : vector<16xf32>
        tpu.vector_store_idx %arg16[%broadcast_in_dim3A_564, %add3A_121], %mul3A_568 : memref<64x144xf32, #tpu.memory_space<vmem>>[vector<16xi32>, vector<16xi32>], vector<16xf32>,
        %mul3A_569 = arith.mulf %unpack3A_518, %exp3A : vector<16xf32>
        tpu.vector_store_idx %arg16[%broadcast_in_dim3A_564, %add3A_130], %mul3A_569 : memref<64x144xf32, #tpu.memory_space<vmem>>[vector<16xi32>, vector<16xi32>], vector<16xf32>,
        %mul3A_570 = arith.mulf %unpack3A_519, %exp3A : vector<16xf32>
        tpu.vector_store_idx %arg16[%broadcast_in_dim3A_564, %add3A_139], %mul3A_570 : memref<64x144xf32, #tpu.memory_space<vmem>>[vector<16xi32>, vector<16xi32>], vector<16xf32>,
        %mul3A_571 = arith.mulf %unpack3A_542, %exp3A : vector<16xf32>
        tpu.vector_store_idx %arg16[%broadcast_in_dim3A_564, %add3A_148], %mul3A_571 : memref<64x144xf32, #tpu.memory_space<vmem>>[vector<16xi32>, vector<16xi32>], vector<16xf32>,
        %mul3A_572 = arith.mulf %unpack3A_543, %exp3A : vector<16xf32>
        tpu.vector_store_idx %arg16[%broadcast_in_dim3A_564, %add3A_157], %mul3A_572 : memref<64x144xf32, #tpu.memory_space<vmem>>[vector<16xi32>, vector<16xi32>], vector<16xf32>,
        tpu.vector_store_idx %arg16[%broadcast_in_dim3A_564, %broadcast_in_dim3A_159], %exp3A : memref<64x144xf32, #tpu.memory_space<vmem>>[vector<16xi32>, vector<16xi32>], vector<16xf32>,
        %mul3A_573 = arith.constant 4 : i32
        %mul3A_574 = arith.muli %scan3A_460, %mul3A_573 : i32
        %add3A_575 = arith.constant 1 : i32
        %add3A_576 = arith.addi %mul3A_574, %add3A_575 : i32
        %get3A_577 = arith.index_cast %add3A_576 : i32 to index
        %get3A_578 = arith.constant 0 : index
        %get3A_579 = tpu.vector_load %arg12[%get3A_577, %get3A_578] {strides = array<i32>} : memref<64x128xbf16, #tpu.memory_space<vmem>>, vector<32xbf16>,
        %get3A_580 = arith.index_cast %add3A_576 : i32 to index
        %get3A_581 = arith.constant 0 : index
        %get3A_582 = tpu.vector_load %arg14[%get3A_580, %get3A_581] {strides = array<i32>} : memref<64x128xbf16, #tpu.memory_space<vmem>>, vector<32xbf16>,
        %unpack3A_583 = tpu.unpack_subelements %get3A_579, 0 {pack_format = #tpu.pack_format<interleaved>} : vector<32xbf16> -> vector<16xf32>
        %unpack3A_584 = tpu.unpack_subelements %get3A_579, 1 {pack_format = #tpu.pack_format<interleaved>} : vector<32xbf16> -> vector<16xf32>
        %unpack3A_585 = tpu.unpack_subelements %get3A_582, 0 {pack_format = #tpu.pack_format<interleaved>} : vector<32xbf16> -> vector<16xf32>
        %unpack3A_586 = tpu.unpack_subelements %get3A_582, 1 {pack_format = #tpu.pack_format<interleaved>} : vector<32xbf16> -> vector<16xf32>
        %add3A_587 = arith.addf %unpack3A_583, %unpack3A_585 : vector<16xf32>
        %add3A_588 = arith.addf %unpack3A_584, %unpack3A_586 : vector<16xf32>
        %mul3A_589 = arith.constant 2.000000e-01 : f32
        %mul3A_590 = vector.broadcast %mul3A_589 : f32 to vector<16xf32>
        %mul3A_591 = arith.mulf %mul3A_590, %add3A_587 : vector<16xf32>
        %max3A_592 = arith.maximumf %add3A_587, %mul3A_591 : vector<16xf32>
        %mul3A_593 = arith.constant 2.000000e-01 : f32
        %mul3A_594 = vector.broadcast %mul3A_593 : f32 to vector<16xf32>
        %mul3A_595 = arith.mulf %mul3A_594, %add3A_588 : vector<16xf32>
        %max3A_596 = arith.maximumf %add3A_588, %mul3A_595 : vector<16xf32>
        %mul3A_597 = arith.mulf %max3A_592, %get3A_57 : vector<16xf32>
        %add3A_598 = arith.addf %broadcast_in_dim3A_1, %mul3A_597 : vector<16xf32>
        %mul3A_599 = arith.mulf %max3A_596, %get3A_61 : vector<16xf32>
        %add3A_600 = arith.addf %add3A_598, %mul3A_599 : vector<16xf32>
        %get3A_601 = arith.index_cast %add3A_576 : i32 to index
        %get3A_602 = arith.constant 32 : index
        %get3A_603 = tpu.vector_load %arg12[%get3A_601, %get3A_602] {strides = array<i32>} : memref<64x128xbf16, #tpu.memory_space<vmem>>, vector<32xbf16>,
        %get3A_604 = arith.index_cast %add3A_576 : i32 to index
        %get3A_605 = arith.constant 32 : index
        %get3A_606 = tpu.vector_load %arg14[%get3A_604, %get3A_605] {strides = array<i32>} : memref<64x128xbf16, #tpu.memory_space<vmem>>, vector<32xbf16>,
        %unpack3A_607 = tpu.unpack_subelements %get3A_603, 0 {pack_format = #tpu.pack_format<interleaved>} : vector<32xbf16> -> vector<16xf32>
        %unpack3A_608 = tpu.unpack_subelements %get3A_603, 1 {pack_format = #tpu.pack_format<interleaved>} : vector<32xbf16> -> vector<16xf32>
        %unpack3A_609 = tpu.unpack_subelements %get3A_606, 0 {pack_format = #tpu.pack_format<interleaved>} : vector<32xbf16> -> vector<16xf32>
        %unpack3A_610 = tpu.unpack_subelements %get3A_606, 1 {pack_format = #tpu.pack_format<interleaved>} : vector<32xbf16> -> vector<16xf32>
        %add3A_611 = arith.addf %unpack3A_607, %unpack3A_609 : vector<16xf32>
        %add3A_612 = arith.addf %unpack3A_608, %unpack3A_610 : vector<16xf32>
        %mul3A_613 = arith.constant 2.000000e-01 : f32
        %mul3A_614 = vector.broadcast %mul3A_613 : f32 to vector<16xf32>
        %mul3A_615 = arith.mulf %mul3A_614, %add3A_611 : vector<16xf32>
        %max3A_616 = arith.maximumf %add3A_611, %mul3A_615 : vector<16xf32>
        %mul3A_617 = arith.constant 2.000000e-01 : f32
        %mul3A_618 = vector.broadcast %mul3A_617 : f32 to vector<16xf32>
        %mul3A_619 = arith.mulf %mul3A_618, %add3A_612 : vector<16xf32>
        %max3A_620 = arith.maximumf %add3A_612, %mul3A_619 : vector<16xf32>
        %mul3A_621 = arith.mulf %max3A_616, %get3A_65 : vector<16xf32>
        %add3A_622 = arith.addf %add3A_600, %mul3A_621 : vector<16xf32>
        %mul3A_623 = arith.mulf %max3A_620, %get3A_69 : vector<16xf32>
        %add3A_624 = arith.addf %add3A_622, %mul3A_623 : vector<16xf32>
        %get3A_625 = arith.index_cast %add3A_576 : i32 to index
        %get3A_626 = arith.constant 64 : index
        %get3A_627 = tpu.vector_load %arg12[%get3A_625, %get3A_626] {strides = array<i32>} : memref<64x128xbf16, #tpu.memory_space<vmem>>, vector<32xbf16>,
        %get3A_628 = arith.index_cast %add3A_576 : i32 to index
        %get3A_629 = arith.constant 64 : index
        %get3A_630 = tpu.vector_load %arg14[%get3A_628, %get3A_629] {strides = array<i32>} : memref<64x128xbf16, #tpu.memory_space<vmem>>, vector<32xbf16>,
        %unpack3A_631 = tpu.unpack_subelements %get3A_627, 0 {pack_format = #tpu.pack_format<interleaved>} : vector<32xbf16> -> vector<16xf32>
        %unpack3A_632 = tpu.unpack_subelements %get3A_627, 1 {pack_format = #tpu.pack_format<interleaved>} : vector<32xbf16> -> vector<16xf32>
        %unpack3A_633 = tpu.unpack_subelements %get3A_630, 0 {pack_format = #tpu.pack_format<interleaved>} : vector<32xbf16> -> vector<16xf32>
        %unpack3A_634 = tpu.unpack_subelements %get3A_630, 1 {pack_format = #tpu.pack_format<interleaved>} : vector<32xbf16> -> vector<16xf32>
        %add3A_635 = arith.addf %unpack3A_631, %unpack3A_633 : vector<16xf32>
        %add3A_636 = arith.addf %unpack3A_632, %unpack3A_634 : vector<16xf32>
        %mul3A_637 = arith.constant 2.000000e-01 : f32
        %mul3A_638 = vector.broadcast %mul3A_637 : f32 to vector<16xf32>
        %mul3A_639 = arith.mulf %mul3A_638, %add3A_635 : vector<16xf32>
        %max3A_640 = arith.maximumf %add3A_635, %mul3A_639 : vector<16xf32>
        %mul3A_641 = arith.constant 2.000000e-01 : f32
        %mul3A_642 = vector.broadcast %mul3A_641 : f32 to vector<16xf32>
        %mul3A_643 = arith.mulf %mul3A_642, %add3A_636 : vector<16xf32>
        %max3A_644 = arith.maximumf %add3A_636, %mul3A_643 : vector<16xf32>
        %mul3A_645 = arith.mulf %max3A_640, %get3A_73 : vector<16xf32>
        %add3A_646 = arith.addf %add3A_624, %mul3A_645 : vector<16xf32>
        %mul3A_647 = arith.mulf %max3A_644, %get3A_77 : vector<16xf32>
        %add3A_648 = arith.addf %add3A_646, %mul3A_647 : vector<16xf32>
        %get3A_649 = arith.index_cast %add3A_576 : i32 to index
        %get3A_650 = arith.constant 96 : index
        %get3A_651 = tpu.vector_load %arg12[%get3A_649, %get3A_650] {strides = array<i32>} : memref<64x128xbf16, #tpu.memory_space<vmem>>, vector<32xbf16>,
        %get3A_652 = arith.index_cast %add3A_576 : i32 to index
        %get3A_653 = arith.constant 96 : index
        %get3A_654 = tpu.vector_load %arg14[%get3A_652, %get3A_653] {strides = array<i32>} : memref<64x128xbf16, #tpu.memory_space<vmem>>, vector<32xbf16>,
        %unpack3A_655 = tpu.unpack_subelements %get3A_651, 0 {pack_format = #tpu.pack_format<interleaved>} : vector<32xbf16> -> vector<16xf32>
        %unpack3A_656 = tpu.unpack_subelements %get3A_651, 1 {pack_format = #tpu.pack_format<interleaved>} : vector<32xbf16> -> vector<16xf32>
        %unpack3A_657 = tpu.unpack_subelements %get3A_654, 0 {pack_format = #tpu.pack_format<interleaved>} : vector<32xbf16> -> vector<16xf32>
        %unpack3A_658 = tpu.unpack_subelements %get3A_654, 1 {pack_format = #tpu.pack_format<interleaved>} : vector<32xbf16> -> vector<16xf32>
        %add3A_659 = arith.addf %unpack3A_655, %unpack3A_657 : vector<16xf32>
        %add3A_660 = arith.addf %unpack3A_656, %unpack3A_658 : vector<16xf32>
        %mul3A_661 = arith.constant 2.000000e-01 : f32
        %mul3A_662 = vector.broadcast %mul3A_661 : f32 to vector<16xf32>
        %mul3A_663 = arith.mulf %mul3A_662, %add3A_659 : vector<16xf32>
        %max3A_664 = arith.maximumf %add3A_659, %mul3A_663 : vector<16xf32>
        %mul3A_665 = arith.constant 2.000000e-01 : f32
        %mul3A_666 = vector.broadcast %mul3A_665 : f32 to vector<16xf32>
        %mul3A_667 = arith.mulf %mul3A_666, %add3A_660 : vector<16xf32>
        %max3A_668 = arith.maximumf %add3A_660, %mul3A_667 : vector<16xf32>
        %mul3A_669 = arith.mulf %max3A_664, %get3A_81 : vector<16xf32>
        %add3A_670 = arith.addf %add3A_648, %mul3A_669 : vector<16xf32>
        %mul3A_671 = arith.mulf %max3A_668, %get3A_85 : vector<16xf32>
        %add3A_672 = arith.addf %add3A_670, %mul3A_671 : vector<16xf32>
        %reduce_sum3A_673 = arith.constant true
        %reduce_sum3A_674 = vector.broadcast %reduce_sum3A_673 : i1 to vector<16xi1>
        %reduce_sum3A_675 = tpu.scan <sum>, %add3A_672 masked %reduce_sum3A_674 : vector<16xf32>, vector<16xi1> -> vector<16xf32>
        %reduce_sum3A_676 = vector.extract %reduce_sum3A_675[15] : f32 from vector<16xf32>
        %broadcast_in_dim3A_677 = vector.broadcast %reduce_sum3A_676 : f32 to vector<16xf32>
        %exp3A_678 = math.exp %broadcast_in_dim3A_677 : vector<16xf32>
        %broadcast_in_dim3A_679 = vector.broadcast %add3A_576 : i32 to vector<16xi32>
        %mul3A_680 = arith.mulf %unpack3A_583, %exp3A_678 : vector<16xf32>
        tpu.vector_store_idx %arg16[%broadcast_in_dim3A_679, %add3A_94], %mul3A_680 : memref<64x144xf32, #tpu.memory_space<vmem>>[vector<16xi32>, vector<16xi32>], vector<16xf32>,
        %mul3A_681 = arith.mulf %unpack3A_584, %exp3A_678 : vector<16xf32>
        tpu.vector_store_idx %arg16[%broadcast_in_dim3A_679, %add3A_103], %mul3A_681 : memref<64x144xf32, #tpu.memory_space<vmem>>[vector<16xi32>, vector<16xi32>], vector<16xf32>,
        %mul3A_682 = arith.mulf %unpack3A_607, %exp3A_678 : vector<16xf32>
        tpu.vector_store_idx %arg16[%broadcast_in_dim3A_679, %add3A_112], %mul3A_682 : memref<64x144xf32, #tpu.memory_space<vmem>>[vector<16xi32>, vector<16xi32>], vector<16xf32>,
        %mul3A_683 = arith.mulf %unpack3A_608, %exp3A_678 : vector<16xf32>
        tpu.vector_store_idx %arg16[%broadcast_in_dim3A_679, %add3A_121], %mul3A_683 : memref<64x144xf32, #tpu.memory_space<vmem>>[vector<16xi32>, vector<16xi32>], vector<16xf32>,
        %mul3A_684 = arith.mulf %unpack3A_631, %exp3A_678 : vector<16xf32>
        tpu.vector_store_idx %arg16[%broadcast_in_dim3A_679, %add3A_130], %mul3A_684 : memref<64x144xf32, #tpu.memory_space<vmem>>[vector<16xi32>, vector<16xi32>], vector<16xf32>,
        %mul3A_685 = arith.mulf %unpack3A_632, %exp3A_678 : vector<16xf32>
        tpu.vector_store_idx %arg16[%broadcast_in_dim3A_679, %add3A_139], %mul3A_685 : memref<64x144xf32, #tpu.memory_space<vmem>>[vector<16xi32>, vector<16xi32>], vector<16xf32>,
        %mul3A_686 = arith.mulf %unpack3A_655, %exp3A_678 : vector<16xf32>
        tpu.vector_store_idx %arg16[%broadcast_in_dim3A_679, %add3A_148], %mul3A_686 : memref<64x144xf32, #tpu.memory_space<vmem>>[vector<16xi32>, vector<16xi32>], vector<16xf32>,
        %mul3A_687 = arith.mulf %unpack3A_656, %exp3A_678 : vector<16xf32>
        tpu.vector_store_idx %arg16[%broadcast_in_dim3A_679, %add3A_157], %mul3A_687 : memref<64x144xf32, #tpu.memory_space<vmem>>[vector<16xi32>, vector<16xi32>], vector<16xf32>,
        tpu.vector_store_idx %arg16[%broadcast_in_dim3A_679, %broadcast_in_dim3A_159], %exp3A_678 : memref<64x144xf32, #tpu.memory_space<vmem>>[vector<16xi32>, vector<16xi32>], vector<16xf32>,
        %mul3A_688 = arith.constant 4 : i32
        %mul3A_689 = arith.muli %scan3A_460, %mul3A_688 : i32
        %add3A_690 = arith.constant 2 : i32
        %add3A_691 = arith.addi %mul3A_689, %add3A_690 : i32
        %get3A_692 = arith.index_cast %add3A_691 : i32 to index
        %get3A_693 = arith.constant 0 : index
        %get3A_694 = tpu.vector_load %arg12[%get3A_692, %get3A_693] {strides = array<i32>} : memref<64x128xbf16, #tpu.memory_space<vmem>>, vector<32xbf16>,
        %get3A_695 = arith.index_cast %add3A_691 : i32 to index
        %get3A_696 = arith.constant 0 : index
        %get3A_697 = tpu.vector_load %arg14[%get3A_695, %get3A_696] {strides = array<i32>} : memref<64x128xbf16, #tpu.memory_space<vmem>>, vector<32xbf16>,
        %unpack3A_698 = tpu.unpack_subelements %get3A_694, 0 {pack_format = #tpu.pack_format<interleaved>} : vector<32xbf16> -> vector<16xf32>
        %unpack3A_699 = tpu.unpack_subelements %get3A_694, 1 {pack_format = #tpu.pack_format<interleaved>} : vector<32xbf16> -> vector<16xf32>
        %unpack3A_700 = tpu.unpack_subelements %get3A_697, 0 {pack_format = #tpu.pack_format<interleaved>} : vector<32xbf16> -> vector<16xf32>
        %unpack3A_701 = tpu.unpack_subelements %get3A_697, 1 {pack_format = #tpu.pack_format<interleaved>} : vector<32xbf16> -> vector<16xf32>
        %add3A_702 = arith.addf %unpack3A_698, %unpack3A_700 : vector<16xf32>
        %add3A_703 = arith.addf %unpack3A_699, %unpack3A_701 : vector<16xf32>
        %mul3A_704 = arith.constant 2.000000e-01 : f32
        %mul3A_705 = vector.broadcast %mul3A_704 : f32 to vector<16xf32>
        %mul3A_706 = arith.mulf %mul3A_705, %add3A_702 : vector<16xf32>
        %max3A_707 = arith.maximumf %add3A_702, %mul3A_706 : vector<16xf32>
        %mul3A_708 = arith.constant 2.000000e-01 : f32
        %mul3A_709 = vector.broadcast %mul3A_708 : f32 to vector<16xf32>
        %mul3A_710 = arith.mulf %mul3A_709, %add3A_703 : vector<16xf32>
        %max3A_711 = arith.maximumf %add3A_703, %mul3A_710 : vector<16xf32>
        %mul3A_712 = arith.mulf %max3A_707, %get3A_57 : vector<16xf32>
        %add3A_713 = arith.addf %broadcast_in_dim3A_1, %mul3A_712 : vector<16xf32>
        %mul3A_714 = arith.mulf %max3A_711, %get3A_61 : vector<16xf32>
        %add3A_715 = arith.addf %add3A_713, %mul3A_714 : vector<16xf32>
        %get3A_716 = arith.index_cast %add3A_691 : i32 to index
        %get3A_717 = arith.constant 32 : index
        %get3A_718 = tpu.vector_load %arg12[%get3A_716, %get3A_717] {strides = array<i32>} : memref<64x128xbf16, #tpu.memory_space<vmem>>, vector<32xbf16>,
        %get3A_719 = arith.index_cast %add3A_691 : i32 to index
        %get3A_720 = arith.constant 32 : index
        %get3A_721 = tpu.vector_load %arg14[%get3A_719, %get3A_720] {strides = array<i32>} : memref<64x128xbf16, #tpu.memory_space<vmem>>, vector<32xbf16>,
        %unpack3A_722 = tpu.unpack_subelements %get3A_718, 0 {pack_format = #tpu.pack_format<interleaved>} : vector<32xbf16> -> vector<16xf32>
        %unpack3A_723 = tpu.unpack_subelements %get3A_718, 1 {pack_format = #tpu.pack_format<interleaved>} : vector<32xbf16> -> vector<16xf32>
        %unpack3A_724 = tpu.unpack_subelements %get3A_721, 0 {pack_format = #tpu.pack_format<interleaved>} : vector<32xbf16> -> vector<16xf32>
        %unpack3A_725 = tpu.unpack_subelements %get3A_721, 1 {pack_format = #tpu.pack_format<interleaved>} : vector<32xbf16> -> vector<16xf32>
        %add3A_726 = arith.addf %unpack3A_722, %unpack3A_724 : vector<16xf32>
        %add3A_727 = arith.addf %unpack3A_723, %unpack3A_725 : vector<16xf32>
        %mul3A_728 = arith.constant 2.000000e-01 : f32
        %mul3A_729 = vector.broadcast %mul3A_728 : f32 to vector<16xf32>
        %mul3A_730 = arith.mulf %mul3A_729, %add3A_726 : vector<16xf32>
        %max3A_731 = arith.maximumf %add3A_726, %mul3A_730 : vector<16xf32>
        %mul3A_732 = arith.constant 2.000000e-01 : f32
        %mul3A_733 = vector.broadcast %mul3A_732 : f32 to vector<16xf32>
        %mul3A_734 = arith.mulf %mul3A_733, %add3A_727 : vector<16xf32>
        %max3A_735 = arith.maximumf %add3A_727, %mul3A_734 : vector<16xf32>
        %mul3A_736 = arith.mulf %max3A_731, %get3A_65 : vector<16xf32>
        %add3A_737 = arith.addf %add3A_715, %mul3A_736 : vector<16xf32>
        %mul3A_738 = arith.mulf %max3A_735, %get3A_69 : vector<16xf32>
        %add3A_739 = arith.addf %add3A_737, %mul3A_738 : vector<16xf32>
        %get3A_740 = arith.index_cast %add3A_691 : i32 to index
        %get3A_741 = arith.constant 64 : index
        %get3A_742 = tpu.vector_load %arg12[%get3A_740, %get3A_741] {strides = array<i32>} : memref<64x128xbf16, #tpu.memory_space<vmem>>, vector<32xbf16>,
        %get3A_743 = arith.index_cast %add3A_691 : i32 to index
        %get3A_744 = arith.constant 64 : index
        %get3A_745 = tpu.vector_load %arg14[%get3A_743, %get3A_744] {strides = array<i32>} : memref<64x128xbf16, #tpu.memory_space<vmem>>, vector<32xbf16>,
        %unpack3A_746 = tpu.unpack_subelements %get3A_742, 0 {pack_format = #tpu.pack_format<interleaved>} : vector<32xbf16> -> vector<16xf32>
        %unpack3A_747 = tpu.unpack_subelements %get3A_742, 1 {pack_format = #tpu.pack_format<interleaved>} : vector<32xbf16> -> vector<16xf32>
        %unpack3A_748 = tpu.unpack_subelements %get3A_745, 0 {pack_format = #tpu.pack_format<interleaved>} : vector<32xbf16> -> vector<16xf32>
        %unpack3A_749 = tpu.unpack_subelements %get3A_745, 1 {pack_format = #tpu.pack_format<interleaved>} : vector<32xbf16> -> vector<16xf32>
        %add3A_750 = arith.addf %unpack3A_746, %unpack3A_748 : vector<16xf32>
        %add3A_751 = arith.addf %unpack3A_747, %unpack3A_749 : vector<16xf32>
        %mul3A_752 = arith.constant 2.000000e-01 : f32
        %mul3A_753 = vector.broadcast %mul3A_752 : f32 to vector<16xf32>
        %mul3A_754 = arith.mulf %mul3A_753, %add3A_750 : vector<16xf32>
        %max3A_755 = arith.maximumf %add3A_750, %mul3A_754 : vector<16xf32>
        %mul3A_756 = arith.constant 2.000000e-01 : f32
        %mul3A_757 = vector.broadcast %mul3A_756 : f32 to vector<16xf32>
        %mul3A_758 = arith.mulf %mul3A_757, %add3A_751 : vector<16xf32>
        %max3A_759 = arith.maximumf %add3A_751, %mul3A_758 : vector<16xf32>
        %mul3A_760 = arith.mulf %max3A_755, %get3A_73 : vector<16xf32>
        %add3A_761 = arith.addf %add3A_739, %mul3A_760 : vector<16xf32>
        %mul3A_762 = arith.mulf %max3A_759, %get3A_77 : vector<16xf32>
        %add3A_763 = arith.addf %add3A_761, %mul3A_762 : vector<16xf32>
        %get3A_764 = arith.index_cast %add3A_691 : i32 to index
        %get3A_765 = arith.constant 96 : index
        %get3A_766 = tpu.vector_load %arg12[%get3A_764, %get3A_765] {strides = array<i32>} : memref<64x128xbf16, #tpu.memory_space<vmem>>, vector<32xbf16>,
        %get3A_767 = arith.index_cast %add3A_691 : i32 to index
        %get3A_768 = arith.constant 96 : index
        %get3A_769 = tpu.vector_load %arg14[%get3A_767, %get3A_768] {strides = array<i32>} : memref<64x128xbf16, #tpu.memory_space<vmem>>, vector<32xbf16>,
        %unpack3A_770 = tpu.unpack_subelements %get3A_766, 0 {pack_format = #tpu.pack_format<interleaved>} : vector<32xbf16> -> vector<16xf32>
        %unpack3A_771 = tpu.unpack_subelements %get3A_766, 1 {pack_format = #tpu.pack_format<interleaved>} : vector<32xbf16> -> vector<16xf32>
        %unpack3A_772 = tpu.unpack_subelements %get3A_769, 0 {pack_format = #tpu.pack_format<interleaved>} : vector<32xbf16> -> vector<16xf32>
        %unpack3A_773 = tpu.unpack_subelements %get3A_769, 1 {pack_format = #tpu.pack_format<interleaved>} : vector<32xbf16> -> vector<16xf32>
        %add3A_774 = arith.addf %unpack3A_770, %unpack3A_772 : vector<16xf32>
        %add3A_775 = arith.addf %unpack3A_771, %unpack3A_773 : vector<16xf32>
        %mul3A_776 = arith.constant 2.000000e-01 : f32
        %mul3A_777 = vector.broadcast %mul3A_776 : f32 to vector<16xf32>
        %mul3A_778 = arith.mulf %mul3A_777, %add3A_774 : vector<16xf32>
        %max3A_779 = arith.maximumf %add3A_774, %mul3A_778 : vector<16xf32>
        %mul3A_780 = arith.constant 2.000000e-01 : f32
        %mul3A_781 = vector.broadcast %mul3A_780 : f32 to vector<16xf32>
        %mul3A_782 = arith.mulf %mul3A_781, %add3A_775 : vector<16xf32>
        %max3A_783 = arith.maximumf %add3A_775, %mul3A_782 : vector<16xf32>
        %mul3A_784 = arith.mulf %max3A_779, %get3A_81 : vector<16xf32>
        %add3A_785 = arith.addf %add3A_763, %mul3A_784 : vector<16xf32>
        %mul3A_786 = arith.mulf %max3A_783, %get3A_85 : vector<16xf32>
        %add3A_787 = arith.addf %add3A_785, %mul3A_786 : vector<16xf32>
        %reduce_sum3A_788 = arith.constant true
        %reduce_sum3A_789 = vector.broadcast %reduce_sum3A_788 : i1 to vector<16xi1>
        %reduce_sum3A_790 = tpu.scan <sum>, %add3A_787 masked %reduce_sum3A_789 : vector<16xf32>, vector<16xi1> -> vector<16xf32>
        %reduce_sum3A_791 = vector.extract %reduce_sum3A_790[15] : f32 from vector<16xf32>
        %broadcast_in_dim3A_792 = vector.broadcast %reduce_sum3A_791 : f32 to vector<16xf32>
        %exp3A_793 = math.exp %broadcast_in_dim3A_792 : vector<16xf32>
        %broadcast_in_dim3A_794 = vector.broadcast %add3A_691 : i32 to vector<16xi32>
        %mul3A_795 = arith.mulf %unpack3A_698, %exp3A_793 : vector<16xf32>
        tpu.vector_store_idx %arg16[%broadcast_in_dim3A_794, %add3A_94], %mul3A_795 : memref<64x144xf32, #tpu.memory_space<vmem>>[vector<16xi32>, vector<16xi32>], vector<16xf32>,
        %mul3A_796 = arith.mulf %unpack3A_699, %exp3A_793 : vector<16xf32>
        tpu.vector_store_idx %arg16[%broadcast_in_dim3A_794, %add3A_103], %mul3A_796 : memref<64x144xf32, #tpu.memory_space<vmem>>[vector<16xi32>, vector<16xi32>], vector<16xf32>,
        %mul3A_797 = arith.mulf %unpack3A_722, %exp3A_793 : vector<16xf32>
        tpu.vector_store_idx %arg16[%broadcast_in_dim3A_794, %add3A_112], %mul3A_797 : memref<64x144xf32, #tpu.memory_space<vmem>>[vector<16xi32>, vector<16xi32>], vector<16xf32>,
        %mul3A_798 = arith.mulf %unpack3A_723, %exp3A_793 : vector<16xf32>
        tpu.vector_store_idx %arg16[%broadcast_in_dim3A_794, %add3A_121], %mul3A_798 : memref<64x144xf32, #tpu.memory_space<vmem>>[vector<16xi32>, vector<16xi32>], vector<16xf32>,
        %mul3A_799 = arith.mulf %unpack3A_746, %exp3A_793 : vector<16xf32>
        tpu.vector_store_idx %arg16[%broadcast_in_dim3A_794, %add3A_130], %mul3A_799 : memref<64x144xf32, #tpu.memory_space<vmem>>[vector<16xi32>, vector<16xi32>], vector<16xf32>,
        %mul3A_800 = arith.mulf %unpack3A_747, %exp3A_793 : vector<16xf32>
        tpu.vector_store_idx %arg16[%broadcast_in_dim3A_794, %add3A_139], %mul3A_800 : memref<64x144xf32, #tpu.memory_space<vmem>>[vector<16xi32>, vector<16xi32>], vector<16xf32>,
        %mul3A_801 = arith.mulf %unpack3A_770, %exp3A_793 : vector<16xf32>
        tpu.vector_store_idx %arg16[%broadcast_in_dim3A_794, %add3A_148], %mul3A_801 : memref<64x144xf32, #tpu.memory_space<vmem>>[vector<16xi32>, vector<16xi32>], vector<16xf32>,
        %mul3A_802 = arith.mulf %unpack3A_771, %exp3A_793 : vector<16xf32>
        tpu.vector_store_idx %arg16[%broadcast_in_dim3A_794, %add3A_157], %mul3A_802 : memref<64x144xf32, #tpu.memory_space<vmem>>[vector<16xi32>, vector<16xi32>], vector<16xf32>,
        tpu.vector_store_idx %arg16[%broadcast_in_dim3A_794, %broadcast_in_dim3A_159], %exp3A_793 : memref<64x144xf32, #tpu.memory_space<vmem>>[vector<16xi32>, vector<16xi32>], vector<16xf32>,
        %mul3A_803 = arith.constant 4 : i32
        %mul3A_804 = arith.muli %scan3A_460, %mul3A_803 : i32
        %add3A_805 = arith.constant 3 : i32
        %add3A_806 = arith.addi %mul3A_804, %add3A_805 : i32
        %get3A_807 = arith.index_cast %add3A_806 : i32 to index
        %get3A_808 = arith.constant 0 : index
        %get3A_809 = tpu.vector_load %arg12[%get3A_807, %get3A_808] {strides = array<i32>} : memref<64x128xbf16, #tpu.memory_space<vmem>>, vector<32xbf16>,
        %get3A_810 = arith.index_cast %add3A_806 : i32 to index
        %get3A_811 = arith.constant 0 : index
        %get3A_812 = tpu.vector_load %arg14[%get3A_810, %get3A_811] {strides = array<i32>} : memref<64x128xbf16, #tpu.memory_space<vmem>>, vector<32xbf16>,
        %unpack3A_813 = tpu.unpack_subelements %get3A_809, 0 {pack_format = #tpu.pack_format<interleaved>} : vector<32xbf16> -> vector<16xf32>
        %unpack3A_814 = tpu.unpack_subelements %get3A_809, 1 {pack_format = #tpu.pack_format<interleaved>} : vector<32xbf16> -> vector<16xf32>
        %unpack3A_815 = tpu.unpack_subelements %get3A_812, 0 {pack_format = #tpu.pack_format<interleaved>} : vector<32xbf16> -> vector<16xf32>
        %unpack3A_816 = tpu.unpack_subelements %get3A_812, 1 {pack_format = #tpu.pack_format<interleaved>} : vector<32xbf16> -> vector<16xf32>
        %add3A_817 = arith.addf %unpack3A_813, %unpack3A_815 : vector<16xf32>
        %add3A_818 = arith.addf %unpack3A_814, %unpack3A_816 : vector<16xf32>
        %mul3A_819 = arith.constant 2.000000e-01 : f32
        %mul3A_820 = vector.broadcast %mul3A_819 : f32 to vector<16xf32>
        %mul3A_821 = arith.mulf %mul3A_820, %add3A_817 : vector<16xf32>
        %max3A_822 = arith.maximumf %add3A_817, %mul3A_821 : vector<16xf32>
        %mul3A_823 = arith.constant 2.000000e-01 : f32
        %mul3A_824 = vector.broadcast %mul3A_823 : f32 to vector<16xf32>
        %mul3A_825 = arith.mulf %mul3A_824, %add3A_818 : vector<16xf32>
        %max3A_826 = arith.maximumf %add3A_818, %mul3A_825 : vector<16xf32>
        %mul3A_827 = arith.mulf %max3A_822, %get3A_57 : vector<16xf32>
        %add3A_828 = arith.addf %broadcast_in_dim3A_1, %mul3A_827 : vector<16xf32>
        %mul3A_829 = arith.mulf %max3A_826, %get3A_61 : vector<16xf32>
        %add3A_830 = arith.addf %add3A_828, %mul3A_829 : vector<16xf32>
        %get3A_831 = arith.index_cast %add3A_806 : i32 to index
        %get3A_832 = arith.constant 32 : index
        %get3A_833 = tpu.vector_load %arg12[%get3A_831, %get3A_832] {strides = array<i32>} : memref<64x128xbf16, #tpu.memory_space<vmem>>, vector<32xbf16>,
        %get3A_834 = arith.index_cast %add3A_806 : i32 to index
        %get3A_835 = arith.constant 32 : index
        %get3A_836 = tpu.vector_load %arg14[%get3A_834, %get3A_835] {strides = array<i32>} : memref<64x128xbf16, #tpu.memory_space<vmem>>, vector<32xbf16>,
        %unpack3A_837 = tpu.unpack_subelements %get3A_833, 0 {pack_format = #tpu.pack_format<interleaved>} : vector<32xbf16> -> vector<16xf32>
        %unpack3A_838 = tpu.unpack_subelements %get3A_833, 1 {pack_format = #tpu.pack_format<interleaved>} : vector<32xbf16> -> vector<16xf32>
        %unpack3A_839 = tpu.unpack_subelements %get3A_836, 0 {pack_format = #tpu.pack_format<interleaved>} : vector<32xbf16> -> vector<16xf32>
        %unpack3A_840 = tpu.unpack_subelements %get3A_836, 1 {pack_format = #tpu.pack_format<interleaved>} : vector<32xbf16> -> vector<16xf32>
        %add3A_841 = arith.addf %unpack3A_837, %unpack3A_839 : vector<16xf32>
        %add3A_842 = arith.addf %unpack3A_838, %unpack3A_840 : vector<16xf32>
        %mul3A_843 = arith.constant 2.000000e-01 : f32
        %mul3A_844 = vector.broadcast %mul3A_843 : f32 to vector<16xf32>
        %mul3A_845 = arith.mulf %mul3A_844, %add3A_841 : vector<16xf32>
        %max3A_846 = arith.maximumf %add3A_841, %mul3A_845 : vector<16xf32>
        %mul3A_847 = arith.constant 2.000000e-01 : f32
        %mul3A_848 = vector.broadcast %mul3A_847 : f32 to vector<16xf32>
        %mul3A_849 = arith.mulf %mul3A_848, %add3A_842 : vector<16xf32>
        %max3A_850 = arith.maximumf %add3A_842, %mul3A_849 : vector<16xf32>
        %mul3A_851 = arith.mulf %max3A_846, %get3A_65 : vector<16xf32>
        %add3A_852 = arith.addf %add3A_830, %mul3A_851 : vector<16xf32>
        %mul3A_853 = arith.mulf %max3A_850, %get3A_69 : vector<16xf32>
        %add3A_854 = arith.addf %add3A_852, %mul3A_853 : vector<16xf32>
        %get3A_855 = arith.index_cast %add3A_806 : i32 to index
        %get3A_856 = arith.constant 64 : index
        %get3A_857 = tpu.vector_load %arg12[%get3A_855, %get3A_856] {strides = array<i32>} : memref<64x128xbf16, #tpu.memory_space<vmem>>, vector<32xbf16>,
        %get3A_858 = arith.index_cast %add3A_806 : i32 to index
        %get3A_859 = arith.constant 64 : index
        %get3A_860 = tpu.vector_load %arg14[%get3A_858, %get3A_859] {strides = array<i32>} : memref<64x128xbf16, #tpu.memory_space<vmem>>, vector<32xbf16>,
        %unpack3A_861 = tpu.unpack_subelements %get3A_857, 0 {pack_format = #tpu.pack_format<interleaved>} : vector<32xbf16> -> vector<16xf32>
        %unpack3A_862 = tpu.unpack_subelements %get3A_857, 1 {pack_format = #tpu.pack_format<interleaved>} : vector<32xbf16> -> vector<16xf32>
        %unpack3A_863 = tpu.unpack_subelements %get3A_860, 0 {pack_format = #tpu.pack_format<interleaved>} : vector<32xbf16> -> vector<16xf32>
        %unpack3A_864 = tpu.unpack_subelements %get3A_860, 1 {pack_format = #tpu.pack_format<interleaved>} : vector<32xbf16> -> vector<16xf32>
        %add3A_865 = arith.addf %unpack3A_861, %unpack3A_863 : vector<16xf32>
        %add3A_866 = arith.addf %unpack3A_862, %unpack3A_864 : vector<16xf32>
        %mul3A_867 = arith.constant 2.000000e-01 : f32
        %mul3A_868 = vector.broadcast %mul3A_867 : f32 to vector<16xf32>
        %mul3A_869 = arith.mulf %mul3A_868, %add3A_865 : vector<16xf32>
        %max3A_870 = arith.maximumf %add3A_865, %mul3A_869 : vector<16xf32>
        %mul3A_871 = arith.constant 2.000000e-01 : f32
        %mul3A_872 = vector.broadcast %mul3A_871 : f32 to vector<16xf32>
        %mul3A_873 = arith.mulf %mul3A_872, %add3A_866 : vector<16xf32>
        %max3A_874 = arith.maximumf %add3A_866, %mul3A_873 : vector<16xf32>
        %mul3A_875 = arith.mulf %max3A_870, %get3A_73 : vector<16xf32>
        %add3A_876 = arith.addf %add3A_854, %mul3A_875 : vector<16xf32>
        %mul3A_877 = arith.mulf %max3A_874, %get3A_77 : vector<16xf32>
        %add3A_878 = arith.addf %add3A_876, %mul3A_877 : vector<16xf32>
        %get3A_879 = arith.index_cast %add3A_806 : i32 to index
        %get3A_880 = arith.constant 96 : index
        %get3A_881 = tpu.vector_load %arg12[%get3A_879, %get3A_880] {strides = array<i32>} : memref<64x128xbf16, #tpu.memory_space<vmem>>, vector<32xbf16>,
        %get3A_882 = arith.index_cast %add3A_806 : i32 to index
        %get3A_883 = arith.constant 96 : index
        %get3A_884 = tpu.vector_load %arg14[%get3A_882, %get3A_883] {strides = array<i32>} : memref<64x128xbf16, #tpu.memory_space<vmem>>, vector<32xbf16>,
        %unpack3A_885 = tpu.unpack_subelements %get3A_881, 0 {pack_format = #tpu.pack_format<interleaved>} : vector<32xbf16> -> vector<16xf32>
        %unpack3A_886 = tpu.unpack_subelements %get3A_881, 1 {pack_format = #tpu.pack_format<interleaved>} : vector<32xbf16> -> vector<16xf32>
        %unpack3A_887 = tpu.unpack_subelements %get3A_884, 0 {pack_format = #tpu.pack_format<interleaved>} : vector<32xbf16> -> vector<16xf32>
        %unpack3A_888 = tpu.unpack_subelements %get3A_884, 1 {pack_format = #tpu.pack_format<interleaved>} : vector<32xbf16> -> vector<16xf32>
        %add3A_889 = arith.addf %unpack3A_885, %unpack3A_887 : vector<16xf32>
        %add3A_890 = arith.addf %unpack3A_886, %unpack3A_888 : vector<16xf32>
        %mul3A_891 = arith.constant 2.000000e-01 : f32
        %mul3A_892 = vector.broadcast %mul3A_891 : f32 to vector<16xf32>
        %mul3A_893 = arith.mulf %mul3A_892, %add3A_889 : vector<16xf32>
        %max3A_894 = arith.maximumf %add3A_889, %mul3A_893 : vector<16xf32>
        %mul3A_895 = arith.constant 2.000000e-01 : f32
        %mul3A_896 = vector.broadcast %mul3A_895 : f32 to vector<16xf32>
        %mul3A_897 = arith.mulf %mul3A_896, %add3A_890 : vector<16xf32>
        %max3A_898 = arith.maximumf %add3A_890, %mul3A_897 : vector<16xf32>
        %mul3A_899 = arith.mulf %max3A_894, %get3A_81 : vector<16xf32>
        %add3A_900 = arith.addf %add3A_878, %mul3A_899 : vector<16xf32>
        %mul3A_901 = arith.mulf %max3A_898, %get3A_85 : vector<16xf32>
        %add3A_902 = arith.addf %add3A_900, %mul3A_901 : vector<16xf32>
        %reduce_sum3A_903 = arith.constant true
        %reduce_sum3A_904 = vector.broadcast %reduce_sum3A_903 : i1 to vector<16xi1>
        %reduce_sum3A_905 = tpu.scan <sum>, %add3A_902 masked %reduce_sum3A_904 : vector<16xf32>, vector<16xi1> -> vector<16xf32>
        %reduce_sum3A_906 = vector.extract %reduce_sum3A_905[15] : f32 from vector<16xf32>
        %broadcast_in_dim3A_907 = vector.broadcast %reduce_sum3A_906 : f32 to vector<16xf32>
        %exp3A_908 = math.exp %broadcast_in_dim3A_907 : vector<16xf32>
        %broadcast_in_dim3A_909 = vector.broadcast %add3A_806 : i32 to vector<16xi32>
        %mul3A_910 = arith.mulf %unpack3A_813, %exp3A_908 : vector<16xf32>
        tpu.vector_store_idx %arg16[%broadcast_in_dim3A_909, %add3A_94], %mul3A_910 : memref<64x144xf32, #tpu.memory_space<vmem>>[vector<16xi32>, vector<16xi32>], vector<16xf32>,
        %mul3A_911 = arith.mulf %unpack3A_814, %exp3A_908 : vector<16xf32>
        tpu.vector_store_idx %arg16[%broadcast_in_dim3A_909, %add3A_103], %mul3A_911 : memref<64x144xf32, #tpu.memory_space<vmem>>[vector<16xi32>, vector<16xi32>], vector<16xf32>,
        %mul3A_912 = arith.mulf %unpack3A_837, %exp3A_908 : vector<16xf32>
        tpu.vector_store_idx %arg16[%broadcast_in_dim3A_909, %add3A_112], %mul3A_912 : memref<64x144xf32, #tpu.memory_space<vmem>>[vector<16xi32>, vector<16xi32>], vector<16xf32>,
        %mul3A_913 = arith.mulf %unpack3A_838, %exp3A_908 : vector<16xf32>
        tpu.vector_store_idx %arg16[%broadcast_in_dim3A_909, %add3A_121], %mul3A_913 : memref<64x144xf32, #tpu.memory_space<vmem>>[vector<16xi32>, vector<16xi32>], vector<16xf32>,
        %mul3A_914 = arith.mulf %unpack3A_861, %exp3A_908 : vector<16xf32>
        tpu.vector_store_idx %arg16[%broadcast_in_dim3A_909, %add3A_130], %mul3A_914 : memref<64x144xf32, #tpu.memory_space<vmem>>[vector<16xi32>, vector<16xi32>], vector<16xf32>,
        %mul3A_915 = arith.mulf %unpack3A_862, %exp3A_908 : vector<16xf32>
        tpu.vector_store_idx %arg16[%broadcast_in_dim3A_909, %add3A_139], %mul3A_915 : memref<64x144xf32, #tpu.memory_space<vmem>>[vector<16xi32>, vector<16xi32>], vector<16xf32>,
        %mul3A_916 = arith.mulf %unpack3A_885, %exp3A_908 : vector<16xf32>
        tpu.vector_store_idx %arg16[%broadcast_in_dim3A_909, %add3A_148], %mul3A_916 : memref<64x144xf32, #tpu.memory_space<vmem>>[vector<16xi32>, vector<16xi32>], vector<16xf32>,
        %mul3A_917 = arith.mulf %unpack3A_886, %exp3A_908 : vector<16xf32>
        tpu.vector_store_idx %arg16[%broadcast_in_dim3A_909, %add3A_157], %mul3A_917 : memref<64x144xf32, #tpu.memory_space<vmem>>[vector<16xi32>, vector<16xi32>], vector<16xf32>,
        tpu.vector_store_idx %arg16[%broadcast_in_dim3A_909, %broadcast_in_dim3A_159], %exp3A_908 : memref<64x144xf32, #tpu.memory_space<vmem>>[vector<16xi32>, vector<16xi32>], vector<16xf32>,
        %scan3A_918 = arith.constant 0 : i32
        scf.yield %scan3A_918 : i32
      }
      %scan3A_353 = arith.constant 16 : i32
      %dma_start3A_354 = arith.constant 1 : i32
      %dma_start3A_355 = arith.constant 0 : i32
      %dma_start3A_356 = tpu.memref_slice %arg8[%dma_start3A_354, %dma_start3A_355] : memref<2x64xi32, #tpu.memory_space<vmem>> -> memref<1x64xi32, #tpu.memory_space<vmem>>
      %dma_start3A_357 = tpu.memref_squeeze %dma_start3A_356 : memref<1x64xi32, #tpu.memory_space<vmem>> -> memref<64xi32, #tpu.memory_space<vmem>>
      %dma_start3A_358 = arith.constant 0 : i32
      %dma_start3A_359 = arith.constant 0 : i32
      %dma_start3A_360 = tpu.memref_slice %arg18[%dma_start3A_358, %dma_start3A_359] : memref<10240x144xf32, #tpu.memory_space<vmem_shared>> -> memref<10240x144xf32, #tpu.memory_space<vmem_shared>>
      tpu.enqueue_indirect_dma source(%arg16 : memref<64x144xf32, #tpu.memory_space<vmem>>) target(%dma_start3A_360 : memref<10240x144xf32, #tpu.memory_space<vmem_shared>>) offsets(%dma_start3A_357 : memref<64xi32, #tpu.memory_space<vmem>>) semaphore(%arg22 : memref<!tpu.dma_semaphore, #tpu.memory_space<semaphore_mem>>) {add = true}
      %mul3A_361 = arith.constant 4 : i32
      %mul3A_362 = arith.muli %scan3A_265, %mul3A_361 : i32
      %add3A_363 = arith.constant 2 : i32
      %add3A_364 = arith.addi %mul3A_362, %add3A_363 : i32
      %ge3A_365 = arith.constant 2 : i32
      %ge3A_366 = arith.cmpi sge, %add3A_364, %ge3A_365 : i32
      %convert_element_type3A_367 = arith.extui %ge3A_366 : i1 to i32
      %cond3A_368 = arith.constant 0 : i32
      %cond3A_369 = arith.cmpi ne, %convert_element_type3A_367, %cond3A_368 : i32
      scf.if %cond3A_369 {
        %dma_wait3A_460 = arith.constant 0 : i32
        %dma_wait3A_461 = arith.constant 0 : i32
        %dma_wait3A_462 = arith.constant 0 : i32
        %dma_wait3A_463 = tpu.memref_slice %arg6[%dma_wait3A_460, %dma_wait3A_461, %dma_wait3A_462] : memref<2x10240x144xf32, #tpu.memory_space<hbm>> -> memref<1x64x144xf32, #tpu.memory_space<hbm>>
        %dma_wait3A_464 = tpu.memref_squeeze %dma_wait3A_463 : memref<1x64x144xf32, #tpu.memory_space<hbm>> -> memref<64x144xf32, #tpu.memory_space<hbm>>
        %dma_wait3A_465 = arith.constant 0 : i32
        %dma_wait3A_466 = arith.constant 0 : i32
        %dma_wait3A_467 = tpu.memref_slice %arg6[%dma_wait3A_460, %dma_wait3A_465, %dma_wait3A_466] : memref<2x10240x144xf32, #tpu.memory_space<hbm>> -> memref<1x64x144xf32, #tpu.memory_space<hbm>>
        %dma_wait3A_468 = tpu.memref_squeeze %dma_wait3A_467 : memref<1x64x144xf32, #tpu.memory_space<hbm>> -> memref<64x144xf32, #tpu.memory_space<hbm>>
        tpu.wait_dma2 semaphore(%arg21 : memref<!tpu.dma_semaphore, #tpu.memory_space<semaphore_mem>>) src(%dma_wait3A_468 : memref<64x144xf32, #tpu.memory_space<hbm>>) dst(%arg15 : memref<64x144xf32, #tpu.memory_space<vmem>>)
      } else {
      }
      %add3A_370 = arith.constant 1 : i32
      %add3A_371 = arith.addi %add3A_364, %add3A_370 : i32
      %lt3A_372 = arith.constant 160 : i32
      %lt3A_373 = arith.cmpi slt, %add3A_371, %lt3A_372 : i32
      %convert_element_type3A_374 = arith.extui %lt3A_373 : i1 to i32
      %cond3A_375 = arith.constant 0 : i32
      %cond3A_376 = arith.cmpi ne, %convert_element_type3A_374, %cond3A_375 : i32
      scf.if %cond3A_376 {
        %dma_wait3A_460 = arith.constant 0 : i32
        %dma_wait3A_461 = arith.constant 0 : i32
        %dma_wait3A_462 = arith.constant 0 : i32
        %dma_wait3A_463 = tpu.memref_slice %arg4[%add3A, %dma_wait3A_460, %dma_wait3A_461, %dma_wait3A_462] : memref<32x160x2x64xi32, #tpu.memory_space<hbm>> -> memref<1x1x2x64xi32, #tpu.memory_space<hbm>>
        %dma_wait3A_464 = tpu.memref_squeeze %dma_wait3A_463 : memref<1x1x2x64xi32, #tpu.memory_space<hbm>> -> memref<2x64xi32, #tpu.memory_space<hbm>>
        %dma_wait3A_465 = arith.constant 0 : i32
        %dma_wait3A_466 = arith.constant 0 : i32
        %dma_wait3A_467 = tpu.memref_slice %arg4[%add3A, %dma_wait3A_460, %dma_wait3A_465, %dma_wait3A_466] : memref<32x160x2x64xi32, #tpu.memory_space<hbm>> -> memref<1x1x2x64xi32, #tpu.memory_space<hbm>>
        %dma_wait3A_468 = tpu.memref_squeeze %dma_wait3A_467 : memref<1x1x2x64xi32, #tpu.memory_space<hbm>> -> memref<2x64xi32, #tpu.memory_space<hbm>>
        tpu.wait_dma2 semaphore(%arg26 : memref<!tpu.dma_semaphore, #tpu.memory_space<semaphore_mem>>) src(%dma_wait3A_468 : memref<2x64xi32, #tpu.memory_space<hbm>>) dst(%arg10 : memref<2x64xi32, #tpu.memory_space<vmem>>)
        %dma_start3A_469 = arith.constant 0 : i32
        %dma_start3A_470 = arith.constant 0 : i32
        %dma_start3A_471 = tpu.memref_slice %arg10[%dma_start3A_469, %dma_start3A_470] : memref<2x64xi32, #tpu.memory_space<vmem>> -> memref<1x64xi32, #tpu.memory_space<vmem>>
        %dma_start3A_472 = tpu.memref_squeeze %dma_start3A_471 : memref<1x64xi32, #tpu.memory_space<vmem>> -> memref<64xi32, #tpu.memory_space<vmem>>
        %dma_start3A_473 = arith.constant 0 : i32
        %dma_start3A_474 = arith.constant 0 : i32
        %dma_start3A_475 = tpu.memref_slice %arg2[%dma_start3A_473, %dma_start3A_474] : memref<10000x128xbf16, #tpu.memory_space<hbm>> -> memref<10000x128xbf16, #tpu.memory_space<hbm>>
        tpu.enqueue_indirect_dma source(%dma_start3A_475 : memref<10000x128xbf16, #tpu.memory_space<hbm>>) target(%arg12 : memref<64x128xbf16, #tpu.memory_space<vmem>>) offsets(%dma_start3A_472 : memref<64xi32, #tpu.memory_space<vmem>>) semaphore(%arg20 : memref<!tpu.dma_semaphore, #tpu.memory_space<semaphore_mem>>)
        %dma_start3A_476 = arith.constant 1 : i32
        %dma_start3A_477 = arith.constant 0 : i32
        %dma_start3A_478 = tpu.memref_slice %arg10[%dma_start3A_476, %dma_start3A_477] : memref<2x64xi32, #tpu.memory_space<vmem>> -> memref<1x64xi32, #tpu.memory_space<vmem>>
        %dma_start3A_479 = tpu.memref_squeeze %dma_start3A_478 : memref<1x64xi32, #tpu.memory_space<vmem>> -> memref<64xi32, #tpu.memory_space<vmem>>
        %dma_start3A_480 = arith.constant 0 : i32
        %dma_start3A_481 = arith.constant 0 : i32
        %dma_start3A_482 = tpu.memref_slice %arg3[%dma_start3A_480, %dma_start3A_481] : memref<10000x128xbf16, #tpu.memory_space<hbm>> -> memref<10000x128xbf16, #tpu.memory_space<hbm>>
        tpu.enqueue_indirect_dma source(%dma_start3A_482 : memref<10000x128xbf16, #tpu.memory_space<hbm>>) target(%arg14 : memref<64x128xbf16, #tpu.memory_space<vmem>>) offsets(%dma_start3A_479 : memref<64xi32, #tpu.memory_space<vmem>>) semaphore(%arg20 : memref<!tpu.dma_semaphore, #tpu.memory_space<semaphore_mem>>)
      } else {
      }
      %add3A_377 = arith.constant 2 : i32
      %add3A_378 = arith.addi %add3A_364, %add3A_377 : i32
      %lt3A_379 = arith.constant 160 : i32
      %lt3A_380 = arith.cmpi slt, %add3A_378, %lt3A_379 : i32
      %convert_element_type3A_381 = arith.extui %lt3A_380 : i1 to i32
      %cond3A_382 = arith.constant 0 : i32
      %cond3A_383 = arith.cmpi ne, %convert_element_type3A_381, %cond3A_382 : i32
      scf.if %cond3A_383 {
        %add3A_460 = arith.constant 2 : i32
        %add3A_461 = arith.addi %add3A_364, %add3A_460 : i32
        %dma_start3A_462 = arith.constant 0 : i32
        %dma_start3A_463 = arith.constant 0 : i32
        %dma_start3A_464 = tpu.memref_slice %arg4[%add3A, %add3A_461, %dma_start3A_462, %dma_start3A_463] : memref<32x160x2x64xi32, #tpu.memory_space<hbm>> -> memref<1x1x2x64xi32, #tpu.memory_space<hbm>>
        %dma_start3A_465 = tpu.memref_squeeze %dma_start3A_464 : memref<1x1x2x64xi32, #tpu.memory_space<hbm>> -> memref<2x64xi32, #tpu.memory_space<hbm>>
        %dma_start3A_466 = arith.constant 0 : i32
        %dma_start3A_467 = arith.constant 0 : i32
        %dma_start3A_468 = tpu.memref_slice %arg4[%add3A, %add3A_461, %dma_start3A_466, %dma_start3A_467] : memref<32x160x2x64xi32, #tpu.memory_space<hbm>> -> memref<1x1x2x64xi32, #tpu.memory_space<hbm>>
        %dma_start3A_469 = tpu.memref_squeeze %dma_start3A_468 : memref<1x1x2x64xi32, #tpu.memory_space<hbm>> -> memref<2x64xi32, #tpu.memory_space<hbm>>
        tpu.enqueue_dma source(%dma_start3A_469 : memref<2x64xi32, #tpu.memory_space<hbm>>) target(%arg7 : memref<2x64xi32, #tpu.memory_space<vmem>>) target_semaphore(%arg23 : memref<!tpu.dma_semaphore, #tpu.memory_space<semaphore_mem>>)
      } else {
      }
      %dma_wait3A_384 = arith.constant 0 : i32
      %dma_wait3A_385 = arith.constant 0 : i32
      %dma_wait3A_386 = tpu.memref_slice %arg2[%dma_wait3A_384, %dma_wait3A_385] : memref<10000x128xbf16, #tpu.memory_space<hbm>> -> memref<64x128xbf16, #tpu.memory_space<hbm>>
      %dma_wait3A_387 = arith.constant 0 : i32
      %dma_wait3A_388 = arith.constant 0 : i32
      %dma_wait3A_389 = tpu.memref_slice %arg2[%dma_wait3A_387, %dma_wait3A_388] : memref<10000x128xbf16, #tpu.memory_space<hbm>> -> memref<64x128xbf16, #tpu.memory_space<hbm>>
      tpu.wait_dma2 semaphore(%arg19 : memref<!tpu.dma_semaphore, #tpu.memory_space<semaphore_mem>>) src(%dma_wait3A_389 : memref<64x128xbf16, #tpu.memory_space<hbm>>) dst(%arg11 : memref<64x128xbf16, #tpu.memory_space<vmem>>)
      %dma_wait3A_390 = arith.constant 0 : i32
      %dma_wait3A_391 = arith.constant 0 : i32
      %dma_wait3A_392 = tpu.memref_slice %arg2[%dma_wait3A_390, %dma_wait3A_391] : memref<10000x128xbf16, #tpu.memory_space<hbm>> -> memref<64x128xbf16, #tpu.memory_space<hbm>>
      %dma_wait3A_393 = arith.constant 0 : i32
      %dma_wait3A_394 = arith.constant 0 : i32
      %dma_wait3A_395 = tpu.memref_slice %arg2[%dma_wait3A_393, %dma_wait3A_394] : memref<10000x128xbf16, #tpu.memory_space<hbm>> -> memref<64x128xbf16, #tpu.memory_space<hbm>>
      tpu.wait_dma2 semaphore(%arg19 : memref<!tpu.dma_semaphore, #tpu.memory_space<semaphore_mem>>) src(%dma_wait3A_395 : memref<64x128xbf16, #tpu.memory_space<hbm>>) dst(%arg13 : memref<64x128xbf16, #tpu.memory_space<vmem>>)
      %scan3A_396 = arith.constant 0 : i32
      %scan3A_397 = arith.constant 0 : i32
      %scan3A_398 = arith.constant 16 : i32
      %scan3A_399 = arith.addi %scan3A_397, %scan3A_398 : i32
      %scan3A_400 = arith.constant 1 : i32
      %scan3A_401 = scf.for %scan3A_460 = %scan3A_397 to %scan3A_399 step %scan3A_400 iter_args(%scan3A_461 = %scan3A_396) -> (i32)  : i32 {
        %mul3A_462 = arith.constant 4 : i32
        %mul3A_463 = arith.muli %scan3A_460, %mul3A_462 : i32
        %add3A_464 = arith.constant 0 : i32
        %add3A_465 = arith.addi %mul3A_463, %add3A_464 : i32
        %get3A_466 = arith.index_cast %add3A_465 : i32 to index
        %get3A_467 = arith.constant 0 : index
        %get3A_468 = tpu.vector_load %arg11[%get3A_466, %get3A_467] {strides = array<i32>} : memref<64x128xbf16, #tpu.memory_space<vmem>>, vector<32xbf16>,
        %get3A_469 = arith.index_cast %add3A_465 : i32 to index
        %get3A_470 = arith.constant 0 : index
        %get3A_471 = tpu.vector_load %arg13[%get3A_469, %get3A_470] {strides = array<i32>} : memref<64x128xbf16, #tpu.memory_space<vmem>>, vector<32xbf16>,
        %unpack3A = tpu.unpack_subelements %get3A_468, 0 {pack_format = #tpu.pack_format<interleaved>} : vector<32xbf16> -> vector<16xf32>
        %unpack3A_472 = tpu.unpack_subelements %get3A_468, 1 {pack_format = #tpu.pack_format<interleaved>} : vector<32xbf16> -> vector<16xf32>
        %unpack3A_473 = tpu.unpack_subelements %get3A_471, 0 {pack_format = #tpu.pack_format<interleaved>} : vector<32xbf16> -> vector<16xf32>
        %unpack3A_474 = tpu.unpack_subelements %get3A_471, 1 {pack_format = #tpu.pack_format<interleaved>} : vector<32xbf16> -> vector<16xf32>
        %add3A_475 = arith.addf %unpack3A, %unpack3A_473 : vector<16xf32>
        %add3A_476 = arith.addf %unpack3A_472, %unpack3A_474 : vector<16xf32>
        %mul3A_477 = arith.constant 2.000000e-01 : f32
        %mul3A_478 = vector.broadcast %mul3A_477 : f32 to vector<16xf32>
        %mul3A_479 = arith.mulf %mul3A_478, %add3A_475 : vector<16xf32>
        %max3A = arith.maximumf %add3A_475, %mul3A_479 : vector<16xf32>
        %mul3A_480 = arith.constant 2.000000e-01 : f32
        %mul3A_481 = vector.broadcast %mul3A_480 : f32 to vector<16xf32>
        %mul3A_482 = arith.mulf %mul3A_481, %add3A_476 : vector<16xf32>
        %max3A_483 = arith.maximumf %add3A_476, %mul3A_482 : vector<16xf32>
        %mul3A_484 = arith.mulf %max3A, %get3A_57 : vector<16xf32>
        %add3A_485 = arith.addf %broadcast_in_dim3A_1, %mul3A_484 : vector<16xf32>
        %mul3A_486 = arith.mulf %max3A_483, %get3A_61 : vector<16xf32>
        %add3A_487 = arith.addf %add3A_485, %mul3A_486 : vector<16xf32>
        %get3A_488 = arith.index_cast %add3A_465 : i32 to index
        %get3A_489 = arith.constant 32 : index
        %get3A_490 = tpu.vector_load %arg11[%get3A_488, %get3A_489] {strides = array<i32>} : memref<64x128xbf16, #tpu.memory_space<vmem>>, vector<32xbf16>,
        %get3A_491 = arith.index_cast %add3A_465 : i32 to index
        %get3A_492 = arith.constant 32 : index
        %get3A_493 = tpu.vector_load %arg13[%get3A_491, %get3A_492] {strides = array<i32>} : memref<64x128xbf16, #tpu.memory_space<vmem>>, vector<32xbf16>,
        %unpack3A_494 = tpu.unpack_subelements %get3A_490, 0 {pack_format = #tpu.pack_format<interleaved>} : vector<32xbf16> -> vector<16xf32>
        %unpack3A_495 = tpu.unpack_subelements %get3A_490, 1 {pack_format = #tpu.pack_format<interleaved>} : vector<32xbf16> -> vector<16xf32>
        %unpack3A_496 = tpu.unpack_subelements %get3A_493, 0 {pack_format = #tpu.pack_format<interleaved>} : vector<32xbf16> -> vector<16xf32>
        %unpack3A_497 = tpu.unpack_subelements %get3A_493, 1 {pack_format = #tpu.pack_format<interleaved>} : vector<32xbf16> -> vector<16xf32>
        %add3A_498 = arith.addf %unpack3A_494, %unpack3A_496 : vector<16xf32>
        %add3A_499 = arith.addf %unpack3A_495, %unpack3A_497 : vector<16xf32>
        %mul3A_500 = arith.constant 2.000000e-01 : f32
        %mul3A_501 = vector.broadcast %mul3A_500 : f32 to vector<16xf32>
        %mul3A_502 = arith.mulf %mul3A_501, %add3A_498 : vector<16xf32>
        %max3A_503 = arith.maximumf %add3A_498, %mul3A_502 : vector<16xf32>
        %mul3A_504 = arith.constant 2.000000e-01 : f32
        %mul3A_505 = vector.broadcast %mul3A_504 : f32 to vector<16xf32>
        %mul3A_506 = arith.mulf %mul3A_505, %add3A_499 : vector<16xf32>
        %max3A_507 = arith.maximumf %add3A_499, %mul3A_506 : vector<16xf32>
        %mul3A_508 = arith.mulf %max3A_503, %get3A_65 : vector<16xf32>
        %add3A_509 = arith.addf %add3A_487, %mul3A_508 : vector<16xf32>
        %mul3A_510 = arith.mulf %max3A_507, %get3A_69 : vector<16xf32>
        %add3A_511 = arith.addf %add3A_509, %mul3A_510 : vector<16xf32>
        %get3A_512 = arith.index_cast %add3A_465 : i32 to index
        %get3A_513 = arith.constant 64 : index
        %get3A_514 = tpu.vector_load %arg11[%get3A_512, %get3A_513] {strides = array<i32>} : memref<64x128xbf16, #tpu.memory_space<vmem>>, vector<32xbf16>,
        %get3A_515 = arith.index_cast %add3A_465 : i32 to index
        %get3A_516 = arith.constant 64 : index
        %get3A_517 = tpu.vector_load %arg13[%get3A_515, %get3A_516] {strides = array<i32>} : memref<64x128xbf16, #tpu.memory_space<vmem>>, vector<32xbf16>,
        %unpack3A_518 = tpu.unpack_subelements %get3A_514, 0 {pack_format = #tpu.pack_format<interleaved>} : vector<32xbf16> -> vector<16xf32>
        %unpack3A_519 = tpu.unpack_subelements %get3A_514, 1 {pack_format = #tpu.pack_format<interleaved>} : vector<32xbf16> -> vector<16xf32>
        %unpack3A_520 = tpu.unpack_subelements %get3A_517, 0 {pack_format = #tpu.pack_format<interleaved>} : vector<32xbf16> -> vector<16xf32>
        %unpack3A_521 = tpu.unpack_subelements %get3A_517, 1 {pack_format = #tpu.pack_format<interleaved>} : vector<32xbf16> -> vector<16xf32>
        %add3A_522 = arith.addf %unpack3A_518, %unpack3A_520 : vector<16xf32>
        %add3A_523 = arith.addf %unpack3A_519, %unpack3A_521 : vector<16xf32>
        %mul3A_524 = arith.constant 2.000000e-01 : f32
        %mul3A_525 = vector.broadcast %mul3A_524 : f32 to vector<16xf32>
        %mul3A_526 = arith.mulf %mul3A_525, %add3A_522 : vector<16xf32>
        %max3A_527 = arith.maximumf %add3A_522, %mul3A_526 : vector<16xf32>
        %mul3A_528 = arith.constant 2.000000e-01 : f32
        %mul3A_529 = vector.broadcast %mul3A_528 : f32 to vector<16xf32>
        %mul3A_530 = arith.mulf %mul3A_529, %add3A_523 : vector<16xf32>
        %max3A_531 = arith.maximumf %add3A_523, %mul3A_530 : vector<16xf32>
        %mul3A_532 = arith.mulf %max3A_527, %get3A_73 : vector<16xf32>
        %add3A_533 = arith.addf %add3A_511, %mul3A_532 : vector<16xf32>
        %mul3A_534 = arith.mulf %max3A_531, %get3A_77 : vector<16xf32>
        %add3A_535 = arith.addf %add3A_533, %mul3A_534 : vector<16xf32>
        %get3A_536 = arith.index_cast %add3A_465 : i32 to index
        %get3A_537 = arith.constant 96 : index
        %get3A_538 = tpu.vector_load %arg11[%get3A_536, %get3A_537] {strides = array<i32>} : memref<64x128xbf16, #tpu.memory_space<vmem>>, vector<32xbf16>,
        %get3A_539 = arith.index_cast %add3A_465 : i32 to index
        %get3A_540 = arith.constant 96 : index
        %get3A_541 = tpu.vector_load %arg13[%get3A_539, %get3A_540] {strides = array<i32>} : memref<64x128xbf16, #tpu.memory_space<vmem>>, vector<32xbf16>,
        %unpack3A_542 = tpu.unpack_subelements %get3A_538, 0 {pack_format = #tpu.pack_format<interleaved>} : vector<32xbf16> -> vector<16xf32>
        %unpack3A_543 = tpu.unpack_subelements %get3A_538, 1 {pack_format = #tpu.pack_format<interleaved>} : vector<32xbf16> -> vector<16xf32>
        %unpack3A_544 = tpu.unpack_subelements %get3A_541, 0 {pack_format = #tpu.pack_format<interleaved>} : vector<32xbf16> -> vector<16xf32>
        %unpack3A_545 = tpu.unpack_subelements %get3A_541, 1 {pack_format = #tpu.pack_format<interleaved>} : vector<32xbf16> -> vector<16xf32>
        %add3A_546 = arith.addf %unpack3A_542, %unpack3A_544 : vector<16xf32>
        %add3A_547 = arith.addf %unpack3A_543, %unpack3A_545 : vector<16xf32>
        %mul3A_548 = arith.constant 2.000000e-01 : f32
        %mul3A_549 = vector.broadcast %mul3A_548 : f32 to vector<16xf32>
        %mul3A_550 = arith.mulf %mul3A_549, %add3A_546 : vector<16xf32>
        %max3A_551 = arith.maximumf %add3A_546, %mul3A_550 : vector<16xf32>
        %mul3A_552 = arith.constant 2.000000e-01 : f32
        %mul3A_553 = vector.broadcast %mul3A_552 : f32 to vector<16xf32>
        %mul3A_554 = arith.mulf %mul3A_553, %add3A_547 : vector<16xf32>
        %max3A_555 = arith.maximumf %add3A_547, %mul3A_554 : vector<16xf32>
        %mul3A_556 = arith.mulf %max3A_551, %get3A_81 : vector<16xf32>
        %add3A_557 = arith.addf %add3A_535, %mul3A_556 : vector<16xf32>
        %mul3A_558 = arith.mulf %max3A_555, %get3A_85 : vector<16xf32>
        %add3A_559 = arith.addf %add3A_557, %mul3A_558 : vector<16xf32>
        %reduce_sum3A = arith.constant true
        %reduce_sum3A_560 = vector.broadcast %reduce_sum3A : i1 to vector<16xi1>
        %reduce_sum3A_561 = tpu.scan <sum>, %add3A_559 masked %reduce_sum3A_560 : vector<16xf32>, vector<16xi1> -> vector<16xf32>
        %reduce_sum3A_562 = vector.extract %reduce_sum3A_561[15] : f32 from vector<16xf32>
        %broadcast_in_dim3A_563 = vector.broadcast %reduce_sum3A_562 : f32 to vector<16xf32>
        %exp3A = math.exp %broadcast_in_dim3A_563 : vector<16xf32>
        %broadcast_in_dim3A_564 = vector.broadcast %add3A_465 : i32 to vector<16xi32>
        %mul3A_565 = arith.mulf %unpack3A, %exp3A : vector<16xf32>
        tpu.vector_store_idx %arg15[%broadcast_in_dim3A_564, %add3A_94], %mul3A_565 : memref<64x144xf32, #tpu.memory_space<vmem>>[vector<16xi32>, vector<16xi32>], vector<16xf32>,
        %mul3A_566 = arith.mulf %unpack3A_472, %exp3A : vector<16xf32>
        tpu.vector_store_idx %arg15[%broadcast_in_dim3A_564, %add3A_103], %mul3A_566 : memref<64x144xf32, #tpu.memory_space<vmem>>[vector<16xi32>, vector<16xi32>], vector<16xf32>,
        %mul3A_567 = arith.mulf %unpack3A_494, %exp3A : vector<16xf32>
        tpu.vector_store_idx %arg15[%broadcast_in_dim3A_564, %add3A_112], %mul3A_567 : memref<64x144xf32, #tpu.memory_space<vmem>>[vector<16xi32>, vector<16xi32>], vector<16xf32>,
        %mul3A_568 = arith.mulf %unpack3A_495, %exp3A : vector<16xf32>
        tpu.vector_store_idx %arg15[%broadcast_in_dim3A_564, %add3A_121], %mul3A_568 : memref<64x144xf32, #tpu.memory_space<vmem>>[vector<16xi32>, vector<16xi32>], vector<16xf32>,
        %mul3A_569 = arith.mulf %unpack3A_518, %exp3A : vector<16xf32>
        tpu.vector_store_idx %arg15[%broadcast_in_dim3A_564, %add3A_130], %mul3A_569 : memref<64x144xf32, #tpu.memory_space<vmem>>[vector<16xi32>, vector<16xi32>], vector<16xf32>,
        %mul3A_570 = arith.mulf %unpack3A_519, %exp3A : vector<16xf32>
        tpu.vector_store_idx %arg15[%broadcast_in_dim3A_564, %add3A_139], %mul3A_570 : memref<64x144xf32, #tpu.memory_space<vmem>>[vector<16xi32>, vector<16xi32>], vector<16xf32>,
        %mul3A_571 = arith.mulf %unpack3A_542, %exp3A : vector<16xf32>
        tpu.vector_store_idx %arg15[%broadcast_in_dim3A_564, %add3A_148], %mul3A_571 : memref<64x144xf32, #tpu.memory_space<vmem>>[vector<16xi32>, vector<16xi32>], vector<16xf32>,
        %mul3A_572 = arith.mulf %unpack3A_543, %exp3A : vector<16xf32>
        tpu.vector_store_idx %arg15[%broadcast_in_dim3A_564, %add3A_157], %mul3A_572 : memref<64x144xf32, #tpu.memory_space<vmem>>[vector<16xi32>, vector<16xi32>], vector<16xf32>,
        tpu.vector_store_idx %arg15[%broadcast_in_dim3A_564, %broadcast_in_dim3A_159], %exp3A : memref<64x144xf32, #tpu.memory_space<vmem>>[vector<16xi32>, vector<16xi32>], vector<16xf32>,
        %mul3A_573 = arith.constant 4 : i32
        %mul3A_574 = arith.muli %scan3A_460, %mul3A_573 : i32
        %add3A_575 = arith.constant 1 : i32
        %add3A_576 = arith.addi %mul3A_574, %add3A_575 : i32
        %get3A_577 = arith.index_cast %add3A_576 : i32 to index
        %get3A_578 = arith.constant 0 : index
        %get3A_579 = tpu.vector_load %arg11[%get3A_577, %get3A_578] {strides = array<i32>} : memref<64x128xbf16, #tpu.memory_space<vmem>>, vector<32xbf16>,
        %get3A_580 = arith.index_cast %add3A_576 : i32 to index
        %get3A_581 = arith.constant 0 : index
        %get3A_582 = tpu.vector_load %arg13[%get3A_580, %get3A_581] {strides = array<i32>} : memref<64x128xbf16, #tpu.memory_space<vmem>>, vector<32xbf16>,
        %unpack3A_583 = tpu.unpack_subelements %get3A_579, 0 {pack_format = #tpu.pack_format<interleaved>} : vector<32xbf16> -> vector<16xf32>
        %unpack3A_584 = tpu.unpack_subelements %get3A_579, 1 {pack_format = #tpu.pack_format<interleaved>} : vector<32xbf16> -> vector<16xf32>
        %unpack3A_585 = tpu.unpack_subelements %get3A_582, 0 {pack_format = #tpu.pack_format<interleaved>} : vector<32xbf16> -> vector<16xf32>
        %unpack3A_586 = tpu.unpack_subelements %get3A_582, 1 {pack_format = #tpu.pack_format<interleaved>} : vector<32xbf16> -> vector<16xf32>
        %add3A_587 = arith.addf %unpack3A_583, %unpack3A_585 : vector<16xf32>
        %add3A_588 = arith.addf %unpack3A_584, %unpack3A_586 : vector<16xf32>
        %mul3A_589 = arith.constant 2.000000e-01 : f32
        %mul3A_590 = vector.broadcast %mul3A_589 : f32 to vector<16xf32>
        %mul3A_591 = arith.mulf %mul3A_590, %add3A_587 : vector<16xf32>
        %max3A_592 = arith.maximumf %add3A_587, %mul3A_591 : vector<16xf32>
        %mul3A_593 = arith.constant 2.000000e-01 : f32
        %mul3A_594 = vector.broadcast %mul3A_593 : f32 to vector<16xf32>
        %mul3A_595 = arith.mulf %mul3A_594, %add3A_588 : vector<16xf32>
        %max3A_596 = arith.maximumf %add3A_588, %mul3A_595 : vector<16xf32>
        %mul3A_597 = arith.mulf %max3A_592, %get3A_57 : vector<16xf32>
        %add3A_598 = arith.addf %broadcast_in_dim3A_1, %mul3A_597 : vector<16xf32>
        %mul3A_599 = arith.mulf %max3A_596, %get3A_61 : vector<16xf32>
        %add3A_600 = arith.addf %add3A_598, %mul3A_599 : vector<16xf32>
        %get3A_601 = arith.index_cast %add3A_576 : i32 to index
        %get3A_602 = arith.constant 32 : index
        %get3A_603 = tpu.vector_load %arg11[%get3A_601, %get3A_602] {strides = array<i32>} : memref<64x128xbf16, #tpu.memory_space<vmem>>, vector<32xbf16>,
        %get3A_604 = arith.index_cast %add3A_576 : i32 to index
        %get3A_605 = arith.constant 32 : index
        %get3A_606 = tpu.vector_load %arg13[%get3A_604, %get3A_605] {strides = array<i32>} : memref<64x128xbf16, #tpu.memory_space<vmem>>, vector<32xbf16>,
        %unpack3A_607 = tpu.unpack_subelements %get3A_603, 0 {pack_format = #tpu.pack_format<interleaved>} : vector<32xbf16> -> vector<16xf32>
        %unpack3A_608 = tpu.unpack_subelements %get3A_603, 1 {pack_format = #tpu.pack_format<interleaved>} : vector<32xbf16> -> vector<16xf32>
        %unpack3A_609 = tpu.unpack_subelements %get3A_606, 0 {pack_format = #tpu.pack_format<interleaved>} : vector<32xbf16> -> vector<16xf32>
        %unpack3A_610 = tpu.unpack_subelements %get3A_606, 1 {pack_format = #tpu.pack_format<interleaved>} : vector<32xbf16> -> vector<16xf32>
        %add3A_611 = arith.addf %unpack3A_607, %unpack3A_609 : vector<16xf32>
        %add3A_612 = arith.addf %unpack3A_608, %unpack3A_610 : vector<16xf32>
        %mul3A_613 = arith.constant 2.000000e-01 : f32
        %mul3A_614 = vector.broadcast %mul3A_613 : f32 to vector<16xf32>
        %mul3A_615 = arith.mulf %mul3A_614, %add3A_611 : vector<16xf32>
        %max3A_616 = arith.maximumf %add3A_611, %mul3A_615 : vector<16xf32>
        %mul3A_617 = arith.constant 2.000000e-01 : f32
        %mul3A_618 = vector.broadcast %mul3A_617 : f32 to vector<16xf32>
        %mul3A_619 = arith.mulf %mul3A_618, %add3A_612 : vector<16xf32>
        %max3A_620 = arith.maximumf %add3A_612, %mul3A_619 : vector<16xf32>
        %mul3A_621 = arith.mulf %max3A_616, %get3A_65 : vector<16xf32>
        %add3A_622 = arith.addf %add3A_600, %mul3A_621 : vector<16xf32>
        %mul3A_623 = arith.mulf %max3A_620, %get3A_69 : vector<16xf32>
        %add3A_624 = arith.addf %add3A_622, %mul3A_623 : vector<16xf32>
        %get3A_625 = arith.index_cast %add3A_576 : i32 to index
        %get3A_626 = arith.constant 64 : index
        %get3A_627 = tpu.vector_load %arg11[%get3A_625, %get3A_626] {strides = array<i32>} : memref<64x128xbf16, #tpu.memory_space<vmem>>, vector<32xbf16>,
        %get3A_628 = arith.index_cast %add3A_576 : i32 to index
        %get3A_629 = arith.constant 64 : index
        %get3A_630 = tpu.vector_load %arg13[%get3A_628, %get3A_629] {strides = array<i32>} : memref<64x128xbf16, #tpu.memory_space<vmem>>, vector<32xbf16>,
        %unpack3A_631 = tpu.unpack_subelements %get3A_627, 0 {pack_format = #tpu.pack_format<interleaved>} : vector<32xbf16> -> vector<16xf32>
        %unpack3A_632 = tpu.unpack_subelements %get3A_627, 1 {pack_format = #tpu.pack_format<interleaved>} : vector<32xbf16> -> vector<16xf32>
        %unpack3A_633 = tpu.unpack_subelements %get3A_630, 0 {pack_format = #tpu.pack_format<interleaved>} : vector<32xbf16> -> vector<16xf32>
        %unpack3A_634 = tpu.unpack_subelements %get3A_630, 1 {pack_format = #tpu.pack_format<interleaved>} : vector<32xbf16> -> vector<16xf32>
        %add3A_635 = arith.addf %unpack3A_631, %unpack3A_633 : vector<16xf32>
        %add3A_636 = arith.addf %unpack3A_632, %unpack3A_634 : vector<16xf32>
        %mul3A_637 = arith.constant 2.000000e-01 : f32
        %mul3A_638 = vector.broadcast %mul3A_637 : f32 to vector<16xf32>
        %mul3A_639 = arith.mulf %mul3A_638, %add3A_635 : vector<16xf32>
        %max3A_640 = arith.maximumf %add3A_635, %mul3A_639 : vector<16xf32>
        %mul3A_641 = arith.constant 2.000000e-01 : f32
        %mul3A_642 = vector.broadcast %mul3A_641 : f32 to vector<16xf32>
        %mul3A_643 = arith.mulf %mul3A_642, %add3A_636 : vector<16xf32>
        %max3A_644 = arith.maximumf %add3A_636, %mul3A_643 : vector<16xf32>
        %mul3A_645 = arith.mulf %max3A_640, %get3A_73 : vector<16xf32>
        %add3A_646 = arith.addf %add3A_624, %mul3A_645 : vector<16xf32>
        %mul3A_647 = arith.mulf %max3A_644, %get3A_77 : vector<16xf32>
        %add3A_648 = arith.addf %add3A_646, %mul3A_647 : vector<16xf32>
        %get3A_649 = arith.index_cast %add3A_576 : i32 to index
        %get3A_650 = arith.constant 96 : index
        %get3A_651 = tpu.vector_load %arg11[%get3A_649, %get3A_650] {strides = array<i32>} : memref<64x128xbf16, #tpu.memory_space<vmem>>, vector<32xbf16>,
        %get3A_652 = arith.index_cast %add3A_576 : i32 to index
        %get3A_653 = arith.constant 96 : index
        %get3A_654 = tpu.vector_load %arg13[%get3A_652, %get3A_653] {strides = array<i32>} : memref<64x128xbf16, #tpu.memory_space<vmem>>, vector<32xbf16>,
        %unpack3A_655 = tpu.unpack_subelements %get3A_651, 0 {pack_format = #tpu.pack_format<interleaved>} : vector<32xbf16> -> vector<16xf32>
        %unpack3A_656 = tpu.unpack_subelements %get3A_651, 1 {pack_format = #tpu.pack_format<interleaved>} : vector<32xbf16> -> vector<16xf32>
        %unpack3A_657 = tpu.unpack_subelements %get3A_654, 0 {pack_format = #tpu.pack_format<interleaved>} : vector<32xbf16> -> vector<16xf32>
        %unpack3A_658 = tpu.unpack_subelements %get3A_654, 1 {pack_format = #tpu.pack_format<interleaved>} : vector<32xbf16> -> vector<16xf32>
        %add3A_659 = arith.addf %unpack3A_655, %unpack3A_657 : vector<16xf32>
        %add3A_660 = arith.addf %unpack3A_656, %unpack3A_658 : vector<16xf32>
        %mul3A_661 = arith.constant 2.000000e-01 : f32
        %mul3A_662 = vector.broadcast %mul3A_661 : f32 to vector<16xf32>
        %mul3A_663 = arith.mulf %mul3A_662, %add3A_659 : vector<16xf32>
        %max3A_664 = arith.maximumf %add3A_659, %mul3A_663 : vector<16xf32>
        %mul3A_665 = arith.constant 2.000000e-01 : f32
        %mul3A_666 = vector.broadcast %mul3A_665 : f32 to vector<16xf32>
        %mul3A_667 = arith.mulf %mul3A_666, %add3A_660 : vector<16xf32>
        %max3A_668 = arith.maximumf %add3A_660, %mul3A_667 : vector<16xf32>
        %mul3A_669 = arith.mulf %max3A_664, %get3A_81 : vector<16xf32>
        %add3A_670 = arith.addf %add3A_648, %mul3A_669 : vector<16xf32>
        %mul3A_671 = arith.mulf %max3A_668, %get3A_85 : vector<16xf32>
        %add3A_672 = arith.addf %add3A_670, %mul3A_671 : vector<16xf32>
        %reduce_sum3A_673 = arith.constant true
        %reduce_sum3A_674 = vector.broadcast %reduce_sum3A_673 : i1 to vector<16xi1>
        %reduce_sum3A_675 = tpu.scan <sum>, %add3A_672 masked %reduce_sum3A_674 : vector<16xf32>, vector<16xi1> -> vector<16xf32>
        %reduce_sum3A_676 = vector.extract %reduce_sum3A_675[15] : f32 from vector<16xf32>
        %broadcast_in_dim3A_677 = vector.broadcast %reduce_sum3A_676 : f32 to vector<16xf32>
        %exp3A_678 = math.exp %broadcast_in_dim3A_677 : vector<16xf32>
        %broadcast_in_dim3A_679 = vector.broadcast %add3A_576 : i32 to vector<16xi32>
        %mul3A_680 = arith.mulf %unpack3A_583, %exp3A_678 : vector<16xf32>
        tpu.vector_store_idx %arg15[%broadcast_in_dim3A_679, %add3A_94], %mul3A_680 : memref<64x144xf32, #tpu.memory_space<vmem>>[vector<16xi32>, vector<16xi32>], vector<16xf32>,
        %mul3A_681 = arith.mulf %unpack3A_584, %exp3A_678 : vector<16xf32>
        tpu.vector_store_idx %arg15[%broadcast_in_dim3A_679, %add3A_103], %mul3A_681 : memref<64x144xf32, #tpu.memory_space<vmem>>[vector<16xi32>, vector<16xi32>], vector<16xf32>,
        %mul3A_682 = arith.mulf %unpack3A_607, %exp3A_678 : vector<16xf32>
        tpu.vector_store_idx %arg15[%broadcast_in_dim3A_679, %add3A_112], %mul3A_682 : memref<64x144xf32, #tpu.memory_space<vmem>>[vector<16xi32>, vector<16xi32>], vector<16xf32>,
        %mul3A_683 = arith.mulf %unpack3A_608, %exp3A_678 : vector<16xf32>
        tpu.vector_store_idx %arg15[%broadcast_in_dim3A_679, %add3A_121], %mul3A_683 : memref<64x144xf32, #tpu.memory_space<vmem>>[vector<16xi32>, vector<16xi32>], vector<16xf32>,
        %mul3A_684 = arith.mulf %unpack3A_631, %exp3A_678 : vector<16xf32>
        tpu.vector_store_idx %arg15[%broadcast_in_dim3A_679, %add3A_130], %mul3A_684 : memref<64x144xf32, #tpu.memory_space<vmem>>[vector<16xi32>, vector<16xi32>], vector<16xf32>,
        %mul3A_685 = arith.mulf %unpack3A_632, %exp3A_678 : vector<16xf32>
        tpu.vector_store_idx %arg15[%broadcast_in_dim3A_679, %add3A_139], %mul3A_685 : memref<64x144xf32, #tpu.memory_space<vmem>>[vector<16xi32>, vector<16xi32>], vector<16xf32>,
        %mul3A_686 = arith.mulf %unpack3A_655, %exp3A_678 : vector<16xf32>
        tpu.vector_store_idx %arg15[%broadcast_in_dim3A_679, %add3A_148], %mul3A_686 : memref<64x144xf32, #tpu.memory_space<vmem>>[vector<16xi32>, vector<16xi32>], vector<16xf32>,
        %mul3A_687 = arith.mulf %unpack3A_656, %exp3A_678 : vector<16xf32>
        tpu.vector_store_idx %arg15[%broadcast_in_dim3A_679, %add3A_157], %mul3A_687 : memref<64x144xf32, #tpu.memory_space<vmem>>[vector<16xi32>, vector<16xi32>], vector<16xf32>,
        tpu.vector_store_idx %arg15[%broadcast_in_dim3A_679, %broadcast_in_dim3A_159], %exp3A_678 : memref<64x144xf32, #tpu.memory_space<vmem>>[vector<16xi32>, vector<16xi32>], vector<16xf32>,
        %mul3A_688 = arith.constant 4 : i32
        %mul3A_689 = arith.muli %scan3A_460, %mul3A_688 : i32
        %add3A_690 = arith.constant 2 : i32
        %add3A_691 = arith.addi %mul3A_689, %add3A_690 : i32
        %get3A_692 = arith.index_cast %add3A_691 : i32 to index
        %get3A_693 = arith.constant 0 : index
        %get3A_694 = tpu.vector_load %arg11[%get3A_692, %get3A_693] {strides = array<i32>} : memref<64x128xbf16, #tpu.memory_space<vmem>>, vector<32xbf16>,
        %get3A_695 = arith.index_cast %add3A_691 : i32 to index
        %get3A_696 = arith.constant 0 : index
        %get3A_697 = tpu.vector_load %arg13[%get3A_695, %get3A_696] {strides = array<i32>} : memref<64x128xbf16, #tpu.memory_space<vmem>>, vector<32xbf16>,
        %unpack3A_698 = tpu.unpack_subelements %get3A_694, 0 {pack_format = #tpu.pack_format<interleaved>} : vector<32xbf16> -> vector<16xf32>
        %unpack3A_699 = tpu.unpack_subelements %get3A_694, 1 {pack_format = #tpu.pack_format<interleaved>} : vector<32xbf16> -> vector<16xf32>
        %unpack3A_700 = tpu.unpack_subelements %get3A_697, 0 {pack_format = #tpu.pack_format<interleaved>} : vector<32xbf16> -> vector<16xf32>
        %unpack3A_701 = tpu.unpack_subelements %get3A_697, 1 {pack_format = #tpu.pack_format<interleaved>} : vector<32xbf16> -> vector<16xf32>
        %add3A_702 = arith.addf %unpack3A_698, %unpack3A_700 : vector<16xf32>
        %add3A_703 = arith.addf %unpack3A_699, %unpack3A_701 : vector<16xf32>
        %mul3A_704 = arith.constant 2.000000e-01 : f32
        %mul3A_705 = vector.broadcast %mul3A_704 : f32 to vector<16xf32>
        %mul3A_706 = arith.mulf %mul3A_705, %add3A_702 : vector<16xf32>
        %max3A_707 = arith.maximumf %add3A_702, %mul3A_706 : vector<16xf32>
        %mul3A_708 = arith.constant 2.000000e-01 : f32
        %mul3A_709 = vector.broadcast %mul3A_708 : f32 to vector<16xf32>
        %mul3A_710 = arith.mulf %mul3A_709, %add3A_703 : vector<16xf32>
        %max3A_711 = arith.maximumf %add3A_703, %mul3A_710 : vector<16xf32>
        %mul3A_712 = arith.mulf %max3A_707, %get3A_57 : vector<16xf32>
        %add3A_713 = arith.addf %broadcast_in_dim3A_1, %mul3A_712 : vector<16xf32>
        %mul3A_714 = arith.mulf %max3A_711, %get3A_61 : vector<16xf32>
        %add3A_715 = arith.addf %add3A_713, %mul3A_714 : vector<16xf32>
        %get3A_716 = arith.index_cast %add3A_691 : i32 to index
        %get3A_717 = arith.constant 32 : index
        %get3A_718 = tpu.vector_load %arg11[%get3A_716, %get3A_717] {strides = array<i32>} : memref<64x128xbf16, #tpu.memory_space<vmem>>, vector<32xbf16>,
        %get3A_719 = arith.index_cast %add3A_691 : i32 to index
        %get3A_720 = arith.constant 32 : index
        %get3A_721 = tpu.vector_load %arg13[%get3A_719, %get3A_720] {strides = array<i32>} : memref<64x128xbf16, #tpu.memory_space<vmem>>, vector<32xbf16>,
        %unpack3A_722 = tpu.unpack_subelements %get3A_718, 0 {pack_format = #tpu.pack_format<interleaved>} : vector<32xbf16> -> vector<16xf32>
        %unpack3A_723 = tpu.unpack_subelements %get3A_718, 1 {pack_format = #tpu.pack_format<interleaved>} : vector<32xbf16> -> vector<16xf32>
        %unpack3A_724 = tpu.unpack_subelements %get3A_721, 0 {pack_format = #tpu.pack_format<interleaved>} : vector<32xbf16> -> vector<16xf32>
        %unpack3A_725 = tpu.unpack_subelements %get3A_721, 1 {pack_format = #tpu.pack_format<interleaved>} : vector<32xbf16> -> vector<16xf32>
        %add3A_726 = arith.addf %unpack3A_722, %unpack3A_724 : vector<16xf32>
        %add3A_727 = arith.addf %unpack3A_723, %unpack3A_725 : vector<16xf32>
        %mul3A_728 = arith.constant 2.000000e-01 : f32
        %mul3A_729 = vector.broadcast %mul3A_728 : f32 to vector<16xf32>
        %mul3A_730 = arith.mulf %mul3A_729, %add3A_726 : vector<16xf32>
        %max3A_731 = arith.maximumf %add3A_726, %mul3A_730 : vector<16xf32>
        %mul3A_732 = arith.constant 2.000000e-01 : f32
        %mul3A_733 = vector.broadcast %mul3A_732 : f32 to vector<16xf32>
        %mul3A_734 = arith.mulf %mul3A_733, %add3A_727 : vector<16xf32>
        %max3A_735 = arith.maximumf %add3A_727, %mul3A_734 : vector<16xf32>
        %mul3A_736 = arith.mulf %max3A_731, %get3A_65 : vector<16xf32>
        %add3A_737 = arith.addf %add3A_715, %mul3A_736 : vector<16xf32>
        %mul3A_738 = arith.mulf %max3A_735, %get3A_69 : vector<16xf32>
        %add3A_739 = arith.addf %add3A_737, %mul3A_738 : vector<16xf32>
        %get3A_740 = arith.index_cast %add3A_691 : i32 to index
        %get3A_741 = arith.constant 64 : index
        %get3A_742 = tpu.vector_load %arg11[%get3A_740, %get3A_741] {strides = array<i32>} : memref<64x128xbf16, #tpu.memory_space<vmem>>, vector<32xbf16>,
        %get3A_743 = arith.index_cast %add3A_691 : i32 to index
        %get3A_744 = arith.constant 64 : index
        %get3A_745 = tpu.vector_load %arg13[%get3A_743, %get3A_744] {strides = array<i32>} : memref<64x128xbf16, #tpu.memory_space<vmem>>, vector<32xbf16>,
        %unpack3A_746 = tpu.unpack_subelements %get3A_742, 0 {pack_format = #tpu.pack_format<interleaved>} : vector<32xbf16> -> vector<16xf32>
        %unpack3A_747 = tpu.unpack_subelements %get3A_742, 1 {pack_format = #tpu.pack_format<interleaved>} : vector<32xbf16> -> vector<16xf32>
        %unpack3A_748 = tpu.unpack_subelements %get3A_745, 0 {pack_format = #tpu.pack_format<interleaved>} : vector<32xbf16> -> vector<16xf32>
        %unpack3A_749 = tpu.unpack_subelements %get3A_745, 1 {pack_format = #tpu.pack_format<interleaved>} : vector<32xbf16> -> vector<16xf32>
        %add3A_750 = arith.addf %unpack3A_746, %unpack3A_748 : vector<16xf32>
        %add3A_751 = arith.addf %unpack3A_747, %unpack3A_749 : vector<16xf32>
        %mul3A_752 = arith.constant 2.000000e-01 : f32
        %mul3A_753 = vector.broadcast %mul3A_752 : f32 to vector<16xf32>
        %mul3A_754 = arith.mulf %mul3A_753, %add3A_750 : vector<16xf32>
        %max3A_755 = arith.maximumf %add3A_750, %mul3A_754 : vector<16xf32>
        %mul3A_756 = arith.constant 2.000000e-01 : f32
        %mul3A_757 = vector.broadcast %mul3A_756 : f32 to vector<16xf32>
        %mul3A_758 = arith.mulf %mul3A_757, %add3A_751 : vector<16xf32>
        %max3A_759 = arith.maximumf %add3A_751, %mul3A_758 : vector<16xf32>
        %mul3A_760 = arith.mulf %max3A_755, %get3A_73 : vector<16xf32>
        %add3A_761 = arith.addf %add3A_739, %mul3A_760 : vector<16xf32>
        %mul3A_762 = arith.mulf %max3A_759, %get3A_77 : vector<16xf32>
        %add3A_763 = arith.addf %add3A_761, %mul3A_762 : vector<16xf32>
        %get3A_764 = arith.index_cast %add3A_691 : i32 to index
        %get3A_765 = arith.constant 96 : index
        %get3A_766 = tpu.vector_load %arg11[%get3A_764, %get3A_765] {strides = array<i32>} : memref<64x128xbf16, #tpu.memory_space<vmem>>, vector<32xbf16>,
        %get3A_767 = arith.index_cast %add3A_691 : i32 to index
        %get3A_768 = arith.constant 96 : index
        %get3A_769 = tpu.vector_load %arg13[%get3A_767, %get3A_768] {strides = array<i32>} : memref<64x128xbf16, #tpu.memory_space<vmem>>, vector<32xbf16>,
        %unpack3A_770 = tpu.unpack_subelements %get3A_766, 0 {pack_format = #tpu.pack_format<interleaved>} : vector<32xbf16> -> vector<16xf32>
        %unpack3A_771 = tpu.unpack_subelements %get3A_766, 1 {pack_format = #tpu.pack_format<interleaved>} : vector<32xbf16> -> vector<16xf32>
        %unpack3A_772 = tpu.unpack_subelements %get3A_769, 0 {pack_format = #tpu.pack_format<interleaved>} : vector<32xbf16> -> vector<16xf32>
        %unpack3A_773 = tpu.unpack_subelements %get3A_769, 1 {pack_format = #tpu.pack_format<interleaved>} : vector<32xbf16> -> vector<16xf32>
        %add3A_774 = arith.addf %unpack3A_770, %unpack3A_772 : vector<16xf32>
        %add3A_775 = arith.addf %unpack3A_771, %unpack3A_773 : vector<16xf32>
        %mul3A_776 = arith.constant 2.000000e-01 : f32
        %mul3A_777 = vector.broadcast %mul3A_776 : f32 to vector<16xf32>
        %mul3A_778 = arith.mulf %mul3A_777, %add3A_774 : vector<16xf32>
        %max3A_779 = arith.maximumf %add3A_774, %mul3A_778 : vector<16xf32>
        %mul3A_780 = arith.constant 2.000000e-01 : f32
        %mul3A_781 = vector.broadcast %mul3A_780 : f32 to vector<16xf32>
        %mul3A_782 = arith.mulf %mul3A_781, %add3A_775 : vector<16xf32>
        %max3A_783 = arith.maximumf %add3A_775, %mul3A_782 : vector<16xf32>
        %mul3A_784 = arith.mulf %max3A_779, %get3A_81 : vector<16xf32>
        %add3A_785 = arith.addf %add3A_763, %mul3A_784 : vector<16xf32>
        %mul3A_786 = arith.mulf %max3A_783, %get3A_85 : vector<16xf32>
        %add3A_787 = arith.addf %add3A_785, %mul3A_786 : vector<16xf32>
        %reduce_sum3A_788 = arith.constant true
        %reduce_sum3A_789 = vector.broadcast %reduce_sum3A_788 : i1 to vector<16xi1>
        %reduce_sum3A_790 = tpu.scan <sum>, %add3A_787 masked %reduce_sum3A_789 : vector<16xf32>, vector<16xi1> -> vector<16xf32>
        %reduce_sum3A_791 = vector.extract %reduce_sum3A_790[15] : f32 from vector<16xf32>
        %broadcast_in_dim3A_792 = vector.broadcast %reduce_sum3A_791 : f32 to vector<16xf32>
        %exp3A_793 = math.exp %broadcast_in_dim3A_792 : vector<16xf32>
        %broadcast_in_dim3A_794 = vector.broadcast %add3A_691 : i32 to vector<16xi32>
        %mul3A_795 = arith.mulf %unpack3A_698, %exp3A_793 : vector<16xf32>
        tpu.vector_store_idx %arg15[%broadcast_in_dim3A_794, %add3A_94], %mul3A_795 : memref<64x144xf32, #tpu.memory_space<vmem>>[vector<16xi32>, vector<16xi32>], vector<16xf32>,
        %mul3A_796 = arith.mulf %unpack3A_699, %exp3A_793 : vector<16xf32>
        tpu.vector_store_idx %arg15[%broadcast_in_dim3A_794, %add3A_103], %mul3A_796 : memref<64x144xf32, #tpu.memory_space<vmem>>[vector<16xi32>, vector<16xi32>], vector<16xf32>,
        %mul3A_797 = arith.mulf %unpack3A_722, %exp3A_793 : vector<16xf32>
        tpu.vector_store_idx %arg15[%broadcast_in_dim3A_794, %add3A_112], %mul3A_797 : memref<64x144xf32, #tpu.memory_space<vmem>>[vector<16xi32>, vector<16xi32>], vector<16xf32>,
        %mul3A_798 = arith.mulf %unpack3A_723, %exp3A_793 : vector<16xf32>
        tpu.vector_store_idx %arg15[%broadcast_in_dim3A_794, %add3A_121], %mul3A_798 : memref<64x144xf32, #tpu.memory_space<vmem>>[vector<16xi32>, vector<16xi32>], vector<16xf32>,
        %mul3A_799 = arith.mulf %unpack3A_746, %exp3A_793 : vector<16xf32>
        tpu.vector_store_idx %arg15[%broadcast_in_dim3A_794, %add3A_130], %mul3A_799 : memref<64x144xf32, #tpu.memory_space<vmem>>[vector<16xi32>, vector<16xi32>], vector<16xf32>,
        %mul3A_800 = arith.mulf %unpack3A_747, %exp3A_793 : vector<16xf32>
        tpu.vector_store_idx %arg15[%broadcast_in_dim3A_794, %add3A_139], %mul3A_800 : memref<64x144xf32, #tpu.memory_space<vmem>>[vector<16xi32>, vector<16xi32>], vector<16xf32>,
        %mul3A_801 = arith.mulf %unpack3A_770, %exp3A_793 : vector<16xf32>
        tpu.vector_store_idx %arg15[%broadcast_in_dim3A_794, %add3A_148], %mul3A_801 : memref<64x144xf32, #tpu.memory_space<vmem>>[vector<16xi32>, vector<16xi32>], vector<16xf32>,
        %mul3A_802 = arith.mulf %unpack3A_771, %exp3A_793 : vector<16xf32>
        tpu.vector_store_idx %arg15[%broadcast_in_dim3A_794, %add3A_157], %mul3A_802 : memref<64x144xf32, #tpu.memory_space<vmem>>[vector<16xi32>, vector<16xi32>], vector<16xf32>,
        tpu.vector_store_idx %arg15[%broadcast_in_dim3A_794, %broadcast_in_dim3A_159], %exp3A_793 : memref<64x144xf32, #tpu.memory_space<vmem>>[vector<16xi32>, vector<16xi32>], vector<16xf32>,
        %mul3A_803 = arith.constant 4 : i32
        %mul3A_804 = arith.muli %scan3A_460, %mul3A_803 : i32
        %add3A_805 = arith.constant 3 : i32
        %add3A_806 = arith.addi %mul3A_804, %add3A_805 : i32
        %get3A_807 = arith.index_cast %add3A_806 : i32 to index
        %get3A_808 = arith.constant 0 : index
        %get3A_809 = tpu.vector_load %arg11[%get3A_807, %get3A_808] {strides = array<i32>} : memref<64x128xbf16, #tpu.memory_space<vmem>>, vector<32xbf16>,
        %get3A_810 = arith.index_cast %add3A_806 : i32 to index
        %get3A_811 = arith.constant 0 : index
        %get3A_812 = tpu.vector_load %arg13[%get3A_810, %get3A_811] {strides = array<i32>} : memref<64x128xbf16, #tpu.memory_space<vmem>>, vector<32xbf16>,
        %unpack3A_813 = tpu.unpack_subelements %get3A_809, 0 {pack_format = #tpu.pack_format<interleaved>} : vector<32xbf16> -> vector<16xf32>
        %unpack3A_814 = tpu.unpack_subelements %get3A_809, 1 {pack_format = #tpu.pack_format<interleaved>} : vector<32xbf16> -> vector<16xf32>
        %unpack3A_815 = tpu.unpack_subelements %get3A_812, 0 {pack_format = #tpu.pack_format<interleaved>} : vector<32xbf16> -> vector<16xf32>
        %unpack3A_816 = tpu.unpack_subelements %get3A_812, 1 {pack_format = #tpu.pack_format<interleaved>} : vector<32xbf16> -> vector<16xf32>
        %add3A_817 = arith.addf %unpack3A_813, %unpack3A_815 : vector<16xf32>
        %add3A_818 = arith.addf %unpack3A_814, %unpack3A_816 : vector<16xf32>
        %mul3A_819 = arith.constant 2.000000e-01 : f32
        %mul3A_820 = vector.broadcast %mul3A_819 : f32 to vector<16xf32>
        %mul3A_821 = arith.mulf %mul3A_820, %add3A_817 : vector<16xf32>
        %max3A_822 = arith.maximumf %add3A_817, %mul3A_821 : vector<16xf32>
        %mul3A_823 = arith.constant 2.000000e-01 : f32
        %mul3A_824 = vector.broadcast %mul3A_823 : f32 to vector<16xf32>
        %mul3A_825 = arith.mulf %mul3A_824, %add3A_818 : vector<16xf32>
        %max3A_826 = arith.maximumf %add3A_818, %mul3A_825 : vector<16xf32>
        %mul3A_827 = arith.mulf %max3A_822, %get3A_57 : vector<16xf32>
        %add3A_828 = arith.addf %broadcast_in_dim3A_1, %mul3A_827 : vector<16xf32>
        %mul3A_829 = arith.mulf %max3A_826, %get3A_61 : vector<16xf32>
        %add3A_830 = arith.addf %add3A_828, %mul3A_829 : vector<16xf32>
        %get3A_831 = arith.index_cast %add3A_806 : i32 to index
        %get3A_832 = arith.constant 32 : index
        %get3A_833 = tpu.vector_load %arg11[%get3A_831, %get3A_832] {strides = array<i32>} : memref<64x128xbf16, #tpu.memory_space<vmem>>, vector<32xbf16>,
        %get3A_834 = arith.index_cast %add3A_806 : i32 to index
        %get3A_835 = arith.constant 32 : index
        %get3A_836 = tpu.vector_load %arg13[%get3A_834, %get3A_835] {strides = array<i32>} : memref<64x128xbf16, #tpu.memory_space<vmem>>, vector<32xbf16>,
        %unpack3A_837 = tpu.unpack_subelements %get3A_833, 0 {pack_format = #tpu.pack_format<interleaved>} : vector<32xbf16> -> vector<16xf32>
        %unpack3A_838 = tpu.unpack_subelements %get3A_833, 1 {pack_format = #tpu.pack_format<interleaved>} : vector<32xbf16> -> vector<16xf32>
        %unpack3A_839 = tpu.unpack_subelements %get3A_836, 0 {pack_format = #tpu.pack_format<interleaved>} : vector<32xbf16> -> vector<16xf32>
        %unpack3A_840 = tpu.unpack_subelements %get3A_836, 1 {pack_format = #tpu.pack_format<interleaved>} : vector<32xbf16> -> vector<16xf32>
        %add3A_841 = arith.addf %unpack3A_837, %unpack3A_839 : vector<16xf32>
        %add3A_842 = arith.addf %unpack3A_838, %unpack3A_840 : vector<16xf32>
        %mul3A_843 = arith.constant 2.000000e-01 : f32
        %mul3A_844 = vector.broadcast %mul3A_843 : f32 to vector<16xf32>
        %mul3A_845 = arith.mulf %mul3A_844, %add3A_841 : vector<16xf32>
        %max3A_846 = arith.maximumf %add3A_841, %mul3A_845 : vector<16xf32>
        %mul3A_847 = arith.constant 2.000000e-01 : f32
        %mul3A_848 = vector.broadcast %mul3A_847 : f32 to vector<16xf32>
        %mul3A_849 = arith.mulf %mul3A_848, %add3A_842 : vector<16xf32>
        %max3A_850 = arith.maximumf %add3A_842, %mul3A_849 : vector<16xf32>
        %mul3A_851 = arith.mulf %max3A_846, %get3A_65 : vector<16xf32>
        %add3A_852 = arith.addf %add3A_830, %mul3A_851 : vector<16xf32>
        %mul3A_853 = arith.mulf %max3A_850, %get3A_69 : vector<16xf32>
        %add3A_854 = arith.addf %add3A_852, %mul3A_853 : vector<16xf32>
        %get3A_855 = arith.index_cast %add3A_806 : i32 to index
        %get3A_856 = arith.constant 64 : index
        %get3A_857 = tpu.vector_load %arg11[%get3A_855, %get3A_856] {strides = array<i32>} : memref<64x128xbf16, #tpu.memory_space<vmem>>, vector<32xbf16>,
        %get3A_858 = arith.index_cast %add3A_806 : i32 to index
        %get3A_859 = arith.constant 64 : index
        %get3A_860 = tpu.vector_load %arg13[%get3A_858, %get3A_859] {strides = array<i32>} : memref<64x128xbf16, #tpu.memory_space<vmem>>, vector<32xbf16>,
        %unpack3A_861 = tpu.unpack_subelements %get3A_857, 0 {pack_format = #tpu.pack_format<interleaved>} : vector<32xbf16> -> vector<16xf32>
        %unpack3A_862 = tpu.unpack_subelements %get3A_857, 1 {pack_format = #tpu.pack_format<interleaved>} : vector<32xbf16> -> vector<16xf32>
        %unpack3A_863 = tpu.unpack_subelements %get3A_860, 0 {pack_format = #tpu.pack_format<interleaved>} : vector<32xbf16> -> vector<16xf32>
        %unpack3A_864 = tpu.unpack_subelements %get3A_860, 1 {pack_format = #tpu.pack_format<interleaved>} : vector<32xbf16> -> vector<16xf32>
        %add3A_865 = arith.addf %unpack3A_861, %unpack3A_863 : vector<16xf32>
        %add3A_866 = arith.addf %unpack3A_862, %unpack3A_864 : vector<16xf32>
        %mul3A_867 = arith.constant 2.000000e-01 : f32
        %mul3A_868 = vector.broadcast %mul3A_867 : f32 to vector<16xf32>
        %mul3A_869 = arith.mulf %mul3A_868, %add3A_865 : vector<16xf32>
        %max3A_870 = arith.maximumf %add3A_865, %mul3A_869 : vector<16xf32>
        %mul3A_871 = arith.constant 2.000000e-01 : f32
        %mul3A_872 = vector.broadcast %mul3A_871 : f32 to vector<16xf32>
        %mul3A_873 = arith.mulf %mul3A_872, %add3A_866 : vector<16xf32>
        %max3A_874 = arith.maximumf %add3A_866, %mul3A_873 : vector<16xf32>
        %mul3A_875 = arith.mulf %max3A_870, %get3A_73 : vector<16xf32>
        %add3A_876 = arith.addf %add3A_854, %mul3A_875 : vector<16xf32>
        %mul3A_877 = arith.mulf %max3A_874, %get3A_77 : vector<16xf32>
        %add3A_878 = arith.addf %add3A_876, %mul3A_877 : vector<16xf32>
        %get3A_879 = arith.index_cast %add3A_806 : i32 to index
        %get3A_880 = arith.constant 96 : index
        %get3A_881 = tpu.vector_load %arg11[%get3A_879, %get3A_880] {strides = array<i32>} : memref<64x128xbf16, #tpu.memory_space<vmem>>, vector<32xbf16>,
        %get3A_882 = arith.index_cast %add3A_806 : i32 to index
        %get3A_883 = arith.constant 96 : index
        %get3A_884 = tpu.vector_load %arg13[%get3A_882, %get3A_883] {strides = array<i32>} : memref<64x128xbf16, #tpu.memory_space<vmem>>, vector<32xbf16>,
        %unpack3A_885 = tpu.unpack_subelements %get3A_881, 0 {pack_format = #tpu.pack_format<interleaved>} : vector<32xbf16> -> vector<16xf32>
        %unpack3A_886 = tpu.unpack_subelements %get3A_881, 1 {pack_format = #tpu.pack_format<interleaved>} : vector<32xbf16> -> vector<16xf32>
        %unpack3A_887 = tpu.unpack_subelements %get3A_884, 0 {pack_format = #tpu.pack_format<interleaved>} : vector<32xbf16> -> vector<16xf32>
        %unpack3A_888 = tpu.unpack_subelements %get3A_884, 1 {pack_format = #tpu.pack_format<interleaved>} : vector<32xbf16> -> vector<16xf32>
        %add3A_889 = arith.addf %unpack3A_885, %unpack3A_887 : vector<16xf32>
        %add3A_890 = arith.addf %unpack3A_886, %unpack3A_888 : vector<16xf32>
        %mul3A_891 = arith.constant 2.000000e-01 : f32
        %mul3A_892 = vector.broadcast %mul3A_891 : f32 to vector<16xf32>
        %mul3A_893 = arith.mulf %mul3A_892, %add3A_889 : vector<16xf32>
        %max3A_894 = arith.maximumf %add3A_889, %mul3A_893 : vector<16xf32>
        %mul3A_895 = arith.constant 2.000000e-01 : f32
        %mul3A_896 = vector.broadcast %mul3A_895 : f32 to vector<16xf32>
        %mul3A_897 = arith.mulf %mul3A_896, %add3A_890 : vector<16xf32>
        %max3A_898 = arith.maximumf %add3A_890, %mul3A_897 : vector<16xf32>
        %mul3A_899 = arith.mulf %max3A_894, %get3A_81 : vector<16xf32>
        %add3A_900 = arith.addf %add3A_878, %mul3A_899 : vector<16xf32>
        %mul3A_901 = arith.mulf %max3A_898, %get3A_85 : vector<16xf32>
        %add3A_902 = arith.addf %add3A_900, %mul3A_901 : vector<16xf32>
        %reduce_sum3A_903 = arith.constant true
        %reduce_sum3A_904 = vector.broadcast %reduce_sum3A_903 : i1 to vector<16xi1>
        %reduce_sum3A_905 = tpu.scan <sum>, %add3A_902 masked %reduce_sum3A_904 : vector<16xf32>, vector<16xi1> -> vector<16xf32>
        %reduce_sum3A_906 = vector.extract %reduce_sum3A_905[15] : f32 from vector<16xf32>
        %broadcast_in_dim3A_907 = vector.broadcast %reduce_sum3A_906 : f32 to vector<16xf32>
        %exp3A_908 = math.exp %broadcast_in_dim3A_907 : vector<16xf32>
        %broadcast_in_dim3A_909 = vector.broadcast %add3A_806 : i32 to vector<16xi32>
        %mul3A_910 = arith.mulf %unpack3A_813, %exp3A_908 : vector<16xf32>
        tpu.vector_store_idx %arg15[%broadcast_in_dim3A_909, %add3A_94], %mul3A_910 : memref<64x144xf32, #tpu.memory_space<vmem>>[vector<16xi32>, vector<16xi32>], vector<16xf32>,
        %mul3A_911 = arith.mulf %unpack3A_814, %exp3A_908 : vector<16xf32>
        tpu.vector_store_idx %arg15[%broadcast_in_dim3A_909, %add3A_103], %mul3A_911 : memref<64x144xf32, #tpu.memory_space<vmem>>[vector<16xi32>, vector<16xi32>], vector<16xf32>,
        %mul3A_912 = arith.mulf %unpack3A_837, %exp3A_908 : vector<16xf32>
        tpu.vector_store_idx %arg15[%broadcast_in_dim3A_909, %add3A_112], %mul3A_912 : memref<64x144xf32, #tpu.memory_space<vmem>>[vector<16xi32>, vector<16xi32>], vector<16xf32>,
        %mul3A_913 = arith.mulf %unpack3A_838, %exp3A_908 : vector<16xf32>
        tpu.vector_store_idx %arg15[%broadcast_in_dim3A_909, %add3A_121], %mul3A_913 : memref<64x144xf32, #tpu.memory_space<vmem>>[vector<16xi32>, vector<16xi32>], vector<16xf32>,
        %mul3A_914 = arith.mulf %unpack3A_861, %exp3A_908 : vector<16xf32>
        tpu.vector_store_idx %arg15[%broadcast_in_dim3A_909, %add3A_130], %mul3A_914 : memref<64x144xf32, #tpu.memory_space<vmem>>[vector<16xi32>, vector<16xi32>], vector<16xf32>,
        %mul3A_915 = arith.mulf %unpack3A_862, %exp3A_908 : vector<16xf32>
        tpu.vector_store_idx %arg15[%broadcast_in_dim3A_909, %add3A_139], %mul3A_915 : memref<64x144xf32, #tpu.memory_space<vmem>>[vector<16xi32>, vector<16xi32>], vector<16xf32>,
        %mul3A_916 = arith.mulf %unpack3A_885, %exp3A_908 : vector<16xf32>
        tpu.vector_store_idx %arg15[%broadcast_in_dim3A_909, %add3A_148], %mul3A_916 : memref<64x144xf32, #tpu.memory_space<vmem>>[vector<16xi32>, vector<16xi32>], vector<16xf32>,
        %mul3A_917 = arith.mulf %unpack3A_886, %exp3A_908 : vector<16xf32>
        tpu.vector_store_idx %arg15[%broadcast_in_dim3A_909, %add3A_157], %mul3A_917 : memref<64x144xf32, #tpu.memory_space<vmem>>[vector<16xi32>, vector<16xi32>], vector<16xf32>,
        tpu.vector_store_idx %arg15[%broadcast_in_dim3A_909, %broadcast_in_dim3A_159], %exp3A_908 : memref<64x144xf32, #tpu.memory_space<vmem>>[vector<16xi32>, vector<16xi32>], vector<16xf32>,
        %scan3A_918 = arith.constant 0 : i32
        scf.yield %scan3A_918 : i32
      }
      %scan3A_402 = arith.constant 16 : i32
      %dma_start3A_403 = arith.constant 1 : i32
      %dma_start3A_404 = arith.constant 0 : i32
      %dma_start3A_405 = tpu.memref_slice %arg9[%dma_start3A_403, %dma_start3A_404] : memref<2x64xi32, #tpu.memory_space<vmem>> -> memref<1x64xi32, #tpu.memory_space<vmem>>
      %dma_start3A_406 = tpu.memref_squeeze %dma_start3A_405 : memref<1x64xi32, #tpu.memory_space<vmem>> -> memref<64xi32, #tpu.memory_space<vmem>>
      %dma_start3A_407 = arith.constant 0 : i32
      %dma_start3A_408 = arith.constant 0 : i32
      %dma_start3A_409 = tpu.memref_slice %arg18[%dma_start3A_407, %dma_start3A_408] : memref<10240x144xf32, #tpu.memory_space<vmem_shared>> -> memref<10240x144xf32, #tpu.memory_space<vmem_shared>>
      tpu.enqueue_indirect_dma source(%arg15 : memref<64x144xf32, #tpu.memory_space<vmem>>) target(%dma_start3A_409 : memref<10240x144xf32, #tpu.memory_space<vmem_shared>>) offsets(%dma_start3A_406 : memref<64xi32, #tpu.memory_space<vmem>>) semaphore(%arg21 : memref<!tpu.dma_semaphore, #tpu.memory_space<semaphore_mem>>) {add = true}
      %mul3A_410 = arith.constant 4 : i32
      %mul3A_411 = arith.muli %scan3A_265, %mul3A_410 : i32
      %add3A_412 = arith.constant 3 : i32
      %add3A_413 = arith.addi %mul3A_411, %add3A_412 : i32
      %ge3A_414 = arith.constant 2 : i32
      %ge3A_415 = arith.cmpi sge, %add3A_413, %ge3A_414 : i32
      %convert_element_type3A_416 = arith.extui %ge3A_415 : i1 to i32
      %cond3A_417 = arith.constant 0 : i32
      %cond3A_418 = arith.cmpi ne, %convert_element_type3A_416, %cond3A_417 : i32
      scf.if %cond3A_418 {
        %dma_wait3A_460 = arith.constant 0 : i32
        %dma_wait3A_461 = arith.constant 0 : i32
        %dma_wait3A_462 = arith.constant 0 : i32
        %dma_wait3A_463 = tpu.memref_slice %arg6[%dma_wait3A_460, %dma_wait3A_461, %dma_wait3A_462] : memref<2x10240x144xf32, #tpu.memory_space<hbm>> -> memref<1x64x144xf32, #tpu.memory_space<hbm>>
        %dma_wait3A_464 = tpu.memref_squeeze %dma_wait3A_463 : memref<1x64x144xf32, #tpu.memory_space<hbm>> -> memref<64x144xf32, #tpu.memory_space<hbm>>
        %dma_wait3A_465 = arith.constant 0 : i32
        %dma_wait3A_466 = arith.constant 0 : i32
        %dma_wait3A_467 = tpu.memref_slice %arg6[%dma_wait3A_460, %dma_wait3A_465, %dma_wait3A_466] : memref<2x10240x144xf32, #tpu.memory_space<hbm>> -> memref<1x64x144xf32, #tpu.memory_space<hbm>>
        %dma_wait3A_468 = tpu.memref_squeeze %dma_wait3A_467 : memref<1x64x144xf32, #tpu.memory_space<hbm>> -> memref<64x144xf32, #tpu.memory_space<hbm>>
        tpu.wait_dma2 semaphore(%arg22 : memref<!tpu.dma_semaphore, #tpu.memory_space<semaphore_mem>>) src(%dma_wait3A_468 : memref<64x144xf32, #tpu.memory_space<hbm>>) dst(%arg16 : memref<64x144xf32, #tpu.memory_space<vmem>>)
      } else {
      }
      %add3A_419 = arith.constant 1 : i32
      %add3A_420 = arith.addi %add3A_413, %add3A_419 : i32
      %lt3A_421 = arith.constant 160 : i32
      %lt3A_422 = arith.cmpi slt, %add3A_420, %lt3A_421 : i32
      %convert_element_type3A_423 = arith.extui %lt3A_422 : i1 to i32
      %cond3A_424 = arith.constant 0 : i32
      %cond3A_425 = arith.cmpi ne, %convert_element_type3A_423, %cond3A_424 : i32
      scf.if %cond3A_425 {
        %dma_wait3A_460 = arith.constant 0 : i32
        %dma_wait3A_461 = arith.constant 0 : i32
        %dma_wait3A_462 = arith.constant 0 : i32
        %dma_wait3A_463 = tpu.memref_slice %arg4[%add3A, %dma_wait3A_460, %dma_wait3A_461, %dma_wait3A_462] : memref<32x160x2x64xi32, #tpu.memory_space<hbm>> -> memref<1x1x2x64xi32, #tpu.memory_space<hbm>>
        %dma_wait3A_464 = tpu.memref_squeeze %dma_wait3A_463 : memref<1x1x2x64xi32, #tpu.memory_space<hbm>> -> memref<2x64xi32, #tpu.memory_space<hbm>>
        %dma_wait3A_465 = arith.constant 0 : i32
        %dma_wait3A_466 = arith.constant 0 : i32
        %dma_wait3A_467 = tpu.memref_slice %arg4[%add3A, %dma_wait3A_460, %dma_wait3A_465, %dma_wait3A_466] : memref<32x160x2x64xi32, #tpu.memory_space<hbm>> -> memref<1x1x2x64xi32, #tpu.memory_space<hbm>>
        %dma_wait3A_468 = tpu.memref_squeeze %dma_wait3A_467 : memref<1x1x2x64xi32, #tpu.memory_space<hbm>> -> memref<2x64xi32, #tpu.memory_space<hbm>>
        tpu.wait_dma2 semaphore(%arg23 : memref<!tpu.dma_semaphore, #tpu.memory_space<semaphore_mem>>) src(%dma_wait3A_468 : memref<2x64xi32, #tpu.memory_space<hbm>>) dst(%arg7 : memref<2x64xi32, #tpu.memory_space<vmem>>)
        %dma_start3A_469 = arith.constant 0 : i32
        %dma_start3A_470 = arith.constant 0 : i32
        %dma_start3A_471 = tpu.memref_slice %arg7[%dma_start3A_469, %dma_start3A_470] : memref<2x64xi32, #tpu.memory_space<vmem>> -> memref<1x64xi32, #tpu.memory_space<vmem>>
        %dma_start3A_472 = tpu.memref_squeeze %dma_start3A_471 : memref<1x64xi32, #tpu.memory_space<vmem>> -> memref<64xi32, #tpu.memory_space<vmem>>
        %dma_start3A_473 = arith.constant 0 : i32
        %dma_start3A_474 = arith.constant 0 : i32
        %dma_start3A_475 = tpu.memref_slice %arg2[%dma_start3A_473, %dma_start3A_474] : memref<10000x128xbf16, #tpu.memory_space<hbm>> -> memref<10000x128xbf16, #tpu.memory_space<hbm>>
        tpu.enqueue_indirect_dma source(%dma_start3A_475 : memref<10000x128xbf16, #tpu.memory_space<hbm>>) target(%arg11 : memref<64x128xbf16, #tpu.memory_space<vmem>>) offsets(%dma_start3A_472 : memref<64xi32, #tpu.memory_space<vmem>>) semaphore(%arg19 : memref<!tpu.dma_semaphore, #tpu.memory_space<semaphore_mem>>)
        %dma_start3A_476 = arith.constant 1 : i32
        %dma_start3A_477 = arith.constant 0 : i32
        %dma_start3A_478 = tpu.memref_slice %arg7[%dma_start3A_476, %dma_start3A_477] : memref<2x64xi32, #tpu.memory_space<vmem>> -> memref<1x64xi32, #tpu.memory_space<vmem>>
        %dma_start3A_479 = tpu.memref_squeeze %dma_start3A_478 : memref<1x64xi32, #tpu.memory_space<vmem>> -> memref<64xi32, #tpu.memory_space<vmem>>
        %dma_start3A_480 = arith.constant 0 : i32
        %dma_start3A_481 = arith.constant 0 : i32
        %dma_start3A_482 = tpu.memref_slice %arg3[%dma_start3A_480, %dma_start3A_481] : memref<10000x128xbf16, #tpu.memory_space<hbm>> -> memref<10000x128xbf16, #tpu.memory_space<hbm>>
        tpu.enqueue_indirect_dma source(%dma_start3A_482 : memref<10000x128xbf16, #tpu.memory_space<hbm>>) target(%arg13 : memref<64x128xbf16, #tpu.memory_space<vmem>>) offsets(%dma_start3A_479 : memref<64xi32, #tpu.memory_space<vmem>>) semaphore(%arg19 : memref<!tpu.dma_semaphore, #tpu.memory_space<semaphore_mem>>)
      } else {
      }
      %add3A_426 = arith.constant 2 : i32
      %add3A_427 = arith.addi %add3A_413, %add3A_426 : i32
      %lt3A_428 = arith.constant 160 : i32
      %lt3A_429 = arith.cmpi slt, %add3A_427, %lt3A_428 : i32
      %convert_element_type3A_430 = arith.extui %lt3A_429 : i1 to i32
      %cond3A_431 = arith.constant 0 : i32
      %cond3A_432 = arith.cmpi ne, %convert_element_type3A_430, %cond3A_431 : i32
      scf.if %cond3A_432 {
        %add3A_460 = arith.constant 2 : i32
        %add3A_461 = arith.addi %add3A_413, %add3A_460 : i32
        %dma_start3A_462 = arith.constant 0 : i32
        %dma_start3A_463 = arith.constant 0 : i32
        %dma_start3A_464 = tpu.memref_slice %arg4[%add3A, %add3A_461, %dma_start3A_462, %dma_start3A_463] : memref<32x160x2x64xi32, #tpu.memory_space<hbm>> -> memref<1x1x2x64xi32, #tpu.memory_space<hbm>>
        %dma_start3A_465 = tpu.memref_squeeze %dma_start3A_464 : memref<1x1x2x64xi32, #tpu.memory_space<hbm>> -> memref<2x64xi32, #tpu.memory_space<hbm>>
        %dma_start3A_466 = arith.constant 0 : i32
        %dma_start3A_467 = arith.constant 0 : i32
        %dma_start3A_468 = tpu.memref_slice %arg4[%add3A, %add3A_461, %dma_start3A_466, %dma_start3A_467] : memref<32x160x2x64xi32, #tpu.memory_space<hbm>> -> memref<1x1x2x64xi32, #tpu.memory_space<hbm>>
        %dma_start3A_469 = tpu.memref_squeeze %dma_start3A_468 : memref<1x1x2x64xi32, #tpu.memory_space<hbm>> -> memref<2x64xi32, #tpu.memory_space<hbm>>
        tpu.enqueue_dma source(%dma_start3A_469 : memref<2x64xi32, #tpu.memory_space<hbm>>) target(%arg8 : memref<2x64xi32, #tpu.memory_space<vmem>>) target_semaphore(%arg24 : memref<!tpu.dma_semaphore, #tpu.memory_space<semaphore_mem>>)
      } else {
      }
      %dma_wait3A_433 = arith.constant 0 : i32
      %dma_wait3A_434 = arith.constant 0 : i32
      %dma_wait3A_435 = tpu.memref_slice %arg2[%dma_wait3A_433, %dma_wait3A_434] : memref<10000x128xbf16, #tpu.memory_space<hbm>> -> memref<64x128xbf16, #tpu.memory_space<hbm>>
      %dma_wait3A_436 = arith.constant 0 : i32
      %dma_wait3A_437 = arith.constant 0 : i32
      %dma_wait3A_438 = tpu.memref_slice %arg2[%dma_wait3A_436, %dma_wait3A_437] : memref<10000x128xbf16, #tpu.memory_space<hbm>> -> memref<64x128xbf16, #tpu.memory_space<hbm>>
      tpu.wait_dma2 semaphore(%arg20 : memref<!tpu.dma_semaphore, #tpu.memory_space<semaphore_mem>>) src(%dma_wait3A_438 : memref<64x128xbf16, #tpu.memory_space<hbm>>) dst(%arg12 : memref<64x128xbf16, #tpu.memory_space<vmem>>)
      %dma_wait3A_439 = arith.constant 0 : i32
      %dma_wait3A_440 = arith.constant 0 : i32
      %dma_wait3A_441 = tpu.memref_slice %arg2[%dma_wait3A_439, %dma_wait3A_440] : memref<10000x128xbf16, #tpu.memory_space<hbm>> -> memref<64x128xbf16, #tpu.memory_space<hbm>>
      %dma_wait3A_442 = arith.constant 0 : i32
      %dma_wait3A_443 = arith.constant 0 : i32
      %dma_wait3A_444 = tpu.memref_slice %arg2[%dma_wait3A_442, %dma_wait3A_443] : memref<10000x128xbf16, #tpu.memory_space<hbm>> -> memref<64x128xbf16, #tpu.memory_space<hbm>>
      tpu.wait_dma2 semaphore(%arg20 : memref<!tpu.dma_semaphore, #tpu.memory_space<semaphore_mem>>) src(%dma_wait3A_444 : memref<64x128xbf16, #tpu.memory_space<hbm>>) dst(%arg14 : memref<64x128xbf16, #tpu.memory_space<vmem>>)
      %scan3A_445 = arith.constant 0 : i32
      %scan3A_446 = arith.constant 0 : i32
      %scan3A_447 = arith.constant 16 : i32
      %scan3A_448 = arith.addi %scan3A_446, %scan3A_447 : i32
      %scan3A_449 = arith.constant 1 : i32
      %scan3A_450 = scf.for %scan3A_460 = %scan3A_446 to %scan3A_448 step %scan3A_449 iter_args(%scan3A_461 = %scan3A_445) -> (i32)  : i32 {
        %mul3A_462 = arith.constant 4 : i32
        %mul3A_463 = arith.muli %scan3A_460, %mul3A_462 : i32
        %add3A_464 = arith.constant 0 : i32
        %add3A_465 = arith.addi %mul3A_463, %add3A_464 : i32
        %get3A_466 = arith.index_cast %add3A_465 : i32 to index
        %get3A_467 = arith.constant 0 : index
        %get3A_468 = tpu.vector_load %arg12[%get3A_466, %get3A_467] {strides = array<i32>} : memref<64x128xbf16, #tpu.memory_space<vmem>>, vector<32xbf16>,
        %get3A_469 = arith.index_cast %add3A_465 : i32 to index
        %get3A_470 = arith.constant 0 : index
        %get3A_471 = tpu.vector_load %arg14[%get3A_469, %get3A_470] {strides = array<i32>} : memref<64x128xbf16, #tpu.memory_space<vmem>>, vector<32xbf16>,
        %unpack3A = tpu.unpack_subelements %get3A_468, 0 {pack_format = #tpu.pack_format<interleaved>} : vector<32xbf16> -> vector<16xf32>
        %unpack3A_472 = tpu.unpack_subelements %get3A_468, 1 {pack_format = #tpu.pack_format<interleaved>} : vector<32xbf16> -> vector<16xf32>
        %unpack3A_473 = tpu.unpack_subelements %get3A_471, 0 {pack_format = #tpu.pack_format<interleaved>} : vector<32xbf16> -> vector<16xf32>
        %unpack3A_474 = tpu.unpack_subelements %get3A_471, 1 {pack_format = #tpu.pack_format<interleaved>} : vector<32xbf16> -> vector<16xf32>
        %add3A_475 = arith.addf %unpack3A, %unpack3A_473 : vector<16xf32>
        %add3A_476 = arith.addf %unpack3A_472, %unpack3A_474 : vector<16xf32>
        %mul3A_477 = arith.constant 2.000000e-01 : f32
        %mul3A_478 = vector.broadcast %mul3A_477 : f32 to vector<16xf32>
        %mul3A_479 = arith.mulf %mul3A_478, %add3A_475 : vector<16xf32>
        %max3A = arith.maximumf %add3A_475, %mul3A_479 : vector<16xf32>
        %mul3A_480 = arith.constant 2.000000e-01 : f32
        %mul3A_481 = vector.broadcast %mul3A_480 : f32 to vector<16xf32>
        %mul3A_482 = arith.mulf %mul3A_481, %add3A_476 : vector<16xf32>
        %max3A_483 = arith.maximumf %add3A_476, %mul3A_482 : vector<16xf32>
        %mul3A_484 = arith.mulf %max3A, %get3A_57 : vector<16xf32>
        %add3A_485 = arith.addf %broadcast_in_dim3A_1, %mul3A_484 : vector<16xf32>
        %mul3A_486 = arith.mulf %max3A_483, %get3A_61 : vector<16xf32>
        %add3A_487 = arith.addf %add3A_485, %mul3A_486 : vector<16xf32>
        %get3A_488 = arith.index_cast %add3A_465 : i32 to index
        %get3A_489 = arith.constant 32 : index
        %get3A_490 = tpu.vector_load %arg12[%get3A_488, %get3A_489] {strides = array<i32>} : memref<64x128xbf16, #tpu.memory_space<vmem>>, vector<32xbf16>,
        %get3A_491 = arith.index_cast %add3A_465 : i32 to index
        %get3A_492 = arith.constant 32 : index
        %get3A_493 = tpu.vector_load %arg14[%get3A_491, %get3A_492] {strides = array<i32>} : memref<64x128xbf16, #tpu.memory_space<vmem>>, vector<32xbf16>,
        %unpack3A_494 = tpu.unpack_subelements %get3A_490, 0 {pack_format = #tpu.pack_format<interleaved>} : vector<32xbf16> -> vector<16xf32>
        %unpack3A_495 = tpu.unpack_subelements %get3A_490, 1 {pack_format = #tpu.pack_format<interleaved>} : vector<32xbf16> -> vector<16xf32>
        %unpack3A_496 = tpu.unpack_subelements %get3A_493, 0 {pack_format = #tpu.pack_format<interleaved>} : vector<32xbf16> -> vector<16xf32>
        %unpack3A_497 = tpu.unpack_subelements %get3A_493, 1 {pack_format = #tpu.pack_format<interleaved>} : vector<32xbf16> -> vector<16xf32>
        %add3A_498 = arith.addf %unpack3A_494, %unpack3A_496 : vector<16xf32>
        %add3A_499 = arith.addf %unpack3A_495, %unpack3A_497 : vector<16xf32>
        %mul3A_500 = arith.constant 2.000000e-01 : f32
        %mul3A_501 = vector.broadcast %mul3A_500 : f32 to vector<16xf32>
        %mul3A_502 = arith.mulf %mul3A_501, %add3A_498 : vector<16xf32>
        %max3A_503 = arith.maximumf %add3A_498, %mul3A_502 : vector<16xf32>
        %mul3A_504 = arith.constant 2.000000e-01 : f32
        %mul3A_505 = vector.broadcast %mul3A_504 : f32 to vector<16xf32>
        %mul3A_506 = arith.mulf %mul3A_505, %add3A_499 : vector<16xf32>
        %max3A_507 = arith.maximumf %add3A_499, %mul3A_506 : vector<16xf32>
        %mul3A_508 = arith.mulf %max3A_503, %get3A_65 : vector<16xf32>
        %add3A_509 = arith.addf %add3A_487, %mul3A_508 : vector<16xf32>
        %mul3A_510 = arith.mulf %max3A_507, %get3A_69 : vector<16xf32>
        %add3A_511 = arith.addf %add3A_509, %mul3A_510 : vector<16xf32>
        %get3A_512 = arith.index_cast %add3A_465 : i32 to index
        %get3A_513 = arith.constant 64 : index
        %get3A_514 = tpu.vector_load %arg12[%get3A_512, %get3A_513] {strides = array<i32>} : memref<64x128xbf16, #tpu.memory_space<vmem>>, vector<32xbf16>,
        %get3A_515 = arith.index_cast %add3A_465 : i32 to index
        %get3A_516 = arith.constant 64 : index
        %get3A_517 = tpu.vector_load %arg14[%get3A_515, %get3A_516] {strides = array<i32>} : memref<64x128xbf16, #tpu.memory_space<vmem>>, vector<32xbf16>,
        %unpack3A_518 = tpu.unpack_subelements %get3A_514, 0 {pack_format = #tpu.pack_format<interleaved>} : vector<32xbf16> -> vector<16xf32>
        %unpack3A_519 = tpu.unpack_subelements %get3A_514, 1 {pack_format = #tpu.pack_format<interleaved>} : vector<32xbf16> -> vector<16xf32>
        %unpack3A_520 = tpu.unpack_subelements %get3A_517, 0 {pack_format = #tpu.pack_format<interleaved>} : vector<32xbf16> -> vector<16xf32>
        %unpack3A_521 = tpu.unpack_subelements %get3A_517, 1 {pack_format = #tpu.pack_format<interleaved>} : vector<32xbf16> -> vector<16xf32>
        %add3A_522 = arith.addf %unpack3A_518, %unpack3A_520 : vector<16xf32>
        %add3A_523 = arith.addf %unpack3A_519, %unpack3A_521 : vector<16xf32>
        %mul3A_524 = arith.constant 2.000000e-01 : f32
        %mul3A_525 = vector.broadcast %mul3A_524 : f32 to vector<16xf32>
        %mul3A_526 = arith.mulf %mul3A_525, %add3A_522 : vector<16xf32>
        %max3A_527 = arith.maximumf %add3A_522, %mul3A_526 : vector<16xf32>
        %mul3A_528 = arith.constant 2.000000e-01 : f32
        %mul3A_529 = vector.broadcast %mul3A_528 : f32 to vector<16xf32>
        %mul3A_530 = arith.mulf %mul3A_529, %add3A_523 : vector<16xf32>
        %max3A_531 = arith.maximumf %add3A_523, %mul3A_530 : vector<16xf32>
        %mul3A_532 = arith.mulf %max3A_527, %get3A_73 : vector<16xf32>
        %add3A_533 = arith.addf %add3A_511, %mul3A_532 : vector<16xf32>
        %mul3A_534 = arith.mulf %max3A_531, %get3A_77 : vector<16xf32>
        %add3A_535 = arith.addf %add3A_533, %mul3A_534 : vector<16xf32>
        %get3A_536 = arith.index_cast %add3A_465 : i32 to index
        %get3A_537 = arith.constant 96 : index
        %get3A_538 = tpu.vector_load %arg12[%get3A_536, %get3A_537] {strides = array<i32>} : memref<64x128xbf16, #tpu.memory_space<vmem>>, vector<32xbf16>,
        %get3A_539 = arith.index_cast %add3A_465 : i32 to index
        %get3A_540 = arith.constant 96 : index
        %get3A_541 = tpu.vector_load %arg14[%get3A_539, %get3A_540] {strides = array<i32>} : memref<64x128xbf16, #tpu.memory_space<vmem>>, vector<32xbf16>,
        %unpack3A_542 = tpu.unpack_subelements %get3A_538, 0 {pack_format = #tpu.pack_format<interleaved>} : vector<32xbf16> -> vector<16xf32>
        %unpack3A_543 = tpu.unpack_subelements %get3A_538, 1 {pack_format = #tpu.pack_format<interleaved>} : vector<32xbf16> -> vector<16xf32>
        %unpack3A_544 = tpu.unpack_subelements %get3A_541, 0 {pack_format = #tpu.pack_format<interleaved>} : vector<32xbf16> -> vector<16xf32>
        %unpack3A_545 = tpu.unpack_subelements %get3A_541, 1 {pack_format = #tpu.pack_format<interleaved>} : vector<32xbf16> -> vector<16xf32>
        %add3A_546 = arith.addf %unpack3A_542, %unpack3A_544 : vector<16xf32>
        %add3A_547 = arith.addf %unpack3A_543, %unpack3A_545 : vector<16xf32>
        %mul3A_548 = arith.constant 2.000000e-01 : f32
        %mul3A_549 = vector.broadcast %mul3A_548 : f32 to vector<16xf32>
        %mul3A_550 = arith.mulf %mul3A_549, %add3A_546 : vector<16xf32>
        %max3A_551 = arith.maximumf %add3A_546, %mul3A_550 : vector<16xf32>
        %mul3A_552 = arith.constant 2.000000e-01 : f32
        %mul3A_553 = vector.broadcast %mul3A_552 : f32 to vector<16xf32>
        %mul3A_554 = arith.mulf %mul3A_553, %add3A_547 : vector<16xf32>
        %max3A_555 = arith.maximumf %add3A_547, %mul3A_554 : vector<16xf32>
        %mul3A_556 = arith.mulf %max3A_551, %get3A_81 : vector<16xf32>
        %add3A_557 = arith.addf %add3A_535, %mul3A_556 : vector<16xf32>
        %mul3A_558 = arith.mulf %max3A_555, %get3A_85 : vector<16xf32>
        %add3A_559 = arith.addf %add3A_557, %mul3A_558 : vector<16xf32>
        %reduce_sum3A = arith.constant true
        %reduce_sum3A_560 = vector.broadcast %reduce_sum3A : i1 to vector<16xi1>
        %reduce_sum3A_561 = tpu.scan <sum>, %add3A_559 masked %reduce_sum3A_560 : vector<16xf32>, vector<16xi1> -> vector<16xf32>
        %reduce_sum3A_562 = vector.extract %reduce_sum3A_561[15] : f32 from vector<16xf32>
        %broadcast_in_dim3A_563 = vector.broadcast %reduce_sum3A_562 : f32 to vector<16xf32>
        %exp3A = math.exp %broadcast_in_dim3A_563 : vector<16xf32>
        %broadcast_in_dim3A_564 = vector.broadcast %add3A_465 : i32 to vector<16xi32>
        %mul3A_565 = arith.mulf %unpack3A, %exp3A : vector<16xf32>
        tpu.vector_store_idx %arg16[%broadcast_in_dim3A_564, %add3A_94], %mul3A_565 : memref<64x144xf32, #tpu.memory_space<vmem>>[vector<16xi32>, vector<16xi32>], vector<16xf32>,
        %mul3A_566 = arith.mulf %unpack3A_472, %exp3A : vector<16xf32>
        tpu.vector_store_idx %arg16[%broadcast_in_dim3A_564, %add3A_103], %mul3A_566 : memref<64x144xf32, #tpu.memory_space<vmem>>[vector<16xi32>, vector<16xi32>], vector<16xf32>,
        %mul3A_567 = arith.mulf %unpack3A_494, %exp3A : vector<16xf32>
        tpu.vector_store_idx %arg16[%broadcast_in_dim3A_564, %add3A_112], %mul3A_567 : memref<64x144xf32, #tpu.memory_space<vmem>>[vector<16xi32>, vector<16xi32>], vector<16xf32>,
        %mul3A_568 = arith.mulf %unpack3A_495, %exp3A : vector<16xf32>
        tpu.vector_store_idx %arg16[%broadcast_in_dim3A_564, %add3A_121], %mul3A_568 : memref<64x144xf32, #tpu.memory_space<vmem>>[vector<16xi32>, vector<16xi32>], vector<16xf32>,
        %mul3A_569 = arith.mulf %unpack3A_518, %exp3A : vector<16xf32>
        tpu.vector_store_idx %arg16[%broadcast_in_dim3A_564, %add3A_130], %mul3A_569 : memref<64x144xf32, #tpu.memory_space<vmem>>[vector<16xi32>, vector<16xi32>], vector<16xf32>,
        %mul3A_570 = arith.mulf %unpack3A_519, %exp3A : vector<16xf32>
        tpu.vector_store_idx %arg16[%broadcast_in_dim3A_564, %add3A_139], %mul3A_570 : memref<64x144xf32, #tpu.memory_space<vmem>>[vector<16xi32>, vector<16xi32>], vector<16xf32>,
        %mul3A_571 = arith.mulf %unpack3A_542, %exp3A : vector<16xf32>
        tpu.vector_store_idx %arg16[%broadcast_in_dim3A_564, %add3A_148], %mul3A_571 : memref<64x144xf32, #tpu.memory_space<vmem>>[vector<16xi32>, vector<16xi32>], vector<16xf32>,
        %mul3A_572 = arith.mulf %unpack3A_543, %exp3A : vector<16xf32>
        tpu.vector_store_idx %arg16[%broadcast_in_dim3A_564, %add3A_157], %mul3A_572 : memref<64x144xf32, #tpu.memory_space<vmem>>[vector<16xi32>, vector<16xi32>], vector<16xf32>,
        tpu.vector_store_idx %arg16[%broadcast_in_dim3A_564, %broadcast_in_dim3A_159], %exp3A : memref<64x144xf32, #tpu.memory_space<vmem>>[vector<16xi32>, vector<16xi32>], vector<16xf32>,
        %mul3A_573 = arith.constant 4 : i32
        %mul3A_574 = arith.muli %scan3A_460, %mul3A_573 : i32
        %add3A_575 = arith.constant 1 : i32
        %add3A_576 = arith.addi %mul3A_574, %add3A_575 : i32
        %get3A_577 = arith.index_cast %add3A_576 : i32 to index
        %get3A_578 = arith.constant 0 : index
        %get3A_579 = tpu.vector_load %arg12[%get3A_577, %get3A_578] {strides = array<i32>} : memref<64x128xbf16, #tpu.memory_space<vmem>>, vector<32xbf16>,
        %get3A_580 = arith.index_cast %add3A_576 : i32 to index
        %get3A_581 = arith.constant 0 : index
        %get3A_582 = tpu.vector_load %arg14[%get3A_580, %get3A_581] {strides = array<i32>} : memref<64x128xbf16, #tpu.memory_space<vmem>>, vector<32xbf16>,
        %unpack3A_583 = tpu.unpack_subelements %get3A_579, 0 {pack_format = #tpu.pack_format<interleaved>} : vector<32xbf16> -> vector<16xf32>
        %unpack3A_584 = tpu.unpack_subelements %get3A_579, 1 {pack_format = #tpu.pack_format<interleaved>} : vector<32xbf16> -> vector<16xf32>
        %unpack3A_585 = tpu.unpack_subelements %get3A_582, 0 {pack_format = #tpu.pack_format<interleaved>} : vector<32xbf16> -> vector<16xf32>
        %unpack3A_586 = tpu.unpack_subelements %get3A_582, 1 {pack_format = #tpu.pack_format<interleaved>} : vector<32xbf16> -> vector<16xf32>
        %add3A_587 = arith.addf %unpack3A_583, %unpack3A_585 : vector<16xf32>
        %add3A_588 = arith.addf %unpack3A_584, %unpack3A_586 : vector<16xf32>
        %mul3A_589 = arith.constant 2.000000e-01 : f32
        %mul3A_590 = vector.broadcast %mul3A_589 : f32 to vector<16xf32>
        %mul3A_591 = arith.mulf %mul3A_590, %add3A_587 : vector<16xf32>
        %max3A_592 = arith.maximumf %add3A_587, %mul3A_591 : vector<16xf32>
        %mul3A_593 = arith.constant 2.000000e-01 : f32
        %mul3A_594 = vector.broadcast %mul3A_593 : f32 to vector<16xf32>
        %mul3A_595 = arith.mulf %mul3A_594, %add3A_588 : vector<16xf32>
        %max3A_596 = arith.maximumf %add3A_588, %mul3A_595 : vector<16xf32>
        %mul3A_597 = arith.mulf %max3A_592, %get3A_57 : vector<16xf32>
        %add3A_598 = arith.addf %broadcast_in_dim3A_1, %mul3A_597 : vector<16xf32>
        %mul3A_599 = arith.mulf %max3A_596, %get3A_61 : vector<16xf32>
        %add3A_600 = arith.addf %add3A_598, %mul3A_599 : vector<16xf32>
        %get3A_601 = arith.index_cast %add3A_576 : i32 to index
        %get3A_602 = arith.constant 32 : index
        %get3A_603 = tpu.vector_load %arg12[%get3A_601, %get3A_602] {strides = array<i32>} : memref<64x128xbf16, #tpu.memory_space<vmem>>, vector<32xbf16>,
        %get3A_604 = arith.index_cast %add3A_576 : i32 to index
        %get3A_605 = arith.constant 32 : index
        %get3A_606 = tpu.vector_load %arg14[%get3A_604, %get3A_605] {strides = array<i32>} : memref<64x128xbf16, #tpu.memory_space<vmem>>, vector<32xbf16>,
        %unpack3A_607 = tpu.unpack_subelements %get3A_603, 0 {pack_format = #tpu.pack_format<interleaved>} : vector<32xbf16> -> vector<16xf32>
        %unpack3A_608 = tpu.unpack_subelements %get3A_603, 1 {pack_format = #tpu.pack_format<interleaved>} : vector<32xbf16> -> vector<16xf32>
        %unpack3A_609 = tpu.unpack_subelements %get3A_606, 0 {pack_format = #tpu.pack_format<interleaved>} : vector<32xbf16> -> vector<16xf32>
        %unpack3A_610 = tpu.unpack_subelements %get3A_606, 1 {pack_format = #tpu.pack_format<interleaved>} : vector<32xbf16> -> vector<16xf32>
        %add3A_611 = arith.addf %unpack3A_607, %unpack3A_609 : vector<16xf32>
        %add3A_612 = arith.addf %unpack3A_608, %unpack3A_610 : vector<16xf32>
        %mul3A_613 = arith.constant 2.000000e-01 : f32
        %mul3A_614 = vector.broadcast %mul3A_613 : f32 to vector<16xf32>
        %mul3A_615 = arith.mulf %mul3A_614, %add3A_611 : vector<16xf32>
        %max3A_616 = arith.maximumf %add3A_611, %mul3A_615 : vector<16xf32>
        %mul3A_617 = arith.constant 2.000000e-01 : f32
        %mul3A_618 = vector.broadcast %mul3A_617 : f32 to vector<16xf32>
        %mul3A_619 = arith.mulf %mul3A_618, %add3A_612 : vector<16xf32>
        %max3A_620 = arith.maximumf %add3A_612, %mul3A_619 : vector<16xf32>
        %mul3A_621 = arith.mulf %max3A_616, %get3A_65 : vector<16xf32>
        %add3A_622 = arith.addf %add3A_600, %mul3A_621 : vector<16xf32>
        %mul3A_623 = arith.mulf %max3A_620, %get3A_69 : vector<16xf32>
        %add3A_624 = arith.addf %add3A_622, %mul3A_623 : vector<16xf32>
        %get3A_625 = arith.index_cast %add3A_576 : i32 to index
        %get3A_626 = arith.constant 64 : index
        %get3A_627 = tpu.vector_load %arg12[%get3A_625, %get3A_626] {strides = array<i32>} : memref<64x128xbf16, #tpu.memory_space<vmem>>, vector<32xbf16>,
        %get3A_628 = arith.index_cast %add3A_576 : i32 to index
        %get3A_629 = arith.constant 64 : index
        %get3A_630 = tpu.vector_load %arg14[%get3A_628, %get3A_629] {strides = array<i32>} : memref<64x128xbf16, #tpu.memory_space<vmem>>, vector<32xbf16>,
        %unpack3A_631 = tpu.unpack_subelements %get3A_627, 0 {pack_format = #tpu.pack_format<interleaved>} : vector<32xbf16> -> vector<16xf32>
        %unpack3A_632 = tpu.unpack_subelements %get3A_627, 1 {pack_format = #tpu.pack_format<interleaved>} : vector<32xbf16> -> vector<16xf32>
        %unpack3A_633 = tpu.unpack_subelements %get3A_630, 0 {pack_format = #tpu.pack_format<interleaved>} : vector<32xbf16> -> vector<16xf32>
        %unpack3A_634 = tpu.unpack_subelements %get3A_630, 1 {pack_format = #tpu.pack_format<interleaved>} : vector<32xbf16> -> vector<16xf32>
        %add3A_635 = arith.addf %unpack3A_631, %unpack3A_633 : vector<16xf32>
        %add3A_636 = arith.addf %unpack3A_632, %unpack3A_634 : vector<16xf32>
        %mul3A_637 = arith.constant 2.000000e-01 : f32
        %mul3A_638 = vector.broadcast %mul3A_637 : f32 to vector<16xf32>
        %mul3A_639 = arith.mulf %mul3A_638, %add3A_635 : vector<16xf32>
        %max3A_640 = arith.maximumf %add3A_635, %mul3A_639 : vector<16xf32>
        %mul3A_641 = arith.constant 2.000000e-01 : f32
        %mul3A_642 = vector.broadcast %mul3A_641 : f32 to vector<16xf32>
        %mul3A_643 = arith.mulf %mul3A_642, %add3A_636 : vector<16xf32>
        %max3A_644 = arith.maximumf %add3A_636, %mul3A_643 : vector<16xf32>
        %mul3A_645 = arith.mulf %max3A_640, %get3A_73 : vector<16xf32>
        %add3A_646 = arith.addf %add3A_624, %mul3A_645 : vector<16xf32>
        %mul3A_647 = arith.mulf %max3A_644, %get3A_77 : vector<16xf32>
        %add3A_648 = arith.addf %add3A_646, %mul3A_647 : vector<16xf32>
        %get3A_649 = arith.index_cast %add3A_576 : i32 to index
        %get3A_650 = arith.constant 96 : index
        %get3A_651 = tpu.vector_load %arg12[%get3A_649, %get3A_650] {strides = array<i32>} : memref<64x128xbf16, #tpu.memory_space<vmem>>, vector<32xbf16>,
        %get3A_652 = arith.index_cast %add3A_576 : i32 to index
        %get3A_653 = arith.constant 96 : index
        %get3A_654 = tpu.vector_load %arg14[%get3A_652, %get3A_653] {strides = array<i32>} : memref<64x128xbf16, #tpu.memory_space<vmem>>, vector<32xbf16>,
        %unpack3A_655 = tpu.unpack_subelements %get3A_651, 0 {pack_format = #tpu.pack_format<interleaved>} : vector<32xbf16> -> vector<16xf32>
        %unpack3A_656 = tpu.unpack_subelements %get3A_651, 1 {pack_format = #tpu.pack_format<interleaved>} : vector<32xbf16> -> vector<16xf32>
        %unpack3A_657 = tpu.unpack_subelements %get3A_654, 0 {pack_format = #tpu.pack_format<interleaved>} : vector<32xbf16> -> vector<16xf32>
        %unpack3A_658 = tpu.unpack_subelements %get3A_654, 1 {pack_format = #tpu.pack_format<interleaved>} : vector<32xbf16> -> vector<16xf32>
        %add3A_659 = arith.addf %unpack3A_655, %unpack3A_657 : vector<16xf32>
        %add3A_660 = arith.addf %unpack3A_656, %unpack3A_658 : vector<16xf32>
        %mul3A_661 = arith.constant 2.000000e-01 : f32
        %mul3A_662 = vector.broadcast %mul3A_661 : f32 to vector<16xf32>
        %mul3A_663 = arith.mulf %mul3A_662, %add3A_659 : vector<16xf32>
        %max3A_664 = arith.maximumf %add3A_659, %mul3A_663 : vector<16xf32>
        %mul3A_665 = arith.constant 2.000000e-01 : f32
        %mul3A_666 = vector.broadcast %mul3A_665 : f32 to vector<16xf32>
        %mul3A_667 = arith.mulf %mul3A_666, %add3A_660 : vector<16xf32>
        %max3A_668 = arith.maximumf %add3A_660, %mul3A_667 : vector<16xf32>
        %mul3A_669 = arith.mulf %max3A_664, %get3A_81 : vector<16xf32>
        %add3A_670 = arith.addf %add3A_648, %mul3A_669 : vector<16xf32>
        %mul3A_671 = arith.mulf %max3A_668, %get3A_85 : vector<16xf32>
        %add3A_672 = arith.addf %add3A_670, %mul3A_671 : vector<16xf32>
        %reduce_sum3A_673 = arith.constant true
        %reduce_sum3A_674 = vector.broadcast %reduce_sum3A_673 : i1 to vector<16xi1>
        %reduce_sum3A_675 = tpu.scan <sum>, %add3A_672 masked %reduce_sum3A_674 : vector<16xf32>, vector<16xi1> -> vector<16xf32>
        %reduce_sum3A_676 = vector.extract %reduce_sum3A_675[15] : f32 from vector<16xf32>
        %broadcast_in_dim3A_677 = vector.broadcast %reduce_sum3A_676 : f32 to vector<16xf32>
        %exp3A_678 = math.exp %broadcast_in_dim3A_677 : vector<16xf32>
        %broadcast_in_dim3A_679 = vector.broadcast %add3A_576 : i32 to vector<16xi32>
        %mul3A_680 = arith.mulf %unpack3A_583, %exp3A_678 : vector<16xf32>
        tpu.vector_store_idx %arg16[%broadcast_in_dim3A_679, %add3A_94], %mul3A_680 : memref<64x144xf32, #tpu.memory_space<vmem>>[vector<16xi32>, vector<16xi32>], vector<16xf32>,
        %mul3A_681 = arith.mulf %unpack3A_584, %exp3A_678 : vector<16xf32>
        tpu.vector_store_idx %arg16[%broadcast_in_dim3A_679, %add3A_103], %mul3A_681 : memref<64x144xf32, #tpu.memory_space<vmem>>[vector<16xi32>, vector<16xi32>], vector<16xf32>,
        %mul3A_682 = arith.mulf %unpack3A_607, %exp3A_678 : vector<16xf32>
        tpu.vector_store_idx %arg16[%broadcast_in_dim3A_679, %add3A_112], %mul3A_682 : memref<64x144xf32, #tpu.memory_space<vmem>>[vector<16xi32>, vector<16xi32>], vector<16xf32>,
        %mul3A_683 = arith.mulf %unpack3A_608, %exp3A_678 : vector<16xf32>
        tpu.vector_store_idx %arg16[%broadcast_in_dim3A_679, %add3A_121], %mul3A_683 : memref<64x144xf32, #tpu.memory_space<vmem>>[vector<16xi32>, vector<16xi32>], vector<16xf32>,
        %mul3A_684 = arith.mulf %unpack3A_631, %exp3A_678 : vector<16xf32>
        tpu.vector_store_idx %arg16[%broadcast_in_dim3A_679, %add3A_130], %mul3A_684 : memref<64x144xf32, #tpu.memory_space<vmem>>[vector<16xi32>, vector<16xi32>], vector<16xf32>,
        %mul3A_685 = arith.mulf %unpack3A_632, %exp3A_678 : vector<16xf32>
        tpu.vector_store_idx %arg16[%broadcast_in_dim3A_679, %add3A_139], %mul3A_685 : memref<64x144xf32, #tpu.memory_space<vmem>>[vector<16xi32>, vector<16xi32>], vector<16xf32>,
        %mul3A_686 = arith.mulf %unpack3A_655, %exp3A_678 : vector<16xf32>
        tpu.vector_store_idx %arg16[%broadcast_in_dim3A_679, %add3A_148], %mul3A_686 : memref<64x144xf32, #tpu.memory_space<vmem>>[vector<16xi32>, vector<16xi32>], vector<16xf32>,
        %mul3A_687 = arith.mulf %unpack3A_656, %exp3A_678 : vector<16xf32>
        tpu.vector_store_idx %arg16[%broadcast_in_dim3A_679, %add3A_157], %mul3A_687 : memref<64x144xf32, #tpu.memory_space<vmem>>[vector<16xi32>, vector<16xi32>], vector<16xf32>,
        tpu.vector_store_idx %arg16[%broadcast_in_dim3A_679, %broadcast_in_dim3A_159], %exp3A_678 : memref<64x144xf32, #tpu.memory_space<vmem>>[vector<16xi32>, vector<16xi32>], vector<16xf32>,
        %mul3A_688 = arith.constant 4 : i32
        %mul3A_689 = arith.muli %scan3A_460, %mul3A_688 : i32
        %add3A_690 = arith.constant 2 : i32
        %add3A_691 = arith.addi %mul3A_689, %add3A_690 : i32
        %get3A_692 = arith.index_cast %add3A_691 : i32 to index
        %get3A_693 = arith.constant 0 : index
        %get3A_694 = tpu.vector_load %arg12[%get3A_692, %get3A_693] {strides = array<i32>} : memref<64x128xbf16, #tpu.memory_space<vmem>>, vector<32xbf16>,
        %get3A_695 = arith.index_cast %add3A_691 : i32 to index
        %get3A_696 = arith.constant 0 : index
        %get3A_697 = tpu.vector_load %arg14[%get3A_695, %get3A_696] {strides = array<i32>} : memref<64x128xbf16, #tpu.memory_space<vmem>>, vector<32xbf16>,
        %unpack3A_698 = tpu.unpack_subelements %get3A_694, 0 {pack_format = #tpu.pack_format<interleaved>} : vector<32xbf16> -> vector<16xf32>
        %unpack3A_699 = tpu.unpack_subelements %get3A_694, 1 {pack_format = #tpu.pack_format<interleaved>} : vector<32xbf16> -> vector<16xf32>
        %unpack3A_700 = tpu.unpack_subelements %get3A_697, 0 {pack_format = #tpu.pack_format<interleaved>} : vector<32xbf16> -> vector<16xf32>
        %unpack3A_701 = tpu.unpack_subelements %get3A_697, 1 {pack_format = #tpu.pack_format<interleaved>} : vector<32xbf16> -> vector<16xf32>
        %add3A_702 = arith.addf %unpack3A_698, %unpack3A_700 : vector<16xf32>
        %add3A_703 = arith.addf %unpack3A_699, %unpack3A_701 : vector<16xf32>
        %mul3A_704 = arith.constant 2.000000e-01 : f32
        %mul3A_705 = vector.broadcast %mul3A_704 : f32 to vector<16xf32>
        %mul3A_706 = arith.mulf %mul3A_705, %add3A_702 : vector<16xf32>
        %max3A_707 = arith.maximumf %add3A_702, %mul3A_706 : vector<16xf32>
        %mul3A_708 = arith.constant 2.000000e-01 : f32
        %mul3A_709 = vector.broadcast %mul3A_708 : f32 to vector<16xf32>
        %mul3A_710 = arith.mulf %mul3A_709, %add3A_703 : vector<16xf32>
        %max3A_711 = arith.maximumf %add3A_703, %mul3A_710 : vector<16xf32>
        %mul3A_712 = arith.mulf %max3A_707, %get3A_57 : vector<16xf32>
        %add3A_713 = arith.addf %broadcast_in_dim3A_1, %mul3A_712 : vector<16xf32>
        %mul3A_714 = arith.mulf %max3A_711, %get3A_61 : vector<16xf32>
        %add3A_715 = arith.addf %add3A_713, %mul3A_714 : vector<16xf32>
        %get3A_716 = arith.index_cast %add3A_691 : i32 to index
        %get3A_717 = arith.constant 32 : index
        %get3A_718 = tpu.vector_load %arg12[%get3A_716, %get3A_717] {strides = array<i32>} : memref<64x128xbf16, #tpu.memory_space<vmem>>, vector<32xbf16>,
        %get3A_719 = arith.index_cast %add3A_691 : i32 to index
        %get3A_720 = arith.constant 32 : index
        %get3A_721 = tpu.vector_load %arg14[%get3A_719, %get3A_720] {strides = array<i32>} : memref<64x128xbf16, #tpu.memory_space<vmem>>, vector<32xbf16>,
        %unpack3A_722 = tpu.unpack_subelements %get3A_718, 0 {pack_format = #tpu.pack_format<interleaved>} : vector<32xbf16> -> vector<16xf32>
        %unpack3A_723 = tpu.unpack_subelements %get3A_718, 1 {pack_format = #tpu.pack_format<interleaved>} : vector<32xbf16> -> vector<16xf32>
        %unpack3A_724 = tpu.unpack_subelements %get3A_721, 0 {pack_format = #tpu.pack_format<interleaved>} : vector<32xbf16> -> vector<16xf32>
        %unpack3A_725 = tpu.unpack_subelements %get3A_721, 1 {pack_format = #tpu.pack_format<interleaved>} : vector<32xbf16> -> vector<16xf32>
        %add3A_726 = arith.addf %unpack3A_722, %unpack3A_724 : vector<16xf32>
        %add3A_727 = arith.addf %unpack3A_723, %unpack3A_725 : vector<16xf32>
        %mul3A_728 = arith.constant 2.000000e-01 : f32
        %mul3A_729 = vector.broadcast %mul3A_728 : f32 to vector<16xf32>
        %mul3A_730 = arith.mulf %mul3A_729, %add3A_726 : vector<16xf32>
        %max3A_731 = arith.maximumf %add3A_726, %mul3A_730 : vector<16xf32>
        %mul3A_732 = arith.constant 2.000000e-01 : f32
        %mul3A_733 = vector.broadcast %mul3A_732 : f32 to vector<16xf32>
        %mul3A_734 = arith.mulf %mul3A_733, %add3A_727 : vector<16xf32>
        %max3A_735 = arith.maximumf %add3A_727, %mul3A_734 : vector<16xf32>
        %mul3A_736 = arith.mulf %max3A_731, %get3A_65 : vector<16xf32>
        %add3A_737 = arith.addf %add3A_715, %mul3A_736 : vector<16xf32>
        %mul3A_738 = arith.mulf %max3A_735, %get3A_69 : vector<16xf32>
        %add3A_739 = arith.addf %add3A_737, %mul3A_738 : vector<16xf32>
        %get3A_740 = arith.index_cast %add3A_691 : i32 to index
        %get3A_741 = arith.constant 64 : index
        %get3A_742 = tpu.vector_load %arg12[%get3A_740, %get3A_741] {strides = array<i32>} : memref<64x128xbf16, #tpu.memory_space<vmem>>, vector<32xbf16>,
        %get3A_743 = arith.index_cast %add3A_691 : i32 to index
        %get3A_744 = arith.constant 64 : index
        %get3A_745 = tpu.vector_load %arg14[%get3A_743, %get3A_744] {strides = array<i32>} : memref<64x128xbf16, #tpu.memory_space<vmem>>, vector<32xbf16>,
        %unpack3A_746 = tpu.unpack_subelements %get3A_742, 0 {pack_format = #tpu.pack_format<interleaved>} : vector<32xbf16> -> vector<16xf32>
        %unpack3A_747 = tpu.unpack_subelements %get3A_742, 1 {pack_format = #tpu.pack_format<interleaved>} : vector<32xbf16> -> vector<16xf32>
        %unpack3A_748 = tpu.unpack_subelements %get3A_745, 0 {pack_format = #tpu.pack_format<interleaved>} : vector<32xbf16> -> vector<16xf32>
        %unpack3A_749 = tpu.unpack_subelements %get3A_745, 1 {pack_format = #tpu.pack_format<interleaved>} : vector<32xbf16> -> vector<16xf32>
        %add3A_750 = arith.addf %unpack3A_746, %unpack3A_748 : vector<16xf32>
        %add3A_751 = arith.addf %unpack3A_747, %unpack3A_749 : vector<16xf32>
        %mul3A_752 = arith.constant 2.000000e-01 : f32
        %mul3A_753 = vector.broadcast %mul3A_752 : f32 to vector<16xf32>
        %mul3A_754 = arith.mulf %mul3A_753, %add3A_750 : vector<16xf32>
        %max3A_755 = arith.maximumf %add3A_750, %mul3A_754 : vector<16xf32>
        %mul3A_756 = arith.constant 2.000000e-01 : f32
        %mul3A_757 = vector.broadcast %mul3A_756 : f32 to vector<16xf32>
        %mul3A_758 = arith.mulf %mul3A_757, %add3A_751 : vector<16xf32>
        %max3A_759 = arith.maximumf %add3A_751, %mul3A_758 : vector<16xf32>
        %mul3A_760 = arith.mulf %max3A_755, %get3A_73 : vector<16xf32>
        %add3A_761 = arith.addf %add3A_739, %mul3A_760 : vector<16xf32>
        %mul3A_762 = arith.mulf %max3A_759, %get3A_77 : vector<16xf32>
        %add3A_763 = arith.addf %add3A_761, %mul3A_762 : vector<16xf32>
        %get3A_764 = arith.index_cast %add3A_691 : i32 to index
        %get3A_765 = arith.constant 96 : index
        %get3A_766 = tpu.vector_load %arg12[%get3A_764, %get3A_765] {strides = array<i32>} : memref<64x128xbf16, #tpu.memory_space<vmem>>, vector<32xbf16>,
        %get3A_767 = arith.index_cast %add3A_691 : i32 to index
        %get3A_768 = arith.constant 96 : index
        %get3A_769 = tpu.vector_load %arg14[%get3A_767, %get3A_768] {strides = array<i32>} : memref<64x128xbf16, #tpu.memory_space<vmem>>, vector<32xbf16>,
        %unpack3A_770 = tpu.unpack_subelements %get3A_766, 0 {pack_format = #tpu.pack_format<interleaved>} : vector<32xbf16> -> vector<16xf32>
        %unpack3A_771 = tpu.unpack_subelements %get3A_766, 1 {pack_format = #tpu.pack_format<interleaved>} : vector<32xbf16> -> vector<16xf32>
        %unpack3A_772 = tpu.unpack_subelements %get3A_769, 0 {pack_format = #tpu.pack_format<interleaved>} : vector<32xbf16> -> vector<16xf32>
        %unpack3A_773 = tpu.unpack_subelements %get3A_769, 1 {pack_format = #tpu.pack_format<interleaved>} : vector<32xbf16> -> vector<16xf32>
        %add3A_774 = arith.addf %unpack3A_770, %unpack3A_772 : vector<16xf32>
        %add3A_775 = arith.addf %unpack3A_771, %unpack3A_773 : vector<16xf32>
        %mul3A_776 = arith.constant 2.000000e-01 : f32
        %mul3A_777 = vector.broadcast %mul3A_776 : f32 to vector<16xf32>
        %mul3A_778 = arith.mulf %mul3A_777, %add3A_774 : vector<16xf32>
        %max3A_779 = arith.maximumf %add3A_774, %mul3A_778 : vector<16xf32>
        %mul3A_780 = arith.constant 2.000000e-01 : f32
        %mul3A_781 = vector.broadcast %mul3A_780 : f32 to vector<16xf32>
        %mul3A_782 = arith.mulf %mul3A_781, %add3A_775 : vector<16xf32>
        %max3A_783 = arith.maximumf %add3A_775, %mul3A_782 : vector<16xf32>
        %mul3A_784 = arith.mulf %max3A_779, %get3A_81 : vector<16xf32>
        %add3A_785 = arith.addf %add3A_763, %mul3A_784 : vector<16xf32>
        %mul3A_786 = arith.mulf %max3A_783, %get3A_85 : vector<16xf32>
        %add3A_787 = arith.addf %add3A_785, %mul3A_786 : vector<16xf32>
        %reduce_sum3A_788 = arith.constant true
        %reduce_sum3A_789 = vector.broadcast %reduce_sum3A_788 : i1 to vector<16xi1>
        %reduce_sum3A_790 = tpu.scan <sum>, %add3A_787 masked %reduce_sum3A_789 : vector<16xf32>, vector<16xi1> -> vector<16xf32>
        %reduce_sum3A_791 = vector.extract %reduce_sum3A_790[15] : f32 from vector<16xf32>
        %broadcast_in_dim3A_792 = vector.broadcast %reduce_sum3A_791 : f32 to vector<16xf32>
        %exp3A_793 = math.exp %broadcast_in_dim3A_792 : vector<16xf32>
        %broadcast_in_dim3A_794 = vector.broadcast %add3A_691 : i32 to vector<16xi32>
        %mul3A_795 = arith.mulf %unpack3A_698, %exp3A_793 : vector<16xf32>
        tpu.vector_store_idx %arg16[%broadcast_in_dim3A_794, %add3A_94], %mul3A_795 : memref<64x144xf32, #tpu.memory_space<vmem>>[vector<16xi32>, vector<16xi32>], vector<16xf32>,
        %mul3A_796 = arith.mulf %unpack3A_699, %exp3A_793 : vector<16xf32>
        tpu.vector_store_idx %arg16[%broadcast_in_dim3A_794, %add3A_103], %mul3A_796 : memref<64x144xf32, #tpu.memory_space<vmem>>[vector<16xi32>, vector<16xi32>], vector<16xf32>,
        %mul3A_797 = arith.mulf %unpack3A_722, %exp3A_793 : vector<16xf32>
        tpu.vector_store_idx %arg16[%broadcast_in_dim3A_794, %add3A_112], %mul3A_797 : memref<64x144xf32, #tpu.memory_space<vmem>>[vector<16xi32>, vector<16xi32>], vector<16xf32>,
        %mul3A_798 = arith.mulf %unpack3A_723, %exp3A_793 : vector<16xf32>
        tpu.vector_store_idx %arg16[%broadcast_in_dim3A_794, %add3A_121], %mul3A_798 : memref<64x144xf32, #tpu.memory_space<vmem>>[vector<16xi32>, vector<16xi32>], vector<16xf32>,
        %mul3A_799 = arith.mulf %unpack3A_746, %exp3A_793 : vector<16xf32>
        tpu.vector_store_idx %arg16[%broadcast_in_dim3A_794, %add3A_130], %mul3A_799 : memref<64x144xf32, #tpu.memory_space<vmem>>[vector<16xi32>, vector<16xi32>], vector<16xf32>,
        %mul3A_800 = arith.mulf %unpack3A_747, %exp3A_793 : vector<16xf32>
        tpu.vector_store_idx %arg16[%broadcast_in_dim3A_794, %add3A_139], %mul3A_800 : memref<64x144xf32, #tpu.memory_space<vmem>>[vector<16xi32>, vector<16xi32>], vector<16xf32>,
        %mul3A_801 = arith.mulf %unpack3A_770, %exp3A_793 : vector<16xf32>
        tpu.vector_store_idx %arg16[%broadcast_in_dim3A_794, %add3A_148], %mul3A_801 : memref<64x144xf32, #tpu.memory_space<vmem>>[vector<16xi32>, vector<16xi32>], vector<16xf32>,
        %mul3A_802 = arith.mulf %unpack3A_771, %exp3A_793 : vector<16xf32>
        tpu.vector_store_idx %arg16[%broadcast_in_dim3A_794, %add3A_157], %mul3A_802 : memref<64x144xf32, #tpu.memory_space<vmem>>[vector<16xi32>, vector<16xi32>], vector<16xf32>,
        tpu.vector_store_idx %arg16[%broadcast_in_dim3A_794, %broadcast_in_dim3A_159], %exp3A_793 : memref<64x144xf32, #tpu.memory_space<vmem>>[vector<16xi32>, vector<16xi32>], vector<16xf32>,
        %mul3A_803 = arith.constant 4 : i32
        %mul3A_804 = arith.muli %scan3A_460, %mul3A_803 : i32
        %add3A_805 = arith.constant 3 : i32
        %add3A_806 = arith.addi %mul3A_804, %add3A_805 : i32
        %get3A_807 = arith.index_cast %add3A_806 : i32 to index
        %get3A_808 = arith.constant 0 : index
        %get3A_809 = tpu.vector_load %arg12[%get3A_807, %get3A_808] {strides = array<i32>} : memref<64x128xbf16, #tpu.memory_space<vmem>>, vector<32xbf16>,
        %get3A_810 = arith.index_cast %add3A_806 : i32 to index
        %get3A_811 = arith.constant 0 : index
        %get3A_812 = tpu.vector_load %arg14[%get3A_810, %get3A_811] {strides = array<i32>} : memref<64x128xbf16, #tpu.memory_space<vmem>>, vector<32xbf16>,
        %unpack3A_813 = tpu.unpack_subelements %get3A_809, 0 {pack_format = #tpu.pack_format<interleaved>} : vector<32xbf16> -> vector<16xf32>
        %unpack3A_814 = tpu.unpack_subelements %get3A_809, 1 {pack_format = #tpu.pack_format<interleaved>} : vector<32xbf16> -> vector<16xf32>
        %unpack3A_815 = tpu.unpack_subelements %get3A_812, 0 {pack_format = #tpu.pack_format<interleaved>} : vector<32xbf16> -> vector<16xf32>
        %unpack3A_816 = tpu.unpack_subelements %get3A_812, 1 {pack_format = #tpu.pack_format<interleaved>} : vector<32xbf16> -> vector<16xf32>
        %add3A_817 = arith.addf %unpack3A_813, %unpack3A_815 : vector<16xf32>
        %add3A_818 = arith.addf %unpack3A_814, %unpack3A_816 : vector<16xf32>
        %mul3A_819 = arith.constant 2.000000e-01 : f32
        %mul3A_820 = vector.broadcast %mul3A_819 : f32 to vector<16xf32>
        %mul3A_821 = arith.mulf %mul3A_820, %add3A_817 : vector<16xf32>
        %max3A_822 = arith.maximumf %add3A_817, %mul3A_821 : vector<16xf32>
        %mul3A_823 = arith.constant 2.000000e-01 : f32
        %mul3A_824 = vector.broadcast %mul3A_823 : f32 to vector<16xf32>
        %mul3A_825 = arith.mulf %mul3A_824, %add3A_818 : vector<16xf32>
        %max3A_826 = arith.maximumf %add3A_818, %mul3A_825 : vector<16xf32>
        %mul3A_827 = arith.mulf %max3A_822, %get3A_57 : vector<16xf32>
        %add3A_828 = arith.addf %broadcast_in_dim3A_1, %mul3A_827 : vector<16xf32>
        %mul3A_829 = arith.mulf %max3A_826, %get3A_61 : vector<16xf32>
        %add3A_830 = arith.addf %add3A_828, %mul3A_829 : vector<16xf32>
        %get3A_831 = arith.index_cast %add3A_806 : i32 to index
        %get3A_832 = arith.constant 32 : index
        %get3A_833 = tpu.vector_load %arg12[%get3A_831, %get3A_832] {strides = array<i32>} : memref<64x128xbf16, #tpu.memory_space<vmem>>, vector<32xbf16>,
        %get3A_834 = arith.index_cast %add3A_806 : i32 to index
        %get3A_835 = arith.constant 32 : index
        %get3A_836 = tpu.vector_load %arg14[%get3A_834, %get3A_835] {strides = array<i32>} : memref<64x128xbf16, #tpu.memory_space<vmem>>, vector<32xbf16>,
        %unpack3A_837 = tpu.unpack_subelements %get3A_833, 0 {pack_format = #tpu.pack_format<interleaved>} : vector<32xbf16> -> vector<16xf32>
        %unpack3A_838 = tpu.unpack_subelements %get3A_833, 1 {pack_format = #tpu.pack_format<interleaved>} : vector<32xbf16> -> vector<16xf32>
        %unpack3A_839 = tpu.unpack_subelements %get3A_836, 0 {pack_format = #tpu.pack_format<interleaved>} : vector<32xbf16> -> vector<16xf32>
        %unpack3A_840 = tpu.unpack_subelements %get3A_836, 1 {pack_format = #tpu.pack_format<interleaved>} : vector<32xbf16> -> vector<16xf32>
        %add3A_841 = arith.addf %unpack3A_837, %unpack3A_839 : vector<16xf32>
        %add3A_842 = arith.addf %unpack3A_838, %unpack3A_840 : vector<16xf32>
        %mul3A_843 = arith.constant 2.000000e-01 : f32
        %mul3A_844 = vector.broadcast %mul3A_843 : f32 to vector<16xf32>
        %mul3A_845 = arith.mulf %mul3A_844, %add3A_841 : vector<16xf32>
        %max3A_846 = arith.maximumf %add3A_841, %mul3A_845 : vector<16xf32>
        %mul3A_847 = arith.constant 2.000000e-01 : f32
        %mul3A_848 = vector.broadcast %mul3A_847 : f32 to vector<16xf32>
        %mul3A_849 = arith.mulf %mul3A_848, %add3A_842 : vector<16xf32>
        %max3A_850 = arith.maximumf %add3A_842, %mul3A_849 : vector<16xf32>
        %mul3A_851 = arith.mulf %max3A_846, %get3A_65 : vector<16xf32>
        %add3A_852 = arith.addf %add3A_830, %mul3A_851 : vector<16xf32>
        %mul3A_853 = arith.mulf %max3A_850, %get3A_69 : vector<16xf32>
        %add3A_854 = arith.addf %add3A_852, %mul3A_853 : vector<16xf32>
        %get3A_855 = arith.index_cast %add3A_806 : i32 to index
        %get3A_856 = arith.constant 64 : index
        %get3A_857 = tpu.vector_load %arg12[%get3A_855, %get3A_856] {strides = array<i32>} : memref<64x128xbf16, #tpu.memory_space<vmem>>, vector<32xbf16>,
        %get3A_858 = arith.index_cast %add3A_806 : i32 to index
        %get3A_859 = arith.constant 64 : index
        %get3A_860 = tpu.vector_load %arg14[%get3A_858, %get3A_859] {strides = array<i32>} : memref<64x128xbf16, #tpu.memory_space<vmem>>, vector<32xbf16>,
        %unpack3A_861 = tpu.unpack_subelements %get3A_857, 0 {pack_format = #tpu.pack_format<interleaved>} : vector<32xbf16> -> vector<16xf32>
        %unpack3A_862 = tpu.unpack_subelements %get3A_857, 1 {pack_format = #tpu.pack_format<interleaved>} : vector<32xbf16> -> vector<16xf32>
        %unpack3A_863 = tpu.unpack_subelements %get3A_860, 0 {pack_format = #tpu.pack_format<interleaved>} : vector<32xbf16> -> vector<16xf32>
        %unpack3A_864 = tpu.unpack_subelements %get3A_860, 1 {pack_format = #tpu.pack_format<interleaved>} : vector<32xbf16> -> vector<16xf32>
        %add3A_865 = arith.addf %unpack3A_861, %unpack3A_863 : vector<16xf32>
        %add3A_866 = arith.addf %unpack3A_862, %unpack3A_864 : vector<16xf32>
        %mul3A_867 = arith.constant 2.000000e-01 : f32
        %mul3A_868 = vector.broadcast %mul3A_867 : f32 to vector<16xf32>
        %mul3A_869 = arith.mulf %mul3A_868, %add3A_865 : vector<16xf32>
        %max3A_870 = arith.maximumf %add3A_865, %mul3A_869 : vector<16xf32>
        %mul3A_871 = arith.constant 2.000000e-01 : f32
        %mul3A_872 = vector.broadcast %mul3A_871 : f32 to vector<16xf32>
        %mul3A_873 = arith.mulf %mul3A_872, %add3A_866 : vector<16xf32>
        %max3A_874 = arith.maximumf %add3A_866, %mul3A_873 : vector<16xf32>
        %mul3A_875 = arith.mulf %max3A_870, %get3A_73 : vector<16xf32>
        %add3A_876 = arith.addf %add3A_854, %mul3A_875 : vector<16xf32>
        %mul3A_877 = arith.mulf %max3A_874, %get3A_77 : vector<16xf32>
        %add3A_878 = arith.addf %add3A_876, %mul3A_877 : vector<16xf32>
        %get3A_879 = arith.index_cast %add3A_806 : i32 to index
        %get3A_880 = arith.constant 96 : index
        %get3A_881 = tpu.vector_load %arg12[%get3A_879, %get3A_880] {strides = array<i32>} : memref<64x128xbf16, #tpu.memory_space<vmem>>, vector<32xbf16>,
        %get3A_882 = arith.index_cast %add3A_806 : i32 to index
        %get3A_883 = arith.constant 96 : index
        %get3A_884 = tpu.vector_load %arg14[%get3A_882, %get3A_883] {strides = array<i32>} : memref<64x128xbf16, #tpu.memory_space<vmem>>, vector<32xbf16>,
        %unpack3A_885 = tpu.unpack_subelements %get3A_881, 0 {pack_format = #tpu.pack_format<interleaved>} : vector<32xbf16> -> vector<16xf32>
        %unpack3A_886 = tpu.unpack_subelements %get3A_881, 1 {pack_format = #tpu.pack_format<interleaved>} : vector<32xbf16> -> vector<16xf32>
        %unpack3A_887 = tpu.unpack_subelements %get3A_884, 0 {pack_format = #tpu.pack_format<interleaved>} : vector<32xbf16> -> vector<16xf32>
        %unpack3A_888 = tpu.unpack_subelements %get3A_884, 1 {pack_format = #tpu.pack_format<interleaved>} : vector<32xbf16> -> vector<16xf32>
        %add3A_889 = arith.addf %unpack3A_885, %unpack3A_887 : vector<16xf32>
        %add3A_890 = arith.addf %unpack3A_886, %unpack3A_888 : vector<16xf32>
        %mul3A_891 = arith.constant 2.000000e-01 : f32
        %mul3A_892 = vector.broadcast %mul3A_891 : f32 to vector<16xf32>
        %mul3A_893 = arith.mulf %mul3A_892, %add3A_889 : vector<16xf32>
        %max3A_894 = arith.maximumf %add3A_889, %mul3A_893 : vector<16xf32>
        %mul3A_895 = arith.constant 2.000000e-01 : f32
        %mul3A_896 = vector.broadcast %mul3A_895 : f32 to vector<16xf32>
        %mul3A_897 = arith.mulf %mul3A_896, %add3A_890 : vector<16xf32>
        %max3A_898 = arith.maximumf %add3A_890, %mul3A_897 : vector<16xf32>
        %mul3A_899 = arith.mulf %max3A_894, %get3A_81 : vector<16xf32>
        %add3A_900 = arith.addf %add3A_878, %mul3A_899 : vector<16xf32>
        %mul3A_901 = arith.mulf %max3A_898, %get3A_85 : vector<16xf32>
        %add3A_902 = arith.addf %add3A_900, %mul3A_901 : vector<16xf32>
        %reduce_sum3A_903 = arith.constant true
        %reduce_sum3A_904 = vector.broadcast %reduce_sum3A_903 : i1 to vector<16xi1>
        %reduce_sum3A_905 = tpu.scan <sum>, %add3A_902 masked %reduce_sum3A_904 : vector<16xf32>, vector<16xi1> -> vector<16xf32>
        %reduce_sum3A_906 = vector.extract %reduce_sum3A_905[15] : f32 from vector<16xf32>
        %broadcast_in_dim3A_907 = vector.broadcast %reduce_sum3A_906 : f32 to vector<16xf32>
        %exp3A_908 = math.exp %broadcast_in_dim3A_907 : vector<16xf32>
        %broadcast_in_dim3A_909 = vector.broadcast %add3A_806 : i32 to vector<16xi32>
        %mul3A_910 = arith.mulf %unpack3A_813, %exp3A_908 : vector<16xf32>
        tpu.vector_store_idx %arg16[%broadcast_in_dim3A_909, %add3A_94], %mul3A_910 : memref<64x144xf32, #tpu.memory_space<vmem>>[vector<16xi32>, vector<16xi32>], vector<16xf32>,
        %mul3A_911 = arith.mulf %unpack3A_814, %exp3A_908 : vector<16xf32>
        tpu.vector_store_idx %arg16[%broadcast_in_dim3A_909, %add3A_103], %mul3A_911 : memref<64x144xf32, #tpu.memory_space<vmem>>[vector<16xi32>, vector<16xi32>], vector<16xf32>,
        %mul3A_912 = arith.mulf %unpack3A_837, %exp3A_908 : vector<16xf32>
        tpu.vector_store_idx %arg16[%broadcast_in_dim3A_909, %add3A_112], %mul3A_912 : memref<64x144xf32, #tpu.memory_space<vmem>>[vector<16xi32>, vector<16xi32>], vector<16xf32>,
        %mul3A_913 = arith.mulf %unpack3A_838, %exp3A_908 : vector<16xf32>
        tpu.vector_store_idx %arg16[%broadcast_in_dim3A_909, %add3A_121], %mul3A_913 : memref<64x144xf32, #tpu.memory_space<vmem>>[vector<16xi32>, vector<16xi32>], vector<16xf32>,
        %mul3A_914 = arith.mulf %unpack3A_861, %exp3A_908 : vector<16xf32>
        tpu.vector_store_idx %arg16[%broadcast_in_dim3A_909, %add3A_130], %mul3A_914 : memref<64x144xf32, #tpu.memory_space<vmem>>[vector<16xi32>, vector<16xi32>], vector<16xf32>,
        %mul3A_915 = arith.mulf %unpack3A_862, %exp3A_908 : vector<16xf32>
        tpu.vector_store_idx %arg16[%broadcast_in_dim3A_909, %add3A_139], %mul3A_915 : memref<64x144xf32, #tpu.memory_space<vmem>>[vector<16xi32>, vector<16xi32>], vector<16xf32>,
        %mul3A_916 = arith.mulf %unpack3A_885, %exp3A_908 : vector<16xf32>
        tpu.vector_store_idx %arg16[%broadcast_in_dim3A_909, %add3A_148], %mul3A_916 : memref<64x144xf32, #tpu.memory_space<vmem>>[vector<16xi32>, vector<16xi32>], vector<16xf32>,
        %mul3A_917 = arith.mulf %unpack3A_886, %exp3A_908 : vector<16xf32>
        tpu.vector_store_idx %arg16[%broadcast_in_dim3A_909, %add3A_157], %mul3A_917 : memref<64x144xf32, #tpu.memory_space<vmem>>[vector<16xi32>, vector<16xi32>], vector<16xf32>,
        tpu.vector_store_idx %arg16[%broadcast_in_dim3A_909, %broadcast_in_dim3A_159], %exp3A_908 : memref<64x144xf32, #tpu.memory_space<vmem>>[vector<16xi32>, vector<16xi32>], vector<16xf32>,
        %scan3A_918 = arith.constant 0 : i32
        scf.yield %scan3A_918 : i32
      }
      %scan3A_451 = arith.constant 16 : i32
      %dma_start3A_452 = arith.constant 1 : i32
      %dma_start3A_453 = arith.constant 0 : i32
      %dma_start3A_454 = tpu.memref_slice %arg10[%dma_start3A_452, %dma_start3A_453] : memref<2x64xi32, #tpu.memory_space<vmem>> -> memref<1x64xi32, #tpu.memory_space<vmem>>
      %dma_start3A_455 = tpu.memref_squeeze %dma_start3A_454 : memref<1x64xi32, #tpu.memory_space<vmem>> -> memref<64xi32, #tpu.memory_space<vmem>>
      %dma_start3A_456 = arith.constant 0 : i32
      %dma_start3A_457 = arith.constant 0 : i32
      %dma_start3A_458 = tpu.memref_slice %arg18[%dma_start3A_456, %dma_start3A_457] : memref<10240x144xf32, #tpu.memory_space<vmem_shared>> -> memref<10240x144xf32, #tpu.memory_space<vmem_shared>>
      tpu.enqueue_indirect_dma source(%arg16 : memref<64x144xf32, #tpu.memory_space<vmem>>) target(%dma_start3A_458 : memref<10240x144xf32, #tpu.memory_space<vmem_shared>>) offsets(%dma_start3A_455 : memref<64xi32, #tpu.memory_space<vmem>>) semaphore(%arg22 : memref<!tpu.dma_semaphore, #tpu.memory_space<semaphore_mem>>) {add = true}
      %scan3A_459 = arith.constant 0 : i32
      scf.yield %scan3A_459 : i32
    }
    %scan3A_205 = arith.constant 40 : i32
    %dma_wait3A_206 = arith.constant 0 : i32
    %dma_wait3A_207 = arith.constant 0 : i32
    %dma_wait3A_208 = arith.constant 0 : i32
    %dma_wait3A_209 = tpu.memref_slice %arg6[%dma_wait3A_206, %dma_wait3A_207, %dma_wait3A_208] : memref<2x10240x144xf32, #tpu.memory_space<hbm>> -> memref<1x64x144xf32, #tpu.memory_space<hbm>>
    %dma_wait3A_210 = tpu.memref_squeeze %dma_wait3A_209 : memref<1x64x144xf32, #tpu.memory_space<hbm>> -> memref<64x144xf32, #tpu.memory_space<hbm>>
    %dma_wait3A_211 = arith.constant 0 : i32
    %dma_wait3A_212 = arith.constant 0 : i32
    %dma_wait3A_213 = tpu.memref_slice %arg6[%dma_wait3A_206, %dma_wait3A_211, %dma_wait3A_212] : memref<2x10240x144xf32, #tpu.memory_space<hbm>> -> memref<1x64x144xf32, #tpu.memory_space<hbm>>
    %dma_wait3A_214 = tpu.memref_squeeze %dma_wait3A_213 : memref<1x64x144xf32, #tpu.memory_space<hbm>> -> memref<64x144xf32, #tpu.memory_space<hbm>>
    tpu.wait_dma2 semaphore(%arg21 : memref<!tpu.dma_semaphore, #tpu.memory_space<semaphore_mem>>) src(%dma_wait3A_214 : memref<64x144xf32, #tpu.memory_space<hbm>>) dst(%arg15 : memref<64x144xf32, #tpu.memory_space<vmem>>)
    %dma_wait3A_215 = arith.constant 0 : i32
    %dma_wait3A_216 = arith.constant 0 : i32
    %dma_wait3A_217 = arith.constant 0 : i32
    %dma_wait3A_218 = tpu.memref_slice %arg6[%dma_wait3A_215, %dma_wait3A_216, %dma_wait3A_217] : memref<2x10240x144xf32, #tpu.memory_space<hbm>> -> memref<1x64x144xf32, #tpu.memory_space<hbm>>
    %dma_wait3A_219 = tpu.memref_squeeze %dma_wait3A_218 : memref<1x64x144xf32, #tpu.memory_space<hbm>> -> memref<64x144xf32, #tpu.memory_space<hbm>>
    %dma_wait3A_220 = arith.constant 0 : i32
    %dma_wait3A_221 = arith.constant 0 : i32
    %dma_wait3A_222 = tpu.memref_slice %arg6[%dma_wait3A_215, %dma_wait3A_220, %dma_wait3A_221] : memref<2x10240x144xf32, #tpu.memory_space<hbm>> -> memref<1x64x144xf32, #tpu.memory_space<hbm>>
    %dma_wait3A_223 = tpu.memref_squeeze %dma_wait3A_222 : memref<1x64x144xf32, #tpu.memory_space<hbm>> -> memref<64x144xf32, #tpu.memory_space<hbm>>
    tpu.wait_dma2 semaphore(%arg22 : memref<!tpu.dma_semaphore, #tpu.memory_space<semaphore_mem>>) src(%dma_wait3A_223 : memref<64x144xf32, #tpu.memory_space<hbm>>) dst(%arg16 : memref<64x144xf32, #tpu.memory_space<vmem>>)
    %barrier3A_224 = arith.constant 0 : index
    tpu.barrier barrier_id(%barrier3A_224)
    %mul3A_225 = arith.constant 640 : i32
    %mul3A_226 = arith.muli %arg1, %mul3A_225 : i32
    %add3A_227 = arith.constant 0 : i32
    %add3A_228 = arith.addi %mul3A_226, %add3A_227 : i32
    "tpu.region"() ({
      %run_scoped3A = tpu.sem_alloc : memref<!tpu.dma_semaphore, #tpu.memory_space<semaphore_mem>>
      %dma_start3A_265 = arith.constant 0 : i32
      %dma_start3A_266 = tpu.memref_slice %arg18[%add3A_228, %dma_start3A_265] : memref<10240x144xf32, #tpu.memory_space<vmem_shared>> -> memref<64x144xf32, #tpu.memory_space<vmem_shared>>
      %dma_start3A_267 = arith.constant 0 : i32
      %dma_start3A_268 = tpu.memref_slice %arg18[%add3A_228, %dma_start3A_267] : memref<10240x144xf32, #tpu.memory_space<vmem_shared>> -> memref<64x144xf32, #tpu.memory_space<vmem_shared>>
      tpu.enqueue_dma source(%dma_start3A_268 : memref<64x144xf32, #tpu.memory_space<vmem_shared>>) target(%arg15 : memref<64x144xf32, #tpu.memory_space<vmem>>) target_semaphore(%run_scoped3A : memref<!tpu.dma_semaphore, #tpu.memory_space<semaphore_mem>>)
      %dma_wait3A_269 = arith.constant 0 : i32
      %dma_wait3A_270 = tpu.memref_slice %arg18[%add3A_228, %dma_wait3A_269] : memref<10240x144xf32, #tpu.memory_space<vmem_shared>> -> memref<64x144xf32, #tpu.memory_space<vmem_shared>>
      %dma_wait3A_271 = arith.constant 0 : i32
      %dma_wait3A_272 = tpu.memref_slice %arg18[%add3A_228, %dma_wait3A_271] : memref<10240x144xf32, #tpu.memory_space<vmem_shared>> -> memref<64x144xf32, #tpu.memory_space<vmem_shared>>
      tpu.wait_dma2 semaphore(%run_scoped3A : memref<!tpu.dma_semaphore, #tpu.memory_space<semaphore_mem>>) src(%dma_wait3A_272 : memref<64x144xf32, #tpu.memory_space<vmem_shared>>) dst(%arg15 : memref<64x144xf32, #tpu.memory_space<vmem>>)
      tpu.yield
    }) : () -> ()
    "tpu.region"() ({
      %run_scoped3A = tpu.sem_alloc : memref<!tpu.dma_semaphore, #tpu.memory_space<semaphore_mem>>
      %dma_start3A_265 = arith.constant 0 : i32
      %dma_start3A_266 = tpu.memref_slice %arg6[%arg0, %add3A_228, %dma_start3A_265] : memref<2x10240x144xf32, #tpu.memory_space<hbm>> -> memref<1x64x144xf32, #tpu.memory_space<hbm>>
      %dma_start3A_267 = tpu.memref_squeeze %dma_start3A_266 : memref<1x64x144xf32, #tpu.memory_space<hbm>> -> memref<64x144xf32, #tpu.memory_space<hbm>>
      %dma_start3A_268 = arith.constant 0 : i32
      %dma_start3A_269 = tpu.memref_slice %arg6[%arg0, %add3A_228, %dma_start3A_268] : memref<2x10240x144xf32, #tpu.memory_space<hbm>> -> memref<1x64x144xf32, #tpu.memory_space<hbm>>
      %dma_start3A_270 = tpu.memref_squeeze %dma_start3A_269 : memref<1x64x144xf32, #tpu.memory_space<hbm>> -> memref<64x144xf32, #tpu.memory_space<hbm>>
      tpu.enqueue_dma source(%arg15 : memref<64x144xf32, #tpu.memory_space<vmem>>) target(%dma_start3A_270 : memref<64x144xf32, #tpu.memory_space<hbm>>) target_semaphore(%run_scoped3A : memref<!tpu.dma_semaphore, #tpu.memory_space<semaphore_mem>>)
      %dma_wait3A_271 = arith.constant 0 : i32
      %dma_wait3A_272 = tpu.memref_slice %arg6[%arg0, %add3A_228, %dma_wait3A_271] : memref<2x10240x144xf32, #tpu.memory_space<hbm>> -> memref<1x64x144xf32, #tpu.memory_space<hbm>>
      %dma_wait3A_273 = tpu.memref_squeeze %dma_wait3A_272 : memref<1x64x144xf32, #tpu.memory_space<hbm>> -> memref<64x144xf32, #tpu.memory_space<hbm>>
      %dma_wait3A_274 = arith.constant 0 : i32
      %dma_wait3A_275 = tpu.memref_slice %arg6[%arg0, %add3A_228, %dma_wait3A_274] : memref<2x10240x144xf32, #tpu.memory_space<hbm>> -> memref<1x64x144xf32, #tpu.memory_space<hbm>>
      %dma_wait3A_276 = tpu.memref_squeeze %dma_wait3A_275 : memref<1x64x144xf32, #tpu.memory_space<hbm>> -> memref<64x144xf32, #tpu.memory_space<hbm>>
      tpu.wait_dma2 semaphore(%run_scoped3A : memref<!tpu.dma_semaphore, #tpu.memory_space<semaphore_mem>>) src(%arg15 : memref<64x144xf32, #tpu.memory_space<vmem>>) dst(%dma_wait3A_276 : memref<64x144xf32, #tpu.memory_space<hbm>>)
      tpu.yield
    }) : () -> ()
    %mul3A_229 = arith.constant 640 : i32
    %mul3A_230 = arith.muli %arg1, %mul3A_229 : i32
    %add3A_231 = arith.constant 64 : i32
    %add3A_232 = arith.addi %mul3A_230, %add3A_231 : i32
    "tpu.region"() ({
      %run_scoped3A = tpu.sem_alloc : memref<!tpu.dma_semaphore, #tpu.memory_space<semaphore_mem>>
      %dma_start3A_265 = arith.constant 0 : i32
      %dma_start3A_266 = tpu.memref_slice %arg18[%add3A_232, %dma_start3A_265] : memref<10240x144xf32, #tpu.memory_space<vmem_shared>> -> memref<64x144xf32, #tpu.memory_space<vmem_shared>>
      %dma_start3A_267 = arith.constant 0 : i32
      %dma_start3A_268 = tpu.memref_slice %arg18[%add3A_232, %dma_start3A_267] : memref<10240x144xf32, #tpu.memory_space<vmem_shared>> -> memref<64x144xf32, #tpu.memory_space<vmem_shared>>
      tpu.enqueue_dma source(%dma_start3A_268 : memref<64x144xf32, #tpu.memory_space<vmem_shared>>) target(%arg15 : memref<64x144xf32, #tpu.memory_space<vmem>>) target_semaphore(%run_scoped3A : memref<!tpu.dma_semaphore, #tpu.memory_space<semaphore_mem>>)
      %dma_wait3A_269 = arith.constant 0 : i32
      %dma_wait3A_270 = tpu.memref_slice %arg18[%add3A_232, %dma_wait3A_269] : memref<10240x144xf32, #tpu.memory_space<vmem_shared>> -> memref<64x144xf32, #tpu.memory_space<vmem_shared>>
      %dma_wait3A_271 = arith.constant 0 : i32
      %dma_wait3A_272 = tpu.memref_slice %arg18[%add3A_232, %dma_wait3A_271] : memref<10240x144xf32, #tpu.memory_space<vmem_shared>> -> memref<64x144xf32, #tpu.memory_space<vmem_shared>>
      tpu.wait_dma2 semaphore(%run_scoped3A : memref<!tpu.dma_semaphore, #tpu.memory_space<semaphore_mem>>) src(%dma_wait3A_272 : memref<64x144xf32, #tpu.memory_space<vmem_shared>>) dst(%arg15 : memref<64x144xf32, #tpu.memory_space<vmem>>)
      tpu.yield
    }) : () -> ()
    "tpu.region"() ({
      %run_scoped3A = tpu.sem_alloc : memref<!tpu.dma_semaphore, #tpu.memory_space<semaphore_mem>>
      %dma_start3A_265 = arith.constant 0 : i32
      %dma_start3A_266 = tpu.memref_slice %arg6[%arg0, %add3A_232, %dma_start3A_265] : memref<2x10240x144xf32, #tpu.memory_space<hbm>> -> memref<1x64x144xf32, #tpu.memory_space<hbm>>
      %dma_start3A_267 = tpu.memref_squeeze %dma_start3A_266 : memref<1x64x144xf32, #tpu.memory_space<hbm>> -> memref<64x144xf32, #tpu.memory_space<hbm>>
      %dma_start3A_268 = arith.constant 0 : i32
      %dma_start3A_269 = tpu.memref_slice %arg6[%arg0, %add3A_232, %dma_start3A_268] : memref<2x10240x144xf32, #tpu.memory_space<hbm>> -> memref<1x64x144xf32, #tpu.memory_space<hbm>>
      %dma_start3A_270 = tpu.memref_squeeze %dma_start3A_269 : memref<1x64x144xf32, #tpu.memory_space<hbm>> -> memref<64x144xf32, #tpu.memory_space<hbm>>
      tpu.enqueue_dma source(%arg15 : memref<64x144xf32, #tpu.memory_space<vmem>>) target(%dma_start3A_270 : memref<64x144xf32, #tpu.memory_space<hbm>>) target_semaphore(%run_scoped3A : memref<!tpu.dma_semaphore, #tpu.memory_space<semaphore_mem>>)
      %dma_wait3A_271 = arith.constant 0 : i32
      %dma_wait3A_272 = tpu.memref_slice %arg6[%arg0, %add3A_232, %dma_wait3A_271] : memref<2x10240x144xf32, #tpu.memory_space<hbm>> -> memref<1x64x144xf32, #tpu.memory_space<hbm>>
      %dma_wait3A_273 = tpu.memref_squeeze %dma_wait3A_272 : memref<1x64x144xf32, #tpu.memory_space<hbm>> -> memref<64x144xf32, #tpu.memory_space<hbm>>
      %dma_wait3A_274 = arith.constant 0 : i32
      %dma_wait3A_275 = tpu.memref_slice %arg6[%arg0, %add3A_232, %dma_wait3A_274] : memref<2x10240x144xf32, #tpu.memory_space<hbm>> -> memref<1x64x144xf32, #tpu.memory_space<hbm>>
      %dma_wait3A_276 = tpu.memref_squeeze %dma_wait3A_275 : memref<1x64x144xf32, #tpu.memory_space<hbm>> -> memref<64x144xf32, #tpu.memory_space<hbm>>
      tpu.wait_dma2 semaphore(%run_scoped3A : memref<!tpu.dma_semaphore, #tpu.memory_space<semaphore_mem>>) src(%arg15 : memref<64x144xf32, #tpu.memory_space<vmem>>) dst(%dma_wait3A_276 : memref<64x144xf32, #tpu.memory_space<hbm>>)
      tpu.yield
    }) : () -> ()
    %mul3A_233 = arith.constant 640 : i32
    %mul3A_234 = arith.muli %arg1, %mul3A_233 : i32
    %add3A_235 = arith.constant 128 : i32
    %add3A_236 = arith.addi %mul3A_234, %add3A_235 : i32
    "tpu.region"() ({
      %run_scoped3A = tpu.sem_alloc : memref<!tpu.dma_semaphore, #tpu.memory_space<semaphore_mem>>
      %dma_start3A_265 = arith.constant 0 : i32
      %dma_start3A_266 = tpu.memref_slice %arg18[%add3A_236, %dma_start3A_265] : memref<10240x144xf32, #tpu.memory_space<vmem_shared>> -> memref<64x144xf32, #tpu.memory_space<vmem_shared>>
      %dma_start3A_267 = arith.constant 0 : i32
      %dma_start3A_268 = tpu.memref_slice %arg18[%add3A_236, %dma_start3A_267] : memref<10240x144xf32, #tpu.memory_space<vmem_shared>> -> memref<64x144xf32, #tpu.memory_space<vmem_shared>>
      tpu.enqueue_dma source(%dma_start3A_268 : memref<64x144xf32, #tpu.memory_space<vmem_shared>>) target(%arg15 : memref<64x144xf32, #tpu.memory_space<vmem>>) target_semaphore(%run_scoped3A : memref<!tpu.dma_semaphore, #tpu.memory_space<semaphore_mem>>)
      %dma_wait3A_269 = arith.constant 0 : i32
      %dma_wait3A_270 = tpu.memref_slice %arg18[%add3A_236, %dma_wait3A_269] : memref<10240x144xf32, #tpu.memory_space<vmem_shared>> -> memref<64x144xf32, #tpu.memory_space<vmem_shared>>
      %dma_wait3A_271 = arith.constant 0 : i32
      %dma_wait3A_272 = tpu.memref_slice %arg18[%add3A_236, %dma_wait3A_271] : memref<10240x144xf32, #tpu.memory_space<vmem_shared>> -> memref<64x144xf32, #tpu.memory_space<vmem_shared>>
      tpu.wait_dma2 semaphore(%run_scoped3A : memref<!tpu.dma_semaphore, #tpu.memory_space<semaphore_mem>>) src(%dma_wait3A_272 : memref<64x144xf32, #tpu.memory_space<vmem_shared>>) dst(%arg15 : memref<64x144xf32, #tpu.memory_space<vmem>>)
      tpu.yield
    }) : () -> ()
    "tpu.region"() ({
      %run_scoped3A = tpu.sem_alloc : memref<!tpu.dma_semaphore, #tpu.memory_space<semaphore_mem>>
      %dma_start3A_265 = arith.constant 0 : i32
      %dma_start3A_266 = tpu.memref_slice %arg6[%arg0, %add3A_236, %dma_start3A_265] : memref<2x10240x144xf32, #tpu.memory_space<hbm>> -> memref<1x64x144xf32, #tpu.memory_space<hbm>>
      %dma_start3A_267 = tpu.memref_squeeze %dma_start3A_266 : memref<1x64x144xf32, #tpu.memory_space<hbm>> -> memref<64x144xf32, #tpu.memory_space<hbm>>
      %dma_start3A_268 = arith.constant 0 : i32
      %dma_start3A_269 = tpu.memref_slice %arg6[%arg0, %add3A_236, %dma_start3A_268] : memref<2x10240x144xf32, #tpu.memory_space<hbm>> -> memref<1x64x144xf32, #tpu.memory_space<hbm>>
      %dma_start3A_270 = tpu.memref_squeeze %dma_start3A_269 : memref<1x64x144xf32, #tpu.memory_space<hbm>> -> memref<64x144xf32, #tpu.memory_space<hbm>>
      tpu.enqueue_dma source(%arg15 : memref<64x144xf32, #tpu.memory_space<vmem>>) target(%dma_start3A_270 : memref<64x144xf32, #tpu.memory_space<hbm>>) target_semaphore(%run_scoped3A : memref<!tpu.dma_semaphore, #tpu.memory_space<semaphore_mem>>)
      %dma_wait3A_271 = arith.constant 0 : i32
      %dma_wait3A_272 = tpu.memref_slice %arg6[%arg0, %add3A_236, %dma_wait3A_271] : memref<2x10240x144xf32, #tpu.memory_space<hbm>> -> memref<1x64x144xf32, #tpu.memory_space<hbm>>
      %dma_wait3A_273 = tpu.memref_squeeze %dma_wait3A_272 : memref<1x64x144xf32, #tpu.memory_space<hbm>> -> memref<64x144xf32, #tpu.memory_space<hbm>>
      %dma_wait3A_274 = arith.constant 0 : i32
      %dma_wait3A_275 = tpu.memref_slice %arg6[%arg0, %add3A_236, %dma_wait3A_274] : memref<2x10240x144xf32, #tpu.memory_space<hbm>> -> memref<1x64x144xf32, #tpu.memory_space<hbm>>
      %dma_wait3A_276 = tpu.memref_squeeze %dma_wait3A_275 : memref<1x64x144xf32, #tpu.memory_space<hbm>> -> memref<64x144xf32, #tpu.memory_space<hbm>>
      tpu.wait_dma2 semaphore(%run_scoped3A : memref<!tpu.dma_semaphore, #tpu.memory_space<semaphore_mem>>) src(%arg15 : memref<64x144xf32, #tpu.memory_space<vmem>>) dst(%dma_wait3A_276 : memref<64x144xf32, #tpu.memory_space<hbm>>)
      tpu.yield
    }) : () -> ()
    %mul3A_237 = arith.constant 640 : i32
    %mul3A_238 = arith.muli %arg1, %mul3A_237 : i32
    %add3A_239 = arith.constant 192 : i32
    %add3A_240 = arith.addi %mul3A_238, %add3A_239 : i32
    "tpu.region"() ({
      %run_scoped3A = tpu.sem_alloc : memref<!tpu.dma_semaphore, #tpu.memory_space<semaphore_mem>>
      %dma_start3A_265 = arith.constant 0 : i32
      %dma_start3A_266 = tpu.memref_slice %arg18[%add3A_240, %dma_start3A_265] : memref<10240x144xf32, #tpu.memory_space<vmem_shared>> -> memref<64x144xf32, #tpu.memory_space<vmem_shared>>
      %dma_start3A_267 = arith.constant 0 : i32
      %dma_start3A_268 = tpu.memref_slice %arg18[%add3A_240, %dma_start3A_267] : memref<10240x144xf32, #tpu.memory_space<vmem_shared>> -> memref<64x144xf32, #tpu.memory_space<vmem_shared>>
      tpu.enqueue_dma source(%dma_start3A_268 : memref<64x144xf32, #tpu.memory_space<vmem_shared>>) target(%arg15 : memref<64x144xf32, #tpu.memory_space<vmem>>) target_semaphore(%run_scoped3A : memref<!tpu.dma_semaphore, #tpu.memory_space<semaphore_mem>>)
      %dma_wait3A_269 = arith.constant 0 : i32
      %dma_wait3A_270 = tpu.memref_slice %arg18[%add3A_240, %dma_wait3A_269] : memref<10240x144xf32, #tpu.memory_space<vmem_shared>> -> memref<64x144xf32, #tpu.memory_space<vmem_shared>>
      %dma_wait3A_271 = arith.constant 0 : i32
      %dma_wait3A_272 = tpu.memref_slice %arg18[%add3A_240, %dma_wait3A_271] : memref<10240x144xf32, #tpu.memory_space<vmem_shared>> -> memref<64x144xf32, #tpu.memory_space<vmem_shared>>
      tpu.wait_dma2 semaphore(%run_scoped3A : memref<!tpu.dma_semaphore, #tpu.memory_space<semaphore_mem>>) src(%dma_wait3A_272 : memref<64x144xf32, #tpu.memory_space<vmem_shared>>) dst(%arg15 : memref<64x144xf32, #tpu.memory_space<vmem>>)
      tpu.yield
    }) : () -> ()
    "tpu.region"() ({
      %run_scoped3A = tpu.sem_alloc : memref<!tpu.dma_semaphore, #tpu.memory_space<semaphore_mem>>
      %dma_start3A_265 = arith.constant 0 : i32
      %dma_start3A_266 = tpu.memref_slice %arg6[%arg0, %add3A_240, %dma_start3A_265] : memref<2x10240x144xf32, #tpu.memory_space<hbm>> -> memref<1x64x144xf32, #tpu.memory_space<hbm>>
      %dma_start3A_267 = tpu.memref_squeeze %dma_start3A_266 : memref<1x64x144xf32, #tpu.memory_space<hbm>> -> memref<64x144xf32, #tpu.memory_space<hbm>>
      %dma_start3A_268 = arith.constant 0 : i32
      %dma_start3A_269 = tpu.memref_slice %arg6[%arg0, %add3A_240, %dma_start3A_268] : memref<2x10240x144xf32, #tpu.memory_space<hbm>> -> memref<1x64x144xf32, #tpu.memory_space<hbm>>
      %dma_start3A_270 = tpu.memref_squeeze %dma_start3A_269 : memref<1x64x144xf32, #tpu.memory_space<hbm>> -> memref<64x144xf32, #tpu.memory_space<hbm>>
      tpu.enqueue_dma source(%arg15 : memref<64x144xf32, #tpu.memory_space<vmem>>) target(%dma_start3A_270 : memref<64x144xf32, #tpu.memory_space<hbm>>) target_semaphore(%run_scoped3A : memref<!tpu.dma_semaphore, #tpu.memory_space<semaphore_mem>>)
      %dma_wait3A_271 = arith.constant 0 : i32
      %dma_wait3A_272 = tpu.memref_slice %arg6[%arg0, %add3A_240, %dma_wait3A_271] : memref<2x10240x144xf32, #tpu.memory_space<hbm>> -> memref<1x64x144xf32, #tpu.memory_space<hbm>>
      %dma_wait3A_273 = tpu.memref_squeeze %dma_wait3A_272 : memref<1x64x144xf32, #tpu.memory_space<hbm>> -> memref<64x144xf32, #tpu.memory_space<hbm>>
      %dma_wait3A_274 = arith.constant 0 : i32
      %dma_wait3A_275 = tpu.memref_slice %arg6[%arg0, %add3A_240, %dma_wait3A_274] : memref<2x10240x144xf32, #tpu.memory_space<hbm>> -> memref<1x64x144xf32, #tpu.memory_space<hbm>>
      %dma_wait3A_276 = tpu.memref_squeeze %dma_wait3A_275 : memref<1x64x144xf32, #tpu.memory_space<hbm>> -> memref<64x144xf32, #tpu.memory_space<hbm>>
      tpu.wait_dma2 semaphore(%run_scoped3A : memref<!tpu.dma_semaphore, #tpu.memory_space<semaphore_mem>>) src(%arg15 : memref<64x144xf32, #tpu.memory_space<vmem>>) dst(%dma_wait3A_276 : memref<64x144xf32, #tpu.memory_space<hbm>>)
      tpu.yield
    }) : () -> ()
    %mul3A_241 = arith.constant 640 : i32
    %mul3A_242 = arith.muli %arg1, %mul3A_241 : i32
    %add3A_243 = arith.constant 256 : i32
    %add3A_244 = arith.addi %mul3A_242, %add3A_243 : i32
    "tpu.region"() ({
      %run_scoped3A = tpu.sem_alloc : memref<!tpu.dma_semaphore, #tpu.memory_space<semaphore_mem>>
      %dma_start3A_265 = arith.constant 0 : i32
      %dma_start3A_266 = tpu.memref_slice %arg18[%add3A_244, %dma_start3A_265] : memref<10240x144xf32, #tpu.memory_space<vmem_shared>> -> memref<64x144xf32, #tpu.memory_space<vmem_shared>>
      %dma_start3A_267 = arith.constant 0 : i32
      %dma_start3A_268 = tpu.memref_slice %arg18[%add3A_244, %dma_start3A_267] : memref<10240x144xf32, #tpu.memory_space<vmem_shared>> -> memref<64x144xf32, #tpu.memory_space<vmem_shared>>
      tpu.enqueue_dma source(%dma_start3A_268 : memref<64x144xf32, #tpu.memory_space<vmem_shared>>) target(%arg15 : memref<64x144xf32, #tpu.memory_space<vmem>>) target_semaphore(%run_scoped3A : memref<!tpu.dma_semaphore, #tpu.memory_space<semaphore_mem>>)
      %dma_wait3A_269 = arith.constant 0 : i32
      %dma_wait3A_270 = tpu.memref_slice %arg18[%add3A_244, %dma_wait3A_269] : memref<10240x144xf32, #tpu.memory_space<vmem_shared>> -> memref<64x144xf32, #tpu.memory_space<vmem_shared>>
      %dma_wait3A_271 = arith.constant 0 : i32
      %dma_wait3A_272 = tpu.memref_slice %arg18[%add3A_244, %dma_wait3A_271] : memref<10240x144xf32, #tpu.memory_space<vmem_shared>> -> memref<64x144xf32, #tpu.memory_space<vmem_shared>>
      tpu.wait_dma2 semaphore(%run_scoped3A : memref<!tpu.dma_semaphore, #tpu.memory_space<semaphore_mem>>) src(%dma_wait3A_272 : memref<64x144xf32, #tpu.memory_space<vmem_shared>>) dst(%arg15 : memref<64x144xf32, #tpu.memory_space<vmem>>)
      tpu.yield
    }) : () -> ()
    "tpu.region"() ({
      %run_scoped3A = tpu.sem_alloc : memref<!tpu.dma_semaphore, #tpu.memory_space<semaphore_mem>>
      %dma_start3A_265 = arith.constant 0 : i32
      %dma_start3A_266 = tpu.memref_slice %arg6[%arg0, %add3A_244, %dma_start3A_265] : memref<2x10240x144xf32, #tpu.memory_space<hbm>> -> memref<1x64x144xf32, #tpu.memory_space<hbm>>
      %dma_start3A_267 = tpu.memref_squeeze %dma_start3A_266 : memref<1x64x144xf32, #tpu.memory_space<hbm>> -> memref<64x144xf32, #tpu.memory_space<hbm>>
      %dma_start3A_268 = arith.constant 0 : i32
      %dma_start3A_269 = tpu.memref_slice %arg6[%arg0, %add3A_244, %dma_start3A_268] : memref<2x10240x144xf32, #tpu.memory_space<hbm>> -> memref<1x64x144xf32, #tpu.memory_space<hbm>>
      %dma_start3A_270 = tpu.memref_squeeze %dma_start3A_269 : memref<1x64x144xf32, #tpu.memory_space<hbm>> -> memref<64x144xf32, #tpu.memory_space<hbm>>
      tpu.enqueue_dma source(%arg15 : memref<64x144xf32, #tpu.memory_space<vmem>>) target(%dma_start3A_270 : memref<64x144xf32, #tpu.memory_space<hbm>>) target_semaphore(%run_scoped3A : memref<!tpu.dma_semaphore, #tpu.memory_space<semaphore_mem>>)
      %dma_wait3A_271 = arith.constant 0 : i32
      %dma_wait3A_272 = tpu.memref_slice %arg6[%arg0, %add3A_244, %dma_wait3A_271] : memref<2x10240x144xf32, #tpu.memory_space<hbm>> -> memref<1x64x144xf32, #tpu.memory_space<hbm>>
      %dma_wait3A_273 = tpu.memref_squeeze %dma_wait3A_272 : memref<1x64x144xf32, #tpu.memory_space<hbm>> -> memref<64x144xf32, #tpu.memory_space<hbm>>
      %dma_wait3A_274 = arith.constant 0 : i32
      %dma_wait3A_275 = tpu.memref_slice %arg6[%arg0, %add3A_244, %dma_wait3A_274] : memref<2x10240x144xf32, #tpu.memory_space<hbm>> -> memref<1x64x144xf32, #tpu.memory_space<hbm>>
      %dma_wait3A_276 = tpu.memref_squeeze %dma_wait3A_275 : memref<1x64x144xf32, #tpu.memory_space<hbm>> -> memref<64x144xf32, #tpu.memory_space<hbm>>
      tpu.wait_dma2 semaphore(%run_scoped3A : memref<!tpu.dma_semaphore, #tpu.memory_space<semaphore_mem>>) src(%arg15 : memref<64x144xf32, #tpu.memory_space<vmem>>) dst(%dma_wait3A_276 : memref<64x144xf32, #tpu.memory_space<hbm>>)
      tpu.yield
    }) : () -> ()
    %mul3A_245 = arith.constant 640 : i32
    %mul3A_246 = arith.muli %arg1, %mul3A_245 : i32
    %add3A_247 = arith.constant 320 : i32
    %add3A_248 = arith.addi %mul3A_246, %add3A_247 : i32
    "tpu.region"() ({
      %run_scoped3A = tpu.sem_alloc : memref<!tpu.dma_semaphore, #tpu.memory_space<semaphore_mem>>
      %dma_start3A_265 = arith.constant 0 : i32
      %dma_start3A_266 = tpu.memref_slice %arg18[%add3A_248, %dma_start3A_265] : memref<10240x144xf32, #tpu.memory_space<vmem_shared>> -> memref<64x144xf32, #tpu.memory_space<vmem_shared>>
      %dma_start3A_267 = arith.constant 0 : i32
      %dma_start3A_268 = tpu.memref_slice %arg18[%add3A_248, %dma_start3A_267] : memref<10240x144xf32, #tpu.memory_space<vmem_shared>> -> memref<64x144xf32, #tpu.memory_space<vmem_shared>>
      tpu.enqueue_dma source(%dma_start3A_268 : memref<64x144xf32, #tpu.memory_space<vmem_shared>>) target(%arg15 : memref<64x144xf32, #tpu.memory_space<vmem>>) target_semaphore(%run_scoped3A : memref<!tpu.dma_semaphore, #tpu.memory_space<semaphore_mem>>)
      %dma_wait3A_269 = arith.constant 0 : i32
      %dma_wait3A_270 = tpu.memref_slice %arg18[%add3A_248, %dma_wait3A_269] : memref<10240x144xf32, #tpu.memory_space<vmem_shared>> -> memref<64x144xf32, #tpu.memory_space<vmem_shared>>
      %dma_wait3A_271 = arith.constant 0 : i32
      %dma_wait3A_272 = tpu.memref_slice %arg18[%add3A_248, %dma_wait3A_271] : memref<10240x144xf32, #tpu.memory_space<vmem_shared>> -> memref<64x144xf32, #tpu.memory_space<vmem_shared>>
      tpu.wait_dma2 semaphore(%run_scoped3A : memref<!tpu.dma_semaphore, #tpu.memory_space<semaphore_mem>>) src(%dma_wait3A_272 : memref<64x144xf32, #tpu.memory_space<vmem_shared>>) dst(%arg15 : memref<64x144xf32, #tpu.memory_space<vmem>>)
      tpu.yield
    }) : () -> ()
    "tpu.region"() ({
      %run_scoped3A = tpu.sem_alloc : memref<!tpu.dma_semaphore, #tpu.memory_space<semaphore_mem>>
      %dma_start3A_265 = arith.constant 0 : i32
      %dma_start3A_266 = tpu.memref_slice %arg6[%arg0, %add3A_248, %dma_start3A_265] : memref<2x10240x144xf32, #tpu.memory_space<hbm>> -> memref<1x64x144xf32, #tpu.memory_space<hbm>>
      %dma_start3A_267 = tpu.memref_squeeze %dma_start3A_266 : memref<1x64x144xf32, #tpu.memory_space<hbm>> -> memref<64x144xf32, #tpu.memory_space<hbm>>
      %dma_start3A_268 = arith.constant 0 : i32
      %dma_start3A_269 = tpu.memref_slice %arg6[%arg0, %add3A_248, %dma_start3A_268] : memref<2x10240x144xf32, #tpu.memory_space<hbm>> -> memref<1x64x144xf32, #tpu.memory_space<hbm>>
      %dma_start3A_270 = tpu.memref_squeeze %dma_start3A_269 : memref<1x64x144xf32, #tpu.memory_space<hbm>> -> memref<64x144xf32, #tpu.memory_space<hbm>>
      tpu.enqueue_dma source(%arg15 : memref<64x144xf32, #tpu.memory_space<vmem>>) target(%dma_start3A_270 : memref<64x144xf32, #tpu.memory_space<hbm>>) target_semaphore(%run_scoped3A : memref<!tpu.dma_semaphore, #tpu.memory_space<semaphore_mem>>)
      %dma_wait3A_271 = arith.constant 0 : i32
      %dma_wait3A_272 = tpu.memref_slice %arg6[%arg0, %add3A_248, %dma_wait3A_271] : memref<2x10240x144xf32, #tpu.memory_space<hbm>> -> memref<1x64x144xf32, #tpu.memory_space<hbm>>
      %dma_wait3A_273 = tpu.memref_squeeze %dma_wait3A_272 : memref<1x64x144xf32, #tpu.memory_space<hbm>> -> memref<64x144xf32, #tpu.memory_space<hbm>>
      %dma_wait3A_274 = arith.constant 0 : i32
      %dma_wait3A_275 = tpu.memref_slice %arg6[%arg0, %add3A_248, %dma_wait3A_274] : memref<2x10240x144xf32, #tpu.memory_space<hbm>> -> memref<1x64x144xf32, #tpu.memory_space<hbm>>
      %dma_wait3A_276 = tpu.memref_squeeze %dma_wait3A_275 : memref<1x64x144xf32, #tpu.memory_space<hbm>> -> memref<64x144xf32, #tpu.memory_space<hbm>>
      tpu.wait_dma2 semaphore(%run_scoped3A : memref<!tpu.dma_semaphore, #tpu.memory_space<semaphore_mem>>) src(%arg15 : memref<64x144xf32, #tpu.memory_space<vmem>>) dst(%dma_wait3A_276 : memref<64x144xf32, #tpu.memory_space<hbm>>)
      tpu.yield
    }) : () -> ()
    %mul3A_249 = arith.constant 640 : i32
    %mul3A_250 = arith.muli %arg1, %mul3A_249 : i32
    %add3A_251 = arith.constant 384 : i32
    %add3A_252 = arith.addi %mul3A_250, %add3A_251 : i32
    "tpu.region"() ({
      %run_scoped3A = tpu.sem_alloc : memref<!tpu.dma_semaphore, #tpu.memory_space<semaphore_mem>>
      %dma_start3A_265 = arith.constant 0 : i32
      %dma_start3A_266 = tpu.memref_slice %arg18[%add3A_252, %dma_start3A_265] : memref<10240x144xf32, #tpu.memory_space<vmem_shared>> -> memref<64x144xf32, #tpu.memory_space<vmem_shared>>
      %dma_start3A_267 = arith.constant 0 : i32
      %dma_start3A_268 = tpu.memref_slice %arg18[%add3A_252, %dma_start3A_267] : memref<10240x144xf32, #tpu.memory_space<vmem_shared>> -> memref<64x144xf32, #tpu.memory_space<vmem_shared>>
      tpu.enqueue_dma source(%dma_start3A_268 : memref<64x144xf32, #tpu.memory_space<vmem_shared>>) target(%arg15 : memref<64x144xf32, #tpu.memory_space<vmem>>) target_semaphore(%run_scoped3A : memref<!tpu.dma_semaphore, #tpu.memory_space<semaphore_mem>>)
      %dma_wait3A_269 = arith.constant 0 : i32
      %dma_wait3A_270 = tpu.memref_slice %arg18[%add3A_252, %dma_wait3A_269] : memref<10240x144xf32, #tpu.memory_space<vmem_shared>> -> memref<64x144xf32, #tpu.memory_space<vmem_shared>>
      %dma_wait3A_271 = arith.constant 0 : i32
      %dma_wait3A_272 = tpu.memref_slice %arg18[%add3A_252, %dma_wait3A_271] : memref<10240x144xf32, #tpu.memory_space<vmem_shared>> -> memref<64x144xf32, #tpu.memory_space<vmem_shared>>
      tpu.wait_dma2 semaphore(%run_scoped3A : memref<!tpu.dma_semaphore, #tpu.memory_space<semaphore_mem>>) src(%dma_wait3A_272 : memref<64x144xf32, #tpu.memory_space<vmem_shared>>) dst(%arg15 : memref<64x144xf32, #tpu.memory_space<vmem>>)
      tpu.yield
    }) : () -> ()
    "tpu.region"() ({
      %run_scoped3A = tpu.sem_alloc : memref<!tpu.dma_semaphore, #tpu.memory_space<semaphore_mem>>
      %dma_start3A_265 = arith.constant 0 : i32
      %dma_start3A_266 = tpu.memref_slice %arg6[%arg0, %add3A_252, %dma_start3A_265] : memref<2x10240x144xf32, #tpu.memory_space<hbm>> -> memref<1x64x144xf32, #tpu.memory_space<hbm>>
      %dma_start3A_267 = tpu.memref_squeeze %dma_start3A_266 : memref<1x64x144xf32, #tpu.memory_space<hbm>> -> memref<64x144xf32, #tpu.memory_space<hbm>>
      %dma_start3A_268 = arith.constant 0 : i32
      %dma_start3A_269 = tpu.memref_slice %arg6[%arg0, %add3A_252, %dma_start3A_268] : memref<2x10240x144xf32, #tpu.memory_space<hbm>> -> memref<1x64x144xf32, #tpu.memory_space<hbm>>
      %dma_start3A_270 = tpu.memref_squeeze %dma_start3A_269 : memref<1x64x144xf32, #tpu.memory_space<hbm>> -> memref<64x144xf32, #tpu.memory_space<hbm>>
      tpu.enqueue_dma source(%arg15 : memref<64x144xf32, #tpu.memory_space<vmem>>) target(%dma_start3A_270 : memref<64x144xf32, #tpu.memory_space<hbm>>) target_semaphore(%run_scoped3A : memref<!tpu.dma_semaphore, #tpu.memory_space<semaphore_mem>>)
      %dma_wait3A_271 = arith.constant 0 : i32
      %dma_wait3A_272 = tpu.memref_slice %arg6[%arg0, %add3A_252, %dma_wait3A_271] : memref<2x10240x144xf32, #tpu.memory_space<hbm>> -> memref<1x64x144xf32, #tpu.memory_space<hbm>>
      %dma_wait3A_273 = tpu.memref_squeeze %dma_wait3A_272 : memref<1x64x144xf32, #tpu.memory_space<hbm>> -> memref<64x144xf32, #tpu.memory_space<hbm>>
      %dma_wait3A_274 = arith.constant 0 : i32
      %dma_wait3A_275 = tpu.memref_slice %arg6[%arg0, %add3A_252, %dma_wait3A_274] : memref<2x10240x144xf32, #tpu.memory_space<hbm>> -> memref<1x64x144xf32, #tpu.memory_space<hbm>>
      %dma_wait3A_276 = tpu.memref_squeeze %dma_wait3A_275 : memref<1x64x144xf32, #tpu.memory_space<hbm>> -> memref<64x144xf32, #tpu.memory_space<hbm>>
      tpu.wait_dma2 semaphore(%run_scoped3A : memref<!tpu.dma_semaphore, #tpu.memory_space<semaphore_mem>>) src(%arg15 : memref<64x144xf32, #tpu.memory_space<vmem>>) dst(%dma_wait3A_276 : memref<64x144xf32, #tpu.memory_space<hbm>>)
      tpu.yield
    }) : () -> ()
    %mul3A_253 = arith.constant 640 : i32
    %mul3A_254 = arith.muli %arg1, %mul3A_253 : i32
    %add3A_255 = arith.constant 448 : i32
    %add3A_256 = arith.addi %mul3A_254, %add3A_255 : i32
    "tpu.region"() ({
      %run_scoped3A = tpu.sem_alloc : memref<!tpu.dma_semaphore, #tpu.memory_space<semaphore_mem>>
      %dma_start3A_265 = arith.constant 0 : i32
      %dma_start3A_266 = tpu.memref_slice %arg18[%add3A_256, %dma_start3A_265] : memref<10240x144xf32, #tpu.memory_space<vmem_shared>> -> memref<64x144xf32, #tpu.memory_space<vmem_shared>>
      %dma_start3A_267 = arith.constant 0 : i32
      %dma_start3A_268 = tpu.memref_slice %arg18[%add3A_256, %dma_start3A_267] : memref<10240x144xf32, #tpu.memory_space<vmem_shared>> -> memref<64x144xf32, #tpu.memory_space<vmem_shared>>
      tpu.enqueue_dma source(%dma_start3A_268 : memref<64x144xf32, #tpu.memory_space<vmem_shared>>) target(%arg15 : memref<64x144xf32, #tpu.memory_space<vmem>>) target_semaphore(%run_scoped3A : memref<!tpu.dma_semaphore, #tpu.memory_space<semaphore_mem>>)
      %dma_wait3A_269 = arith.constant 0 : i32
      %dma_wait3A_270 = tpu.memref_slice %arg18[%add3A_256, %dma_wait3A_269] : memref<10240x144xf32, #tpu.memory_space<vmem_shared>> -> memref<64x144xf32, #tpu.memory_space<vmem_shared>>
      %dma_wait3A_271 = arith.constant 0 : i32
      %dma_wait3A_272 = tpu.memref_slice %arg18[%add3A_256, %dma_wait3A_271] : memref<10240x144xf32, #tpu.memory_space<vmem_shared>> -> memref<64x144xf32, #tpu.memory_space<vmem_shared>>
      tpu.wait_dma2 semaphore(%run_scoped3A : memref<!tpu.dma_semaphore, #tpu.memory_space<semaphore_mem>>) src(%dma_wait3A_272 : memref<64x144xf32, #tpu.memory_space<vmem_shared>>) dst(%arg15 : memref<64x144xf32, #tpu.memory_space<vmem>>)
      tpu.yield
    }) : () -> ()
    "tpu.region"() ({
      %run_scoped3A = tpu.sem_alloc : memref<!tpu.dma_semaphore, #tpu.memory_space<semaphore_mem>>
      %dma_start3A_265 = arith.constant 0 : i32
      %dma_start3A_266 = tpu.memref_slice %arg6[%arg0, %add3A_256, %dma_start3A_265] : memref<2x10240x144xf32, #tpu.memory_space<hbm>> -> memref<1x64x144xf32, #tpu.memory_space<hbm>>
      %dma_start3A_267 = tpu.memref_squeeze %dma_start3A_266 : memref<1x64x144xf32, #tpu.memory_space<hbm>> -> memref<64x144xf32, #tpu.memory_space<hbm>>
      %dma_start3A_268 = arith.constant 0 : i32
      %dma_start3A_269 = tpu.memref_slice %arg6[%arg0, %add3A_256, %dma_start3A_268] : memref<2x10240x144xf32, #tpu.memory_space<hbm>> -> memref<1x64x144xf32, #tpu.memory_space<hbm>>
      %dma_start3A_270 = tpu.memref_squeeze %dma_start3A_269 : memref<1x64x144xf32, #tpu.memory_space<hbm>> -> memref<64x144xf32, #tpu.memory_space<hbm>>
      tpu.enqueue_dma source(%arg15 : memref<64x144xf32, #tpu.memory_space<vmem>>) target(%dma_start3A_270 : memref<64x144xf32, #tpu.memory_space<hbm>>) target_semaphore(%run_scoped3A : memref<!tpu.dma_semaphore, #tpu.memory_space<semaphore_mem>>)
      %dma_wait3A_271 = arith.constant 0 : i32
      %dma_wait3A_272 = tpu.memref_slice %arg6[%arg0, %add3A_256, %dma_wait3A_271] : memref<2x10240x144xf32, #tpu.memory_space<hbm>> -> memref<1x64x144xf32, #tpu.memory_space<hbm>>
      %dma_wait3A_273 = tpu.memref_squeeze %dma_wait3A_272 : memref<1x64x144xf32, #tpu.memory_space<hbm>> -> memref<64x144xf32, #tpu.memory_space<hbm>>
      %dma_wait3A_274 = arith.constant 0 : i32
      %dma_wait3A_275 = tpu.memref_slice %arg6[%arg0, %add3A_256, %dma_wait3A_274] : memref<2x10240x144xf32, #tpu.memory_space<hbm>> -> memref<1x64x144xf32, #tpu.memory_space<hbm>>
      %dma_wait3A_276 = tpu.memref_squeeze %dma_wait3A_275 : memref<1x64x144xf32, #tpu.memory_space<hbm>> -> memref<64x144xf32, #tpu.memory_space<hbm>>
      tpu.wait_dma2 semaphore(%run_scoped3A : memref<!tpu.dma_semaphore, #tpu.memory_space<semaphore_mem>>) src(%arg15 : memref<64x144xf32, #tpu.memory_space<vmem>>) dst(%dma_wait3A_276 : memref<64x144xf32, #tpu.memory_space<hbm>>)
      tpu.yield
    }) : () -> ()
    %mul3A_257 = arith.constant 640 : i32
    %mul3A_258 = arith.muli %arg1, %mul3A_257 : i32
    %add3A_259 = arith.constant 512 : i32
    %add3A_260 = arith.addi %mul3A_258, %add3A_259 : i32
    "tpu.region"() ({
      %run_scoped3A = tpu.sem_alloc : memref<!tpu.dma_semaphore, #tpu.memory_space<semaphore_mem>>
      %dma_start3A_265 = arith.constant 0 : i32
      %dma_start3A_266 = tpu.memref_slice %arg18[%add3A_260, %dma_start3A_265] : memref<10240x144xf32, #tpu.memory_space<vmem_shared>> -> memref<64x144xf32, #tpu.memory_space<vmem_shared>>
      %dma_start3A_267 = arith.constant 0 : i32
      %dma_start3A_268 = tpu.memref_slice %arg18[%add3A_260, %dma_start3A_267] : memref<10240x144xf32, #tpu.memory_space<vmem_shared>> -> memref<64x144xf32, #tpu.memory_space<vmem_shared>>
      tpu.enqueue_dma source(%dma_start3A_268 : memref<64x144xf32, #tpu.memory_space<vmem_shared>>) target(%arg15 : memref<64x144xf32, #tpu.memory_space<vmem>>) target_semaphore(%run_scoped3A : memref<!tpu.dma_semaphore, #tpu.memory_space<semaphore_mem>>)
      %dma_wait3A_269 = arith.constant 0 : i32
      %dma_wait3A_270 = tpu.memref_slice %arg18[%add3A_260, %dma_wait3A_269] : memref<10240x144xf32, #tpu.memory_space<vmem_shared>> -> memref<64x144xf32, #tpu.memory_space<vmem_shared>>
      %dma_wait3A_271 = arith.constant 0 : i32
      %dma_wait3A_272 = tpu.memref_slice %arg18[%add3A_260, %dma_wait3A_271] : memref<10240x144xf32, #tpu.memory_space<vmem_shared>> -> memref<64x144xf32, #tpu.memory_space<vmem_shared>>
      tpu.wait_dma2 semaphore(%run_scoped3A : memref<!tpu.dma_semaphore, #tpu.memory_space<semaphore_mem>>) src(%dma_wait3A_272 : memref<64x144xf32, #tpu.memory_space<vmem_shared>>) dst(%arg15 : memref<64x144xf32, #tpu.memory_space<vmem>>)
      tpu.yield
    }) : () -> ()
    "tpu.region"() ({
      %run_scoped3A = tpu.sem_alloc : memref<!tpu.dma_semaphore, #tpu.memory_space<semaphore_mem>>
      %dma_start3A_265 = arith.constant 0 : i32
      %dma_start3A_266 = tpu.memref_slice %arg6[%arg0, %add3A_260, %dma_start3A_265] : memref<2x10240x144xf32, #tpu.memory_space<hbm>> -> memref<1x64x144xf32, #tpu.memory_space<hbm>>
      %dma_start3A_267 = tpu.memref_squeeze %dma_start3A_266 : memref<1x64x144xf32, #tpu.memory_space<hbm>> -> memref<64x144xf32, #tpu.memory_space<hbm>>
      %dma_start3A_268 = arith.constant 0 : i32
      %dma_start3A_269 = tpu.memref_slice %arg6[%arg0, %add3A_260, %dma_start3A_268] : memref<2x10240x144xf32, #tpu.memory_space<hbm>> -> memref<1x64x144xf32, #tpu.memory_space<hbm>>
      %dma_start3A_270 = tpu.memref_squeeze %dma_start3A_269 : memref<1x64x144xf32, #tpu.memory_space<hbm>> -> memref<64x144xf32, #tpu.memory_space<hbm>>
      tpu.enqueue_dma source(%arg15 : memref<64x144xf32, #tpu.memory_space<vmem>>) target(%dma_start3A_270 : memref<64x144xf32, #tpu.memory_space<hbm>>) target_semaphore(%run_scoped3A : memref<!tpu.dma_semaphore, #tpu.memory_space<semaphore_mem>>)
      %dma_wait3A_271 = arith.constant 0 : i32
      %dma_wait3A_272 = tpu.memref_slice %arg6[%arg0, %add3A_260, %dma_wait3A_271] : memref<2x10240x144xf32, #tpu.memory_space<hbm>> -> memref<1x64x144xf32, #tpu.memory_space<hbm>>
      %dma_wait3A_273 = tpu.memref_squeeze %dma_wait3A_272 : memref<1x64x144xf32, #tpu.memory_space<hbm>> -> memref<64x144xf32, #tpu.memory_space<hbm>>
      %dma_wait3A_274 = arith.constant 0 : i32
      %dma_wait3A_275 = tpu.memref_slice %arg6[%arg0, %add3A_260, %dma_wait3A_274] : memref<2x10240x144xf32, #tpu.memory_space<hbm>> -> memref<1x64x144xf32, #tpu.memory_space<hbm>>
      %dma_wait3A_276 = tpu.memref_squeeze %dma_wait3A_275 : memref<1x64x144xf32, #tpu.memory_space<hbm>> -> memref<64x144xf32, #tpu.memory_space<hbm>>
      tpu.wait_dma2 semaphore(%run_scoped3A : memref<!tpu.dma_semaphore, #tpu.memory_space<semaphore_mem>>) src(%arg15 : memref<64x144xf32, #tpu.memory_space<vmem>>) dst(%dma_wait3A_276 : memref<64x144xf32, #tpu.memory_space<hbm>>)
      tpu.yield
    }) : () -> ()
    %mul3A_261 = arith.constant 640 : i32
    %mul3A_262 = arith.muli %arg1, %mul3A_261 : i32
    %add3A_263 = arith.constant 576 : i32
    %add3A_264 = arith.addi %mul3A_262, %add3A_263 : i32
    "tpu.region"() ({
      %run_scoped3A = tpu.sem_alloc : memref<!tpu.dma_semaphore, #tpu.memory_space<semaphore_mem>>
      %dma_start3A_265 = arith.constant 0 : i32
      %dma_start3A_266 = tpu.memref_slice %arg18[%add3A_264, %dma_start3A_265] : memref<10240x144xf32, #tpu.memory_space<vmem_shared>> -> memref<64x144xf32, #tpu.memory_space<vmem_shared>>
      %dma_start3A_267 = arith.constant 0 : i32
      %dma_start3A_268 = tpu.memref_slice %arg18[%add3A_264, %dma_start3A_267] : memref<10240x144xf32, #tpu.memory_space<vmem_shared>> -> memref<64x144xf32, #tpu.memory_space<vmem_shared>>
      tpu.enqueue_dma source(%dma_start3A_268 : memref<64x144xf32, #tpu.memory_space<vmem_shared>>) target(%arg15 : memref<64x144xf32, #tpu.memory_space<vmem>>) target_semaphore(%run_scoped3A : memref<!tpu.dma_semaphore, #tpu.memory_space<semaphore_mem>>)
      %dma_wait3A_269 = arith.constant 0 : i32
      %dma_wait3A_270 = tpu.memref_slice %arg18[%add3A_264, %dma_wait3A_269] : memref<10240x144xf32, #tpu.memory_space<vmem_shared>> -> memref<64x144xf32, #tpu.memory_space<vmem_shared>>
      %dma_wait3A_271 = arith.constant 0 : i32
      %dma_wait3A_272 = tpu.memref_slice %arg18[%add3A_264, %dma_wait3A_271] : memref<10240x144xf32, #tpu.memory_space<vmem_shared>> -> memref<64x144xf32, #tpu.memory_space<vmem_shared>>
      tpu.wait_dma2 semaphore(%run_scoped3A : memref<!tpu.dma_semaphore, #tpu.memory_space<semaphore_mem>>) src(%dma_wait3A_272 : memref<64x144xf32, #tpu.memory_space<vmem_shared>>) dst(%arg15 : memref<64x144xf32, #tpu.memory_space<vmem>>)
      tpu.yield
    }) : () -> ()
    "tpu.region"() ({
      %run_scoped3A = tpu.sem_alloc : memref<!tpu.dma_semaphore, #tpu.memory_space<semaphore_mem>>
      %dma_start3A_265 = arith.constant 0 : i32
      %dma_start3A_266 = tpu.memref_slice %arg6[%arg0, %add3A_264, %dma_start3A_265] : memref<2x10240x144xf32, #tpu.memory_space<hbm>> -> memref<1x64x144xf32, #tpu.memory_space<hbm>>
      %dma_start3A_267 = tpu.memref_squeeze %dma_start3A_266 : memref<1x64x144xf32, #tpu.memory_space<hbm>> -> memref<64x144xf32, #tpu.memory_space<hbm>>
      %dma_start3A_268 = arith.constant 0 : i32
      %dma_start3A_269 = tpu.memref_slice %arg6[%arg0, %add3A_264, %dma_start3A_268] : memref<2x10240x144xf32, #tpu.memory_space<hbm>> -> memref<1x64x144xf32, #tpu.memory_space<hbm>>
      %dma_start3A_270 = tpu.memref_squeeze %dma_start3A_269 : memref<1x64x144xf32, #tpu.memory_space<hbm>> -> memref<64x144xf32, #tpu.memory_space<hbm>>
      tpu.enqueue_dma source(%arg15 : memref<64x144xf32, #tpu.memory_space<vmem>>) target(%dma_start3A_270 : memref<64x144xf32, #tpu.memory_space<hbm>>) target_semaphore(%run_scoped3A : memref<!tpu.dma_semaphore, #tpu.memory_space<semaphore_mem>>)
      %dma_wait3A_271 = arith.constant 0 : i32
      %dma_wait3A_272 = tpu.memref_slice %arg6[%arg0, %add3A_264, %dma_wait3A_271] : memref<2x10240x144xf32, #tpu.memory_space<hbm>> -> memref<1x64x144xf32, #tpu.memory_space<hbm>>
      %dma_wait3A_273 = tpu.memref_squeeze %dma_wait3A_272 : memref<1x64x144xf32, #tpu.memory_space<hbm>> -> memref<64x144xf32, #tpu.memory_space<hbm>>
      %dma_wait3A_274 = arith.constant 0 : i32
      %dma_wait3A_275 = tpu.memref_slice %arg6[%arg0, %add3A_264, %dma_wait3A_274] : memref<2x10240x144xf32, #tpu.memory_space<hbm>> -> memref<1x64x144xf32, #tpu.memory_space<hbm>>
      %dma_wait3A_276 = tpu.memref_squeeze %dma_wait3A_275 : memref<1x64x144xf32, #tpu.memory_space<hbm>> -> memref<64x144xf32, #tpu.memory_space<hbm>>
      tpu.wait_dma2 semaphore(%run_scoped3A : memref<!tpu.dma_semaphore, #tpu.memory_space<semaphore_mem>>) src(%arg15 : memref<64x144xf32, #tpu.memory_space<vmem>>) dst(%dma_wait3A_276 : memref<64x144xf32, #tpu.memory_space<hbm>>)
      tpu.yield
    }) : () -> ()
    return
  }
}

module attributes {stable_mosaic.version = 14 : i64} {
  func.func @_proj_body(%arg0: i32, %arg1: memref<1000x128xf32, #tpu.memory_space<vmem>>, %arg2: memref<128x128xf32, #tpu.memory_space<vmem>>, %arg3: memref<1x128xf32, #tpu.memory_space<vmem>>, %arg4: memref<128x128xf32, #tpu.memory_space<vmem>>, %arg5: memref<128x128xf32, #tpu.memory_space<vmem>>, %arg6: memref<1000x128xf32, #tpu.memory_space<vmem>>, %arg7: memref<1000x128xbf16, #tpu.memory_space<vmem>>, %arg8: memref<1000x128xbf16, #tpu.memory_space<vmem>>) attributes {dimension_semantics = [#tpu.dimension_semantics<arbitrary>], iteration_bounds = array<i64: 10>, scalar_prefetch = 0 : i64, scratch_operands = 0 : i64, tpu.core_type = #tpu.core_type<tc>, window_params = [{transform_indices = @transform_0, window_bounds = array<i64: 1000, 128>}, {pipeline_mode = #tpu.pipeline_mode<synchronous>, transform_indices = @transform_1, window_bounds = array<i64: 128, 128>}, {pipeline_mode = #tpu.pipeline_mode<synchronous>, transform_indices = @transform_2, window_bounds = array<i64: 1, 128>}, {pipeline_mode = #tpu.pipeline_mode<synchronous>, transform_indices = @transform_3, window_bounds = array<i64: 128, 128>}, {pipeline_mode = #tpu.pipeline_mode<synchronous>, transform_indices = @transform_4, window_bounds = array<i64: 128, 128>}, {transform_indices = @transform_5, window_bounds = array<i64: 1000, 128>}, {transform_indices = @transform_6, window_bounds = array<i64: 1000, 128>}, {transform_indices = @transform_7, window_bounds = array<i64: 1000, 128>}]} {
    %get3A = arith.constant 0 : index
    %get3A_0 = arith.constant 0 : index
    %get3A_1 = vector.load %arg1[%get3A, %get3A_0] : memref<1000x128xf32, #tpu.memory_space<vmem>>, vector<1000x128xf32>
    %get3A_2 = arith.constant 0 : index
    %get3A_3 = arith.constant 0 : index
    %get3A_4 = vector.load %arg2[%get3A_2, %get3A_3] : memref<128x128xf32, #tpu.memory_space<vmem>>, vector<128x128xf32>
    %dot_general3A = arith.constant dense<0.000000e+00> : vector<1000x128xf32>
    %dot_general3A_5 = tpu.matmul %get3A_1, %get3A_4, %dot_general3A {dimension_numbers = #tpu.dot_dimension_numbers<[1], [0], [0], [1], [0, 0, 1, 1], [], []>, transpose_lhs_hint = false} : vector<1000x128xf32>, vector<128x128xf32>, vector<1000x128xf32> -> vector<1000x128xf32>
    %get3A_6 = arith.constant 0 : index
    %get3A_7 = arith.constant 0 : index
    %get3A_8 = vector.load %arg3[%get3A_6, %get3A_7] : memref<1x128xf32, #tpu.memory_space<vmem>>, vector<1x128xf32>
    %add3A = vector.broadcast %get3A_8 : vector<1x128xf32> to vector<1000x128xf32>
    %add3A_9 = arith.addf %dot_general3A_5, %add3A : vector<1000x128xf32>
    %swap3A = arith.constant 0 : index
    %swap3A_10 = arith.constant 0 : index
    %swap3A_11 = vector.load %arg6[%swap3A, %swap3A_10] : memref<1000x128xf32, #tpu.memory_space<vmem>>, vector<1000x128xf32>
    tpu.vector_store %arg6[%swap3A, %swap3A_10], %add3A_9 {strides = array<i32>} : memref<1000x128xf32, #tpu.memory_space<vmem>>, vector<1000x128xf32>,
    %get3A_12 = arith.constant 0 : index
    %get3A_13 = arith.constant 0 : index
    %get3A_14 = vector.load %arg4[%get3A_12, %get3A_13] : memref<128x128xf32, #tpu.memory_space<vmem>>, vector<128x128xf32>
    %dot_general3A_15 = arith.constant dense<0.000000e+00> : vector<1000x128xf32>
    %dot_general3A_16 = tpu.matmul %add3A_9, %get3A_14, %dot_general3A_15 {dimension_numbers = #tpu.dot_dimension_numbers<[1], [0], [0], [1], [0, 0, 1, 1], [], []>, transpose_lhs_hint = false} : vector<1000x128xf32>, vector<128x128xf32>, vector<1000x128xf32> -> vector<1000x128xf32>
    %convert_element_type3A = arith.truncf %dot_general3A_16 : vector<1000x128xf32> to vector<1000x128xbf16>
    %swap3A_17 = arith.constant 0 : index
    %swap3A_18 = arith.constant 0 : index
    %swap3A_19 = vector.load %arg7[%swap3A_17, %swap3A_18] : memref<1000x128xbf16, #tpu.memory_space<vmem>>, vector<1000x128xbf16>
    tpu.vector_store %arg7[%swap3A_17, %swap3A_18], %convert_element_type3A {strides = array<i32>} : memref<1000x128xbf16, #tpu.memory_space<vmem>>, vector<1000x128xbf16>,
    %get3A_20 = arith.constant 0 : index
    %get3A_21 = arith.constant 0 : index
    %get3A_22 = vector.load %arg5[%get3A_20, %get3A_21] : memref<128x128xf32, #tpu.memory_space<vmem>>, vector<128x128xf32>
    %dot_general3A_23 = arith.constant dense<0.000000e+00> : vector<1000x128xf32>
    %dot_general3A_24 = tpu.matmul %add3A_9, %get3A_22, %dot_general3A_23 {dimension_numbers = #tpu.dot_dimension_numbers<[1], [0], [0], [1], [0, 0, 1, 1], [], []>, transpose_lhs_hint = false} : vector<1000x128xf32>, vector<128x128xf32>, vector<1000x128xf32> -> vector<1000x128xf32>
    %convert_element_type3A_25 = arith.truncf %dot_general3A_24 : vector<1000x128xf32> to vector<1000x128xbf16>
    %swap3A_26 = arith.constant 0 : index
    %swap3A_27 = arith.constant 0 : index
    %swap3A_28 = vector.load %arg8[%swap3A_26, %swap3A_27] : memref<1000x128xbf16, #tpu.memory_space<vmem>>, vector<1000x128xbf16>
    tpu.vector_store %arg8[%swap3A_26, %swap3A_27], %convert_element_type3A_25 {strides = array<i32>} : memref<1000x128xbf16, #tpu.memory_space<vmem>>, vector<1000x128xbf16>,
    return
  }
  func.func @transform_0(%arg0: i32) -> (i32, i32) {
    %c0_i32 = arith.constant 0 : i32
    %c0_i32_0 = arith.constant 0 : i32
    return %arg0, %c0_i32 : i32, i32
  }
  func.func @transform_1(%arg0: i32) -> (i32, i32) {
    %c0_i32 = arith.constant 0 : i32
    %c0_i32_0 = arith.constant 0 : i32
    %c0_i32_1 = arith.constant 0 : i32
    return %c0_i32, %c0_i32_0 : i32, i32
  }
  func.func @transform_2(%arg0: i32) -> (i32, i32) {
    %c0_i32 = arith.constant 0 : i32
    %c0_i32_0 = arith.constant 0 : i32
    %c0_i32_1 = arith.constant 0 : i32
    return %c0_i32, %c0_i32_0 : i32, i32
  }
  func.func @transform_3(%arg0: i32) -> (i32, i32) {
    %c0_i32 = arith.constant 0 : i32
    %c0_i32_0 = arith.constant 0 : i32
    %c0_i32_1 = arith.constant 0 : i32
    return %c0_i32, %c0_i32_0 : i32, i32
  }
  func.func @transform_4(%arg0: i32) -> (i32, i32) {
    %c0_i32 = arith.constant 0 : i32
    %c0_i32_0 = arith.constant 0 : i32
    %c0_i32_1 = arith.constant 0 : i32
    return %c0_i32, %c0_i32_0 : i32, i32
  }
  func.func @transform_5(%arg0: i32) -> (i32, i32) {
    %c0_i32 = arith.constant 0 : i32
    %c0_i32_0 = arith.constant 0 : i32
    return %arg0, %c0_i32 : i32, i32
  }
  func.func @transform_6(%arg0: i32) -> (i32, i32) {
    %c0_i32 = arith.constant 0 : i32
    %c0_i32_0 = arith.constant 0 : i32
    return %arg0, %c0_i32 : i32, i32
  }
  func.func @transform_7(%arg0: i32) -> (i32, i32) {
    %c0_i32 = arith.constant 0 : i32
    %c0_i32_0 = arith.constant 0 : i32
    return %arg0, %c0_i32 : i32, i32
  }
}

module attributes {stable_mosaic.version = 14 : i64} {
  func.func @_out_body(%arg0: i32, %arg1: memref<1x1000x144xf32, #tpu.memory_space<vmem>>, %arg2: memref<1x1000x144xf32, #tpu.memory_space<vmem>>, %arg3: memref<1000x128xf32, #tpu.memory_space<vmem>>, %arg4: memref<1x128xf32, #tpu.memory_space<vmem>>, %arg5: memref<128x128xf32, #tpu.memory_space<vmem>>, %arg6: memref<1x128xf32, #tpu.memory_space<vmem>>, %arg7: memref<1000x128xf32, #tpu.memory_space<vmem>>) attributes {dimension_semantics = [#tpu.dimension_semantics<arbitrary>], iteration_bounds = array<i64: 10>, scalar_prefetch = 0 : i64, scratch_operands = 0 : i64, tpu.core_type = #tpu.core_type<tc>, window_params = [{transform_indices = @transform_0, window_bounds = array<i64: 1, 1000, 144>}, {transform_indices = @transform_1, window_bounds = array<i64: 1, 1000, 144>}, {transform_indices = @transform_2, window_bounds = array<i64: 1000, 128>}, {pipeline_mode = #tpu.pipeline_mode<synchronous>, transform_indices = @transform_3, window_bounds = array<i64: 1, 128>}, {pipeline_mode = #tpu.pipeline_mode<synchronous>, transform_indices = @transform_4, window_bounds = array<i64: 128, 128>}, {pipeline_mode = #tpu.pipeline_mode<synchronous>, transform_indices = @transform_5, window_bounds = array<i64: 1, 128>}, {transform_indices = @transform_6, window_bounds = array<i64: 1000, 128>}]} {
    %get3A = arith.constant 0 : index
    %get3A_0 = arith.constant 0 : index
    %get3A_1 = arith.constant 0 : index
    %get3A_2 = vector.load %arg1[%get3A, %get3A_0, %get3A_1] : memref<1x1000x144xf32, #tpu.memory_space<vmem>>, vector<1x1000x144xf32>
    %get3A_3 = vector.shape_cast %get3A_2 : vector<1x1000x144xf32> to vector<1000x144xf32>
    %get3A_4 = arith.constant 0 : index
    %get3A_5 = arith.constant 0 : index
    %get3A_6 = arith.constant 0 : index
    %get3A_7 = vector.load %arg2[%get3A_4, %get3A_5, %get3A_6] : memref<1x1000x144xf32, #tpu.memory_space<vmem>>, vector<1x1000x144xf32>
    %get3A_8 = vector.shape_cast %get3A_7 : vector<1x1000x144xf32> to vector<1000x144xf32>
    %add3A = arith.addf %get3A_3, %get3A_8 : vector<1000x144xf32>
    %slice3A = vector.extract_strided_slice %add3A {offsets = [0, 0], sizes = [1000, 128], strides = [1, 1]} : vector<1000x144xf32> to vector<1000x128xf32>
    %slice3A_9 = vector.extract_strided_slice %add3A {offsets = [0, 128], sizes = [1000, 1], strides = [1, 1]} : vector<1000x144xf32> to vector<1000x1xf32>
    %add3A_10 = arith.constant 1.000000e-16 : f32
    %add3A_11 = vector.broadcast %add3A_10 : f32 to vector<1000x1xf32>
    %add3A_12 = arith.addf %slice3A_9, %add3A_11 : vector<1000x1xf32>
    %div3A = vector.broadcast %add3A_12 : vector<1000x1xf32> to vector<1000x128xf32>
    %div3A_13 = arith.divf %slice3A, %div3A : vector<1000x128xf32>
    %get3A_14 = arith.constant 0 : index
    %get3A_15 = arith.constant 0 : index
    %get3A_16 = vector.load %arg3[%get3A_14, %get3A_15] : memref<1000x128xf32, #tpu.memory_space<vmem>>, vector<1000x128xf32>
    %add3A_17 = arith.addf %div3A_13, %get3A_16 : vector<1000x128xf32>
    %get3A_18 = arith.constant 0 : index
    %get3A_19 = arith.constant 0 : index
    %get3A_20 = vector.load %arg4[%get3A_18, %get3A_19] : memref<1x128xf32, #tpu.memory_space<vmem>>, vector<1x128xf32>
    %add3A_21 = vector.broadcast %get3A_20 : vector<1x128xf32> to vector<1000x128xf32>
    %add3A_22 = arith.addf %add3A_17, %add3A_21 : vector<1000x128xf32>
    %get3A_23 = arith.constant 0 : index
    %get3A_24 = arith.constant 0 : index
    %get3A_25 = vector.load %arg5[%get3A_23, %get3A_24] : memref<128x128xf32, #tpu.memory_space<vmem>>, vector<128x128xf32>
    %dot_general3A = arith.constant dense<0.000000e+00> : vector<1000x128xf32>
    %dot_general3A_26 = tpu.matmul %add3A_22, %get3A_25, %dot_general3A {dimension_numbers = #tpu.dot_dimension_numbers<[1], [0], [0], [1], [0, 0, 1, 1], [], []>, transpose_lhs_hint = false} : vector<1000x128xf32>, vector<128x128xf32>, vector<1000x128xf32> -> vector<1000x128xf32>
    %get3A_27 = arith.constant 0 : index
    %get3A_28 = arith.constant 0 : index
    %get3A_29 = vector.load %arg6[%get3A_27, %get3A_28] : memref<1x128xf32, #tpu.memory_space<vmem>>, vector<1x128xf32>
    %add3A_30 = vector.broadcast %get3A_29 : vector<1x128xf32> to vector<1000x128xf32>
    %add3A_31 = arith.addf %dot_general3A_26, %add3A_30 : vector<1000x128xf32>
    %swap3A = arith.constant 0 : index
    %swap3A_32 = arith.constant 0 : index
    %swap3A_33 = vector.load %arg7[%swap3A, %swap3A_32] : memref<1000x128xf32, #tpu.memory_space<vmem>>, vector<1000x128xf32>
    tpu.vector_store %arg7[%swap3A, %swap3A_32], %add3A_31 {strides = array<i32>} : memref<1000x128xf32, #tpu.memory_space<vmem>>, vector<1000x128xf32>,
    return
  }
  func.func @transform_0(%arg0: i32) -> (i32, i32, i32) {
    %c0_i32 = arith.constant 0 : i32
    %c0_i32_0 = arith.constant 0 : i32
    %c0_i32_1 = arith.constant 0 : i32
    return %c0_i32, %arg0, %c0_i32_0 : i32, i32, i32
  }
  func.func @transform_1(%arg0: i32) -> (i32, i32, i32) {
    %c1_i32 = arith.constant 1 : i32
    %c0_i32 = arith.constant 0 : i32
    %c0_i32_0 = arith.constant 0 : i32
    return %c1_i32, %arg0, %c0_i32 : i32, i32, i32
  }
  func.func @transform_2(%arg0: i32) -> (i32, i32) {
    %c0_i32 = arith.constant 0 : i32
    %c0_i32_0 = arith.constant 0 : i32
    return %arg0, %c0_i32 : i32, i32
  }
  func.func @transform_3(%arg0: i32) -> (i32, i32) {
    %c0_i32 = arith.constant 0 : i32
    %c0_i32_0 = arith.constant 0 : i32
    %c0_i32_1 = arith.constant 0 : i32
    return %c0_i32, %c0_i32_0 : i32, i32
  }
  func.func @transform_4(%arg0: i32) -> (i32, i32) {
    %c0_i32 = arith.constant 0 : i32
    %c0_i32_0 = arith.constant 0 : i32
    %c0_i32_1 = arith.constant 0 : i32
    return %c0_i32, %c0_i32_0 : i32, i32
  }
  func.func @transform_5(%arg0: i32) -> (i32, i32) {
    %c0_i32 = arith.constant 0 : i32
    %c0_i32_0 = arith.constant 0 : i32
    %c0_i32_1 = arith.constant 0 : i32
    return %c0_i32, %c0_i32_0 : i32, i32
  }
  func.func @transform_6(%arg0: i32) -> (i32, i32) {
    %c0_i32 = arith.constant 0 : i32
    %c0_i32_0 = arith.constant 0 : i32
    return %arg0, %c0_i32 : i32, i32
  }
}

</mosaic_0001>

<sc_bundles>
// kernel: kernel.5.cloned.1.call-start
scs
__scs_entry_jumppad:
0x0: {  	(pc) =	sbr.rel $0x88, $3  }
0x1: {  	(tag) =	ssettag $0x0;
	lr =	simm.s32 $0x1  }
0x2: {  	[smem:$0x3F97] =	sst lr;
	_ =	strace $0xD0000000  }
0x3: {  	_ = 	snop  }
0x4: {  	_ = 	snop  }
0x5: {  	_ = 	snop  }
0x6: {  	_ = 	snop  }
0x7: {  	_ = 	snop  }
__scs_overlays_trampoline_lowered:
0x8: {  	[smem:$0x3FA6] =	sst s0  }
0x9: {  	[smem:$0x3FA7] =	sst s1  }
0xa: {  	[smem:$0x3FA8] =	sst s2  }
0xb: {  	[smem:$0x3FA9] =	sst s3  }
0xc: {  	[smem:$0x3FAA] =	sst s4  }
0xd: {  	[smem:$0x3FAB] =	sst s5  }
0xe: {  	[smem:$0x3FAC] =	sst s6  }
0xf: {  	[smem:$0x3FAD] =	sst s7  }
0x10: {  	[smem:$0x3FAE] =	sst s8  }
0x11: {  	[smem:$0x3FAF] =	sst s9;
	s0 =	simm.s32 @!p0 $0x0  }
0x12: {  	s1 =	sld [smem:$0x3F95];
	s0 =	simm.s32 @p0 $0x1  }
0x13: {  	[smem:$0x3FB0] =	sst s0;
	s0 =	simm.s32 @!p1 $0x0  }
0x14: {  	s2 =	sld [smem:$0x3F94];
	s0 =	simm.s32 @p1 $0x1  }
0x15: {  	[smem:$0x3FB1] =	sst s0;
	s0 =	simm.s32 @!p2 $0x0  }
0x16: {  	s3 =	sld [smem:$0x3FDB];
	s0 =	simm.s32 @p2 $0x1  }
0x17: {  	s4 =	simm.s32 $0x1BF5;
	[smem:$0x3FB3] =	sst s0  }
0x18: {  	s0 =	sld [smem:$0x3F96];
	_ =	swait.ge [sflag:s4], $0x0  }
0x19: {  	s7 =	sld [smem:$0x3F97]  }
0x1a: {  	s8 =	sadd.s32 $0xFFFFE003, lr  }
0x1b: {  	s9 =	sadd.s32 $0xFFFFFEF7, lr;
	s5 =	simm.s32 $0xFFFFFFFF;
	p2 =	slt.u32 s8, $0xFFFFF086  }
0x1c: {  	p1 =	slt.u32 s9, $0xF7A;
	s5 =	simm.s32 @!p2 $0x0  }
0x1d: {  	s5 =	simm.s32 @p1 $0x1;
	p0 =	seq.s32 s7, s2  }
0x1e: {  	s7 =	smul.u32 @!p0 $0xF7A, s2;
	p2 =	seq.s32 @!p0 s5, $0x0  }
0x1f: {  	s9 =	smul.u32 $0xF7A, s1;
	s8 =	simm.s32 @!p0 $0x1BF5;
	p2 =	por !p2, p0  }
0x20: {  	[sflag:s8] =	ssyncset.s32 @!p0 $0xFFFFF086;
	s6 =	sadd.s32 @!p0 s3, s7;
	s7 =	simm.s32 @!p0 $0x108  }
0x21: {  	s3 =	sadd.s32 s3, s9;
	s6 =	sadd.s32 @!p0 $0x88, s6;
	s7 =	simm.s32 @p2 $0x1082  }
0x22: {  	[simem:s7], [sflag:s8] =	dma.local @!p0 [hbm:s6], $0xF7A  }
0x23: {  	s9 =	sor.u32 $0xD0000000, s2;
	s6 =	simm.s32 $0x108;
	_ =	swait.ge @!p0 [sflag:s8], $0x0  }
0x24: {  	s3 =	sadd.s32 $0x88, s3;
	s6 =	simm.s32 @!p1 $0x1082;
	[sflag:s4] =	ssyncset.s32 $0xFFFFF086  }
0x25: {  	[simem:s6], [sflag:s4] =	dma.local [hbm:s3], $0xF7A  }
0x26: {  	[smem:$0x3F97] =	sst s1;
	(tag) =	ssettag s2;
	_ =	strace s9  }
0x27: {  	s1 =	sld [smem:$0x3FA7]  }
0x28: {  	s2 =	sld [smem:$0x3FA8]  }
0x29: {  	s4 =	sld [smem:$0x3FAA]  }
0x2a: {  	p0 =	seq.s32 s5, $0x0;
	s5 =	sld [smem:$0x3FAB]  }
0x2b: {  	s6 =	sld [smem:$0x3FAC]  }
0x2c: {  	s7 =	sld [smem:$0x3FAD]  }
0x2d: {  	s3 =	simm.s32 $0x108;
	s8 =	sld [smem:$0x3FAE]  }
0x2e: {  	s3 =	simm.s32 @!p0 $0x1082;
	s9 =	sld [smem:$0x3FAF]  }
0x2f: {  	lr =	sadd.s32 s0, s3;
	s0 =	sld [smem:$0x3FA6]  }
0x30: {  	s3 =	sld [smem:$0x3FA9]  }
0x31: {  	[smem:$0x3FB2] =	sst s10  }
0x32: {  	s10 =	sld [smem:$0x3FB0];
	_ =	sdelay $0x3  }
0x33: {  	p0 =	seq.s32 s10, $0x1;
	s10 =	sld [smem:$0x3FB2];
	_ =	sdelay $0x3  }
0x34: {  	[smem:$0x3FB2] =	sst s10  }
0x35: {  	s10 =	sld [smem:$0x3FB1];
	_ =	sdelay $0x3  }
0x36: {  	p1 =	seq.s32 s10, $0x1;
	s10 =	sld [smem:$0x3FB2];
	_ =	sdelay $0x3  }
0x37: {  	[smem:$0x3FB2] =	sst s10  }
0x38: {  	s10 =	sld [smem:$0x3FB3]  }
0x39: {  	_ = 	snop;
	(pc) =	sbr.ind lr, $3  }
0x3a: {  	_ = 	snop  }
0x3b: {  	_ = 	snop  }
0x3c: {  	p2 =	seq.s32 s10, $0x1;
	s10 =	sld [smem:$0x3FB2]  }
0x3d: {  	_ =	shalt  }
0x3e: {  	_ =	shalt  }
0x3f: {  	_ =	shalt  }
0x40: {  	_ =	shalt  }
0x41: {  	_ =	shalt  }
0x42: {  	_ =	shalt  }
0x43: {  	_ =	shalt  }
0x44: {  	_ =	shalt  }
0x45: {  	_ =	shalt  }
0x46: {  	_ =	shalt  }
0x47: {  	_ =	shalt  }
0x48: {  	_ =	shalt  }
0x49: {  	_ =	shalt  }
0x4a: {  	_ =	shalt  }
0x4b: {  	_ =	shalt  }
0x4c: {  	_ =	shalt  }
0x4d: {  	_ =	shalt  }
0x4e: {  	_ =	shalt  }
0x4f: {  	_ =	shalt  }
0x50: {  	_ =	shalt  }
0x51: {  	_ =	shalt  }
0x52: {  	_ =	shalt  }
0x53: {  	_ =	shalt  }
0x54: {  	_ =	shalt  }
0x55: {  	_ =	shalt  }
0x56: {  	_ =	shalt  }
0x57: {  	_ =	shalt  }
0x58: {  	_ =	shalt  }
0x59: {  	_ =	shalt  }
0x5a: {  	_ =	shalt  }
0x5b: {  	_ =	shalt  }
0x5c: {  	_ =	shalt  }
0x5d: {  	_ =	shalt  }
0x5e: {  	_ =	shalt  }
0x5f: {  	_ =	shalt  }
0x60: {  	_ =	shalt  }
0x61: {  	_ =	shalt  }
0x62: {  	_ =	shalt  }
0x63: {  	_ =	shalt  }
0x64: {  	_ =	shalt  }
0x65: {  	_ =	shalt  }
0x66: {  	_ =	shalt  }
0x67: {  	_ =	shalt  }
0x68: {  	_ =	shalt  }
0x69: {  	_ =	shalt  }
0x6a: {  	_ =	shalt  }
0x6b: {  	_ =	shalt  }
0x6c: {  	_ =	shalt  }
0x6d: {  	_ =	shalt  }
0x6e: {  	_ =	shalt  }
0x6f: {  	_ =	shalt  }
0x70: {  	_ =	shalt  }
0x71: {  	_ =	shalt  }
0x72: {  	_ =	shalt  }
0x73: {  	_ =	shalt  }
0x74: {  	_ =	shalt  }
0x75: {  	_ =	shalt  }
0x76: {  	_ =	shalt  }
0x77: {  	_ =	shalt  }
0x78: {  	_ =	shalt  }
0x79: {  	_ =	shalt  }
0x7a: {  	_ =	shalt  }
0x7b: {  	_ =	shalt  }
0x7c: {  	_ =	shalt  }
0x7d: {  	_ =	shalt  }
0x7e: {  	_ =	shalt  }
0x7f: {  	_ =	shalt  }
0x80: {  	_ =	shalt  }
0x81: {  	_ =	shalt  }
0x82: {  	_ =	shalt  }
0x83: {  	_ =	shalt  }
0x84: {  	_ =	shalt  }
0x85: {  	_ =	shalt  }
0x86: {  	_ =	shalt  }
0x87: {  	_ =	shalt  }
.Lfunc_end0:
.L_simem_size_0:
called_computation_lowered:
.L_overlay_start_0:
0x88: {  	s2 =	sld [smem:$0x3FD9]  }
0x89: {  	s3 =	sld [smem:$0x3FFE];
	_ =	sdelay $0x1  }
0x8a: {  	s1 =	srdreg.scid  }
0x8b: {  	s0 =	sand.u32 $0x1, s1  }
0x8c: {  	s17 =	sshll.u32 s0, $0xA;
	s2 =	sadd.s32 s3, s2  }
0x8d: {  	s2 =	sadd.s32 s2, s17  }
0x8e: {  	[smem:$0x3FBE] =	sst s2  }
0x8f: {  	_ = 	snop  }
0x90: {  	s2 =	sld [smem:$0x3FD0];
	(tm) =	ssettm $0x1  }
0x91: {  	s18 =	sld [smem:$0x3FFB];
	_ =	sdelay $0x3  }
0x92: {  	_ =	strace s18  }
0x93: {  	s3 =	sld [smem:$0x3FFC];
	_ =	sdelay $0x3  }
0x94: {  	_ =	strace s3  }
0x95: {  	s3 =	sld [smem:$0x3FFD];
	_ =	sdelay $0x3  }
0x96: {  	_ =	strace s3  }
0x97: {  	_ =	strace $0x8FFFFFFF  }
0x98: {  	s19 =	sld [smem:$0x3FDB];
	_ =	sdelay $0x1  }
0x99: {  	s4 =	simm.s32 $_scs_section_size  }
0x9a: {  	s5 =	simm.s32 $_size__tile_overlayer_lowered;
	s6 =	simm.s32 $_tile_overlayer_lowered  }
0x9b: {  	s22 =	simm.s32 $0x1BFF;
	s21 =	sshll.u32 s6, $0x1;
	s3 =	sadd.s32 s4, s19  }
0x9c: {  	s7 =	simm.s32 $0x0;
	s20 =	sshll.u32 s5, $0x1;
	s5 =	sadd.s32 s21, s3  }
0x9d: {  	[timem:s7], [sflag:s22] =	dma.local [hbm:s5], s20  }
0x9e: {  	_ =	swait.ge [sflag:s22], s20  }
0x9f: {  	s4 =	ssub.s32 $0x0, s20;
	[sflag:s22] =	ssyncset.done $0x0  }
0xa0: {  	[sflag:s22] =	ssyncadd.s32 s4;
	_ =	sdelay $0x1  }
0xa1: {  	s23 =	simm.s32 $0x1B8B  }
0xa2: {  	_ =	swait.ge [sflag:s23], $0x1  }
0xa3: {  	[sflag:s23] =	ssyncset.done $0x0  }
0xa4: {  	s25 =	simm.s32 $0x1B8E;
	s24 =	sld [smem:$0x3FFE];
	[sflag:s23] =	ssyncadd.s32 $0xFFFFFFFF  }
0xa5: {  	s26 =	simm.s32 $execute0_lowered;
	[smem:$0x3FD2] =	sst s25  }
0xa6: {  	s5 =	sshll.u32 s26, $0x1;
	_ =	strace $0x80000046;
	[dreg:$0x1] =	wrdreg $0xFFFFFFFF  }
0xa7: {  	s28 =	simm.s32 $_size_execute0_lowered;
	s3 =	sadd.s32 s3, s5;
	[dreg:$0x0] =	wrdreg $0x0  }
0xa8: {  	s5 =	sshll.u32 s28, $0x1;
	[dreg:$0x2] =	wrdreg s3  }
0xa9: {  	[dreg:$0x3] =	wrdreg s5  }
0xaa: {  	[dreg:$0x4] =	wrdreg $0xC0  }
0xab: {  	_ =	task [dreg:s7], $0x5FFFF  }
0xac: {  	[dreg:$0x1] =	wrdreg $0xFFFFFFFF  }
0xad: {  	[dreg:$0x0] =	wrdreg $0x60  }
0xae: {  	[dreg:$0x2] =	wrdreg s24  }
0xaf: {  	[dreg:$0x3] =	wrdreg s2  }
0xb0: {  	[dreg:$0x4] =	wrdreg $0x8A800  }
0xb1: {  	[dreg:$0x5] =	wrdreg $0x9  }
0xb2: {  	_ =	task.clear_ibuf [dreg:s7], $0x6FFFF;
	_ =	strace $0x90000046  }
0xb3: {  	s29 =	simm.s32 $0x9;
	_ =	strace $0x80000048  }
0xb4: {  	_ =	swait.ge [sflag:s29], $0x1  }
0xb5: {  	[sflag:s29] =	ssyncadd.s32 $0xFFFFFFFF  }
0xb6: {  	_ =	strace $0x90000048  }
0xb7: {  	_ =	sfence  }
0xb8: {  	s30 =	sld [smem:$0x0];
	_ =	sdelay $0x2  }
0xb9: {  	s31 =	sshll.u32 s1, $0xD;
	s1 =	sshrl.u32 s1, $0x2  }
0xba: {  	s3 =	sand.u32 $0x4000, s31;
	s1 =	sadd.s32 s1, s30  }
0xbb: {  	s0 =	sor.u32 s3, s0;
	s1 =	sshll.u32 s1, $0x11  }
0xbc: {  	s0 =	sor.u32 s1, s0  }
0xbd: {  	s0 =	sadd.s32 $0x8F2B, s0  }
0xbe: {  	[sflag:s0] =	ssyncadd.remote.s32 $0x1  }
0xbf: {  	_ =	sfence.sel $0xFFFF  }
0xc0: {  	[dreg:$0x0] =	wrdreg $0xFFFFFFFF;
	(pc) =	sbr.abs _section_cstart, $3  }
0xc1: {  	[dreg:$0x1] =	wrdreg $0xFFFFFFFF  }
0xc2: {  	_ =	task.clear_ibuf [dreg:s7], $0x2FFFF;
	_ =	strace $0x9FFFFFFF  }
0xc3: {  	(tm) =	ssettm $0x7FFFFFFF  }
tec
execute0_lowered:
.L_overlay_start_1:
0x0: {  	(tag) =	ssettag $0x1  }
0x1: {  	s0 =	rddreg [dreg:$0x0]  }
0x2: {  	s1 =	srdreg.scid;
	s20 =	stileid.u32  }
0x3: {  	s28 =	simm.s32 $0x0;
	s29 =	simm.s32 $0x100;
	s2 =	sand.u32 $0x1, s1  }
0x4: {  	s3 =	smul.u32 $0x16800, s20;
	[smem:$0x7FF] =	sst s28;
	s5 =	sadd.s32 $0x3C800, s0  }
0x5: {  	s1 =	ssub.s32 $0x2, s2;
	s8 =	smul.u32 $0x168000, s2;
	s2 =	sshll.u32 s2, $0x4  }
0x6: {  	s4 =	sshrl.u32 s1, $0x1;
	s6 =	sadd.s32 $0x4800, s3;
	s7 =	sadd.s32 $0x6C00, s3  }
0x7: {  	s9 =	sadd.s32 $0x9000, s3;
	s10 =	sadd.s32 $0xB400, s3;
	s11 =	sadd.s32 $0xD800, s3  }
0x8: {  	s13 =	sadd.s32 $0xFC00, s3;
	s18 =	sadd.s32 $0x12000, s3;
	s19 =	sadd.s32 $0x14400, s3  }
0x9: {  	s1 =	ssub.s32 s1, s4;
	s4 =	sadd.s32 $0x2400, s3;
	s12 =	sadd.s32 s3, s8  }
0xa: {  	s25 =	sadd.s32 s8, s6;
	s26 =	sadd.s32 s8, s7;
	s15 =	sadd.s32 s8, s9  }
0xb: {  	s17 =	sadd.s32 s8, s10;
	s21 =	sadd.s32 s8, s11;
	s22 =	sadd.s32 s8, s13  }
0xc: {  	s14 =	sadd.s32 s8, s4;
	s12 =	sshrl.u32 s12, $0x3;
	s15 =	sshrl.u32 s15, $0x3  }
0xd: {  	s1 =	smax.u32 s1, $0x1;
	s14 =	sshrl.u32 s14, $0x3;
	s12 =	sadd.s32 s5, s12  }
0xe: {  	s16 =	sadd.s32 s5, s15;
	s15 =	sshrl.u32 s22, $0x3;
	[dreg:$0x4] =	wrdreg s12  }
0xf: {  	s24 =	sadd.s32 s5, s14;
	s12 =	sshrl.u32 s25, $0x3;
	s14 =	sshrl.u32 s26, $0x3  }
0x10: {  	[dreg:$0x8] =	wrdreg s16;
	s25 =	sadd.s32 s8, s18;
	s8 =	sadd.s32 s8, s19  }
0x11: {  	s16 =	sadd.s32 $0x15400, s0;
	[dreg:$0x5] =	wrdreg s24;
	s12 =	sadd.s32 s5, s12  }
0x12: {  	s26 =	sor.u32 s20, s2;
	s14 =	sadd.s32 s5, s14;
	[dreg:$0x6] =	wrdreg s12  }
0x13: {  	s24 =	sadd.s32 s5, s15;
	[dreg:$0x7] =	wrdreg s14;
	s12 =	sshrl.u32 s17, $0x3  }
0x14: {  	s14 =	sshrl.u32 s21, $0x3;
	[dreg:$0xb] =	wrdreg s24;
	s12 =	sadd.s32 s5, s12  }
0x15: {  	s15 =	sadd.s32 $0x28E00, s0;
	s23 =	sadd.s32 s5, s14;
	[dreg:$0x9] =	wrdreg s12  }
0x16: {  	s17 =	sadd.s32 $0x1400, s0;
	s0 =	smul.u32 $0x5000, s26;
	[dreg:$0xa] =	wrdreg s23  }
0x17: {  	s8 =	sshrl.u32 s8, $0x3;
	s14 =	sshrl.u32 s25, $0x3;
	s12 =	rddreg [dreg:$0x2]  }
0x18: {  	s14 =	sadd.s32 s5, s14;
	s5 =	sadd.s32 s5, s8;
	s22 =	sshrl.u32 s0, $0x3  }
0x19: {  	s25 =	sor.u32 $0x100, s0;
	s31 =	sor.u32 $0x180, s0;
	[dreg:$0xc] =	wrdreg s14  }
0x1a: {  	[dreg:$0xd] =	wrdreg s5;
	s30 =	sadd.s32 s3, s12;
	s5 =	sadd.s32 s4, s12  }
0x1b: {  	s8 =	sadd.s32 s6, s12;
	_ =	strace $0x80000047;
	[dreg:$0xf] =	wrdreg s5  }
0x1c: {  	s14 =	sadd.s32 s7, s12;
	s9 =	sadd.s32 s9, s12;
	[dreg:$0x10] =	wrdreg s8  }
0x1d: {  	s20 =	sadd.s32 s10, s12;
	s11 =	sadd.s32 s11, s12;
	[dreg:$0x11] =	wrdreg s14  }
0x1e: {  	s21 =	sadd.s32 s13, s12;
	s23 =	sadd.s32 s18, s12;
	[dreg:$0x13] =	wrdreg s20  }
0x1f: {  	s24 =	sadd.s32 s19, s12;
	s2 =	sadd.s32 s17, s22;
	[dreg:$0x15] =	wrdreg s21  }
0x20: {  	s10 =	sor.u32 $0x200, s0;
	s0 =	sor.u32 $0x280, s0;
	[dreg:$0x16] =	wrdreg s23  }
0x21: {  	s4 =	simm.s32 $0x9;
	s13 =	simm.s32 $0x6;
	[dreg:$0x17] =	wrdreg s24  }
0x22: {  	s3 =	simm.s32 $0x3200;
	s7 =	simm.s32 $0x1;
	[dreg:$0x19] =	wrdreg s25  }
0x23: {  	s18 =	simm.s32 $0x7;
	s19 =	simm.s32 $0x140;
	[dreg:$0x1a] =	wrdreg s1  }
0x24: {  	v0 =	vlaneseq.u32;
	s22 =	simm.s32 $0x6600;
	s6 =	simm.s32 $0x0;
	[dreg:$0x18] =	wrdreg s2  }
0x25: {  	v0 =	vmul.u32 $0x2, v0;
	s26 =	sadd.s32 $0x10, s2;
	s5 =	simm.s32 $0x4200;
	s8 =	simm.s32 $0x40  }
0x26: {  	s14 =	simm.s32 $0x1200;
	s1 =	simm.s32 $0xC0;
	[dreg:$0xe] =	wrdreg s30  }
0x27: {  	v1 =	vimm.f32 $0.0e+00;
	v2 =	vor.u32 $0x1, v0;
	s20 =	simm.s32 $0x180;
	s21 =	simm.s32 $0x2;
	[dreg:$0x12] =	wrdreg s9  }
0x28: {  	v3 =	vor.u32 $0x20, v0;
	v4 =	vor.u32 $0x21, v0;
	v5 =	vor.u32 $0x40, v0;
	s23 =	simm.s32 $0x3;
	s24 =	simm.s32 $0x8;
	[dreg:$0x14] =	wrdreg s11  }
0x29: {  	v6 =	vor.u32 $0x41, v0;
	v7 =	vor.u32 $0x60, v0;
	v8 =	vor.u32 $0x61, v0;
	s25 =	simm.s32 $0x1C0;
	[dreg:$0x1b] =	wrdreg s26;
	s26 =	simm.s32 $0x4  }
.LBB2_1:
0x2a: {  	[dreg:$0x1c] =	wrdreg s6  }
0x2b: {  	s2 =	rddreg [dreg:$0x1];
	s6 =	simm.s32 $0x8A00  }
0x2c: {  	[tilespmem:s6], [sflag:$0x9] =	stream.linear.gather [hbm4b:s2+s28], $0x80, $0x38;
	[tilespmem:$0x1F280] =	vst v63  }
0x2d: {  	_ =	swait.ge [sflag:s4], $0x80  }
0x2e: {  	[sflag:s4] =	ssyncset.done $0x0  }
0x2f: {  	s2 =	simm.s32 $0x0;
	s6 =	simm.s32 $0x240;
	[sflag:s4] =	ssyncadd.s32 $0xFFFFFF80  }
.LBB2_2:
0x30: {  	p0 =	sne.s32 s6, $0x8DC0;
	[tilespmem:s2+$0x4280] =	vst v1  }
0x31: {  	[tilespmem:s2+$0x4200] =	vst v1  }
0x32: {  	[tilespmem:s2+$0x4210] =	vst v1  }
0x33: {  	[tilespmem:s2+$0x4220] =	vst v1  }
.Ltmp0:
0x34: {  	[tilespmem:s2+$0x4230] =	vst v1;
	(pc) =	sbr.rel @p0 .LBB2_2-.Ltmp0, $4  }
0x35: {  	[tilespmem:s2+$0x4240] =	vst v1  }
0x36: {  	[tilespmem:s2+$0x4250] =	vst v1  }
0x37: {  	[tilespmem:s2+$0x4260] =	vst v1  }
0x38: {  	[tilespmem:s2+$0x4270] =	vst v1;
	s2 =	sshra.s32 s6, $0x2;
	s6 =	sadd.s32 $0x240, s6  }
0x39: {  	[tilespmem:s2+$0x4280] =	vst v1  }
0x3a: {  	[tilespmem:s2+$0x4200] =	vst v1  }
0x3b: {  	[tilespmem:s2+$0x4210] =	vst v1  }
0x3c: {  	[tilespmem:s2+$0x4220] =	vst v1  }
0x3d: {  	[tilespmem:s2+$0x4230] =	vst v1  }
0x3e: {  	[tilespmem:s2+$0x4240] =	vst v1  }
0x3f: {  	[tilespmem:s2+$0x4250] =	vst v1  }
0x40: {  	[tilespmem:s2+$0x4260] =	vst v1  }
0x41: {  	[tilespmem:s2+$0x4270] =	vst v1;
	s2 =	simm.s32 $0x0;
	s6 =	simm.s32 $0x240  }
.LBB2_4:
0x42: {  	p0 =	sne.s32 s6, $0x8DC0;
	[tilespmem:s2+$0x6680] =	vst v1  }
0x43: {  	[tilespmem:s2+$0x6600] =	vst v1  }
0x44: {  	[tilespmem:s2+$0x6610] =	vst v1  }
0x45: {  	[tilespmem:s2+$0x6620] =	vst v1  }
.Ltmp1:
0x46: {  	[tilespmem:s2+$0x6630] =	vst v1;
	(pc) =	sbr.rel @p0 .LBB2_4-.Ltmp1, $4  }
0x47: {  	[tilespmem:s2+$0x6640] =	vst v1  }
0x48: {  	[tilespmem:s2+$0x6650] =	vst v1  }
0x49: {  	[tilespmem:s2+$0x6660] =	vst v1  }
0x4a: {  	[tilespmem:s2+$0x6670] =	vst v1;
	s2 =	sshra.s32 s6, $0x2;
	s6 =	sadd.s32 $0x240, s6  }
0x4b: {  	[tilespmem:s2+$0x6680] =	vst v1  }
0x4c: {  	[tilespmem:s2+$0x6600] =	vst v1  }
0x4d: {  	[tilespmem:s2+$0x6610] =	vst v1  }
0x4e: {  	[tilespmem:s2+$0x6620] =	vst v1  }
0x4f: {  	[tilespmem:s2+$0x6630] =	vst v1  }
0x50: {  	[tilespmem:s2+$0x6640] =	vst v1  }
0x51: {  	[tilespmem:s2+$0x6650] =	vst v1  }
0x52: {  	[tilespmem:s2+$0x6660] =	vst v1  }
0x53: {  	[tilespmem:s2+$0x6670] =	vst v1  }
0x54: {  	[spmem:s30] =	stream.linear.scatter [tilespmem:s5], [sflag:$0x9], $0x2400, $0x38;
	[tilespmem:$0x1F280] =	vst v63  }
0x55: {  	_ =	swait.ge [sflag:s4], $0x2400  }
0x56: {  	[sflag:s4] =	ssyncset.done $0x0  }
0x57: {  	s6 =	rddreg [dreg:$0xf];
	[sflag:s4] =	ssyncadd.s32 $0xFFFFDC00  }
0x58: {  	[spmem:s6] =	stream.linear.scatter [tilespmem:s5], [sflag:$0x9], $0x2400, $0x38;
	[tilespmem:$0x1F280] =	vst v63  }
0x59: {  	_ =	swait.ge [sflag:s4], $0x2400  }
0x5a: {  	[sflag:s4] =	ssyncset.done $0x0  }
0x5b: {  	s30 =	rddreg [dreg:$0x10];
	[sflag:s4] =	ssyncadd.s32 $0xFFFFDC00  }
0x5c: {  	[spmem:s30] =	stream.linear.scatter [tilespmem:s5], [sflag:$0x9], $0x2400, $0x38;
	[tilespmem:$0x1F280] =	vst v63  }
0x5d: {  	_ =	swait.ge [sflag:s4], $0x2400  }
0x5e: {  	[sflag:s4] =	ssyncset.done $0x0  }
0x5f: {  	s6 =	rddreg [dreg:$0x11];
	[sflag:s4] =	ssyncadd.s32 $0xFFFFDC00  }
0x60: {  	[spmem:s6] =	stream.linear.scatter [tilespmem:s5], [sflag:$0x9], $0x2400, $0x38;
	[tilespmem:$0x1F280] =	vst v63  }
0x61: {  	_ =	swait.ge [sflag:s4], $0x2400  }
0x62: {  	[sflag:s4] =	ssyncset.done $0x0  }
0x63: {  	[sflag:s4] =	ssyncadd.s32 $0xFFFFDC00  }
0x64: {  	[spmem:s9] =	stream.linear.scatter [tilespmem:s5], [sflag:$0x9], $0x2400, $0x38;
	[tilespmem:$0x1F280] =	vst v63  }
0x65: {  	_ =	swait.ge [sflag:s4], $0x2400  }
0x66: {  	[sflag:s4] =	ssyncset.done $0x0  }
0x67: {  	s9 =	rddreg [dreg:$0x13];
	[sflag:s4] =	ssyncadd.s32 $0xFFFFDC00  }
0x68: {  	[spmem:s9] =	stream.linear.scatter [tilespmem:s5], [sflag:$0x9], $0x2400, $0x38;
	[tilespmem:$0x1F280] =	vst v63  }
0x69: {  	_ =	swait.ge [sflag:s4], $0x2400  }
0x6a: {  	[sflag:s4] =	ssyncset.done $0x0  }
0x6b: {  	[sflag:s4] =	ssyncadd.s32 $0xFFFFDC00  }
0x6c: {  	[spmem:s11] =	stream.linear.scatter [tilespmem:s5], [sflag:$0x9], $0x2400, $0x38;
	[tilespmem:$0x1F280] =	vst v63  }
0x6d: {  	_ =	swait.ge [sflag:s4], $0x2400  }
0x6e: {  	[sflag:s4] =	ssyncset.done $0x0  }
0x6f: {  	s30 =	rddreg [dreg:$0x15];
	[sflag:s4] =	ssyncadd.s32 $0xFFFFDC00  }
0x70: {  	[spmem:s30] =	stream.linear.scatter [tilespmem:s5], [sflag:$0x9], $0x2400, $0x38;
	[tilespmem:$0x1F280] =	vst v63  }
0x71: {  	_ =	swait.ge [sflag:s4], $0x2400  }
0x72: {  	[sflag:s4] =	ssyncset.done $0x0  }
0x73: {  	s6 =	rddreg [dreg:$0x16];
	[sflag:s4] =	ssyncadd.s32 $0xFFFFDC00  }
0x74: {  	[spmem:s6] =	stream.linear.scatter [tilespmem:s5], [sflag:$0x9], $0x2400, $0x38;
	[tilespmem:$0x1F280] =	vst v63  }
0x75: {  	_ =	swait.ge [sflag:s4], $0x2400  }
0x76: {  	[sflag:s4] =	ssyncset.done $0x0  }
0x77: {  	s9 =	rddreg [dreg:$0x17];
	[sflag:s4] =	ssyncadd.s32 $0xFFFFDC00  }
0x78: {  	[spmem:s9] =	stream.linear.scatter [tilespmem:s5], [sflag:$0x9], $0x2400, $0x38;
	[tilespmem:$0x1F280] =	vst v63  }
0x79: {  	_ =	swait.ge [sflag:s4], $0x2400  }
0x7a: {  	[sflag:s4] =	ssyncset.done $0x0  }
0x7b: {  	[sflag:s4] =	ssyncadd.s32 $0xFFFFDC00  }
0x7c: {  	[bflag:$0x0] =	sbarrier.arrive $0xFFFF  }
0x7d: {  	v9 =	vld [tilespmem:$0x8A00]  }
0x7e: {  	v10 =	vld [tilespmem:$0x8A10]  }
0x7f: {  	v11 =	vld [tilespmem:$0x8A20]  }
0x80: {  	v12 =	vld [tilespmem:$0x8A30]  }
0x81: {  	v13 =	vld [tilespmem:$0x8A40]  }
0x82: {  	v14 =	vld [tilespmem:$0x8A50]  }
0x83: {  	s9 =	simm.s32 $0x0;
	v15 =	vld [tilespmem:$0x8A60];
	s11 =	rddreg [dreg:$0x18]  }
0x84: {  	v16 =	vld [tilespmem:$0x8A70];
	[tilespmem:s9], [sflag:$0x5] =	stream.linear.gather [hbm4b:s11+s9], $0x80, $0x38  }
0x85: {  	s6 =	simm.s32 $0x80;
	s30 =	rddreg [dreg:$0x1b]  }
0x86: {  	[tilespmem:s6], [sflag:$0x6] =	stream.linear.gather [hbm4b:s30+s9], $0x80, $0x38;
	[tilespmem:$0x1F280] =	vst v63  }
0x87: {  	s6 =	simm.s32 $0x5  }
0x88: {  	_ =	swait.ge [sflag:s6], $0x80  }
0x89: {  	[sflag:s6] =	ssyncset.done $0x0  }
0x8a: {  	s11 =	simm.s32 $0x200;
	[sflag:s6] =	ssyncadd.s32 $0xFFFFFF80  }
0x8b: {  	[tilespmem:s11], [sflag:$0x1] =	stream.indirect.gather [hbm4b:s15+s8], $0x40, s9, s8, $0xb8;
	[tilespmem:$0x1F280] =	vst v63  }
0x8c: {  	s28 =	simm.s32 $0x0;
	s30 =	simm.s32 $0x2200  }
0x8d: {  	[tilespmem:s30], [sflag:$0x1] =	stream.indirect.gather [hbm4b:s16+s8], $0x40, s8, s8, $0xb8;
	[tilespmem:$0x1F280] =	vst v63  }
.LBB2_6:
0x8e: {  	p0 =	seq.s32 s28, $0x0  }
0x8f: {  	s2 =	simm.s32 @!p0 $0x3  }
0x90: {  	_ =	swait.ge @!p0 [sflag:s2], $0x2400  }
0x91: {  	[sflag:s2] =	ssyncset.done @!p0 $0x0  }
0x92: {  	[sflag:s2] =	ssyncadd.s32 @!p0 $0xFFFFDC00  }
0x93: {  	_ =	swait.ge [sflag:s13], $0x80  }
0x94: {  	s6 =	sshll.u32 s28, $0x9;
	[sflag:s13] =	ssyncset.done $0x0;
	s30 =	rddreg [dreg:$0x19]  }
0x95: {  	s11 =	simm.s32 $0x80;
	[sflag:s13] =	ssyncadd.s32 $0xFFFFFF80;
	s2 =	sadd.s32 s6, s30  }
0x96: {  	[tilespmem:s14], [sflag:$0x2] =	stream.indirect.gather [hbm4b:s15+s8], $0x40, s11, s8, $0xb8;
	[tilespmem:$0x1F280] =	vst v63  }
0x97: {  	s2 =	sshrl.u32 s2, $0x3  }
0x98: {  	[tilespmem:s3], [sflag:$0x2] =	stream.indirect.gather [hbm4b:s16+s8], $0x40, s1, s8, $0xb8;
	[tilespmem:$0x1F280] =	vst v63  }
0x99: {  	s9 =	simm.s32 $0x0;
	s2 =	sadd.s32 s17, s2  }
0x9a: {  	[tilespmem:s29], [sflag:$0x7] =	stream.linear.gather [hbm4b:s2+s9], $0x80, $0x38;
	[tilespmem:$0x1F280] =	vst v63  }
0x9b: {  	_ =	swait.ge [sflag:s7], $0x1000  }
0x9c: {  	[sflag:s7] =	ssyncset.done $0x0  }
0x9d: {  	[sflag:s7] =	ssyncadd.s32 $0xFFFFF000  }
0x9e: {  	_ =	swait.ge [sflag:s7], $0x1000  }
0x9f: {  	s11 =	simm.s32 $0x2280;
	[sflag:s7] =	ssyncset.done $0x0  }
0xa0: {  	s9 =	simm.s32 $0x280;
	s2 =	simm.s32 $0x0;
	[sflag:s7] =	ssyncadd.s32 $0xFFFFF000  }
.LBB2_7:
0xa1: {  	v17 =	vld [tilespmem:s9+$0xFFFFFF80]  }
0xa2: {  	v18 =	vld [tilespmem:s11+$0xFFFFFF80]  }
0xa3: {  	v19 =	vld [tilespmem:s9+$0xFFFFFF90]  }
0xa4: {  	v20 =	vld [tilespmem:s11+$0xFFFFFF90]  }
0xa5: {  	v52 =	vld [tilespmem:s9+$0xFFFFFFA0]  }
0xa6: {  	v53 =	vld [tilespmem:s11+$0xFFFFFFA0]  }
0xa7: {  	v21 =	vunpack.i.l.bf16.f32 v17;
	v22 =	vunpack.i.l.bf16.f32 v18  }
0xa8: {  	v54 =	vld [tilespmem:s9+$0xFFFFFFB0];
	v17 =	vunpack.i.u.bf16.f32 v17;
	v22 =	vadd.f32 v22, v21  }
0xa9: {  	v18 =	vunpack.i.u.bf16.f32 v18;
	v25 =	vunpack.i.l.bf16.f32 v19;
	v26 =	vunpack.i.l.bf16.f32 v20  }
0xaa: {  	v28 =	vld [tilespmem:s11+$0xFFFFFFB0];
	v19 =	vunpack.i.u.bf16.f32 v19;
	v18 =	vadd.f32 v18, v17;
	v23 =	vmul.f32 $2.000000030e-01, v22  }
0xab: {  	v20 =	vunpack.i.u.bf16.f32 v20;
	v29 =	vunpack.i.l.bf16.f32 v52;
	v30 =	vunpack.i.l.bf16.f32 v53  }
0xac: {  	v51 =	vadd.f32 v26, v25;
	v24 =	vmul.f32 $2.000000030e-01, v18;
	v22 =	vmax.f32 v22, v23  }
0xad: {  	v57 =	vunpack.i.u.bf16.f32 v52;
	v59 =	vunpack.i.l.bf16.f32 v54;
	v22 =	vmul.f32 v22, v9  }
0xae: {  	v20 =	vadd.f32 v20, v19;
	v27 =	vmul.f32 $2.000000030e-01, v51;
	v18 =	vmax.f32 v18, v24  }
0xaf: {  	v60 =	vunpack.i.l.bf16.f32 v28;
	v18 =	vmul.f32 v18, v10;
	v22 =	vadd.f32 $0.0e+00, v22  }
0xb0: {  	v56 =	vadd.f32 v30, v29;
	v55 =	vmul.f32 $2.000000030e-01, v20;
	v23 =	vmax.f32 v51, v27  }
0xb1: {  	v24 =	vunpack.i.u.bf16.f32 v53;
	v23 =	vmul.f32 v23, v11;
	v18 =	vadd.f32 v22, v18  }
0xb2: {  	v58 =	vmul.f32 $2.000000030e-01, v56;
	v20 =	vmax.f32 v20, v55;
	v24 =	vadd.f32 v24, v57  }
0xb3: {  	v28 =	vunpack.i.u.bf16.f32 v28;
	v20 =	vmul.f32 v20, v12;
	v18 =	vadd.f32 v23, v18  }
0xb4: {  	v30 =	vadd.f32 v60, v59;
	v61 =	vmul.f32 $2.000000030e-01, v24;
	v22 =	vmax.f32 v56, v58  }
0xb5: {  	v27 =	vunpack.i.u.bf16.f32 v54;
	v22 =	vmul.f32 v22, v13;
	v18 =	vadd.f32 v18, v20  }
0xb6: {  	v63 =	vmul.f32 $2.000000030e-01, v30;
	v62 =	vadd.f32 v28, v27;
	v24 =	vmax.f32 v24, v61  }
0xb7: {  	v32 =	vmul.f32 v24, v14;
	v18 =	vadd.f32 v22, v18  }
0xb8: {  	v33 =	vmax.f32 v30, v63;
	v34 =	vmul.f32 $2.000000030e-01, v62  }
0xb9: {  	v35 =	vmul.f32 v33, v15;
	v18 =	vadd.f32 v18, v32  }
0xba: {  	v36 =	vmax.f32 v62, v34  }
0xbb: {  	v37 =	vmul.f32 v36, v16;
	v18 =	vadd.f32 v35, v18;
	_ =	sdelay $0x1  }
0xbc: {  	v18 =	vadd.f32 v18, v37;
	_ =	sdelay $0x1  }
0xbd: {  	(xrf2) =	vadd.scan.msk.f32 $0xffff, v18;
	_ =	sdelay $0x9  }
0xbe: {  	v18, _, _ =	vpop (xrf2)  }
0xbf: {  	v18 =	vmul.f32 $1.442695020e+00, v18;
	_ =	sdelay $0x1  }
0xc0: {  	v18 =	vbroadcast v18, $0xF;
	_ =	sdelay $0x1  }
0xc1: {  	(erf) = vpow2.f32 v18;
	_ =	sdelay $0x1  }
0xc2: {  	v18 =	vmov s2  }
0xc3: {  	v18 =	vmul.u32 $0x90, v18;
	_ =	sdelay $0x1  }
0xc4: {  	v18 =	vbroadcast v18, $0x0;
	_ =	sdelay $0x1  }
0xc5: {  	v38 =	vor.u32 v0, v18  }
0xc6: {  	v39 =	vor.u32 v2, v18  }
0xc7: {  	v41 =	vor.u32 v3, v18;
	v40 =	vpop (erf)  }
0xc8: {  	v42 =	vor.u32 v4, v18;
	v21 =	vmul.f32 v40, v21  }
0xc9: {  	v31 =	vadd.s32 v5, v18;
	v17 =	vmul.f32 v40, v17  }
0xca: {  	v44 =	vadd.s32 v6, v18;
	v43 =	vmul.f32 v40, v25;
	[tilespmem:v38+s5+$0x0] =	vst.idx.msk $0xffff, v21  }
0xcb: {  	[tilespmem:v39+s5+$0x0] =	vst.idx.msk $0xffff, v17;
	v17 =	vmul.f32 v40, v19;
	v19 =	vadd.s32 v7, v18  }
0xcc: {  	v46 =	vadd.s32 v8, v18;
	v45 =	vmul.f32 v40, v29;
	[tilespmem:v41+s5+$0x0] =	vst.idx.msk $0xffff, v43  }
0xcd: {  	v18 =	vadd.s32 $0x80, v18;
	[tilespmem:v42+s5+$0x0] =	vst.idx.msk $0xffff, v17;
	v17 =	vmul.f32 v40, v57  }
0xce: {  	v20 =	vmul.f32 v40, v59;
	[tilespmem:v31+s5+$0x0] =	vst.idx.msk $0xffff, v45  }
0xcf: {  	[tilespmem:v44+s5+$0x0] =	vst.idx.msk $0xffff, v17;
	v17 =	vmul.f32 v40, v27  }
0xd0: {  	[tilespmem:v19+s5+$0x0] =	vst.idx.msk $0xffff, v20  }
0xd1: {  	[tilespmem:v46+s5+$0x0] =	vst.idx.msk $0xffff, v17  }
0xd2: {  	[tilespmem:v18+s5+$0x0] =	vst.idx.msk $0xffff, v40  }
0xd3: {  	v17 =	vld [tilespmem:s9+$0xFFFFFFC0]  }
0xd4: {  	v18 =	vld [tilespmem:s11+$0xFFFFFFC0]  }
0xd5: {  	v19 =	vld [tilespmem:s9+$0xFFFFFFD0]  }
0xd6: {  	v20 =	vld [tilespmem:s11+$0xFFFFFFD0]  }
0xd7: {  	v53 =	vld [tilespmem:s9+$0xFFFFFFE0]  }
0xd8: {  	v54 =	vld [tilespmem:s11+$0xFFFFFFE0]  }
0xd9: {  	v21 =	vunpack.i.l.bf16.f32 v17;
	v47 =	vunpack.i.l.bf16.f32 v18  }
0xda: {  	v17 =	vunpack.i.u.bf16.f32 v17;
	v22 =	vadd.f32 v47, v21  }
0xdb: {  	v18 =	vunpack.i.u.bf16.f32 v18;
	v50 =	vunpack.i.l.bf16.f32 v19;
	v51 =	vunpack.i.l.bf16.f32 v20  }
0xdc: {  	v56 =	vld [tilespmem:s9+$0xFFFFFFF0];
	v19 =	vunpack.i.u.bf16.f32 v19;
	v18 =	vadd.f32 v18, v17;
	v48 =	vmul.f32 $2.000000030e-01, v22  }
0xdd: {  	v20 =	vunpack.i.u.bf16.f32 v20;
	v58 =	vunpack.i.l.bf16.f32 v53;
	v59 =	vunpack.i.l.bf16.f32 v54  }
0xde: {  	v28 =	vld [tilespmem:s11+$0xFFFFFFF0];
	v52 =	vadd.f32 v51, v50;
	v49 =	vmul.f32 $2.000000030e-01, v18;
	v22 =	vmax.f32 v22, v48  }
0xdf: {  	v61 =	vunpack.i.u.bf16.f32 v53;
	v24 =	vunpack.i.u.bf16.f32 v54;
	v22 =	vmul.f32 v22, v9  }
0xe0: {  	v20 =	vadd.f32 v20, v19;
	v55 =	vmul.f32 $2.000000030e-01, v52;
	v18 =	vmax.f32 v18, v49  }
0xe1: {  	v63 =	vunpack.i.l.bf16.f32 v56;
	v18 =	vmul.f32 v18, v10;
	v22 =	vadd.f32 $0.0e+00, v22  }
0xe2: {  	v60 =	vadd.f32 v59, v58;
	v57 =	vmul.f32 $2.000000030e-01, v20;
	v23 =	vmax.f32 v52, v55  }
0xe3: {  	v33 =	vunpack.i.l.bf16.f32 v28;
	v23 =	vmul.f32 v23, v11;
	v18 =	vadd.f32 v22, v18  }
0xe4: {  	v24 =	vadd.f32 v24, v61;
	v62 =	vmul.f32 $2.000000030e-01, v60;
	v20 =	vmax.f32 v20, v57  }
0xe5: {  	v27 =	vunpack.i.u.bf16.f32 v56;
	v20 =	vmul.f32 v20, v12;
	v18 =	vadd.f32 v23, v18  }
0xe6: {  	v30 =	vadd.f32 v33, v63;
	v34 =	vmul.f32 $2.000000030e-01, v24;
	v22 =	vmax.f32 v60, v62  }
0xe7: {  	v28 =	vunpack.i.u.bf16.f32 v28;
	v22 =	vmul.f32 v22, v13;
	v18 =	vadd.f32 v18, v20  }
0xe8: {  	v35 =	vadd.f32 v28, v27;
	v36 =	vmul.f32 $2.000000030e-01, v30;
	v24 =	vmax.f32 v24, v34  }
0xe9: {  	v37 =	vmul.f32 v24, v14;
	v18 =	vadd.f32 v22, v18  }
0xea: {  	v39 =	vmul.f32 $2.000000030e-01, v35;
	v38 =	vmax.f32 v30, v36  }
0xeb: {  	v40 =	vmul.f32 v38, v15;
	v18 =	vadd.f32 v18, v37  }
0xec: {  	v41 =	vmax.f32 v35, v39  }
0xed: {  	v42 =	vmul.f32 v41, v16;
	v18 =	vadd.f32 v40, v18;
	_ =	sdelay $0x1  }
0xee: {  	v18 =	vadd.f32 v18, v42;
	_ =	sdelay $0x1  }
0xef: {  	(xrf2) =	vadd.scan.msk.f32 $0xffff, v18;
	_ =	sdelay $0x9  }
0xf0: {  	v18, _, _ =	vpop (xrf2)  }
0xf1: {  	v18 =	vmul.f32 $1.442695020e+00, v18;
	_ =	sdelay $0x1  }
0xf2: {  	v18 =	vbroadcast v18, $0xF;
	_ =	sdelay $0x1  }
0xf3: {  	(erf) = vpow2.f32 v18  }
0xf4: {  	s30 =	sadd.s32 $0x1, s2  }
0xf5: {  	v18 =	vmov s30  }
0xf6: {  	v18 =	vmul.u32 $0x90, v18;
	_ =	sdelay $0x1  }
0xf7: {  	v18 =	vbroadcast v18, $0x0;
	_ =	sdelay $0x1  }
0xf8: {  	v43 =	vadd.s32 v0, v18  }
0xf9: {  	v44 =	vadd.s32 v2, v18  }
0xfa: {  	v46 =	vadd.s32 v3, v18;
	v45 =	vpop (erf)  }
0xfb: {  	v47 =	vadd.s32 v4, v18;
	v21 =	vmul.f32 v45, v21  }
0xfc: {  	v48 =	vadd.s32 v5, v18;
	v17 =	vmul.f32 v45, v17  }
0xfd: {  	v49 =	vmul.f32 v45, v50;
	v50 =	vadd.s32 v6, v18;
	[tilespmem:v43+s5+$0x0] =	vst.idx.msk $0xffff, v21  }
0xfe: {  	[tilespmem:v44+s5+$0x0] =	vst.idx.msk $0xffff, v17;
	v17 =	vmul.f32 v45, v19;
	v19 =	vadd.s32 v7, v18  }
0xff: {  	v52 =	vadd.s32 v8, v18;
	v51 =	vmul.f32 v45, v58;
	[tilespmem:v46+s5+$0x0] =	vst.idx.msk $0xffff, v49  }
0x100: {  	v18 =	vadd.s32 $0x80, v18;
	[tilespmem:v47+s5+$0x0] =	vst.idx.msk $0xffff, v17;
	v17 =	vmul.f32 v45, v61  }
0x101: {  	v20 =	vmul.f32 v45, v63;
	[tilespmem:v48+s5+$0x0] =	vst.idx.msk $0xffff, v51  }
0x102: {  	[tilespmem:v50+s5+$0x0] =	vst.idx.msk $0xffff, v17;
	v17 =	vmul.f32 v45, v27  }
0x103: {  	[tilespmem:v19+s5+$0x0] =	vst.idx.msk $0xffff, v20  }
0x104: {  	[tilespmem:v52+s5+$0x0] =	vst.idx.msk $0xffff, v17  }
0x105: {  	[tilespmem:v18+s5+$0x0] =	vst.idx.msk $0xffff, v45  }
0x106: {  	v17 =	vld [tilespmem:s9+$0x0]  }
0x107: {  	v18 =	vld [tilespmem:s11+$0x0]  }
0x108: {  	v19 =	vld [tilespmem:s9+$0x10]  }
0x109: {  	v20 =	vld [tilespmem:s11+$0x10]  }
0x10a: {  	v59 =	vld [tilespmem:s9+$0x20]  }
0x10b: {  	v60 =	vld [tilespmem:s11+$0x20]  }
0x10c: {  	v21 =	vunpack.i.l.bf16.f32 v17;
	v53 =	vunpack.i.l.bf16.f32 v18  }
0x10d: {  	v17 =	vunpack.i.u.bf16.f32 v17;
	v22 =	vadd.f32 v53, v21  }
0x10e: {  	v18 =	vunpack.i.u.bf16.f32 v18;
	v56 =	vunpack.i.l.bf16.f32 v19;
	v57 =	vunpack.i.l.bf16.f32 v20  }
0x10f: {  	v62 =	vld [tilespmem:s9+$0x30];
	v19 =	vunpack.i.u.bf16.f32 v19;
	v18 =	vadd.f32 v18, v17;
	v54 =	vmul.f32 $2.000000030e-01, v22  }
0x110: {  	v20 =	vunpack.i.u.bf16.f32 v20;
	v33 =	vunpack.i.l.bf16.f32 v59;
	v34 =	vunpack.i.l.bf16.f32 v60  }
0x111: {  	v28 =	vld [tilespmem:s11+$0x30];
	v58 =	vadd.f32 v57, v56;
	v55 =	vmul.f32 $2.000000030e-01, v18;
	v22 =	vmax.f32 v22, v54  }
0x112: {  	v36 =	vunpack.i.u.bf16.f32 v59;
	v24 =	vunpack.i.u.bf16.f32 v60;
	v22 =	vmul.f32 v22, v9  }
0x113: {  	v20 =	vadd.f32 v20, v19;
	v61 =	vmul.f32 $2.000000030e-01, v58;
	v18 =	vmax.f32 v18, v55  }
0x114: {  	v38 =	vunpack.i.l.bf16.f32 v62;
	v18 =	vmul.f32 v18, v10;
	v22 =	vadd.f32 $0.0e+00, v22  }
0x115: {  	v35 =	vadd.f32 v34, v33;
	v63 =	vmul.f32 $2.000000030e-01, v20;
	v23 =	vmax.f32 v58, v61  }
0x116: {  	v39 =	vunpack.i.l.bf16.f32 v28;
	v23 =	vmul.f32 v23, v11;
	v18 =	vadd.f32 v22, v18  }
0x117: {  	v24 =	vadd.f32 v24, v36;
	v37 =	vmul.f32 $2.000000030e-01, v35;
	v20 =	vmax.f32 v20, v63  }
0x118: {  	v27 =	vunpack.i.u.bf16.f32 v62;
	v20 =	vmul.f32 v20, v12;
	v18 =	vadd.f32 v23, v18  }
0x119: {  	v30 =	vadd.f32 v39, v38;
	v40 =	vmul.f32 $2.000000030e-01, v24;
	v22 =	vmax.f32 v35, v37  }
0x11a: {  	v28 =	vunpack.i.u.bf16.f32 v28;
	v22 =	vmul.f32 v22, v13;
	v18 =	vadd.f32 v18, v20  }
0x11b: {  	v41 =	vadd.f32 v28, v27;
	v42 =	vmul.f32 $2.000000030e-01, v30;
	v24 =	vmax.f32 v24, v40  }
0x11c: {  	v43 =	vmul.f32 v24, v14;
	v18 =	vadd.f32 v22, v18  }
0x11d: {  	v45 =	vmul.f32 $2.000000030e-01, v41;
	v44 =	vmax.f32 v30, v42  }
0x11e: {  	v46 =	vmul.f32 v44, v15;
	v18 =	vadd.f32 v18, v43  }
0x11f: {  	v47 =	vmax.f32 v41, v45  }
0x120: {  	v48 =	vmul.f32 v47, v16;
	v18 =	vadd.f32 v46, v18;
	_ =	sdelay $0x1  }
0x121: {  	v18 =	vadd.f32 v18, v48;
	_ =	sdelay $0x1  }
0x122: {  	(xrf2) =	vadd.scan.msk.f32 $0xffff, v18;
	_ =	sdelay $0x9  }
0x123: {  	v18, _, _ =	vpop (xrf2)  }
0x124: {  	v18 =	vmul.f32 $1.442695020e+00, v18;
	_ =	sdelay $0x1  }
0x125: {  	v18 =	vbroadcast v18, $0xF;
	_ =	sdelay $0x1  }
0x126: {  	(erf) = vpow2.f32 v18  }
0x127: {  	s30 =	sadd.s32 $0x2, s2  }
0x128: {  	v18 =	vmov s30  }
0x129: {  	v18 =	vmul.u32 $0x90, v18;
	_ =	sdelay $0x1  }
0x12a: {  	v18 =	vbroadcast v18, $0x0;
	_ =	sdelay $0x1  }
0x12b: {  	v49 =	vor.u32 v0, v18  }
0x12c: {  	v50 =	vor.u32 v2, v18  }
0x12d: {  	v52 =	vadd.s32 v3, v18;
	v51 =	vpop (erf)  }
0x12e: {  	v53 =	vadd.s32 v4, v18;
	v21 =	vmul.f32 v51, v21  }
0x12f: {  	v54 =	vadd.s32 v5, v18;
	v17 =	vmul.f32 v51, v17  }
0x130: {  	v55 =	vmul.f32 v51, v56;
	v56 =	vadd.s32 v6, v18;
	[tilespmem:v49+s5+$0x0] =	vst.idx.msk $0xffff, v21  }
0x131: {  	[tilespmem:v50+s5+$0x0] =	vst.idx.msk $0xffff, v17;
	v17 =	vmul.f32 v51, v19;
	v19 =	vadd.s32 v7, v18  }
0x132: {  	v58 =	vadd.s32 v8, v18;
	v57 =	vmul.f32 v51, v33;
	[tilespmem:v52+s5+$0x0] =	vst.idx.msk $0xffff, v55  }
0x133: {  	v18 =	vadd.s32 $0x80, v18;
	[tilespmem:v53+s5+$0x0] =	vst.idx.msk $0xffff, v17;
	v17 =	vmul.f32 v51, v36  }
0x134: {  	v20 =	vmul.f32 v51, v38;
	[tilespmem:v54+s5+$0x0] =	vst.idx.msk $0xffff, v57  }
0x135: {  	[tilespmem:v56+s5+$0x0] =	vst.idx.msk $0xffff, v17;
	v17 =	vmul.f32 v51, v27  }
0x136: {  	[tilespmem:v19+s5+$0x0] =	vst.idx.msk $0xffff, v20  }
0x137: {  	[tilespmem:v58+s5+$0x0] =	vst.idx.msk $0xffff, v17  }
0x138: {  	[tilespmem:v18+s5+$0x0] =	vst.idx.msk $0xffff, v51  }
0x139: {  	v17 =	vld [tilespmem:s9+$0x40]  }
0x13a: {  	v18 =	vld [tilespmem:s11+$0x40]  }
0x13b: {  	v19 =	vld [tilespmem:s9+$0x50]  }
0x13c: {  	v20 =	vld [tilespmem:s11+$0x50]  }
0x13d: {  	v33 =	vld [tilespmem:s9+$0x60]  }
0x13e: {  	v34 =	vld [tilespmem:s11+$0x60]  }
0x13f: {  	v59 =	vunpack.i.l.bf16.f32 v17;
	v60 =	vunpack.i.l.bf16.f32 v18  }
0x140: {  	v17 =	vunpack.i.u.bf16.f32 v17;
	v22 =	vadd.f32 v60, v59  }
0x141: {  	v18 =	vunpack.i.u.bf16.f32 v18;
	v63 =	vunpack.i.l.bf16.f32 v19;
	v31 =	vunpack.i.l.bf16.f32 v20  }
0x142: {  	v36 =	vld [tilespmem:s9+$0x70];
	v19 =	vunpack.i.u.bf16.f32 v19;
	v18 =	vadd.f32 v18, v17;
	v61 =	vmul.f32 $2.000000030e-01, v22  }
0x143: {  	v20 =	vunpack.i.u.bf16.f32 v20;
	v38 =	vunpack.i.l.bf16.f32 v33;
	v39 =	vunpack.i.l.bf16.f32 v34  }
0x144: {  	v28 =	vld [tilespmem:s11+$0x70];
	v32 =	vadd.f32 v31, v63;
	v62 =	vmul.f32 $2.000000030e-01, v18;
	v22 =	vmax.f32 v22, v61  }
0x145: {  	v41 =	vunpack.i.u.bf16.f32 v33;
	v24 =	vunpack.i.u.bf16.f32 v34;
	v22 =	vmul.f32 v22, v9  }
0x146: {  	v20 =	vadd.f32 v20, v19;
	v35 =	vmul.f32 $2.000000030e-01, v32;
	v18 =	vmax.f32 v18, v62  }
0x147: {  	v43 =	vunpack.i.l.bf16.f32 v36;
	v18 =	vmul.f32 v18, v10;
	v22 =	vadd.f32 $0.0e+00, v22  }
0x148: {  	v40 =	vadd.f32 v39, v38;
	v37 =	vmul.f32 $2.000000030e-01, v20;
	v23 =	vmax.f32 v32, v35  }
0x149: {  	v44 =	vunpack.i.l.bf16.f32 v28;
	v23 =	vmul.f32 v23, v11;
	v18 =	vadd.f32 v22, v18  }
0x14a: {  	v24 =	vadd.f32 v24, v41;
	v42 =	vmul.f32 $2.000000030e-01, v40;
	v20 =	vmax.f32 v20, v37  }
0x14b: {  	v27 =	vunpack.i.u.bf16.f32 v36;
	v20 =	vmul.f32 v20, v12;
	v18 =	vadd.f32 v23, v18  }
0x14c: {  	v30 =	vadd.f32 v44, v43;
	v45 =	vmul.f32 $2.000000030e-01, v24;
	v22 =	vmax.f32 v40, v42  }
0x14d: {  	v28 =	vunpack.i.u.bf16.f32 v28;
	v22 =	vmul.f32 v22, v13;
	v18 =	vadd.f32 v18, v20  }
0x14e: {  	v46 =	vadd.f32 v28, v27;
	v47 =	vmul.f32 $2.000000030e-01, v30;
	v24 =	vmax.f32 v24, v45  }
0x14f: {  	v48 =	vmul.f32 v24, v14;
	v18 =	vadd.f32 v22, v18  }
0x150: {  	v50 =	vmul.f32 $2.000000030e-01, v46;
	v49 =	vmax.f32 v30, v47  }
0x151: {  	v51 =	vmul.f32 v49, v15;
	v18 =	vadd.f32 v18, v48  }
0x152: {  	v52 =	vmax.f32 v46, v50  }
0x153: {  	v53 =	vmul.f32 v52, v16;
	v18 =	vadd.f32 v51, v18;
	_ =	sdelay $0x1  }
0x154: {  	v18 =	vadd.f32 v18, v53;
	_ =	sdelay $0x1  }
0x155: {  	(xrf2) =	vadd.scan.msk.f32 $0xffff, v18;
	_ =	sdelay $0x9  }
0x156: {  	v18, _, _ =	vpop (xrf2)  }
0x157: {  	v18 =	vmul.f32 $1.442695020e+00, v18;
	_ =	sdelay $0x1  }
0x158: {  	v18 =	vbroadcast v18, $0xF;
	_ =	sdelay $0x1  }
0x159: {  	(erf) = vpow2.f32 v18  }
0x15a: {  	s30 =	sadd.s32 $0x3, s2  }
0x15b: {  	v18 =	vmov s30  }
0x15c: {  	v18 =	vmul.u32 $0x90, v18;
	_ =	sdelay $0x1  }
0x15d: {  	v18 =	vbroadcast v18, $0x0;
	_ =	sdelay $0x1  }
0x15e: {  	v54 =	vadd.s32 v0, v18  }
0x15f: {  	v55 =	vadd.s32 v2, v18  }
0x160: {  	v57 =	vadd.s32 v3, v18;
	v56 =	vpop (erf)  }
0x161: {  	v58 =	vadd.s32 v4, v18;
	v21 =	vmul.f32 v56, v59  }
0x162: {  	v17 =	vmul.f32 v56, v17;
	v59 =	vadd.s32 v5, v18  }
0x163: {  	v61 =	vadd.s32 v6, v18;
	v60 =	vmul.f32 v56, v63;
	[tilespmem:v54+s5+$0x0] =	vst.idx.msk $0xffff, v21  }
0x164: {  	[tilespmem:v55+s5+$0x0] =	vst.idx.msk $0xffff, v17;
	v17 =	vmul.f32 v56, v19;
	v19 =	vadd.s32 v7, v18  }
0x165: {  	v62 =	vmul.f32 v56, v38;
	v63 =	vadd.s32 v8, v18;
	[tilespmem:v57+s5+$0x0] =	vst.idx.msk $0xffff, v60  }
0x166: {  	p1 =	sne.s32 s2, $0x3C;
	v18 =	vadd.s32 $0x80, v18;
	[tilespmem:v58+s5+$0x0] =	vst.idx.msk $0xffff, v17;
	v17 =	vmul.f32 v56, v41  }
.Ltmp2:
0x167: {  	v20 =	vmul.f32 v56, v43;
	[tilespmem:v59+s5+$0x0] =	vst.idx.msk $0xffff, v62;
	(pc) =	sbr.rel @p1 .LBB2_7-.Ltmp2, $4  }
0x168: {  	[tilespmem:v61+s5+$0x0] =	vst.idx.msk $0xffff, v17;
	v17 =	vmul.f32 v56, v27  }
0x169: {  	[tilespmem:v19+s5+$0x0] =	vst.idx.msk $0xffff, v20  }
0x16a: {  	[tilespmem:v63+s5+$0x0] =	vst.idx.msk $0xffff, v17  }
0x16b: {  	s2 =	sadd.s32 $0x4, s2;
	s9 =	sadd.s32 $0x100, s9;
	s11 =	sadd.s32 $0x100, s11;
	[tilespmem:v18+s5+$0x0] =	vst.idx.msk $0xffff, v56  }
0x16c: {  	[spmem:s12] =	stream.indirect.scatter.add.f32 [tilespmem:s5], [sflag:$0x3], $0x90, s8, s8, $0xb8;
	[tilespmem:$0x1F280] =	vst v63  }
0x16d: {  	s2 =	simm.s32 @!p0 $0x4  }
0x16e: {  	_ =	swait.ge @!p0 [sflag:s2], $0x2400  }
0x16f: {  	[sflag:s2] =	ssyncset.done @!p0 $0x0  }
0x170: {  	[sflag:s2] =	ssyncadd.s32 @!p0 $0xFFFFDC00  }
0x171: {  	_ =	swait.ge [sflag:s18], $0x80  }
0x172: {  	[sflag:s18] =	ssyncset.done $0x0  }
0x173: {  	s9 =	simm.s32 $0x200;
	s30 =	sadd.s32 s6, s31;
	[sflag:s18] =	ssyncadd.s32 $0xFFFFFF80  }
0x174: {  	[tilespmem:s9], [sflag:$0x1] =	stream.indirect.gather [hbm4b:s15+s8], $0x40, s29, s8, $0xb8;
	[tilespmem:$0x1F280] =	vst v63  }
0x175: {  	s11 =	simm.s32 $0x2200;
	s2 =	sshrl.u32 s30, $0x3  }
0x176: {  	[tilespmem:s11], [sflag:$0x1] =	stream.indirect.gather [hbm4b:s16+s8], $0x40, s19, s8, $0xb8;
	[tilespmem:$0x1F280] =	vst v63  }
0x177: {  	s2 =	sadd.s32 s17, s2;
	s9 =	simm.s32 $0x0  }
0x178: {  	[tilespmem:s20], [sflag:$0x8] =	stream.linear.gather [hbm4b:s2+s9], $0x80, $0x38;
	[tilespmem:$0x1F280] =	vst v63  }
0x179: {  	_ =	swait.ge [sflag:s21], $0x1000  }
0x17a: {  	[sflag:s21] =	ssyncset.done $0x0  }
0x17b: {  	[sflag:s21] =	ssyncadd.s32 $0xFFFFF000  }
0x17c: {  	_ =	swait.ge [sflag:s21], $0x1000  }
0x17d: {  	[sflag:s21] =	ssyncset.done $0x0  }
0x17e: {  	s11 =	simm.s32 $0x1280;
	s2 =	simm.s32 $0x3280;
	[sflag:s21] =	ssyncadd.s32 $0xFFFFF000  }
.LBB2_9:
0x17f: {  	v17 =	vld [tilespmem:s11+$0xFFFFFF80]  }
0x180: {  	v18 =	vld [tilespmem:s2+$0xFFFFFF80]  }
0x181: {  	v19 =	vld [tilespmem:s11+$0xFFFFFF90]  }
0x182: {  	v20 =	vld [tilespmem:s2+$0xFFFFFF90]  }
0x183: {  	v52 =	vld [tilespmem:s11+$0xFFFFFFA0]  }
0x184: {  	v53 =	vld [tilespmem:s2+$0xFFFFFFA0]  }
0x185: {  	v21 =	vunpack.i.l.bf16.f32 v17;
	v22 =	vunpack.i.l.bf16.f32 v18  }
0x186: {  	v54 =	vld [tilespmem:s11+$0xFFFFFFB0];
	v17 =	vunpack.i.u.bf16.f32 v17;
	v22 =	vadd.f32 v22, v21  }
0x187: {  	v18 =	vunpack.i.u.bf16.f32 v18;
	v25 =	vunpack.i.l.bf16.f32 v19;
	v26 =	vunpack.i.l.bf16.f32 v20  }
0x188: {  	v28 =	vld [tilespmem:s2+$0xFFFFFFB0];
	v19 =	vunpack.i.u.bf16.f32 v19;
	v18 =	vadd.f32 v18, v17;
	v23 =	vmul.f32 $2.000000030e-01, v22  }
0x189: {  	v20 =	vunpack.i.u.bf16.f32 v20;
	v29 =	vunpack.i.l.bf16.f32 v52;
	v30 =	vunpack.i.l.bf16.f32 v53  }
0x18a: {  	v51 =	vadd.f32 v26, v25;
	v24 =	vmul.f32 $2.000000030e-01, v18;
	v22 =	vmax.f32 v22, v23  }
0x18b: {  	v57 =	vunpack.i.u.bf16.f32 v52;
	v59 =	vunpack.i.l.bf16.f32 v54;
	v22 =	vmul.f32 v22, v9  }
0x18c: {  	v20 =	vadd.f32 v20, v19;
	v27 =	vmul.f32 $2.000000030e-01, v51;
	v18 =	vmax.f32 v18, v24  }
0x18d: {  	v60 =	vunpack.i.l.bf16.f32 v28;
	v18 =	vmul.f32 v18, v10;
	v22 =	vadd.f32 $0.0e+00, v22  }
0x18e: {  	v56 =	vadd.f32 v30, v29;
	v55 =	vmul.f32 $2.000000030e-01, v20;
	v23 =	vmax.f32 v51, v27  }
0x18f: {  	v24 =	vunpack.i.u.bf16.f32 v53;
	v23 =	vmul.f32 v23, v11;
	v18 =	vadd.f32 v22, v18  }
0x190: {  	v58 =	vmul.f32 $2.000000030e-01, v56;
	v20 =	vmax.f32 v20, v55;
	v24 =	vadd.f32 v24, v57  }
0x191: {  	v28 =	vunpack.i.u.bf16.f32 v28;
	v20 =	vmul.f32 v20, v12;
	v18 =	vadd.f32 v23, v18  }
0x192: {  	v30 =	vadd.f32 v60, v59;
	v61 =	vmul.f32 $2.000000030e-01, v24;
	v22 =	vmax.f32 v56, v58  }
0x193: {  	v27 =	vunpack.i.u.bf16.f32 v54;
	v22 =	vmul.f32 v22, v13;
	v18 =	vadd.f32 v18, v20  }
0x194: {  	v63 =	vmul.f32 $2.000000030e-01, v30;
	v62 =	vadd.f32 v28, v27;
	v24 =	vmax.f32 v24, v61  }
0x195: {  	v32 =	vmul.f32 v24, v14;
	v18 =	vadd.f32 v22, v18  }
0x196: {  	v33 =	vmax.f32 v30, v63;
	v34 =	vmul.f32 $2.000000030e-01, v62  }
0x197: {  	v35 =	vmul.f32 v33, v15;
	v18 =	vadd.f32 v18, v32  }
0x198: {  	v36 =	vmax.f32 v62, v34  }
0x199: {  	v37 =	vmul.f32 v36, v16;
	v18 =	vadd.f32 v35, v18;
	_ =	sdelay $0x1  }
0x19a: {  	v18 =	vadd.f32 v18, v37;
	_ =	sdelay $0x1  }
0x19b: {  	(xrf2) =	vadd.scan.msk.f32 $0xffff, v18;
	_ =	sdelay $0x9  }
0x19c: {  	v18, _, _ =	vpop (xrf2)  }
0x19d: {  	v18 =	vmul.f32 $1.442695020e+00, v18;
	_ =	sdelay $0x1  }
0x19e: {  	v18 =	vbroadcast v18, $0xF;
	_ =	sdelay $0x1  }
0x19f: {  	(erf) = vpow2.f32 v18;
	_ =	sdelay $0x1  }
0x1a0: {  	v18 =	vmov s9  }
0x1a1: {  	v18 =	vmul.u32 $0x90, v18;
	_ =	sdelay $0x1  }
0x1a2: {  	v18 =	vbroadcast v18, $0x0;
	_ =	sdelay $0x1  }
0x1a3: {  	v38 =	vor.u32 v0, v18  }
0x1a4: {  	v39 =	vor.u32 v2, v18  }
0x1a5: {  	v41 =	vor.u32 v3, v18;
	v40 =	vpop (erf)  }
0x1a6: {  	v42 =	vor.u32 v4, v18;
	v21 =	vmul.f32 v40, v21  }
0x1a7: {  	v31 =	vadd.s32 v5, v18;
	v17 =	vmul.f32 v40, v17  }
0x1a8: {  	v44 =	vadd.s32 v6, v18;
	v43 =	vmul.f32 v40, v25;
	[tilespmem:v38+s22+$0x0] =	vst.idx.msk $0xffff, v21  }
0x1a9: {  	[tilespmem:v39+s22+$0x0] =	vst.idx.msk $0xffff, v17;
	v17 =	vmul.f32 v40, v19;
	v19 =	vadd.s32 v7, v18  }
0x1aa: {  	v46 =	vadd.s32 v8, v18;
	v45 =	vmul.f32 v40, v29;
	[tilespmem:v41+s22+$0x0] =	vst.idx.msk $0xffff, v43  }
0x1ab: {  	v18 =	vadd.s32 $0x80, v18;
	[tilespmem:v42+s22+$0x0] =	vst.idx.msk $0xffff, v17;
	v17 =	vmul.f32 v40, v57  }
0x1ac: {  	v20 =	vmul.f32 v40, v59;
	[tilespmem:v31+s22+$0x0] =	vst.idx.msk $0xffff, v45  }
0x1ad: {  	[tilespmem:v44+s22+$0x0] =	vst.idx.msk $0xffff, v17;
	v17 =	vmul.f32 v40, v27  }
0x1ae: {  	[tilespmem:v19+s22+$0x0] =	vst.idx.msk $0xffff, v20  }
0x1af: {  	[tilespmem:v46+s22+$0x0] =	vst.idx.msk $0xffff, v17  }
0x1b0: {  	[tilespmem:v18+s22+$0x0] =	vst.idx.msk $0xffff, v40  }
0x1b1: {  	v17 =	vld [tilespmem:s11+$0xFFFFFFC0]  }
0x1b2: {  	v18 =	vld [tilespmem:s2+$0xFFFFFFC0]  }
0x1b3: {  	v19 =	vld [tilespmem:s11+$0xFFFFFFD0]  }
0x1b4: {  	v20 =	vld [tilespmem:s2+$0xFFFFFFD0]  }
0x1b5: {  	v53 =	vld [tilespmem:s11+$0xFFFFFFE0]  }
0x1b6: {  	v54 =	vld [tilespmem:s2+$0xFFFFFFE0]  }
0x1b7: {  	v21 =	vunpack.i.l.bf16.f32 v17;
	v47 =	vunpack.i.l.bf16.f32 v18  }
0x1b8: {  	v17 =	vunpack.i.u.bf16.f32 v17;
	v22 =	vadd.f32 v47, v21  }
0x1b9: {  	v18 =	vunpack.i.u.bf16.f32 v18;
	v50 =	vunpack.i.l.bf16.f32 v19;
	v51 =	vunpack.i.l.bf16.f32 v20  }
0x1ba: {  	v56 =	vld [tilespmem:s11+$0xFFFFFFF0];
	v19 =	vunpack.i.u.bf16.f32 v19;
	v18 =	vadd.f32 v18, v17;
	v48 =	vmul.f32 $2.000000030e-01, v22  }
0x1bb: {  	v20 =	vunpack.i.u.bf16.f32 v20;
	v58 =	vunpack.i.l.bf16.f32 v53;
	v59 =	vunpack.i.l.bf16.f32 v54  }
0x1bc: {  	v28 =	vld [tilespmem:s2+$0xFFFFFFF0];
	v52 =	vadd.f32 v51, v50;
	v49 =	vmul.f32 $2.000000030e-01, v18;
	v22 =	vmax.f32 v22, v48  }
0x1bd: {  	v61 =	vunpack.i.u.bf16.f32 v53;
	v24 =	vunpack.i.u.bf16.f32 v54;
	v22 =	vmul.f32 v22, v9  }
0x1be: {  	v20 =	vadd.f32 v20, v19;
	v55 =	vmul.f32 $2.000000030e-01, v52;
	v18 =	vmax.f32 v18, v49  }
0x1bf: {  	v63 =	vunpack.i.l.bf16.f32 v56;
	v18 =	vmul.f32 v18, v10;
	v22 =	vadd.f32 $0.0e+00, v22  }
0x1c0: {  	v60 =	vadd.f32 v59, v58;
	v57 =	vmul.f32 $2.000000030e-01, v20;
	v23 =	vmax.f32 v52, v55  }
0x1c1: {  	v33 =	vunpack.i.l.bf16.f32 v28;
	v23 =	vmul.f32 v23, v11;
	v18 =	vadd.f32 v22, v18  }
0x1c2: {  	v24 =	vadd.f32 v24, v61;
	v62 =	vmul.f32 $2.000000030e-01, v60;
	v20 =	vmax.f32 v20, v57  }
0x1c3: {  	v27 =	vunpack.i.u.bf16.f32 v56;
	v20 =	vmul.f32 v20, v12;
	v18 =	vadd.f32 v23, v18  }
0x1c4: {  	v30 =	vadd.f32 v33, v63;
	v34 =	vmul.f32 $2.000000030e-01, v24;
	v22 =	vmax.f32 v60, v62  }
0x1c5: {  	v28 =	vunpack.i.u.bf16.f32 v28;
	v22 =	vmul.f32 v22, v13;
	v18 =	vadd.f32 v18, v20  }
0x1c6: {  	v35 =	vadd.f32 v28, v27;
	v36 =	vmul.f32 $2.000000030e-01, v30;
	v24 =	vmax.f32 v24, v34  }
0x1c7: {  	v37 =	vmul.f32 v24, v14;
	v18 =	vadd.f32 v22, v18  }
0x1c8: {  	v39 =	vmul.f32 $2.000000030e-01, v35;
	v38 =	vmax.f32 v30, v36  }
0x1c9: {  	v40 =	vmul.f32 v38, v15;
	v18 =	vadd.f32 v18, v37  }
0x1ca: {  	v41 =	vmax.f32 v35, v39  }
0x1cb: {  	v42 =	vmul.f32 v41, v16;
	v18 =	vadd.f32 v40, v18;
	_ =	sdelay $0x1  }
0x1cc: {  	v18 =	vadd.f32 v18, v42;
	_ =	sdelay $0x1  }
0x1cd: {  	(xrf2) =	vadd.scan.msk.f32 $0xffff, v18;
	_ =	sdelay $0x9  }
0x1ce: {  	v18, _, _ =	vpop (xrf2)  }
0x1cf: {  	v18 =	vmul.f32 $1.442695020e+00, v18;
	_ =	sdelay $0x1  }
0x1d0: {  	v18 =	vbroadcast v18, $0xF;
	_ =	sdelay $0x1  }
0x1d1: {  	(erf) = vpow2.f32 v18  }
0x1d2: {  	s30 =	sadd.s32 $0x1, s9  }
0x1d3: {  	v18 =	vmov s30  }
0x1d4: {  	v18 =	vmul.u32 $0x90, v18;
	_ =	sdelay $0x1  }
0x1d5: {  	v18 =	vbroadcast v18, $0x0;
	_ =	sdelay $0x1  }
0x1d6: {  	v43 =	vadd.s32 v0, v18  }
0x1d7: {  	v44 =	vadd.s32 v2, v18  }
0x1d8: {  	v46 =	vadd.s32 v3, v18;
	v45 =	vpop (erf)  }
0x1d9: {  	v47 =	vadd.s32 v4, v18;
	v21 =	vmul.f32 v45, v21  }
0x1da: {  	v48 =	vadd.s32 v5, v18;
	v17 =	vmul.f32 v45, v17  }
0x1db: {  	v49 =	vmul.f32 v45, v50;
	v50 =	vadd.s32 v6, v18;
	[tilespmem:v43+s22+$0x0] =	vst.idx.msk $0xffff, v21  }
0x1dc: {  	[tilespmem:v44+s22+$0x0] =	vst.idx.msk $0xffff, v17;
	v17 =	vmul.f32 v45, v19;
	v19 =	vadd.s32 v7, v18  }
0x1dd: {  	v52 =	vadd.s32 v8, v18;
	v51 =	vmul.f32 v45, v58;
	[tilespmem:v46+s22+$0x0] =	vst.idx.msk $0xffff, v49  }
0x1de: {  	v18 =	vadd.s32 $0x80, v18;
	[tilespmem:v47+s22+$0x0] =	vst.idx.msk $0xffff, v17;
	v17 =	vmul.f32 v45, v61  }
0x1df: {  	v20 =	vmul.f32 v45, v63;
	[tilespmem:v48+s22+$0x0] =	vst.idx.msk $0xffff, v51  }
0x1e0: {  	[tilespmem:v50+s22+$0x0] =	vst.idx.msk $0xffff, v17;
	v17 =	vmul.f32 v45, v27  }
0x1e1: {  	[tilespmem:v19+s22+$0x0] =	vst.idx.msk $0xffff, v20  }
0x1e2: {  	[tilespmem:v52+s22+$0x0] =	vst.idx.msk $0xffff, v17  }
0x1e3: {  	[tilespmem:v18+s22+$0x0] =	vst.idx.msk $0xffff, v45  }
0x1e4: {  	v17 =	vld [tilespmem:s11+$0x0]  }
0x1e5: {  	v18 =	vld [tilespmem:s2+$0x0]  }
0x1e6: {  	v19 =	vld [tilespmem:s11+$0x10]  }
0x1e7: {  	v20 =	vld [tilespmem:s2+$0x10]  }
0x1e8: {  	v59 =	vld [tilespmem:s11+$0x20]  }
0x1e9: {  	v60 =	vld [tilespmem:s2+$0x20]  }
0x1ea: {  	v21 =	vunpack.i.l.bf16.f32 v17;
	v53 =	vunpack.i.l.bf16.f32 v18  }
0x1eb: {  	v17 =	vunpack.i.u.bf16.f32 v17;
	v22 =	vadd.f32 v53, v21  }
0x1ec: {  	v18 =	vunpack.i.u.bf16.f32 v18;
	v56 =	vunpack.i.l.bf16.f32 v19;
	v57 =	vunpack.i.l.bf16.f32 v20  }
0x1ed: {  	v62 =	vld [tilespmem:s11+$0x30];
	v19 =	vunpack.i.u.bf16.f32 v19;
	v18 =	vadd.f32 v18, v17;
	v54 =	vmul.f32 $2.000000030e-01, v22  }
0x1ee: {  	v20 =	vunpack.i.u.bf16.f32 v20;
	v33 =	vunpack.i.l.bf16.f32 v59;
	v34 =	vunpack.i.l.bf16.f32 v60  }
0x1ef: {  	v28 =	vld [tilespmem:s2+$0x30];
	v58 =	vadd.f32 v57, v56;
	v55 =	vmul.f32 $2.000000030e-01, v18;
	v22 =	vmax.f32 v22, v54  }
0x1f0: {  	v36 =	vunpack.i.u.bf16.f32 v59;
	v24 =	vunpack.i.u.bf16.f32 v60;
	v22 =	vmul.f32 v22, v9  }
0x1f1: {  	v20 =	vadd.f32 v20, v19;
	v61 =	vmul.f32 $2.000000030e-01, v58;
	v18 =	vmax.f32 v18, v55  }
0x1f2: {  	v38 =	vunpack.i.l.bf16.f32 v62;
	v18 =	vmul.f32 v18, v10;
	v22 =	vadd.f32 $0.0e+00, v22  }
0x1f3: {  	v35 =	vadd.f32 v34, v33;
	v63 =	vmul.f32 $2.000000030e-01, v20;
	v23 =	vmax.f32 v58, v61  }
0x1f4: {  	v39 =	vunpack.i.l.bf16.f32 v28;
	v23 =	vmul.f32 v23, v11;
	v18 =	vadd.f32 v22, v18  }
0x1f5: {  	v24 =	vadd.f32 v24, v36;
	v37 =	vmul.f32 $2.000000030e-01, v35;
	v20 =	vmax.f32 v20, v63  }
0x1f6: {  	v27 =	vunpack.i.u.bf16.f32 v62;
	v20 =	vmul.f32 v20, v12;
	v18 =	vadd.f32 v23, v18  }
0x1f7: {  	v30 =	vadd.f32 v39, v38;
	v40 =	vmul.f32 $2.000000030e-01, v24;
	v22 =	vmax.f32 v35, v37  }
0x1f8: {  	v28 =	vunpack.i.u.bf16.f32 v28;
	v22 =	vmul.f32 v22, v13;
	v18 =	vadd.f32 v18, v20  }
0x1f9: {  	v41 =	vadd.f32 v28, v27;
	v42 =	vmul.f32 $2.000000030e-01, v30;
	v24 =	vmax.f32 v24, v40  }
0x1fa: {  	v43 =	vmul.f32 v24, v14;
	v18 =	vadd.f32 v22, v18  }
0x1fb: {  	v45 =	vmul.f32 $2.000000030e-01, v41;
	v44 =	vmax.f32 v30, v42  }
0x1fc: {  	v46 =	vmul.f32 v44, v15;
	v18 =	vadd.f32 v18, v43  }
0x1fd: {  	v47 =	vmax.f32 v41, v45  }
0x1fe: {  	v48 =	vmul.f32 v47, v16;
	v18 =	vadd.f32 v46, v18;
	_ =	sdelay $0x1  }
0x1ff: {  	v18 =	vadd.f32 v18, v48;
	_ =	sdelay $0x1  }
0x200: {  	(xrf2) =	vadd.scan.msk.f32 $0xffff, v18;
	_ =	sdelay $0x9  }
0x201: {  	v18, _, _ =	vpop (xrf2)  }
0x202: {  	v18 =	vmul.f32 $1.442695020e+00, v18;
	_ =	sdelay $0x1  }
0x203: {  	v18 =	vbroadcast v18, $0xF;
	_ =	sdelay $0x1  }
0x204: {  	(erf) = vpow2.f32 v18  }
0x205: {  	s30 =	sadd.s32 $0x2, s9  }
0x206: {  	v18 =	vmov s30  }
0x207: {  	v18 =	vmul.u32 $0x90, v18;
	_ =	sdelay $0x1  }
0x208: {  	v18 =	vbroadcast v18, $0x0;
	_ =	sdelay $0x1  }
0x209: {  	v49 =	vor.u32 v0, v18  }
0x20a: {  	v50 =	vor.u32 v2, v18  }
0x20b: {  	v52 =	vadd.s32 v3, v18;
	v51 =	vpop (erf)  }
0x20c: {  	v53 =	vadd.s32 v4, v18;
	v21 =	vmul.f32 v51, v21  }
0x20d: {  	v54 =	vadd.s32 v5, v18;
	v17 =	vmul.f32 v51, v17  }
0x20e: {  	v55 =	vmul.f32 v51, v56;
	v56 =	vadd.s32 v6, v18;
	[tilespmem:v49+s22+$0x0] =	vst.idx.msk $0xffff, v21  }
0x20f: {  	[tilespmem:v50+s22+$0x0] =	vst.idx.msk $0xffff, v17;
	v17 =	vmul.f32 v51, v19;
	v19 =	vadd.s32 v7, v18  }
0x210: {  	v58 =	vadd.s32 v8, v18;
	v57 =	vmul.f32 v51, v33;
	[tilespmem:v52+s22+$0x0] =	vst.idx.msk $0xffff, v55  }
0x211: {  	v18 =	vadd.s32 $0x80, v18;
	[tilespmem:v53+s22+$0x0] =	vst.idx.msk $0xffff, v17;
	v17 =	vmul.f32 v51, v36  }
0x212: {  	v20 =	vmul.f32 v51, v38;
	[tilespmem:v54+s22+$0x0] =	vst.idx.msk $0xffff, v57  }
0x213: {  	[tilespmem:v56+s22+$0x0] =	vst.idx.msk $0xffff, v17;
	v17 =	vmul.f32 v51, v27  }
0x214: {  	[tilespmem:v19+s22+$0x0] =	vst.idx.msk $0xffff, v20  }
0x215: {  	[tilespmem:v58+s22+$0x0] =	vst.idx.msk $0xffff, v17  }
0x216: {  	[tilespmem:v18+s22+$0x0] =	vst.idx.msk $0xffff, v51  }
0x217: {  	v17 =	vld [tilespmem:s11+$0x40]  }
0x218: {  	v18 =	vld [tilespmem:s2+$0x40]  }
0x219: {  	v19 =	vld [tilespmem:s11+$0x50]  }
0x21a: {  	v20 =	vld [tilespmem:s2+$0x50]  }
0x21b: {  	v33 =	vld [tilespmem:s11+$0x60]  }
0x21c: {  	v34 =	vld [tilespmem:s2+$0x60]  }
0x21d: {  	v59 =	vunpack.i.l.bf16.f32 v17;
	v60 =	vunpack.i.l.bf16.f32 v18  }
0x21e: {  	v17 =	vunpack.i.u.bf16.f32 v17;
	v22 =	vadd.f32 v60, v59  }
0x21f: {  	v18 =	vunpack.i.u.bf16.f32 v18;
	v63 =	vunpack.i.l.bf16.f32 v19;
	v31 =	vunpack.i.l.bf16.f32 v20  }
0x220: {  	v36 =	vld [tilespmem:s11+$0x70];
	v19 =	vunpack.i.u.bf16.f32 v19;
	v18 =	vadd.f32 v18, v17;
	v61 =	vmul.f32 $2.000000030e-01, v22  }
0x221: {  	v20 =	vunpack.i.u.bf16.f32 v20;
	v38 =	vunpack.i.l.bf16.f32 v33;
	v39 =	vunpack.i.l.bf16.f32 v34  }
0x222: {  	v28 =	vld [tilespmem:s2+$0x70];
	v32 =	vadd.f32 v31, v63;
	v62 =	vmul.f32 $2.000000030e-01, v18;
	v22 =	vmax.f32 v22, v61  }
0x223: {  	v41 =	vunpack.i.u.bf16.f32 v33;
	v24 =	vunpack.i.u.bf16.f32 v34;
	v22 =	vmul.f32 v22, v9  }
0x224: {  	v20 =	vadd.f32 v20, v19;
	v35 =	vmul.f32 $2.000000030e-01, v32;
	v18 =	vmax.f32 v18, v62  }
0x225: {  	v43 =	vunpack.i.l.bf16.f32 v36;
	v18 =	vmul.f32 v18, v10;
	v22 =	vadd.f32 $0.0e+00, v22  }
0x226: {  	v40 =	vadd.f32 v39, v38;
	v37 =	vmul.f32 $2.000000030e-01, v20;
	v23 =	vmax.f32 v32, v35  }
0x227: {  	v44 =	vunpack.i.l.bf16.f32 v28;
	v23 =	vmul.f32 v23, v11;
	v18 =	vadd.f32 v22, v18  }
0x228: {  	v24 =	vadd.f32 v24, v41;
	v42 =	vmul.f32 $2.000000030e-01, v40;
	v20 =	vmax.f32 v20, v37  }
0x229: {  	v27 =	vunpack.i.u.bf16.f32 v36;
	v20 =	vmul.f32 v20, v12;
	v18 =	vadd.f32 v23, v18  }
0x22a: {  	v30 =	vadd.f32 v44, v43;
	v45 =	vmul.f32 $2.000000030e-01, v24;
	v22 =	vmax.f32 v40, v42  }
0x22b: {  	v28 =	vunpack.i.u.bf16.f32 v28;
	v22 =	vmul.f32 v22, v13;
	v18 =	vadd.f32 v18, v20  }
0x22c: {  	v46 =	vadd.f32 v28, v27;
	v47 =	vmul.f32 $2.000000030e-01, v30;
	v24 =	vmax.f32 v24, v45  }
0x22d: {  	v48 =	vmul.f32 v24, v14;
	v18 =	vadd.f32 v22, v18  }
0x22e: {  	v50 =	vmul.f32 $2.000000030e-01, v46;
	v49 =	vmax.f32 v30, v47  }
0x22f: {  	v51 =	vmul.f32 v49, v15;
	v18 =	vadd.f32 v18, v48  }
0x230: {  	v52 =	vmax.f32 v46, v50  }
0x231: {  	v53 =	vmul.f32 v52, v16;
	v18 =	vadd.f32 v51, v18;
	_ =	sdelay $0x1  }
0x232: {  	v18 =	vadd.f32 v18, v53;
	_ =	sdelay $0x1  }
0x233: {  	(xrf2) =	vadd.scan.msk.f32 $0xffff, v18;
	_ =	sdelay $0x9  }
0x234: {  	v18, _, _ =	vpop (xrf2)  }
0x235: {  	v18 =	vmul.f32 $1.442695020e+00, v18;
	_ =	sdelay $0x1  }
0x236: {  	v18 =	vbroadcast v18, $0xF;
	_ =	sdelay $0x1  }
0x237: {  	(erf) = vpow2.f32 v18  }
0x238: {  	s30 =	sadd.s32 $0x3, s9  }
0x239: {  	v18 =	vmov s30  }
0x23a: {  	v18 =	vmul.u32 $0x90, v18;
	_ =	sdelay $0x1  }
0x23b: {  	v18 =	vbroadcast v18, $0x0;
	_ =	sdelay $0x1  }
0x23c: {  	v54 =	vadd.s32 v0, v18  }
0x23d: {  	v55 =	vadd.s32 v2, v18  }
0x23e: {  	v57 =	vadd.s32 v3, v18;
	v56 =	vpop (erf)  }
0x23f: {  	v58 =	vadd.s32 v4, v18;
	v21 =	vmul.f32 v56, v59  }
0x240: {  	v17 =	vmul.f32 v56, v17;
	v59 =	vadd.s32 v5, v18  }
0x241: {  	v61 =	vadd.s32 v6, v18;
	v60 =	vmul.f32 v56, v63;
	[tilespmem:v54+s22+$0x0] =	vst.idx.msk $0xffff, v21  }
0x242: {  	[tilespmem:v55+s22+$0x0] =	vst.idx.msk $0xffff, v17;
	v17 =	vmul.f32 v56, v19;
	v19 =	vadd.s32 v7, v18  }
0x243: {  	v62 =	vmul.f32 v56, v38;
	v63 =	vadd.s32 v8, v18;
	[tilespmem:v57+s22+$0x0] =	vst.idx.msk $0xffff, v60  }
0x244: {  	p0 =	sne.s32 s9, $0x3C;
	v18 =	vadd.s32 $0x80, v18;
	[tilespmem:v58+s22+$0x0] =	vst.idx.msk $0xffff, v17;
	v17 =	vmul.f32 v56, v41  }
.Ltmp3:
0x245: {  	v20 =	vmul.f32 v56, v43;
	[tilespmem:v59+s22+$0x0] =	vst.idx.msk $0xffff, v62;
	(pc) =	sbr.rel @p0 .LBB2_9-.Ltmp3, $4  }
0x246: {  	[tilespmem:v61+s22+$0x0] =	vst.idx.msk $0xffff, v17;
	v17 =	vmul.f32 v56, v27  }
0x247: {  	[tilespmem:v19+s22+$0x0] =	vst.idx.msk $0xffff, v20  }
0x248: {  	[tilespmem:v63+s22+$0x0] =	vst.idx.msk $0xffff, v17  }
0x249: {  	s9 =	sadd.s32 $0x4, s9;
	s11 =	sadd.s32 $0x100, s11;
	s2 =	sadd.s32 $0x100, s2;
	[tilespmem:v18+s22+$0x0] =	vst.idx.msk $0xffff, v56  }
0x24a: {  	[spmem:s12] =	stream.indirect.scatter.add.f32 [tilespmem:s22], [sflag:$0x4], $0x90, s1, s8, $0xb8;
	[tilespmem:$0x1F280] =	vst v63  }
0x24b: {  	_ =	swait.ge [sflag:s23], $0x2400  }
0x24c: {  	[sflag:s23] =	ssyncset.done $0x0  }
0x24d: {  	[sflag:s23] =	ssyncadd.s32 $0xFFFFDC00  }
0x24e: {  	_ =	swait.ge [sflag:s24], $0x80  }
0x24f: {  	p0 =	seq.s32 s28, $0x27;
	[sflag:s24] =	ssyncset.done $0x0  }
0x250: {  	s2 =	sadd.s32 @!p0 s6, s10;
	[sflag:s24] =	ssyncadd.s32 $0xFFFFFF80  }
0x251: {  	[tilespmem:s14], [sflag:$0x2] =	stream.indirect.gather [hbm4b:s15+s8], $0x40, s20, s8, $0xb8;
	[tilespmem:$0x1F280] =	vst v63  }
0x252: {  	s2 =	sshrl.u32 @!p0 s2, $0x3  }
0x253: {  	[tilespmem:s3], [sflag:$0x2] =	stream.indirect.gather [hbm4b:s16+s8], $0x40, s25, s8, $0xb8;
	[tilespmem:$0x1F280] =	vst v63  }
0x254: {  	s9 =	simm.s32 @!p0 $0x0;
	s2 =	sadd.s32 @!p0 s17, s2  }
0x255: {  	[tilespmem:s9], [sflag:$0x5] =	stream.linear.gather @!p0 [hbm4b:s2+s9], $0x80, $0x38;
	[tilespmem:$0x1F280] =	vst v63  }
0x256: {  	_ =	swait.ge [sflag:s7], $0x1000  }
0x257: {  	[sflag:s7] =	ssyncset.done $0x0  }
0x258: {  	[sflag:s7] =	ssyncadd.s32 $0xFFFFF000  }
0x259: {  	_ =	swait.ge [sflag:s7], $0x1000  }
0x25a: {  	s11 =	simm.s32 $0x280;
	[sflag:s7] =	ssyncset.done $0x0  }
0x25b: {  	s9 =	simm.s32 $0x0;
	s2 =	simm.s32 $0x2280;
	[sflag:s7] =	ssyncadd.s32 $0xFFFFF000  }
.LBB2_11:
0x25c: {  	v17 =	vld [tilespmem:s11+$0xFFFFFF80]  }
0x25d: {  	v18 =	vld [tilespmem:s2+$0xFFFFFF80]  }
0x25e: {  	v19 =	vld [tilespmem:s11+$0xFFFFFF90]  }
0x25f: {  	v20 =	vld [tilespmem:s2+$0xFFFFFF90]  }
0x260: {  	v52 =	vld [tilespmem:s11+$0xFFFFFFA0]  }
0x261: {  	v53 =	vld [tilespmem:s2+$0xFFFFFFA0]  }
0x262: {  	v21 =	vunpack.i.l.bf16.f32 v17;
	v22 =	vunpack.i.l.bf16.f32 v18  }
0x263: {  	v54 =	vld [tilespmem:s11+$0xFFFFFFB0];
	v17 =	vunpack.i.u.bf16.f32 v17;
	v22 =	vadd.f32 v22, v21  }
0x264: {  	v18 =	vunpack.i.u.bf16.f32 v18;
	v25 =	vunpack.i.l.bf16.f32 v19;
	v26 =	vunpack.i.l.bf16.f32 v20  }
0x265: {  	v28 =	vld [tilespmem:s2+$0xFFFFFFB0];
	v19 =	vunpack.i.u.bf16.f32 v19;
	v18 =	vadd.f32 v18, v17;
	v23 =	vmul.f32 $2.000000030e-01, v22  }
0x266: {  	v20 =	vunpack.i.u.bf16.f32 v20;
	v29 =	vunpack.i.l.bf16.f32 v52;
	v30 =	vunpack.i.l.bf16.f32 v53  }
0x267: {  	v51 =	vadd.f32 v26, v25;
	v24 =	vmul.f32 $2.000000030e-01, v18;
	v22 =	vmax.f32 v22, v23  }
0x268: {  	v57 =	vunpack.i.u.bf16.f32 v52;
	v59 =	vunpack.i.l.bf16.f32 v54;
	v22 =	vmul.f32 v22, v9  }
0x269: {  	v20 =	vadd.f32 v20, v19;
	v27 =	vmul.f32 $2.000000030e-01, v51;
	v18 =	vmax.f32 v18, v24  }
0x26a: {  	v60 =	vunpack.i.l.bf16.f32 v28;
	v18 =	vmul.f32 v18, v10;
	v22 =	vadd.f32 $0.0e+00, v22  }
0x26b: {  	v56 =	vadd.f32 v30, v29;
	v55 =	vmul.f32 $2.000000030e-01, v20;
	v23 =	vmax.f32 v51, v27  }
0x26c: {  	v24 =	vunpack.i.u.bf16.f32 v53;
	v23 =	vmul.f32 v23, v11;
	v18 =	vadd.f32 v22, v18  }
0x26d: {  	v58 =	vmul.f32 $2.000000030e-01, v56;
	v20 =	vmax.f32 v20, v55;
	v24 =	vadd.f32 v24, v57  }
0x26e: {  	v28 =	vunpack.i.u.bf16.f32 v28;
	v20 =	vmul.f32 v20, v12;
	v18 =	vadd.f32 v23, v18  }
0x26f: {  	v30 =	vadd.f32 v60, v59;
	v61 =	vmul.f32 $2.000000030e-01, v24;
	v22 =	vmax.f32 v56, v58  }
0x270: {  	v27 =	vunpack.i.u.bf16.f32 v54;
	v22 =	vmul.f32 v22, v13;
	v18 =	vadd.f32 v18, v20  }
0x271: {  	v63 =	vmul.f32 $2.000000030e-01, v30;
	v62 =	vadd.f32 v28, v27;
	v24 =	vmax.f32 v24, v61  }
0x272: {  	v32 =	vmul.f32 v24, v14;
	v18 =	vadd.f32 v22, v18  }
0x273: {  	v33 =	vmax.f32 v30, v63;
	v34 =	vmul.f32 $2.000000030e-01, v62  }
0x274: {  	v35 =	vmul.f32 v33, v15;
	v18 =	vadd.f32 v18, v32  }
0x275: {  	v36 =	vmax.f32 v62, v34  }
0x276: {  	v37 =	vmul.f32 v36, v16;
	v18 =	vadd.f32 v35, v18;
	_ =	sdelay $0x1  }
0x277: {  	v18 =	vadd.f32 v18, v37;
	_ =	sdelay $0x1  }
0x278: {  	(xrf2) =	vadd.scan.msk.f32 $0xffff, v18;
	_ =	sdelay $0x9  }
0x279: {  	v18, _, _ =	vpop (xrf2)  }
0x27a: {  	v18 =	vmul.f32 $1.442695020e+00, v18;
	_ =	sdelay $0x1  }
0x27b: {  	v18 =	vbroadcast v18, $0xF;
	_ =	sdelay $0x1  }
0x27c: {  	(erf) = vpow2.f32 v18;
	_ =	sdelay $0x1  }
0x27d: {  	v18 =	vmov s9  }
0x27e: {  	v18 =	vmul.u32 $0x90, v18;
	_ =	sdelay $0x1  }
0x27f: {  	v18 =	vbroadcast v18, $0x0;
	_ =	sdelay $0x1  }
0x280: {  	v38 =	vor.u32 v0, v18  }
0x281: {  	v39 =	vor.u32 v2, v18  }
0x282: {  	v41 =	vor.u32 v3, v18;
	v40 =	vpop (erf)  }
0x283: {  	v42 =	vor.u32 v4, v18;
	v21 =	vmul.f32 v40, v21  }
0x284: {  	v31 =	vadd.s32 v5, v18;
	v17 =	vmul.f32 v40, v17  }
0x285: {  	v44 =	vadd.s32 v6, v18;
	v43 =	vmul.f32 v40, v25;
	[tilespmem:v38+s5+$0x0] =	vst.idx.msk $0xffff, v21  }
0x286: {  	[tilespmem:v39+s5+$0x0] =	vst.idx.msk $0xffff, v17;
	v17 =	vmul.f32 v40, v19;
	v19 =	vadd.s32 v7, v18  }
0x287: {  	v46 =	vadd.s32 v8, v18;
	v45 =	vmul.f32 v40, v29;
	[tilespmem:v41+s5+$0x0] =	vst.idx.msk $0xffff, v43  }
0x288: {  	v18 =	vadd.s32 $0x80, v18;
	[tilespmem:v42+s5+$0x0] =	vst.idx.msk $0xffff, v17;
	v17 =	vmul.f32 v40, v57  }
0x289: {  	v20 =	vmul.f32 v40, v59;
	[tilespmem:v31+s5+$0x0] =	vst.idx.msk $0xffff, v45  }
0x28a: {  	[tilespmem:v44+s5+$0x0] =	vst.idx.msk $0xffff, v17;
	v17 =	vmul.f32 v40, v27  }
0x28b: {  	[tilespmem:v19+s5+$0x0] =	vst.idx.msk $0xffff, v20  }
0x28c: {  	[tilespmem:v46+s5+$0x0] =	vst.idx.msk $0xffff, v17  }
0x28d: {  	[tilespmem:v18+s5+$0x0] =	vst.idx.msk $0xffff, v40  }
0x28e: {  	v17 =	vld [tilespmem:s11+$0xFFFFFFC0]  }
0x28f: {  	v18 =	vld [tilespmem:s2+$0xFFFFFFC0]  }
0x290: {  	v19 =	vld [tilespmem:s11+$0xFFFFFFD0]  }
0x291: {  	v20 =	vld [tilespmem:s2+$0xFFFFFFD0]  }
0x292: {  	v53 =	vld [tilespmem:s11+$0xFFFFFFE0]  }
0x293: {  	v54 =	vld [tilespmem:s2+$0xFFFFFFE0]  }
0x294: {  	v21 =	vunpack.i.l.bf16.f32 v17;
	v47 =	vunpack.i.l.bf16.f32 v18  }
0x295: {  	v17 =	vunpack.i.u.bf16.f32 v17;
	v22 =	vadd.f32 v47, v21  }
0x296: {  	v18 =	vunpack.i.u.bf16.f32 v18;
	v50 =	vunpack.i.l.bf16.f32 v19;
	v51 =	vunpack.i.l.bf16.f32 v20  }
0x297: {  	v56 =	vld [tilespmem:s11+$0xFFFFFFF0];
	v19 =	vunpack.i.u.bf16.f32 v19;
	v18 =	vadd.f32 v18, v17;
	v48 =	vmul.f32 $2.000000030e-01, v22  }
0x298: {  	v20 =	vunpack.i.u.bf16.f32 v20;
	v58 =	vunpack.i.l.bf16.f32 v53;
	v59 =	vunpack.i.l.bf16.f32 v54  }
0x299: {  	v28 =	vld [tilespmem:s2+$0xFFFFFFF0];
	v52 =	vadd.f32 v51, v50;
	v49 =	vmul.f32 $2.000000030e-01, v18;
	v22 =	vmax.f32 v22, v48  }
0x29a: {  	v61 =	vunpack.i.u.bf16.f32 v53;
	v24 =	vunpack.i.u.bf16.f32 v54;
	v22 =	vmul.f32 v22, v9  }
0x29b: {  	v20 =	vadd.f32 v20, v19;
	v55 =	vmul.f32 $2.000000030e-01, v52;
	v18 =	vmax.f32 v18, v49  }
0x29c: {  	v63 =	vunpack.i.l.bf16.f32 v56;
	v18 =	vmul.f32 v18, v10;
	v22 =	vadd.f32 $0.0e+00, v22  }
0x29d: {  	v60 =	vadd.f32 v59, v58;
	v57 =	vmul.f32 $2.000000030e-01, v20;
	v23 =	vmax.f32 v52, v55  }
0x29e: {  	v33 =	vunpack.i.l.bf16.f32 v28;
	v23 =	vmul.f32 v23, v11;
	v18 =	vadd.f32 v22, v18  }
0x29f: {  	v24 =	vadd.f32 v24, v61;
	v62 =	vmul.f32 $2.000000030e-01, v60;
	v20 =	vmax.f32 v20, v57  }
0x2a0: {  	v27 =	vunpack.i.u.bf16.f32 v56;
	v20 =	vmul.f32 v20, v12;
	v18 =	vadd.f32 v23, v18  }
0x2a1: {  	v30 =	vadd.f32 v33, v63;
	v34 =	vmul.f32 $2.000000030e-01, v24;
	v22 =	vmax.f32 v60, v62  }
0x2a2: {  	v28 =	vunpack.i.u.bf16.f32 v28;
	v22 =	vmul.f32 v22, v13;
	v18 =	vadd.f32 v18, v20  }
0x2a3: {  	v35 =	vadd.f32 v28, v27;
	v36 =	vmul.f32 $2.000000030e-01, v30;
	v24 =	vmax.f32 v24, v34  }
0x2a4: {  	v37 =	vmul.f32 v24, v14;
	v18 =	vadd.f32 v22, v18  }
0x2a5: {  	v39 =	vmul.f32 $2.000000030e-01, v35;
	v38 =	vmax.f32 v30, v36  }
0x2a6: {  	v40 =	vmul.f32 v38, v15;
	v18 =	vadd.f32 v18, v37  }
0x2a7: {  	v41 =	vmax.f32 v35, v39  }
0x2a8: {  	v42 =	vmul.f32 v41, v16;
	v18 =	vadd.f32 v40, v18;
	_ =	sdelay $0x1  }
0x2a9: {  	v18 =	vadd.f32 v18, v42;
	_ =	sdelay $0x1  }
0x2aa: {  	(xrf2) =	vadd.scan.msk.f32 $0xffff, v18;
	_ =	sdelay $0x9  }
0x2ab: {  	v18, _, _ =	vpop (xrf2)  }
0x2ac: {  	v18 =	vmul.f32 $1.442695020e+00, v18;
	_ =	sdelay $0x1  }
0x2ad: {  	v18 =	vbroadcast v18, $0xF;
	_ =	sdelay $0x1  }
0x2ae: {  	(erf) = vpow2.f32 v18  }
0x2af: {  	s30 =	sadd.s32 $0x1, s9  }
0x2b0: {  	v18 =	vmov s30  }
0x2b1: {  	v18 =	vmul.u32 $0x90, v18;
	_ =	sdelay $0x1  }
0x2b2: {  	v18 =	vbroadcast v18, $0x0;
	_ =	sdelay $0x1  }
0x2b3: {  	v43 =	vadd.s32 v0, v18  }
0x2b4: {  	v44 =	vadd.s32 v2, v18  }
0x2b5: {  	v46 =	vadd.s32 v3, v18;
	v45 =	vpop (erf)  }
0x2b6: {  	v47 =	vadd.s32 v4, v18;
	v21 =	vmul.f32 v45, v21  }
0x2b7: {  	v48 =	vadd.s32 v5, v18;
	v17 =	vmul.f32 v45, v17  }
0x2b8: {  	v49 =	vmul.f32 v45, v50;
	v50 =	vadd.s32 v6, v18;
	[tilespmem:v43+s5+$0x0] =	vst.idx.msk $0xffff, v21  }
0x2b9: {  	[tilespmem:v44+s5+$0x0] =	vst.idx.msk $0xffff, v17;
	v17 =	vmul.f32 v45, v19;
	v19 =	vadd.s32 v7, v18  }
0x2ba: {  	v52 =	vadd.s32 v8, v18;
	v51 =	vmul.f32 v45, v58;
	[tilespmem:v46+s5+$0x0] =	vst.idx.msk $0xffff, v49  }
0x2bb: {  	v18 =	vadd.s32 $0x80, v18;
	[tilespmem:v47+s5+$0x0] =	vst.idx.msk $0xffff, v17;
	v17 =	vmul.f32 v45, v61  }
0x2bc: {  	v20 =	vmul.f32 v45, v63;
	[tilespmem:v48+s5+$0x0] =	vst.idx.msk $0xffff, v51  }
0x2bd: {  	[tilespmem:v50+s5+$0x0] =	vst.idx.msk $0xffff, v17;
	v17 =	vmul.f32 v45, v27  }
0x2be: {  	[tilespmem:v19+s5+$0x0] =	vst.idx.msk $0xffff, v20  }
0x2bf: {  	[tilespmem:v52+s5+$0x0] =	vst.idx.msk $0xffff, v17  }
0x2c0: {  	[tilespmem:v18+s5+$0x0] =	vst.idx.msk $0xffff, v45  }
0x2c1: {  	v17 =	vld [tilespmem:s11+$0x0]  }
0x2c2: {  	v18 =	vld [tilespmem:s2+$0x0]  }
0x2c3: {  	v19 =	vld [tilespmem:s11+$0x10]  }
0x2c4: {  	v20 =	vld [tilespmem:s2+$0x10]  }
0x2c5: {  	v59 =	vld [tilespmem:s11+$0x20]  }
0x2c6: {  	v60 =	vld [tilespmem:s2+$0x20]  }
0x2c7: {  	v21 =	vunpack.i.l.bf16.f32 v17;
	v53 =	vunpack.i.l.bf16.f32 v18  }
0x2c8: {  	v17 =	vunpack.i.u.bf16.f32 v17;
	v22 =	vadd.f32 v53, v21  }
0x2c9: {  	v18 =	vunpack.i.u.bf16.f32 v18;
	v56 =	vunpack.i.l.bf16.f32 v19;
	v57 =	vunpack.i.l.bf16.f32 v20  }
0x2ca: {  	v62 =	vld [tilespmem:s11+$0x30];
	v19 =	vunpack.i.u.bf16.f32 v19;
	v18 =	vadd.f32 v18, v17;
	v54 =	vmul.f32 $2.000000030e-01, v22  }
0x2cb: {  	v20 =	vunpack.i.u.bf16.f32 v20;
	v33 =	vunpack.i.l.bf16.f32 v59;
	v34 =	vunpack.i.l.bf16.f32 v60  }
0x2cc: {  	v28 =	vld [tilespmem:s2+$0x30];
	v58 =	vadd.f32 v57, v56;
	v55 =	vmul.f32 $2.000000030e-01, v18;
	v22 =	vmax.f32 v22, v54  }
0x2cd: {  	v36 =	vunpack.i.u.bf16.f32 v59;
	v24 =	vunpack.i.u.bf16.f32 v60;
	v22 =	vmul.f32 v22, v9  }
0x2ce: {  	v20 =	vadd.f32 v20, v19;
	v61 =	vmul.f32 $2.000000030e-01, v58;
	v18 =	vmax.f32 v18, v55  }
0x2cf: {  	v38 =	vunpack.i.l.bf16.f32 v62;
	v18 =	vmul.f32 v18, v10;
	v22 =	vadd.f32 $0.0e+00, v22  }
0x2d0: {  	v35 =	vadd.f32 v34, v33;
	v63 =	vmul.f32 $2.000000030e-01, v20;
	v23 =	vmax.f32 v58, v61  }
0x2d1: {  	v39 =	vunpack.i.l.bf16.f32 v28;
	v23 =	vmul.f32 v23, v11;
	v18 =	vadd.f32 v22, v18  }
0x2d2: {  	v24 =	vadd.f32 v24, v36;
	v37 =	vmul.f32 $2.000000030e-01, v35;
	v20 =	vmax.f32 v20, v63  }
0x2d3: {  	v27 =	vunpack.i.u.bf16.f32 v62;
	v20 =	vmul.f32 v20, v12;
	v18 =	vadd.f32 v23, v18  }
0x2d4: {  	v30 =	vadd.f32 v39, v38;
	v40 =	vmul.f32 $2.000000030e-01, v24;
	v22 =	vmax.f32 v35, v37  }
0x2d5: {  	v28 =	vunpack.i.u.bf16.f32 v28;
	v22 =	vmul.f32 v22, v13;
	v18 =	vadd.f32 v18, v20  }
0x2d6: {  	v41 =	vadd.f32 v28, v27;
	v42 =	vmul.f32 $2.000000030e-01, v30;
	v24 =	vmax.f32 v24, v40  }
0x2d7: {  	v43 =	vmul.f32 v24, v14;
	v18 =	vadd.f32 v22, v18  }
0x2d8: {  	v45 =	vmul.f32 $2.000000030e-01, v41;
	v44 =	vmax.f32 v30, v42  }
0x2d9: {  	v46 =	vmul.f32 v44, v15;
	v18 =	vadd.f32 v18, v43  }
0x2da: {  	v47 =	vmax.f32 v41, v45  }
0x2db: {  	v48 =	vmul.f32 v47, v16;
	v18 =	vadd.f32 v46, v18;
	_ =	sdelay $0x1  }
0x2dc: {  	v18 =	vadd.f32 v18, v48;
	_ =	sdelay $0x1  }
0x2dd: {  	(xrf2) =	vadd.scan.msk.f32 $0xffff, v18;
	_ =	sdelay $0x9  }
0x2de: {  	v18, _, _ =	vpop (xrf2)  }
0x2df: {  	v18 =	vmul.f32 $1.442695020e+00, v18;
	_ =	sdelay $0x1  }
0x2e0: {  	v18 =	vbroadcast v18, $0xF;
	_ =	sdelay $0x1  }
0x2e1: {  	(erf) = vpow2.f32 v18  }
0x2e2: {  	s30 =	sadd.s32 $0x2, s9  }
0x2e3: {  	v18 =	vmov s30  }
0x2e4: {  	v18 =	vmul.u32 $0x90, v18;
	_ =	sdelay $0x1  }
0x2e5: {  	v18 =	vbroadcast v18, $0x0;
	_ =	sdelay $0x1  }
0x2e6: {  	v49 =	vor.u32 v0, v18  }
0x2e7: {  	v50 =	vor.u32 v2, v18  }
0x2e8: {  	v52 =	vadd.s32 v3, v18;
	v51 =	vpop (erf)  }
0x2e9: {  	v53 =	vadd.s32 v4, v18;
	v21 =	vmul.f32 v51, v21  }
0x2ea: {  	v54 =	vadd.s32 v5, v18;
	v17 =	vmul.f32 v51, v17  }
0x2eb: {  	v55 =	vmul.f32 v51, v56;
	v56 =	vadd.s32 v6, v18;
	[tilespmem:v49+s5+$0x0] =	vst.idx.msk $0xffff, v21  }
0x2ec: {  	[tilespmem:v50+s5+$0x0] =	vst.idx.msk $0xffff, v17;
	v17 =	vmul.f32 v51, v19;
	v19 =	vadd.s32 v7, v18  }
0x2ed: {  	v58 =	vadd.s32 v8, v18;
	v57 =	vmul.f32 v51, v33;
	[tilespmem:v52+s5+$0x0] =	vst.idx.msk $0xffff, v55  }
0x2ee: {  	v18 =	vadd.s32 $0x80, v18;
	[tilespmem:v53+s5+$0x0] =	vst.idx.msk $0xffff, v17;
	v17 =	vmul.f32 v51, v36  }
0x2ef: {  	v20 =	vmul.f32 v51, v38;
	[tilespmem:v54+s5+$0x0] =	vst.idx.msk $0xffff, v57  }
0x2f0: {  	[tilespmem:v56+s5+$0x0] =	vst.idx.msk $0xffff, v17;
	v17 =	vmul.f32 v51, v27  }
0x2f1: {  	[tilespmem:v19+s5+$0x0] =	vst.idx.msk $0xffff, v20  }
0x2f2: {  	[tilespmem:v58+s5+$0x0] =	vst.idx.msk $0xffff, v17  }
0x2f3: {  	[tilespmem:v18+s5+$0x0] =	vst.idx.msk $0xffff, v51  }
0x2f4: {  	v17 =	vld [tilespmem:s11+$0x40]  }
0x2f5: {  	v18 =	vld [tilespmem:s2+$0x40]  }
0x2f6: {  	v19 =	vld [tilespmem:s11+$0x50]  }
0x2f7: {  	v20 =	vld [tilespmem:s2+$0x50]  }
0x2f8: {  	v33 =	vld [tilespmem:s11+$0x60]  }
0x2f9: {  	v34 =	vld [tilespmem:s2+$0x60]  }
0x2fa: {  	v59 =	vunpack.i.l.bf16.f32 v17;
	v60 =	vunpack.i.l.bf16.f32 v18  }
0x2fb: {  	v17 =	vunpack.i.u.bf16.f32 v17;
	v22 =	vadd.f32 v60, v59  }
0x2fc: {  	v18 =	vunpack.i.u.bf16.f32 v18;
	v63 =	vunpack.i.l.bf16.f32 v19;
	v31 =	vunpack.i.l.bf16.f32 v20  }
0x2fd: {  	v36 =	vld [tilespmem:s11+$0x70];
	v19 =	vunpack.i.u.bf16.f32 v19;
	v18 =	vadd.f32 v18, v17;
	v61 =	vmul.f32 $2.000000030e-01, v22  }
0x2fe: {  	v20 =	vunpack.i.u.bf16.f32 v20;
	v38 =	vunpack.i.l.bf16.f32 v33;
	v39 =	vunpack.i.l.bf16.f32 v34  }
0x2ff: {  	v28 =	vld [tilespmem:s2+$0x70];
	v32 =	vadd.f32 v31, v63;
	v62 =	vmul.f32 $2.000000030e-01, v18;
	v22 =	vmax.f32 v22, v61  }
0x300: {  	v41 =	vunpack.i.u.bf16.f32 v33;
	v24 =	vunpack.i.u.bf16.f32 v34;
	v22 =	vmul.f32 v22, v9  }
0x301: {  	v20 =	vadd.f32 v20, v19;
	v35 =	vmul.f32 $2.000000030e-01, v32;
	v18 =	vmax.f32 v18, v62  }
0x302: {  	v43 =	vunpack.i.l.bf16.f32 v36;
	v18 =	vmul.f32 v18, v10;
	v22 =	vadd.f32 $0.0e+00, v22  }
0x303: {  	v40 =	vadd.f32 v39, v38;
	v37 =	vmul.f32 $2.000000030e-01, v20;
	v23 =	vmax.f32 v32, v35  }
0x304: {  	v44 =	vunpack.i.l.bf16.f32 v28;
	v23 =	vmul.f32 v23, v11;
	v18 =	vadd.f32 v22, v18  }
0x305: {  	v24 =	vadd.f32 v24, v41;
	v42 =	vmul.f32 $2.000000030e-01, v40;
	v20 =	vmax.f32 v20, v37  }
0x306: {  	v27 =	vunpack.i.u.bf16.f32 v36;
	v20 =	vmul.f32 v20, v12;
	v18 =	vadd.f32 v23, v18  }
0x307: {  	v30 =	vadd.f32 v44, v43;
	v45 =	vmul.f32 $2.000000030e-01, v24;
	v22 =	vmax.f32 v40, v42  }
0x308: {  	v28 =	vunpack.i.u.bf16.f32 v28;
	v22 =	vmul.f32 v22, v13;
	v18 =	vadd.f32 v18, v20  }
0x309: {  	v46 =	vadd.f32 v28, v27;
	v47 =	vmul.f32 $2.000000030e-01, v30;
	v24 =	vmax.f32 v24, v45  }
0x30a: {  	v48 =	vmul.f32 v24, v14;
	v18 =	vadd.f32 v22, v18  }
0x30b: {  	v50 =	vmul.f32 $2.000000030e-01, v46;
	v49 =	vmax.f32 v30, v47  }
0x30c: {  	v51 =	vmul.f32 v49, v15;
	v18 =	vadd.f32 v18, v48  }
0x30d: {  	v52 =	vmax.f32 v46, v50  }
0x30e: {  	v53 =	vmul.f32 v52, v16;
	v18 =	vadd.f32 v51, v18;
	_ =	sdelay $0x1  }
0x30f: {  	v18 =	vadd.f32 v18, v53;
	_ =	sdelay $0x1  }
0x310: {  	(xrf2) =	vadd.scan.msk.f32 $0xffff, v18;
	_ =	sdelay $0x9  }
0x311: {  	v18, _, _ =	vpop (xrf2)  }
0x312: {  	v18 =	vmul.f32 $1.442695020e+00, v18;
	_ =	sdelay $0x1  }
0x313: {  	v18 =	vbroadcast v18, $0xF;
	_ =	sdelay $0x1  }
0x314: {  	(erf) = vpow2.f32 v18  }
0x315: {  	s30 =	sadd.s32 $0x3, s9  }
0x316: {  	v18 =	vmov s30  }
0x317: {  	v18 =	vmul.u32 $0x90, v18;
	_ =	sdelay $0x1  }
0x318: {  	v18 =	vbroadcast v18, $0x0;
	_ =	sdelay $0x1  }
0x319: {  	v54 =	vadd.s32 v0, v18  }
0x31a: {  	v55 =	vadd.s32 v2, v18  }
0x31b: {  	v57 =	vadd.s32 v3, v18;
	v56 =	vpop (erf)  }
0x31c: {  	v58 =	vadd.s32 v4, v18;
	v21 =	vmul.f32 v56, v59  }
0x31d: {  	v17 =	vmul.f32 v56, v17;
	v59 =	vadd.s32 v5, v18  }
0x31e: {  	v61 =	vadd.s32 v6, v18;
	v60 =	vmul.f32 v56, v63;
	[tilespmem:v54+s5+$0x0] =	vst.idx.msk $0xffff, v21  }
0x31f: {  	[tilespmem:v55+s5+$0x0] =	vst.idx.msk $0xffff, v17;
	v17 =	vmul.f32 v56, v19;
	v19 =	vadd.s32 v7, v18  }
0x320: {  	v62 =	vmul.f32 v56, v38;
	v63 =	vadd.s32 v8, v18;
	[tilespmem:v57+s5+$0x0] =	vst.idx.msk $0xffff, v60  }
0x321: {  	p1 =	sne.s32 s9, $0x3C;
	v18 =	vadd.s32 $0x80, v18;
	[tilespmem:v58+s5+$0x0] =	vst.idx.msk $0xffff, v17;
	v17 =	vmul.f32 v56, v41  }
.Ltmp4:
0x322: {  	v20 =	vmul.f32 v56, v43;
	[tilespmem:v59+s5+$0x0] =	vst.idx.msk $0xffff, v62;
	(pc) =	sbr.rel @p1 .LBB2_11-.Ltmp4, $4  }
0x323: {  	[tilespmem:v61+s5+$0x0] =	vst.idx.msk $0xffff, v17;
	v17 =	vmul.f32 v56, v27  }
0x324: {  	[tilespmem:v19+s5+$0x0] =	vst.idx.msk $0xffff, v20  }
0x325: {  	[tilespmem:v63+s5+$0x0] =	vst.idx.msk $0xffff, v17  }
0x326: {  	s9 =	sadd.s32 $0x4, s9;
	s11 =	sadd.s32 $0x100, s11;
	s2 =	sadd.s32 $0x100, s2;
	[tilespmem:v18+s5+$0x0] =	vst.idx.msk $0xffff, v56  }
0x327: {  	[spmem:s12] =	stream.indirect.scatter.add.f32 [tilespmem:s5], [sflag:$0x3], $0x90, s19, s8, $0xb8;
	[tilespmem:$0x1F280] =	vst v63  }
0x328: {  	_ =	swait.ge [sflag:s26], $0x2400  }
0x329: {  	[sflag:s26] =	ssyncset.done $0x0  }
0x32a: {  	s2 =	simm.s32 @!p0 $0x5;
	[sflag:s26] =	ssyncadd.s32 $0xFFFFDC00  }
0x32b: {  	_ =	swait.ge @!p0 [sflag:s2], $0x80  }
0x32c: {  	s9 =	simm.s32 @!p0 $0x0;
	[sflag:s2] =	ssyncset.done @!p0 $0x0  }
0x32d: {  	s11 =	simm.s32 @!p0 $0x200;
	[sflag:s2] =	ssyncadd.s32 @!p0 $0xFFFFFF80;
	s2 =	simm.s32 @!p0 $0x40  }
0x32e: {  	[tilespmem:s11], [sflag:$0x1] =	stream.indirect.gather @!p0 [hbm4b:s15+s2], $0x40, s9, s2, $0xb8;
	[tilespmem:$0x1F280] =	vst v63  }
0x32f: {  	s11 =	simm.s32 @!p0 $0x2200  }
0x330: {  	[tilespmem:s11], [sflag:$0x1] =	stream.indirect.gather @!p0 [hbm4b:s16+s2], $0x40, s2, s2, $0xb8;
	[tilespmem:$0x1F280] =	vst v63  }
0x331: {  	s2 =	sadd.s32 @!p0 s6, s0  }
0x332: {  	s2 =	sshrl.u32 @!p0 s2, $0x3  }
0x333: {  	s6 =	simm.s32 @!p0 $0x80;
	s2 =	sadd.s32 @!p0 s17, s2  }
0x334: {  	[tilespmem:s6], [sflag:$0x6] =	stream.linear.gather @!p0 [hbm4b:s2+s9], $0x80, $0x38;
	[tilespmem:$0x1F280] =	vst v63  }
0x335: {  	_ =	swait.ge [sflag:s21], $0x1000  }
0x336: {  	[sflag:s21] =	ssyncset.done $0x0  }
0x337: {  	[sflag:s21] =	ssyncadd.s32 $0xFFFFF000  }
0x338: {  	_ =	swait.ge [sflag:s21], $0x1000  }
0x339: {  	s6 =	simm.s32 $0x0;
	[sflag:s21] =	ssyncset.done $0x0  }
0x33a: {  	s9 =	simm.s32 $0x1280;
	s2 =	simm.s32 $0x3280;
	[sflag:s21] =	ssyncadd.s32 $0xFFFFF000  }
.LBB2_13:
0x33b: {  	v17 =	vld [tilespmem:s9+$0xFFFFFF80]  }
0x33c: {  	v18 =	vld [tilespmem:s2+$0xFFFFFF80]  }
0x33d: {  	v19 =	vld [tilespmem:s9+$0xFFFFFF90]  }
0x33e: {  	v20 =	vld [tilespmem:s2+$0xFFFFFF90]  }
0x33f: {  	v52 =	vld [tilespmem:s9+$0xFFFFFFA0]  }
0x340: {  	v53 =	vld [tilespmem:s2+$0xFFFFFFA0]  }
0x341: {  	v21 =	vunpack.i.l.bf16.f32 v17;
	v22 =	vunpack.i.l.bf16.f32 v18  }
0x342: {  	v54 =	vld [tilespmem:s9+$0xFFFFFFB0];
	v17 =	vunpack.i.u.bf16.f32 v17;
	v22 =	vadd.f32 v22, v21  }
0x343: {  	v18 =	vunpack.i.u.bf16.f32 v18;
	v25 =	vunpack.i.l.bf16.f32 v19;
	v26 =	vunpack.i.l.bf16.f32 v20  }
0x344: {  	v28 =	vld [tilespmem:s2+$0xFFFFFFB0];
	v19 =	vunpack.i.u.bf16.f32 v19;
	v18 =	vadd.f32 v18, v17;
	v23 =	vmul.f32 $2.000000030e-01, v22  }
0x345: {  	v20 =	vunpack.i.u.bf16.f32 v20;
	v29 =	vunpack.i.l.bf16.f32 v52;
	v30 =	vunpack.i.l.bf16.f32 v53  }
0x346: {  	v51 =	vadd.f32 v26, v25;
	v24 =	vmul.f32 $2.000000030e-01, v18;
	v22 =	vmax.f32 v22, v23  }
0x347: {  	v57 =	vunpack.i.u.bf16.f32 v52;
	v59 =	vunpack.i.l.bf16.f32 v54;
	v22 =	vmul.f32 v22, v9  }
0x348: {  	v20 =	vadd.f32 v20, v19;
	v27 =	vmul.f32 $2.000000030e-01, v51;
	v18 =	vmax.f32 v18, v24  }
0x349: {  	v60 =	vunpack.i.l.bf16.f32 v28;
	v18 =	vmul.f32 v18, v10;
	v22 =	vadd.f32 $0.0e+00, v22  }
0x34a: {  	v56 =	vadd.f32 v30, v29;
	v55 =	vmul.f32 $2.000000030e-01, v20;
	v23 =	vmax.f32 v51, v27  }
0x34b: {  	v24 =	vunpack.i.u.bf16.f32 v53;
	v23 =	vmul.f32 v23, v11;
	v18 =	vadd.f32 v22, v18  }
0x34c: {  	v58 =	vmul.f32 $2.000000030e-01, v56;
	v20 =	vmax.f32 v20, v55;
	v24 =	vadd.f32 v24, v57  }
0x34d: {  	v28 =	vunpack.i.u.bf16.f32 v28;
	v20 =	vmul.f32 v20, v12;
	v18 =	vadd.f32 v23, v18  }
0x34e: {  	v30 =	vadd.f32 v60, v59;
	v61 =	vmul.f32 $2.000000030e-01, v24;
	v22 =	vmax.f32 v56, v58  }
0x34f: {  	v27 =	vunpack.i.u.bf16.f32 v54;
	v22 =	vmul.f32 v22, v13;
	v18 =	vadd.f32 v18, v20  }
0x350: {  	v63 =	vmul.f32 $2.000000030e-01, v30;
	v62 =	vadd.f32 v28, v27;
	v24 =	vmax.f32 v24, v61  }
0x351: {  	v32 =	vmul.f32 v24, v14;
	v18 =	vadd.f32 v22, v18  }
0x352: {  	v33 =	vmax.f32 v30, v63;
	v34 =	vmul.f32 $2.000000030e-01, v62  }
0x353: {  	v35 =	vmul.f32 v33, v15;
	v18 =	vadd.f32 v18, v32  }
0x354: {  	v36 =	vmax.f32 v62, v34  }
0x355: {  	v37 =	vmul.f32 v36, v16;
	v18 =	vadd.f32 v35, v18;
	_ =	sdelay $0x1  }
0x356: {  	v18 =	vadd.f32 v18, v37;
	_ =	sdelay $0x1  }
0x357: {  	(xrf2) =	vadd.scan.msk.f32 $0xffff, v18;
	_ =	sdelay $0x9  }
0x358: {  	v18, _, _ =	vpop (xrf2)  }
0x359: {  	v18 =	vmul.f32 $1.442695020e+00, v18;
	_ =	sdelay $0x1  }
0x35a: {  	v18 =	vbroadcast v18, $0xF;
	_ =	sdelay $0x1  }
0x35b: {  	(erf) = vpow2.f32 v18;
	_ =	sdelay $0x1  }
0x35c: {  	v18 =	vmov s6  }
0x35d: {  	v18 =	vmul.u32 $0x90, v18;
	_ =	sdelay $0x1  }
0x35e: {  	v18 =	vbroadcast v18, $0x0;
	_ =	sdelay $0x1  }
0x35f: {  	v38 =	vor.u32 v0, v18  }
0x360: {  	v39 =	vor.u32 v2, v18  }
0x361: {  	v41 =	vor.u32 v3, v18;
	v40 =	vpop (erf)  }
0x362: {  	v42 =	vor.u32 v4, v18;
	v21 =	vmul.f32 v40, v21  }
0x363: {  	v31 =	vadd.s32 v5, v18;
	v17 =	vmul.f32 v40, v17  }
0x364: {  	v44 =	vadd.s32 v6, v18;
	v43 =	vmul.f32 v40, v25;
	[tilespmem:v38+s22+$0x0] =	vst.idx.msk $0xffff, v21  }
0x365: {  	[tilespmem:v39+s22+$0x0] =	vst.idx.msk $0xffff, v17;
	v17 =	vmul.f32 v40, v19;
	v19 =	vadd.s32 v7, v18  }
0x366: {  	v46 =	vadd.s32 v8, v18;
	v45 =	vmul.f32 v40, v29;
	[tilespmem:v41+s22+$0x0] =	vst.idx.msk $0xffff, v43  }
0x367: {  	v18 =	vadd.s32 $0x80, v18;
	[tilespmem:v42+s22+$0x0] =	vst.idx.msk $0xffff, v17;
	v17 =	vmul.f32 v40, v57  }
0x368: {  	v20 =	vmul.f32 v40, v59;
	[tilespmem:v31+s22+$0x0] =	vst.idx.msk $0xffff, v45  }
0x369: {  	[tilespmem:v44+s22+$0x0] =	vst.idx.msk $0xffff, v17;
	v17 =	vmul.f32 v40, v27  }
0x36a: {  	[tilespmem:v19+s22+$0x0] =	vst.idx.msk $0xffff, v20  }
0x36b: {  	[tilespmem:v46+s22+$0x0] =	vst.idx.msk $0xffff, v17  }
0x36c: {  	[tilespmem:v18+s22+$0x0] =	vst.idx.msk $0xffff, v40  }
0x36d: {  	v17 =	vld [tilespmem:s9+$0xFFFFFFC0]  }
0x36e: {  	v18 =	vld [tilespmem:s2+$0xFFFFFFC0]  }
0x36f: {  	v19 =	vld [tilespmem:s9+$0xFFFFFFD0]  }
0x370: {  	v20 =	vld [tilespmem:s2+$0xFFFFFFD0]  }
0x371: {  	v53 =	vld [tilespmem:s9+$0xFFFFFFE0]  }
0x372: {  	v54 =	vld [tilespmem:s2+$0xFFFFFFE0]  }
0x373: {  	v21 =	vunpack.i.l.bf16.f32 v17;
	v47 =	vunpack.i.l.bf16.f32 v18  }
0x374: {  	v17 =	vunpack.i.u.bf16.f32 v17;
	v22 =	vadd.f32 v47, v21  }
0x375: {  	v18 =	vunpack.i.u.bf16.f32 v18;
	v50 =	vunpack.i.l.bf16.f32 v19;
	v51 =	vunpack.i.l.bf16.f32 v20  }
0x376: {  	v56 =	vld [tilespmem:s9+$0xFFFFFFF0];
	v19 =	vunpack.i.u.bf16.f32 v19;
	v18 =	vadd.f32 v18, v17;
	v48 =	vmul.f32 $2.000000030e-01, v22  }
0x377: {  	v20 =	vunpack.i.u.bf16.f32 v20;
	v58 =	vunpack.i.l.bf16.f32 v53;
	v59 =	vunpack.i.l.bf16.f32 v54  }
0x378: {  	v28 =	vld [tilespmem:s2+$0xFFFFFFF0];
	v52 =	vadd.f32 v51, v50;
	v49 =	vmul.f32 $2.000000030e-01, v18;
	v22 =	vmax.f32 v22, v48  }
0x379: {  	v61 =	vunpack.i.u.bf16.f32 v53;
	v24 =	vunpack.i.u.bf16.f32 v54;
	v22 =	vmul.f32 v22, v9  }
0x37a: {  	v20 =	vadd.f32 v20, v19;
	v55 =	vmul.f32 $2.000000030e-01, v52;
	v18 =	vmax.f32 v18, v49  }
0x37b: {  	v63 =	vunpack.i.l.bf16.f32 v56;
	v18 =	vmul.f32 v18, v10;
	v22 =	vadd.f32 $0.0e+00, v22  }
0x37c: {  	v60 =	vadd.f32 v59, v58;
	v57 =	vmul.f32 $2.000000030e-01, v20;
	v23 =	vmax.f32 v52, v55  }
0x37d: {  	v33 =	vunpack.i.l.bf16.f32 v28;
	v23 =	vmul.f32 v23, v11;
	v18 =	vadd.f32 v22, v18  }
0x37e: {  	v24 =	vadd.f32 v24, v61;
	v62 =	vmul.f32 $2.000000030e-01, v60;
	v20 =	vmax.f32 v20, v57  }
0x37f: {  	v27 =	vunpack.i.u.bf16.f32 v56;
	v20 =	vmul.f32 v20, v12;
	v18 =	vadd.f32 v23, v18  }
0x380: {  	v30 =	vadd.f32 v33, v63;
	v34 =	vmul.f32 $2.000000030e-01, v24;
	v22 =	vmax.f32 v60, v62  }
0x381: {  	v28 =	vunpack.i.u.bf16.f32 v28;
	v22 =	vmul.f32 v22, v13;
	v18 =	vadd.f32 v18, v20  }
0x382: {  	v35 =	vadd.f32 v28, v27;
	v36 =	vmul.f32 $2.000000030e-01, v30;
	v24 =	vmax.f32 v24, v34  }
0x383: {  	v37 =	vmul.f32 v24, v14;
	v18 =	vadd.f32 v22, v18  }
0x384: {  	v39 =	vmul.f32 $2.000000030e-01, v35;
	v38 =	vmax.f32 v30, v36  }
0x385: {  	v40 =	vmul.f32 v38, v15;
	v18 =	vadd.f32 v18, v37  }
0x386: {  	v41 =	vmax.f32 v35, v39  }
0x387: {  	v42 =	vmul.f32 v41, v16;
	v18 =	vadd.f32 v40, v18;
	_ =	sdelay $0x1  }
0x388: {  	v18 =	vadd.f32 v18, v42;
	_ =	sdelay $0x1  }
0x389: {  	(xrf2) =	vadd.scan.msk.f32 $0xffff, v18;
	_ =	sdelay $0x9  }
0x38a: {  	v18, _, _ =	vpop (xrf2)  }
0x38b: {  	v18 =	vmul.f32 $1.442695020e+00, v18;
	_ =	sdelay $0x1  }
0x38c: {  	v18 =	vbroadcast v18, $0xF;
	_ =	sdelay $0x1  }
0x38d: {  	(erf) = vpow2.f32 v18  }
0x38e: {  	s11 =	sadd.s32 $0x1, s6  }
0x38f: {  	v18 =	vmov s11  }
0x390: {  	v18 =	vmul.u32 $0x90, v18;
	_ =	sdelay $0x1  }
0x391: {  	v18 =	vbroadcast v18, $0x0;
	_ =	sdelay $0x1  }
0x392: {  	v43 =	vadd.s32 v0, v18  }
0x393: {  	v44 =	vadd.s32 v2, v18  }
0x394: {  	v46 =	vadd.s32 v3, v18;
	v45 =	vpop (erf)  }
0x395: {  	v47 =	vadd.s32 v4, v18;
	v21 =	vmul.f32 v45, v21  }
0x396: {  	v48 =	vadd.s32 v5, v18;
	v17 =	vmul.f32 v45, v17  }
0x397: {  	v49 =	vmul.f32 v45, v50;
	v50 =	vadd.s32 v6, v18;
	[tilespmem:v43+s22+$0x0] =	vst.idx.msk $0xffff, v21  }
0x398: {  	[tilespmem:v44+s22+$0x0] =	vst.idx.msk $0xffff, v17;
	v17 =	vmul.f32 v45, v19;
	v19 =	vadd.s32 v7, v18  }
0x399: {  	v52 =	vadd.s32 v8, v18;
	v51 =	vmul.f32 v45, v58;
	[tilespmem:v46+s22+$0x0] =	vst.idx.msk $0xffff, v49  }
0x39a: {  	v18 =	vadd.s32 $0x80, v18;
	[tilespmem:v47+s22+$0x0] =	vst.idx.msk $0xffff, v17;
	v17 =	vmul.f32 v45, v61  }
0x39b: {  	v20 =	vmul.f32 v45, v63;
	[tilespmem:v48+s22+$0x0] =	vst.idx.msk $0xffff, v51  }
0x39c: {  	[tilespmem:v50+s22+$0x0] =	vst.idx.msk $0xffff, v17;
	v17 =	vmul.f32 v45, v27  }
0x39d: {  	[tilespmem:v19+s22+$0x0] =	vst.idx.msk $0xffff, v20  }
0x39e: {  	[tilespmem:v52+s22+$0x0] =	vst.idx.msk $0xffff, v17  }
0x39f: {  	[tilespmem:v18+s22+$0x0] =	vst.idx.msk $0xffff, v45  }
0x3a0: {  	v17 =	vld [tilespmem:s9+$0x0]  }
0x3a1: {  	v18 =	vld [tilespmem:s2+$0x0]  }
0x3a2: {  	v19 =	vld [tilespmem:s9+$0x10]  }
0x3a3: {  	v20 =	vld [tilespmem:s2+$0x10]  }
0x3a4: {  	v59 =	vld [tilespmem:s9+$0x20]  }
0x3a5: {  	v60 =	vld [tilespmem:s2+$0x20]  }
0x3a6: {  	v21 =	vunpack.i.l.bf16.f32 v17;
	v53 =	vunpack.i.l.bf16.f32 v18  }
0x3a7: {  	v17 =	vunpack.i.u.bf16.f32 v17;
	v22 =	vadd.f32 v53, v21  }
0x3a8: {  	v18 =	vunpack.i.u.bf16.f32 v18;
	v56 =	vunpack.i.l.bf16.f32 v19;
	v57 =	vunpack.i.l.bf16.f32 v20  }
0x3a9: {  	v62 =	vld [tilespmem:s9+$0x30];
	v19 =	vunpack.i.u.bf16.f32 v19;
	v18 =	vadd.f32 v18, v17;
	v54 =	vmul.f32 $2.000000030e-01, v22  }
0x3aa: {  	v20 =	vunpack.i.u.bf16.f32 v20;
	v33 =	vunpack.i.l.bf16.f32 v59;
	v34 =	vunpack.i.l.bf16.f32 v60  }
0x3ab: {  	v28 =	vld [tilespmem:s2+$0x30];
	v58 =	vadd.f32 v57, v56;
	v55 =	vmul.f32 $2.000000030e-01, v18;
	v22 =	vmax.f32 v22, v54  }
0x3ac: {  	v36 =	vunpack.i.u.bf16.f32 v59;
	v24 =	vunpack.i.u.bf16.f32 v60;
	v22 =	vmul.f32 v22, v9  }
0x3ad: {  	v20 =	vadd.f32 v20, v19;
	v61 =	vmul.f32 $2.000000030e-01, v58;
	v18 =	vmax.f32 v18, v55  }
0x3ae: {  	v38 =	vunpack.i.l.bf16.f32 v62;
	v18 =	vmul.f32 v18, v10;
	v22 =	vadd.f32 $0.0e+00, v22  }
0x3af: {  	v35 =	vadd.f32 v34, v33;
	v63 =	vmul.f32 $2.000000030e-01, v20;
	v23 =	vmax.f32 v58, v61  }
0x3b0: {  	v39 =	vunpack.i.l.bf16.f32 v28;
	v23 =	vmul.f32 v23, v11;
	v18 =	vadd.f32 v22, v18  }
0x3b1: {  	v24 =	vadd.f32 v24, v36;
	v37 =	vmul.f32 $2.000000030e-01, v35;
	v20 =	vmax.f32 v20, v63  }
0x3b2: {  	v27 =	vunpack.i.u.bf16.f32 v62;
	v20 =	vmul.f32 v20, v12;
	v18 =	vadd.f32 v23, v18  }
0x3b3: {  	v30 =	vadd.f32 v39, v38;
	v40 =	vmul.f32 $2.000000030e-01, v24;
	v22 =	vmax.f32 v35, v37  }
0x3b4: {  	v28 =	vunpack.i.u.bf16.f32 v28;
	v22 =	vmul.f32 v22, v13;
	v18 =	vadd.f32 v18, v20  }
0x3b5: {  	v41 =	vadd.f32 v28, v27;
	v42 =	vmul.f32 $2.000000030e-01, v30;
	v24 =	vmax.f32 v24, v40  }
0x3b6: {  	v43 =	vmul.f32 v24, v14;
	v18 =	vadd.f32 v22, v18  }
0x3b7: {  	v45 =	vmul.f32 $2.000000030e-01, v41;
	v44 =	vmax.f32 v30, v42  }
0x3b8: {  	v46 =	vmul.f32 v44, v15;
	v18 =	vadd.f32 v18, v43  }
0x3b9: {  	v47 =	vmax.f32 v41, v45  }
0x3ba: {  	v48 =	vmul.f32 v47, v16;
	v18 =	vadd.f32 v46, v18;
	_ =	sdelay $0x1  }
0x3bb: {  	v18 =	vadd.f32 v18, v48;
	_ =	sdelay $0x1  }
0x3bc: {  	(xrf2) =	vadd.scan.msk.f32 $0xffff, v18;
	_ =	sdelay $0x9  }
0x3bd: {  	v18, _, _ =	vpop (xrf2)  }
0x3be: {  	v18 =	vmul.f32 $1.442695020e+00, v18;
	_ =	sdelay $0x1  }
0x3bf: {  	v18 =	vbroadcast v18, $0xF;
	_ =	sdelay $0x1  }
0x3c0: {  	(erf) = vpow2.f32 v18  }
0x3c1: {  	s30 =	sadd.s32 $0x2, s6  }
0x3c2: {  	v18 =	vmov s30  }
0x3c3: {  	v18 =	vmul.u32 $0x90, v18;
	_ =	sdelay $0x1  }
0x3c4: {  	v18 =	vbroadcast v18, $0x0;
	_ =	sdelay $0x1  }
0x3c5: {  	v49 =	vor.u32 v0, v18  }
0x3c6: {  	v50 =	vor.u32 v2, v18  }
0x3c7: {  	v52 =	vadd.s32 v3, v18;
	v51 =	vpop (erf)  }
0x3c8: {  	v53 =	vadd.s32 v4, v18;
	v21 =	vmul.f32 v51, v21  }
0x3c9: {  	v54 =	vadd.s32 v5, v18;
	v17 =	vmul.f32 v51, v17  }
0x3ca: {  	v55 =	vmul.f32 v51, v56;
	v56 =	vadd.s32 v6, v18;
	[tilespmem:v49+s22+$0x0] =	vst.idx.msk $0xffff, v21  }
0x3cb: {  	[tilespmem:v50+s22+$0x0] =	vst.idx.msk $0xffff, v17;
	v17 =	vmul.f32 v51, v19;
	v19 =	vadd.s32 v7, v18  }
0x3cc: {  	v58 =	vadd.s32 v8, v18;
	v57 =	vmul.f32 v51, v33;
	[tilespmem:v52+s22+$0x0] =	vst.idx.msk $0xffff, v55  }
0x3cd: {  	v18 =	vadd.s32 $0x80, v18;
	[tilespmem:v53+s22+$0x0] =	vst.idx.msk $0xffff, v17;
	v17 =	vmul.f32 v51, v36  }
0x3ce: {  	v20 =	vmul.f32 v51, v38;
	[tilespmem:v54+s22+$0x0] =	vst.idx.msk $0xffff, v57  }
0x3cf: {  	[tilespmem:v56+s22+$0x0] =	vst.idx.msk $0xffff, v17;
	v17 =	vmul.f32 v51, v27  }
0x3d0: {  	[tilespmem:v19+s22+$0x0] =	vst.idx.msk $0xffff, v20  }
0x3d1: {  	[tilespmem:v58+s22+$0x0] =	vst.idx.msk $0xffff, v17  }
0x3d2: {  	[tilespmem:v18+s22+$0x0] =	vst.idx.msk $0xffff, v51  }
0x3d3: {  	v17 =	vld [tilespmem:s9+$0x40]  }
0x3d4: {  	v18 =	vld [tilespmem:s2+$0x40]  }
0x3d5: {  	v19 =	vld [tilespmem:s9+$0x50]  }
0x3d6: {  	v20 =	vld [tilespmem:s2+$0x50]  }
0x3d7: {  	v33 =	vld [tilespmem:s9+$0x60]  }
0x3d8: {  	v34 =	vld [tilespmem:s2+$0x60]  }
0x3d9: {  	v59 =	vunpack.i.l.bf16.f32 v17;
	v60 =	vunpack.i.l.bf16.f32 v18  }
0x3da: {  	v17 =	vunpack.i.u.bf16.f32 v17;
	v22 =	vadd.f32 v60, v59  }
0x3db: {  	v18 =	vunpack.i.u.bf16.f32 v18;
	v63 =	vunpack.i.l.bf16.f32 v19;
	v31 =	vunpack.i.l.bf16.f32 v20  }
0x3dc: {  	v36 =	vld [tilespmem:s9+$0x70];
	v19 =	vunpack.i.u.bf16.f32 v19;
	v18 =	vadd.f32 v18, v17;
	v61 =	vmul.f32 $2.000000030e-01, v22  }
0x3dd: {  	v20 =	vunpack.i.u.bf16.f32 v20;
	v38 =	vunpack.i.l.bf16.f32 v33;
	v39 =	vunpack.i.l.bf16.f32 v34  }
0x3de: {  	v28 =	vld [tilespmem:s2+$0x70];
	v32 =	vadd.f32 v31, v63;
	v62 =	vmul.f32 $2.000000030e-01, v18;
	v22 =	vmax.f32 v22, v61  }
0x3df: {  	v41 =	vunpack.i.u.bf16.f32 v33;
	v24 =	vunpack.i.u.bf16.f32 v34;
	v22 =	vmul.f32 v22, v9  }
0x3e0: {  	v20 =	vadd.f32 v20, v19;
	v35 =	vmul.f32 $2.000000030e-01, v32;
	v18 =	vmax.f32 v18, v62  }
0x3e1: {  	v43 =	vunpack.i.l.bf16.f32 v36;
	v18 =	vmul.f32 v18, v10;
	v22 =	vadd.f32 $0.0e+00, v22  }
0x3e2: {  	v40 =	vadd.f32 v39, v38;
	v37 =	vmul.f32 $2.000000030e-01, v20;
	v23 =	vmax.f32 v32, v35  }
0x3e3: {  	v44 =	vunpack.i.l.bf16.f32 v28;
	v23 =	vmul.f32 v23, v11;
	v18 =	vadd.f32 v22, v18  }
0x3e4: {  	v24 =	vadd.f32 v24, v41;
	v42 =	vmul.f32 $2.000000030e-01, v40;
	v20 =	vmax.f32 v20, v37  }
0x3e5: {  	v27 =	vunpack.i.u.bf16.f32 v36;
	v20 =	vmul.f32 v20, v12;
	v18 =	vadd.f32 v23, v18  }
0x3e6: {  	v30 =	vadd.f32 v44, v43;
	v45 =	vmul.f32 $2.000000030e-01, v24;
	v22 =	vmax.f32 v40, v42  }
0x3e7: {  	v28 =	vunpack.i.u.bf16.f32 v28;
	v22 =	vmul.f32 v22, v13;
	v18 =	vadd.f32 v18, v20  }
0x3e8: {  	v46 =	vadd.f32 v28, v27;
	v47 =	vmul.f32 $2.000000030e-01, v30;
	v24 =	vmax.f32 v24, v45  }
0x3e9: {  	v48 =	vmul.f32 v24, v14;
	v18 =	vadd.f32 v22, v18  }
0x3ea: {  	v50 =	vmul.f32 $2.000000030e-01, v46;
	v49 =	vmax.f32 v30, v47  }
0x3eb: {  	v51 =	vmul.f32 v49, v15;
	v18 =	vadd.f32 v18, v48  }
0x3ec: {  	v52 =	vmax.f32 v46, v50  }
0x3ed: {  	v53 =	vmul.f32 v52, v16;
	v18 =	vadd.f32 v51, v18;
	_ =	sdelay $0x1  }
0x3ee: {  	v18 =	vadd.f32 v18, v53;
	_ =	sdelay $0x1  }
0x3ef: {  	(xrf2) =	vadd.scan.msk.f32 $0xffff, v18;
	_ =	sdelay $0x9  }
0x3f0: {  	v18, _, _ =	vpop (xrf2)  }
0x3f1: {  	v18 =	vmul.f32 $1.442695020e+00, v18;
	_ =	sdelay $0x1  }
0x3f2: {  	v18 =	vbroadcast v18, $0xF;
	_ =	sdelay $0x1  }
0x3f3: {  	(erf) = vpow2.f32 v18  }
0x3f4: {  	s30 =	sadd.s32 $0x3, s6  }
0x3f5: {  	v18 =	vmov s30  }
0x3f6: {  	v18 =	vmul.u32 $0x90, v18;
	_ =	sdelay $0x1  }
0x3f7: {  	v18 =	vbroadcast v18, $0x0;
	_ =	sdelay $0x1  }
0x3f8: {  	v54 =	vadd.s32 v0, v18  }
0x3f9: {  	v55 =	vadd.s32 v2, v18  }
0x3fa: {  	v57 =	vadd.s32 v3, v18;
	v56 =	vpop (erf)  }
0x3fb: {  	v58 =	vadd.s32 v4, v18;
	v21 =	vmul.f32 v56, v59  }
0x3fc: {  	v17 =	vmul.f32 v56, v17;
	v59 =	vadd.s32 v5, v18  }
0x3fd: {  	v61 =	vadd.s32 v6, v18;
	v60 =	vmul.f32 v56, v63;
	[tilespmem:v54+s22+$0x0] =	vst.idx.msk $0xffff, v21  }
0x3fe: {  	[tilespmem:v55+s22+$0x0] =	vst.idx.msk $0xffff, v17;
	v17 =	vmul.f32 v56, v19;
	v19 =	vadd.s32 v7, v18  }
0x3ff: {  	v62 =	vmul.f32 v56, v38;
	v63 =	vadd.s32 v8, v18;
	[tilespmem:v57+s22+$0x0] =	vst.idx.msk $0xffff, v60  }
0x400: {  	p0 =	sne.s32 s6, $0x3C;
	v18 =	vadd.s32 $0x80, v18;
	[tilespmem:v58+s22+$0x0] =	vst.idx.msk $0xffff, v17;
	v17 =	vmul.f32 v56, v41  }
.Ltmp5:
0x401: {  	v20 =	vmul.f32 v56, v43;
	[tilespmem:v59+s22+$0x0] =	vst.idx.msk $0xffff, v62;
	(pc) =	sbr.rel @p0 .LBB2_13-.Ltmp5, $4  }
0x402: {  	[tilespmem:v61+s22+$0x0] =	vst.idx.msk $0xffff, v17;
	v17 =	vmul.f32 v56, v27  }
0x403: {  	[tilespmem:v19+s22+$0x0] =	vst.idx.msk $0xffff, v20  }
0x404: {  	[tilespmem:v63+s22+$0x0] =	vst.idx.msk $0xffff, v17  }
0x405: {  	s6 =	sadd.s32 $0x4, s6;
	s9 =	sadd.s32 $0x100, s9;
	s2 =	sadd.s32 $0x100, s2;
	[tilespmem:v18+s22+$0x0] =	vst.idx.msk $0xffff, v56  }
0x406: {  	s28 =	sadd.s32 $0x1, s28  }
0x407: {  	p0 =	sne.s32 s28, $0x28  }
.Ltmp6:
0x408: {  	_ = 	snop;
	(pc) =	sbr.rel @p0 .LBB2_6-.Ltmp6, $2  }
0x409: {  	_ =	sdelay $0x2  }
0x40a: {  	[spmem:s12] =	stream.indirect.scatter.add.f32 [tilespmem:s22], [sflag:$0x4], $0x90, s25, s8, $0xb8;
	[tilespmem:$0x1F280] =	vst v63  }
0x40b: {  	_ =	swait.ge [sflag:s23], $0x2400  }
0x40c: {  	[sflag:s23] =	ssyncset.done $0x0  }
0x40d: {  	[sflag:s23] =	ssyncadd.s32 $0xFFFFDC00  }
0x40e: {  	_ =	swait.ge [sflag:s26], $0x2400  }
0x40f: {  	[sflag:s26] =	ssyncset.done $0x0  }
0x410: {  	[sflag:s26] =	ssyncadd.s32 $0xFFFFDC00  }
0x411: {  	[bflag:$0x0] =	sbarrier.arrive $0xFFFF  }
0x412: {  	s30 =	rddreg [dreg:$0xe]  }
0x413: {  	[tilespmem:s5], [sflag:$0x9] =	stream.linear.gather [spmem:s30], $0x2400, $0x38;
	[tilespmem:$0x1F280] =	vst v63  }
0x414: {  	_ =	swait.ge [sflag:s4], $0x2400  }
0x415: {  	[sflag:s4] =	ssyncset.done $0x0  }
0x416: {  	s28 =	simm.s32 $0x0;
	s2 =	rddreg [dreg:$0x4];
	[sflag:s4] =	ssyncadd.s32 $0xFFFFDC00  }
0x417: {  	[hbm4b:s2+s28] =	stream.linear.scatter [tilespmem:s5], [sflag:$0x9], $0x2400, $0x38;
	[tilespmem:$0x1F280] =	vst v63  }
0x418: {  	_ =	swait.ge [sflag:s4], $0x2400  }
0x419: {  	[sflag:s4] =	ssyncset.done $0x0  }
0x41a: {  	s11 =	rddreg [dreg:$0xf];
	[sflag:s4] =	ssyncadd.s32 $0xFFFFDC00  }
0x41b: {  	[tilespmem:s5], [sflag:$0x9] =	stream.linear.gather [spmem:s11], $0x2400, $0x38;
	[tilespmem:$0x1F280] =	vst v63  }
0x41c: {  	_ =	swait.ge [sflag:s4], $0x2400  }
0x41d: {  	[sflag:s4] =	ssyncset.done $0x0  }
0x41e: {  	s6 =	rddreg [dreg:$0x5];
	[sflag:s4] =	ssyncadd.s32 $0xFFFFDC00  }
0x41f: {  	[hbm4b:s6+s28] =	stream.linear.scatter [tilespmem:s5], [sflag:$0x9], $0x2400, $0x38;
	[tilespmem:$0x1F280] =	vst v63  }
0x420: {  	_ =	swait.ge [sflag:s4], $0x2400  }
0x421: {  	[sflag:s4] =	ssyncset.done $0x0  }
0x422: {  	s9 =	rddreg [dreg:$0x10];
	[sflag:s4] =	ssyncadd.s32 $0xFFFFDC00  }
0x423: {  	[tilespmem:s5], [sflag:$0x9] =	stream.linear.gather [spmem:s9], $0x2400, $0x38;
	[tilespmem:$0x1F280] =	vst v63  }
0x424: {  	_ =	swait.ge [sflag:s4], $0x2400  }
0x425: {  	[sflag:s4] =	ssyncset.done $0x0  }
0x426: {  	s11 =	rddreg [dreg:$0x6];
	[sflag:s4] =	ssyncadd.s32 $0xFFFFDC00  }
0x427: {  	[hbm4b:s11+s28] =	stream.linear.scatter [tilespmem:s5], [sflag:$0x9], $0x2400, $0x38;
	[tilespmem:$0x1F280] =	vst v63  }
0x428: {  	_ =	swait.ge [sflag:s4], $0x2400  }
0x429: {  	[sflag:s4] =	ssyncset.done $0x0  }
0x42a: {  	s6 =	rddreg [dreg:$0x11];
	[sflag:s4] =	ssyncadd.s32 $0xFFFFDC00  }
0x42b: {  	[tilespmem:s5], [sflag:$0x9] =	stream.linear.gather [spmem:s6], $0x2400, $0x38;
	[tilespmem:$0x1F280] =	vst v63  }
0x42c: {  	_ =	swait.ge [sflag:s4], $0x2400  }
0x42d: {  	[sflag:s4] =	ssyncset.done $0x0  }
0x42e: {  	s9 =	rddreg [dreg:$0x7];
	[sflag:s4] =	ssyncadd.s32 $0xFFFFDC00  }
0x42f: {  	[hbm4b:s9+s28] =	stream.linear.scatter [tilespmem:s5], [sflag:$0x9], $0x2400, $0x38;
	[tilespmem:$0x1F280] =	vst v63  }
0x430: {  	_ =	swait.ge [sflag:s4], $0x2400  }
0x431: {  	[sflag:s4] =	ssyncset.done $0x0  }
0x432: {  	s9 =	rddreg [dreg:$0x12];
	[sflag:s4] =	ssyncadd.s32 $0xFFFFDC00  }
0x433: {  	[tilespmem:s5], [sflag:$0x9] =	stream.linear.gather [spmem:s9], $0x2400, $0x38;
	[tilespmem:$0x1F280] =	vst v63  }
0x434: {  	_ =	swait.ge [sflag:s4], $0x2400  }
0x435: {  	[sflag:s4] =	ssyncset.done $0x0  }
0x436: {  	s11 =	rddreg [dreg:$0x8];
	[sflag:s4] =	ssyncadd.s32 $0xFFFFDC00  }
0x437: {  	[hbm4b:s11+s28] =	stream.linear.scatter [tilespmem:s5], [sflag:$0x9], $0x2400, $0x38;
	[tilespmem:$0x1F280] =	vst v63  }
0x438: {  	_ =	swait.ge [sflag:s4], $0x2400  }
0x439: {  	[sflag:s4] =	ssyncset.done $0x0  }
0x43a: {  	s6 =	rddreg [dreg:$0x13];
	[sflag:s4] =	ssyncadd.s32 $0xFFFFDC00  }
0x43b: {  	[tilespmem:s5], [sflag:$0x9] =	stream.linear.gather [spmem:s6], $0x2400, $0x38;
	[tilespmem:$0x1F280] =	vst v63  }
0x43c: {  	_ =	swait.ge [sflag:s4], $0x2400  }
0x43d: {  	[sflag:s4] =	ssyncset.done $0x0  }
0x43e: {  	s11 =	rddreg [dreg:$0x9];
	[sflag:s4] =	ssyncadd.s32 $0xFFFFDC00  }
0x43f: {  	[hbm4b:s11+s28] =	stream.linear.scatter [tilespmem:s5], [sflag:$0x9], $0x2400, $0x38;
	[tilespmem:$0x1F280] =	vst v63  }
0x440: {  	_ =	swait.ge [sflag:s4], $0x2400  }
0x441: {  	[sflag:s4] =	ssyncset.done $0x0  }
0x442: {  	s11 =	rddreg [dreg:$0x14];
	[sflag:s4] =	ssyncadd.s32 $0xFFFFDC00  }
0x443: {  	[tilespmem:s5], [sflag:$0x9] =	stream.linear.gather [spmem:s11], $0x2400, $0x38;
	[tilespmem:$0x1F280] =	vst v63  }
0x444: {  	_ =	swait.ge [sflag:s4], $0x2400  }
0x445: {  	[sflag:s4] =	ssyncset.done $0x0  }
0x446: {  	s6 =	rddreg [dreg:$0xa];
	[sflag:s4] =	ssyncadd.s32 $0xFFFFDC00  }
0x447: {  	[hbm4b:s6+s28] =	stream.linear.scatter [tilespmem:s5], [sflag:$0x9], $0x2400, $0x38;
	[tilespmem:$0x1F280] =	vst v63  }
0x448: {  	_ =	swait.ge [sflag:s4], $0x2400  }
0x449: {  	[sflag:s4] =	ssyncset.done $0x0  }
0x44a: {  	s6 =	rddreg [dreg:$0x15];
	[sflag:s4] =	ssyncadd.s32 $0xFFFFDC00  }
0x44b: {  	[tilespmem:s5], [sflag:$0x9] =	stream.linear.gather [spmem:s6], $0x2400, $0x38;
	[tilespmem:$0x1F280] =	vst v63  }
0x44c: {  	_ =	swait.ge [sflag:s4], $0x2400  }
0x44d: {  	[sflag:s4] =	ssyncset.done $0x0  }
0x44e: {  	s6 =	rddreg [dreg:$0xb];
	[sflag:s4] =	ssyncadd.s32 $0xFFFFDC00  }
0x44f: {  	[hbm4b:s6+s28] =	stream.linear.scatter [tilespmem:s5], [sflag:$0x9], $0x2400, $0x38;
	[tilespmem:$0x1F280] =	vst v63  }
0x450: {  	_ =	swait.ge [sflag:s4], $0x2400  }
0x451: {  	[sflag:s4] =	ssyncset.done $0x0  }
0x452: {  	s6 =	rddreg [dreg:$0x16];
	[sflag:s4] =	ssyncadd.s32 $0xFFFFDC00  }
0x453: {  	[tilespmem:s5], [sflag:$0x9] =	stream.linear.gather [spmem:s6], $0x2400, $0x38;
	[tilespmem:$0x1F280] =	vst v63  }
0x454: {  	_ =	swait.ge [sflag:s4], $0x2400  }
0x455: {  	[sflag:s4] =	ssyncset.done $0x0  }
0x456: {  	s6 =	rddreg [dreg:$0xc];
	[sflag:s4] =	ssyncadd.s32 $0xFFFFDC00  }
0x457: {  	[hbm4b:s6+s28] =	stream.linear.scatter [tilespmem:s5], [sflag:$0x9], $0x2400, $0x38;
	[tilespmem:$0x1F280] =	vst v63  }
0x458: {  	_ =	swait.ge [sflag:s4], $0x2400  }
0x459: {  	[sflag:s4] =	ssyncset.done $0x0  }
0x45a: {  	s6 =	rddreg [dreg:$0x17];
	[sflag:s4] =	ssyncadd.s32 $0xFFFFDC00  }
0x45b: {  	[tilespmem:s5], [sflag:$0x9] =	stream.linear.gather [spmem:s6], $0x2400, $0x38;
	[tilespmem:$0x1F280] =	vst v63  }
0x45c: {  	_ =	swait.ge [sflag:s4], $0x2400  }
0x45d: {  	[sflag:s4] =	ssyncset.done $0x0  }
0x45e: {  	s6 =	rddreg [dreg:$0xd];
	[sflag:s4] =	ssyncadd.s32 $0xFFFFDC00  }
0x45f: {  	[hbm4b:s6+s28] =	stream.linear.scatter [tilespmem:s5], [sflag:$0x9], $0x2400, $0x38;
	[tilespmem:$0x1F280] =	vst v63  }
0x460: {  	_ =	swait.ge [sflag:s4], $0x2400  }
0x461: {  	s6 =	rddreg [dreg:$0x1c]  }
0x462: {  	s2 =	rddreg [dreg:$0x1a];
	s6 =	sadd.s32 $0x1, s6  }
0x463: {  	p0 =	sne.s32 s6, s2  }
.Ltmp7:
0x464: {  	_ = 	snop;
	(pc) =	sbr.rel @p0 .LBB2_1-.Ltmp7, $3  }
0x465: {  	_ =	sdelay $0x1  }
0x466: {  	[sflag:s4] =	ssyncset.done $0x0  }
0x467: {  	[sflag:s4] =	ssyncadd.s32 $0xFFFFDC00  }
0x468: {  	_ =	sfence.sel $0x180000  }
0x469: {  	[bflag:$0x0] =	sbarrier.arrive $0xFFFF  }
0x46a: {  	_ =	strace $0x90000047  }
0x46b: {  	s0 =	stileid.u32;
	[bflag:$0x2] =	sbarrier.arrive $0xFFFF  }
0x46c: {  	p0 =	sne.s32 s0, $0x0;
	s0 =	rddreg [dreg:$0x3]  }
0x46d: {  	s0 =	sadd.s32 @!p0 $0x100000, s0  }
0x46e: {  	[sflag:s0] =	ssyncadd.tile.s32 @!p0 $0x1;
	_ =	shalt  }
.Lfunc_end2:
_tile_overlayer_lowered:
.L_overlay_start_2:
0x46f: {  	(tag) =	ssettag $0x2  }
0x470: {  	s0 =	rddreg [dreg:$0x0];
	s2 =	stileid.u32  }
0x471: {  	s1 =	rddreg [dreg:$0x1];
	p0 =	sne.s32 s2, $0x0  }
0x472: {  	s3 =	rddreg [dreg:$0x2];
	[bflag:$0x3] =	sbarrier.arrive $0xFFFF;
	s2 =	simm.s32 @!p0 $0x1C09  }
0x473: {  	[timem:s3], [sflag:s2] =	dma.local @!p0 [hbm:s0], s1  }
0x474: {  	s0 =	simm.s32 @!p0 $0x9  }
0x475: {  	_ =	swait.ge @!p0 [sflag:s0], s1  }
0x476: {  	s1 =	ssub.s32 @!p0 $0x0, s1;
	[sflag:s0] =	ssyncset.done @!p0 $0x0  }
0x477: {  	[sflag:s0] =	ssyncadd.s32 @!p0 s1  }
0x478: {  	[bflag:$0x3] =	sbarrier.arrive $0xFFFF  }
0x479: {  	_ =	shalt  }

</sc_bundles>
